<compile_context>
chip_gen: v7x
topology: tpu7x:2x2x1
jax: 0.10.2.dev20260603
libtpu: 0.0.44.dev20260713+nightly
codegen_flags: <defaults>
</compile_context>

<pallas_src>
import jax
import jax.numpy as jnp
from jax import lax
from jax.experimental import pallas as pl
from jax.experimental.pallas import tpu as pltpu
from jax.experimental.pallas import tpu_sc as plsc

B, C, F = 1024, 50, 1000
NTRIM = 5
KEEP = C - 2 * NTRIM
L = 16
NC, NS = 2, 16
NW = NC * NS

F_SC = 248
F_TC = F - F_SC
NSB = 8
FPW = F_SC // 4
FC = 8
NCHUNK = (FPW + FC - 1) // FC
TC_FB = 8


def _tm_sc_body(x_hbm, out_hbm, xbuf, obuf):
    cid = lax.axis_index("c")
    sid = lax.axis_index("s")
    wid = sid * NC + cid
    s = lax.rem(wid, NSB)
    q = wid // NSB
    fbase = q * FPW

    @pl.loop(0, NCHUNK)
    def _chunk(ci):
        f0 = fbase + jnp.minimum(ci * FC, FPW - FC)
        pltpu.sync_copy(x_hbm.at[:, pl.ds(f0, FC), s], xbuf)

        @plsc.parallel_loop(0, FC * (128 // L))
        def _vec(t):
            f = t // (128 // L)
            l0 = pl.multiple_of(lax.rem(t, 128 // L) * L, L)
            neg = jnp.full((L,), -jnp.inf, jnp.float32)
            pos = jnp.full((L,), jnp.inf, jnp.float32)
            top = [neg] * NTRIM
            bot = [pos] * NTRIM
            tot = jnp.zeros((L,), jnp.float32)
            for c in range(C):
                v = xbuf[c, f, pl.ds(l0, L)]
                tot = tot + v
                u = v
                for k in range(NTRIM):
                    hi = jnp.maximum(top[k], u)
                    u = jnp.minimum(top[k], u)
                    top[k] = hi
                w = v
                for k in range(NTRIM):
                    lo = jnp.minimum(bot[k], w)
                    w = jnp.maximum(bot[k], w)
                    bot[k] = lo
            for k in range(NTRIM):
                tot = tot - top[k] - bot[k]
            obuf[f, pl.ds(l0, L)] = tot * (1.0 / KEEP)

        pltpu.sync_copy(obuf, out_hbm.at[pl.ds(f0, FC), s])


def _sc_call(xt4):
    mesh = plsc.VectorSubcoreMesh(core_axis_name="c", subcore_axis_name="s")
    tm = pl.kernel(
        _tm_sc_body,
        out_type=jax.ShapeDtypeStruct((F_SC, NSB, 128), jnp.float32),
        mesh=mesh,
        scratch_types=[
            pltpu.VMEM((C, FC, 128), jnp.float32),
            pltpu.VMEM((FC, 128), jnp.float32),
        ],
        compiler_params=pltpu.CompilerParams(use_tc_tiling_on_sc=False),
    )
    return tm(xt4)


def _tm_tc_kernel(x_ref, o_ref):
    neg = jnp.float32(-jnp.inf)
    pos = jnp.float32(jnp.inf)
    shape = (TC_FB, B)
    top = [jnp.full(shape, neg)] * NTRIM
    bot = [jnp.full(shape, pos)] * NTRIM
    tot = jnp.zeros(shape, jnp.float32)
    for c in range(C):
        v = x_ref[c]
        tot = tot + v
        u = v
        for k in range(NTRIM):
            hi = jnp.maximum(top[k], u)
            u = jnp.minimum(top[k], u)
            top[k] = hi
        w = v
        for k in range(NTRIM):
            lo = jnp.minimum(bot[k], w)
            w = jnp.maximum(bot[k], w)
            bot[k] = lo
    for k in range(NTRIM):
        tot = tot - top[k] - bot[k]
    o_ref[...] = tot * (1.0 / KEEP)


def _tc_call(xt):
    return pl.pallas_call(
        _tm_tc_kernel,
        grid=(F_TC // TC_FB,),
        in_specs=[pl.BlockSpec((C, TC_FB, B), lambda i: (0, i + F_SC // TC_FB, 0))],
        out_specs=pl.BlockSpec((TC_FB, B), lambda i: (i, 0)),
        out_shape=jax.ShapeDtypeStruct((F_TC, B), jnp.float32),
    )(xt)


def kernel(x, mask):
    del mask
    xt = jnp.transpose(x, (1, 2, 0))
    xt_sc = lax.slice_in_dim(xt, 0, F_SC, axis=1)
    out_sc = _sc_call(xt_sc.reshape(C, F_SC, NSB, 128)).reshape(F_SC, B)
    out_tc = _tc_call(xt)
    out_t = jnp.concatenate([out_sc, out_tc], axis=0)
    return jnp.transpose(out_t, (1, 0))

# --- scband reference (transcript-rebuilt; emitter-appended) ---
"""Pipeline reference for scband-f-tm-36404142800949 (READ-ONLY COPY).

The authoritative reference and input builder live on the scoring server;
editing this copy changes nothing except your own understanding.
"""

import jax, jax.numpy as jnp
import numpy as np


def setup_inputs(seed: int = 0) -> dict:
    key = jax.random.key(seed)
    x = jax.random.normal(key, (1024, 50, 1000), dtype=jnp.float32)
    mask = jnp.ones((1024, 50), dtype=bool)
    return {"x": x, "mask": mask}


def reference(x, mask):
    # F_TM: trimmed-mean aggregation over the client dimension (dim=1).
    trim_ratio = 0.1
    output_prob = False
    n_clients = x.shape[1]
    n_trim = int(n_clients * trim_ratio)
    x_sorted = jnp.sort(x, axis=1)
    output = jnp.mean(x_sorted[:, n_trim:n_clients - n_trim], axis=1)
    output = jnp.squeeze(output)
    if output_prob:
        output = output / jnp.sum(output, axis=1, keepdims=True)
    return output

if __name__ == "__main__":
    import jax
    _d = setup_inputs()
    print(jax.jit(kernel)(*tuple(_d.values())))

</pallas_src>

<mosaic_0001>
#map = affine_map<(d0, d1) -> (0, 0, 0, 0)>
#map1 = affine_map<(d0, d1) -> (0, 0, 0)>
module attributes {stable_mosaic.version = 14 : i64} {
  func.func @_tm_sc_body(%arg0: i32, %arg1: i32, %arg2: memref<50x248x8x128xf32, #tpu.memory_space<hbm>>, %arg3: memref<248x8x128xf32, #tpu.memory_space<hbm>>, %arg4: memref<50x8x128xf32, #tpu.memory_space<vmem>>, %arg5: memref<8x128xf32, #tpu.memory_space<vmem>>) attributes {dimension_semantics = [#tpu.dimension_semantics<core_parallel>, #tpu.dimension_semantics<subcore_parallel>], iteration_bounds = array<i64: 2, 16>, scalar_prefetch = 0 : i64, scratch_operands = 2 : i64, tpu.core_type = #tpu.core_type<sc_vector_subcore>, window_params = [{transform_indices = #map}, {transform_indices = #map1}]} {
    %mul3A = arith.constant 2 : i32
    %mul3A_0 = arith.muli %arg1, %mul3A : i32
    %add3A = arith.addi %mul3A_0, %arg0 : i32
    %rem3A = arith.constant 8 : i32
    %rem3A_1 = arith.remsi %add3A, %rem3A : i32
    %jit3A = arith.constant 8 : i32
    %div3A = arith.divsi %add3A, %jit3A : i32
    %sign3A = arith.constant 0 : i32
    %sign3A_2 = arith.cmpi sgt, %add3A, %sign3A : i32
    %sign3A_3 = arith.extui %sign3A_2 : i1 to i32
    %sign3A_4 = arith.constant 0 : i32
    %sign3A_5 = arith.cmpi slt, %add3A, %sign3A_4 : i32
    %sign3A_6 = arith.extui %sign3A_5 : i1 to i32
    %sign3A_7 = arith.subi %sign3A_3, %sign3A_6 : i32
    %sign3A_8 = arith.constant 0 : i32
    %sign3A_9 = arith.cmpi sgt, %jit3A, %sign3A_8 : i32
    %sign3A_10 = arith.extui %sign3A_9 : i1 to i32
    %sign3A_11 = arith.constant 0 : i32
    %sign3A_12 = arith.cmpi slt, %jit3A, %sign3A_11 : i32
    %sign3A_13 = arith.extui %sign3A_12 : i1 to i32
    %sign3A_14 = arith.subi %sign3A_10, %sign3A_13 : i32
    %ne3A = arith.cmpi ne, %sign3A_7, %sign3A_14 : i32
    %rem3A_15 = arith.remsi %add3A, %jit3A : i32
    %ne3A_16 = arith.constant 0 : i32
    %ne3A_17 = arith.cmpi ne, %rem3A_15, %ne3A_16 : i32
    %and3A = arith.andi %ne3A, %ne3A_17 : i1
    %sub3A = arith.constant 1 : i32
    %sub3A_18 = arith.subi %div3A, %sub3A : i32
    %select_n3A = arith.select %and3A, %sub3A_18, %div3A : i32
    %mul3A_19 = arith.constant 62 : i32
    %mul3A_20 = arith.muli %select_n3A, %mul3A_19 : i32
    %scan3A = arith.constant 0 : i32
    %scan3A_21 = arith.constant 8 : i32
    %scan3A_22 = arith.addi %scan3A, %scan3A_21 : i32
    %scan3A_23 = arith.constant 1 : i32
    scf.for %scan3A_25 = %scan3A to %scan3A_22 step %scan3A_23  : i32 {
      %mul3A_26 = arith.constant 1 : i32
      %mul3A_27 = arith.muli %scan3A_25, %mul3A_26 : i32
      %add3A_28 = arith.constant 0 : i32
      %add3A_29 = arith.addi %add3A_28, %mul3A_27 : i32
      %mul3A_30 = arith.constant 8 : i32
      %mul3A_31 = arith.muli %add3A_29, %mul3A_30 : i32
      %min3A = arith.constant 54 : i32
      %min3A_32 = arith.minsi %mul3A_31, %min3A : i32
      %add3A_33 = arith.addi %mul3A_20, %min3A_32 : i32
      "tpu.region"() ({
        %run_scoped3A = tpu.sem_alloc : memref<!tpu.dma_semaphore, #tpu.memory_space<semaphore_mem>>
        %dma_start3A = arith.constant 0 : i32
        %dma_start3A_36 = arith.constant 0 : i32
        %dma_start3A_37 = tpu.memref_slice %arg2[%dma_start3A, %add3A_33, %rem3A_1, %dma_start3A_36] : memref<50x248x8x128xf32, #tpu.memory_space<hbm>> -> memref<50x8x1x128xf32, #tpu.memory_space<hbm>>
        %dma_start3A_38 = tpu.memref_squeeze %dma_start3A_37 : memref<50x8x1x128xf32, #tpu.memory_space<hbm>> -> memref<50x8x128xf32, #tpu.memory_space<hbm>>
        %dma_start3A_39 = arith.constant 0 : i32
        %dma_start3A_40 = arith.constant 0 : i32
        %dma_start3A_41 = tpu.memref_slice %arg2[%dma_start3A_39, %add3A_33, %rem3A_1, %dma_start3A_40] : memref<50x248x8x128xf32, #tpu.memory_space<hbm>> -> memref<50x8x1x128xf32, #tpu.memory_space<hbm>>
        %dma_start3A_42 = tpu.memref_squeeze %dma_start3A_41 : memref<50x8x1x128xf32, #tpu.memory_space<hbm>> -> memref<50x8x128xf32, #tpu.memory_space<hbm>>
        tpu.enqueue_dma source(%dma_start3A_42 : memref<50x8x128xf32, #tpu.memory_space<hbm>>) target(%arg4 : memref<50x8x128xf32, #tpu.memory_space<vmem>>) target_semaphore(%run_scoped3A : memref<!tpu.dma_semaphore, #tpu.memory_space<semaphore_mem>>)
        %dma_wait3A = arith.constant 0 : i32
        %dma_wait3A_43 = arith.constant 0 : i32
        %dma_wait3A_44 = tpu.memref_slice %arg2[%dma_wait3A, %add3A_33, %rem3A_1, %dma_wait3A_43] : memref<50x248x8x128xf32, #tpu.memory_space<hbm>> -> memref<50x8x1x128xf32, #tpu.memory_space<hbm>>
        %dma_wait3A_45 = tpu.memref_squeeze %dma_wait3A_44 : memref<50x8x1x128xf32, #tpu.memory_space<hbm>> -> memref<50x8x128xf32, #tpu.memory_space<hbm>>
        %dma_wait3A_46 = arith.constant 0 : i32
        %dma_wait3A_47 = arith.constant 0 : i32
        %dma_wait3A_48 = tpu.memref_slice %arg2[%dma_wait3A_46, %add3A_33, %rem3A_1, %dma_wait3A_47] : memref<50x248x8x128xf32, #tpu.memory_space<hbm>> -> memref<50x8x1x128xf32, #tpu.memory_space<hbm>>
        %dma_wait3A_49 = tpu.memref_squeeze %dma_wait3A_48 : memref<50x8x1x128xf32, #tpu.memory_space<hbm>> -> memref<50x8x128xf32, #tpu.memory_space<hbm>>
        tpu.wait_dma2 semaphore(%run_scoped3A : memref<!tpu.dma_semaphore, #tpu.memory_space<semaphore_mem>>) src(%dma_wait3A_49 : memref<50x8x128xf32, #tpu.memory_space<hbm>>) dst(%arg4 : memref<50x8x128xf32, #tpu.memory_space<vmem>>)
        tpu.yield
      }) : () -> ()
      %parallel_loop3A = arith.constant 0 : i32
      %parallel_loop3A_34 = arith.constant 64 : i32
      %parallel_loop3A_35 = arith.constant 1 : i32
      scf.for %parallel_loop3A_36 = %parallel_loop3A to %parallel_loop3A_34 step %parallel_loop3A_35  : i32 {
        %parallel_loop3A_37 = arith.constant 8 : i32
        %parallel_loop3A_38 = arith.divsi %parallel_loop3A_36, %parallel_loop3A_37 : i32
        %parallel_loop3A_39 = arith.constant 0 : i32
        %parallel_loop3A_40 = arith.cmpi sgt, %parallel_loop3A_36, %parallel_loop3A_39 : i32
        %parallel_loop3A_41 = arith.extui %parallel_loop3A_40 : i1 to i32
        %parallel_loop3A_42 = arith.constant 0 : i32
        %parallel_loop3A_43 = arith.cmpi slt, %parallel_loop3A_36, %parallel_loop3A_42 : i32
        %parallel_loop3A_44 = arith.extui %parallel_loop3A_43 : i1 to i32
        %parallel_loop3A_45 = arith.subi %parallel_loop3A_41, %parallel_loop3A_44 : i32
        %parallel_loop3A_46 = arith.constant 0 : i32
        %parallel_loop3A_47 = arith.cmpi sgt, %parallel_loop3A_37, %parallel_loop3A_46 : i32
        %parallel_loop3A_48 = arith.extui %parallel_loop3A_47 : i1 to i32
        %parallel_loop3A_49 = arith.constant 0 : i32
        %parallel_loop3A_50 = arith.cmpi slt, %parallel_loop3A_37, %parallel_loop3A_49 : i32
        %parallel_loop3A_51 = arith.extui %parallel_loop3A_50 : i1 to i32
        %parallel_loop3A_52 = arith.subi %parallel_loop3A_48, %parallel_loop3A_51 : i32
        %parallel_loop3A_53 = arith.cmpi ne, %parallel_loop3A_45, %parallel_loop3A_52 : i32
        %parallel_loop3A_54 = arith.remsi %parallel_loop3A_36, %parallel_loop3A_37 : i32
        %parallel_loop3A_55 = arith.constant 0 : i32
        %parallel_loop3A_56 = arith.cmpi ne, %parallel_loop3A_54, %parallel_loop3A_55 : i32
        %parallel_loop3A_57 = arith.andi %parallel_loop3A_53, %parallel_loop3A_56 : i1
        %parallel_loop3A_58 = arith.constant 1 : i32
        %parallel_loop3A_59 = arith.subi %parallel_loop3A_38, %parallel_loop3A_58 : i32
        %parallel_loop3A_60 = arith.select %parallel_loop3A_57, %parallel_loop3A_59, %parallel_loop3A_38 : i32
        %parallel_loop3A_61 = arith.constant 8 : i32
        %parallel_loop3A_62 = arith.remsi %parallel_loop3A_36, %parallel_loop3A_61 : i32
        %parallel_loop3A_63 = arith.constant 16 : i32
        %parallel_loop3A_64 = arith.muli %parallel_loop3A_62, %parallel_loop3A_63 : i32
        %parallel_loop3A_65 = tpu.assume_multiple %parallel_loop3A_64, 16 : i32
        %parallel_loop3A_66 = arith.constant 0xFF800000 : f32
        %parallel_loop3A_67 = vector.broadcast %parallel_loop3A_66 : f32 to vector<16xf32>
        %parallel_loop3A_68 = arith.constant 0x7F800000 : f32
        %parallel_loop3A_69 = vector.broadcast %parallel_loop3A_68 : f32 to vector<16xf32>
        %parallel_loop3A_70 = arith.constant 0.000000e+00 : f32
        %parallel_loop3A_71 = vector.broadcast %parallel_loop3A_70 : f32 to vector<16xf32>
        %parallel_loop3A_72 = arith.constant 0 : i32
        %parallel_loop3A_73 = arith.index_cast %parallel_loop3A_72 : i32 to index
        %parallel_loop3A_74 = arith.index_cast %parallel_loop3A_60 : i32 to index
        %parallel_loop3A_75 = arith.index_cast %parallel_loop3A_65 : i32 to index
        %parallel_loop3A_76 = tpu.vector_load %arg4[%parallel_loop3A_73, %parallel_loop3A_74, %parallel_loop3A_75] {strides = array<i32>} : memref<50x8x128xf32, #tpu.memory_space<vmem>>, vector<1x1x16xf32>,
        %parallel_loop3A_77 = vector.shape_cast %parallel_loop3A_76 : vector<1x1x16xf32> to vector<16xf32>
        %parallel_loop3A_78 = arith.addf %parallel_loop3A_71, %parallel_loop3A_77 : vector<16xf32>
        %parallel_loop3A_79 = arith.maximumf %parallel_loop3A_67, %parallel_loop3A_77 : vector<16xf32>
        %parallel_loop3A_80 = arith.minimumf %parallel_loop3A_67, %parallel_loop3A_77 : vector<16xf32>
        %parallel_loop3A_81 = arith.maximumf %parallel_loop3A_67, %parallel_loop3A_80 : vector<16xf32>
        %parallel_loop3A_82 = arith.minimumf %parallel_loop3A_67, %parallel_loop3A_80 : vector<16xf32>
        %parallel_loop3A_83 = arith.maximumf %parallel_loop3A_67, %parallel_loop3A_82 : vector<16xf32>
        %parallel_loop3A_84 = arith.minimumf %parallel_loop3A_67, %parallel_loop3A_82 : vector<16xf32>
        %parallel_loop3A_85 = arith.maximumf %parallel_loop3A_67, %parallel_loop3A_84 : vector<16xf32>
        %parallel_loop3A_86 = arith.minimumf %parallel_loop3A_67, %parallel_loop3A_84 : vector<16xf32>
        %parallel_loop3A_87 = arith.maximumf %parallel_loop3A_67, %parallel_loop3A_86 : vector<16xf32>
        %parallel_loop3A_88 = arith.minimumf %parallel_loop3A_67, %parallel_loop3A_86 : vector<16xf32>
        %parallel_loop3A_89 = arith.minimumf %parallel_loop3A_69, %parallel_loop3A_77 : vector<16xf32>
        %parallel_loop3A_90 = arith.maximumf %parallel_loop3A_69, %parallel_loop3A_77 : vector<16xf32>
        %parallel_loop3A_91 = arith.minimumf %parallel_loop3A_69, %parallel_loop3A_90 : vector<16xf32>
        %parallel_loop3A_92 = arith.maximumf %parallel_loop3A_69, %parallel_loop3A_90 : vector<16xf32>
        %parallel_loop3A_93 = arith.minimumf %parallel_loop3A_69, %parallel_loop3A_92 : vector<16xf32>
        %parallel_loop3A_94 = arith.maximumf %parallel_loop3A_69, %parallel_loop3A_92 : vector<16xf32>
        %parallel_loop3A_95 = arith.minimumf %parallel_loop3A_69, %parallel_loop3A_94 : vector<16xf32>
        %parallel_loop3A_96 = arith.maximumf %parallel_loop3A_69, %parallel_loop3A_94 : vector<16xf32>
        %parallel_loop3A_97 = arith.minimumf %parallel_loop3A_69, %parallel_loop3A_96 : vector<16xf32>
        %parallel_loop3A_98 = arith.maximumf %parallel_loop3A_69, %parallel_loop3A_96 : vector<16xf32>
        %parallel_loop3A_99 = arith.constant 1 : i32
        %parallel_loop3A_100 = arith.index_cast %parallel_loop3A_99 : i32 to index
        %parallel_loop3A_101 = arith.index_cast %parallel_loop3A_60 : i32 to index
        %parallel_loop3A_102 = arith.index_cast %parallel_loop3A_65 : i32 to index
        %parallel_loop3A_103 = tpu.vector_load %arg4[%parallel_loop3A_100, %parallel_loop3A_101, %parallel_loop3A_102] {strides = array<i32>} : memref<50x8x128xf32, #tpu.memory_space<vmem>>, vector<1x1x16xf32>,
        %parallel_loop3A_104 = vector.shape_cast %parallel_loop3A_103 : vector<1x1x16xf32> to vector<16xf32>
        %parallel_loop3A_105 = arith.addf %parallel_loop3A_78, %parallel_loop3A_104 : vector<16xf32>
        %parallel_loop3A_106 = arith.maximumf %parallel_loop3A_79, %parallel_loop3A_104 : vector<16xf32>
        %parallel_loop3A_107 = arith.minimumf %parallel_loop3A_79, %parallel_loop3A_104 : vector<16xf32>
        %parallel_loop3A_108 = arith.maximumf %parallel_loop3A_81, %parallel_loop3A_107 : vector<16xf32>
        %parallel_loop3A_109 = arith.minimumf %parallel_loop3A_81, %parallel_loop3A_107 : vector<16xf32>
        %parallel_loop3A_110 = arith.maximumf %parallel_loop3A_83, %parallel_loop3A_109 : vector<16xf32>
        %parallel_loop3A_111 = arith.minimumf %parallel_loop3A_83, %parallel_loop3A_109 : vector<16xf32>
        %parallel_loop3A_112 = arith.maximumf %parallel_loop3A_85, %parallel_loop3A_111 : vector<16xf32>
        %parallel_loop3A_113 = arith.minimumf %parallel_loop3A_85, %parallel_loop3A_111 : vector<16xf32>
        %parallel_loop3A_114 = arith.maximumf %parallel_loop3A_87, %parallel_loop3A_113 : vector<16xf32>
        %parallel_loop3A_115 = arith.minimumf %parallel_loop3A_87, %parallel_loop3A_113 : vector<16xf32>
        %parallel_loop3A_116 = arith.minimumf %parallel_loop3A_89, %parallel_loop3A_104 : vector<16xf32>
        %parallel_loop3A_117 = arith.maximumf %parallel_loop3A_89, %parallel_loop3A_104 : vector<16xf32>
        %parallel_loop3A_118 = arith.minimumf %parallel_loop3A_91, %parallel_loop3A_117 : vector<16xf32>
        %parallel_loop3A_119 = arith.maximumf %parallel_loop3A_91, %parallel_loop3A_117 : vector<16xf32>
        %parallel_loop3A_120 = arith.minimumf %parallel_loop3A_93, %parallel_loop3A_119 : vector<16xf32>
        %parallel_loop3A_121 = arith.maximumf %parallel_loop3A_93, %parallel_loop3A_119 : vector<16xf32>
        %parallel_loop3A_122 = arith.minimumf %parallel_loop3A_95, %parallel_loop3A_121 : vector<16xf32>
        %parallel_loop3A_123 = arith.maximumf %parallel_loop3A_95, %parallel_loop3A_121 : vector<16xf32>
        %parallel_loop3A_124 = arith.minimumf %parallel_loop3A_97, %parallel_loop3A_123 : vector<16xf32>
        %parallel_loop3A_125 = arith.maximumf %parallel_loop3A_97, %parallel_loop3A_123 : vector<16xf32>
        %parallel_loop3A_126 = arith.constant 2 : i32
        %parallel_loop3A_127 = arith.index_cast %parallel_loop3A_126 : i32 to index
        %parallel_loop3A_128 = arith.index_cast %parallel_loop3A_60 : i32 to index
        %parallel_loop3A_129 = arith.index_cast %parallel_loop3A_65 : i32 to index
        %parallel_loop3A_130 = tpu.vector_load %arg4[%parallel_loop3A_127, %parallel_loop3A_128, %parallel_loop3A_129] {strides = array<i32>} : memref<50x8x128xf32, #tpu.memory_space<vmem>>, vector<1x1x16xf32>,
        %parallel_loop3A_131 = vector.shape_cast %parallel_loop3A_130 : vector<1x1x16xf32> to vector<16xf32>
        %parallel_loop3A_132 = arith.addf %parallel_loop3A_105, %parallel_loop3A_131 : vector<16xf32>
        %parallel_loop3A_133 = arith.maximumf %parallel_loop3A_106, %parallel_loop3A_131 : vector<16xf32>
        %parallel_loop3A_134 = arith.minimumf %parallel_loop3A_106, %parallel_loop3A_131 : vector<16xf32>
        %parallel_loop3A_135 = arith.maximumf %parallel_loop3A_108, %parallel_loop3A_134 : vector<16xf32>
        %parallel_loop3A_136 = arith.minimumf %parallel_loop3A_108, %parallel_loop3A_134 : vector<16xf32>
        %parallel_loop3A_137 = arith.maximumf %parallel_loop3A_110, %parallel_loop3A_136 : vector<16xf32>
        %parallel_loop3A_138 = arith.minimumf %parallel_loop3A_110, %parallel_loop3A_136 : vector<16xf32>
        %parallel_loop3A_139 = arith.maximumf %parallel_loop3A_112, %parallel_loop3A_138 : vector<16xf32>
        %parallel_loop3A_140 = arith.minimumf %parallel_loop3A_112, %parallel_loop3A_138 : vector<16xf32>
        %parallel_loop3A_141 = arith.maximumf %parallel_loop3A_114, %parallel_loop3A_140 : vector<16xf32>
        %parallel_loop3A_142 = arith.minimumf %parallel_loop3A_114, %parallel_loop3A_140 : vector<16xf32>
        %parallel_loop3A_143 = arith.minimumf %parallel_loop3A_116, %parallel_loop3A_131 : vector<16xf32>
        %parallel_loop3A_144 = arith.maximumf %parallel_loop3A_116, %parallel_loop3A_131 : vector<16xf32>
        %parallel_loop3A_145 = arith.minimumf %parallel_loop3A_118, %parallel_loop3A_144 : vector<16xf32>
        %parallel_loop3A_146 = arith.maximumf %parallel_loop3A_118, %parallel_loop3A_144 : vector<16xf32>
        %parallel_loop3A_147 = arith.minimumf %parallel_loop3A_120, %parallel_loop3A_146 : vector<16xf32>
        %parallel_loop3A_148 = arith.maximumf %parallel_loop3A_120, %parallel_loop3A_146 : vector<16xf32>
        %parallel_loop3A_149 = arith.minimumf %parallel_loop3A_122, %parallel_loop3A_148 : vector<16xf32>
        %parallel_loop3A_150 = arith.maximumf %parallel_loop3A_122, %parallel_loop3A_148 : vector<16xf32>
        %parallel_loop3A_151 = arith.minimumf %parallel_loop3A_124, %parallel_loop3A_150 : vector<16xf32>
        %parallel_loop3A_152 = arith.maximumf %parallel_loop3A_124, %parallel_loop3A_150 : vector<16xf32>
        %parallel_loop3A_153 = arith.constant 3 : i32
        %parallel_loop3A_154 = arith.index_cast %parallel_loop3A_153 : i32 to index
        %parallel_loop3A_155 = arith.index_cast %parallel_loop3A_60 : i32 to index
        %parallel_loop3A_156 = arith.index_cast %parallel_loop3A_65 : i32 to index
        %parallel_loop3A_157 = tpu.vector_load %arg4[%parallel_loop3A_154, %parallel_loop3A_155, %parallel_loop3A_156] {strides = array<i32>} : memref<50x8x128xf32, #tpu.memory_space<vmem>>, vector<1x1x16xf32>,
        %parallel_loop3A_158 = vector.shape_cast %parallel_loop3A_157 : vector<1x1x16xf32> to vector<16xf32>
        %parallel_loop3A_159 = arith.addf %parallel_loop3A_132, %parallel_loop3A_158 : vector<16xf32>
        %parallel_loop3A_160 = arith.maximumf %parallel_loop3A_133, %parallel_loop3A_158 : vector<16xf32>
        %parallel_loop3A_161 = arith.minimumf %parallel_loop3A_133, %parallel_loop3A_158 : vector<16xf32>
        %parallel_loop3A_162 = arith.maximumf %parallel_loop3A_135, %parallel_loop3A_161 : vector<16xf32>
        %parallel_loop3A_163 = arith.minimumf %parallel_loop3A_135, %parallel_loop3A_161 : vector<16xf32>
        %parallel_loop3A_164 = arith.maximumf %parallel_loop3A_137, %parallel_loop3A_163 : vector<16xf32>
        %parallel_loop3A_165 = arith.minimumf %parallel_loop3A_137, %parallel_loop3A_163 : vector<16xf32>
        %parallel_loop3A_166 = arith.maximumf %parallel_loop3A_139, %parallel_loop3A_165 : vector<16xf32>
        %parallel_loop3A_167 = arith.minimumf %parallel_loop3A_139, %parallel_loop3A_165 : vector<16xf32>
        %parallel_loop3A_168 = arith.maximumf %parallel_loop3A_141, %parallel_loop3A_167 : vector<16xf32>
        %parallel_loop3A_169 = arith.minimumf %parallel_loop3A_141, %parallel_loop3A_167 : vector<16xf32>
        %parallel_loop3A_170 = arith.minimumf %parallel_loop3A_143, %parallel_loop3A_158 : vector<16xf32>
        %parallel_loop3A_171 = arith.maximumf %parallel_loop3A_143, %parallel_loop3A_158 : vector<16xf32>
        %parallel_loop3A_172 = arith.minimumf %parallel_loop3A_145, %parallel_loop3A_171 : vector<16xf32>
        %parallel_loop3A_173 = arith.maximumf %parallel_loop3A_145, %parallel_loop3A_171 : vector<16xf32>
        %parallel_loop3A_174 = arith.minimumf %parallel_loop3A_147, %parallel_loop3A_173 : vector<16xf32>
        %parallel_loop3A_175 = arith.maximumf %parallel_loop3A_147, %parallel_loop3A_173 : vector<16xf32>
        %parallel_loop3A_176 = arith.minimumf %parallel_loop3A_149, %parallel_loop3A_175 : vector<16xf32>
        %parallel_loop3A_177 = arith.maximumf %parallel_loop3A_149, %parallel_loop3A_175 : vector<16xf32>
        %parallel_loop3A_178 = arith.minimumf %parallel_loop3A_151, %parallel_loop3A_177 : vector<16xf32>
        %parallel_loop3A_179 = arith.maximumf %parallel_loop3A_151, %parallel_loop3A_177 : vector<16xf32>
        %parallel_loop3A_180 = arith.constant 4 : i32
        %parallel_loop3A_181 = arith.index_cast %parallel_loop3A_180 : i32 to index
        %parallel_loop3A_182 = arith.index_cast %parallel_loop3A_60 : i32 to index
        %parallel_loop3A_183 = arith.index_cast %parallel_loop3A_65 : i32 to index
        %parallel_loop3A_184 = tpu.vector_load %arg4[%parallel_loop3A_181, %parallel_loop3A_182, %parallel_loop3A_183] {strides = array<i32>} : memref<50x8x128xf32, #tpu.memory_space<vmem>>, vector<1x1x16xf32>,
        %parallel_loop3A_185 = vector.shape_cast %parallel_loop3A_184 : vector<1x1x16xf32> to vector<16xf32>
        %parallel_loop3A_186 = arith.addf %parallel_loop3A_159, %parallel_loop3A_185 : vector<16xf32>
        %parallel_loop3A_187 = arith.maximumf %parallel_loop3A_160, %parallel_loop3A_185 : vector<16xf32>
        %parallel_loop3A_188 = arith.minimumf %parallel_loop3A_160, %parallel_loop3A_185 : vector<16xf32>
        %parallel_loop3A_189 = arith.maximumf %parallel_loop3A_162, %parallel_loop3A_188 : vector<16xf32>
        %parallel_loop3A_190 = arith.minimumf %parallel_loop3A_162, %parallel_loop3A_188 : vector<16xf32>
        %parallel_loop3A_191 = arith.maximumf %parallel_loop3A_164, %parallel_loop3A_190 : vector<16xf32>
        %parallel_loop3A_192 = arith.minimumf %parallel_loop3A_164, %parallel_loop3A_190 : vector<16xf32>
        %parallel_loop3A_193 = arith.maximumf %parallel_loop3A_166, %parallel_loop3A_192 : vector<16xf32>
        %parallel_loop3A_194 = arith.minimumf %parallel_loop3A_166, %parallel_loop3A_192 : vector<16xf32>
        %parallel_loop3A_195 = arith.maximumf %parallel_loop3A_168, %parallel_loop3A_194 : vector<16xf32>
        %parallel_loop3A_196 = arith.minimumf %parallel_loop3A_168, %parallel_loop3A_194 : vector<16xf32>
        %parallel_loop3A_197 = arith.minimumf %parallel_loop3A_170, %parallel_loop3A_185 : vector<16xf32>
        %parallel_loop3A_198 = arith.maximumf %parallel_loop3A_170, %parallel_loop3A_185 : vector<16xf32>
        %parallel_loop3A_199 = arith.minimumf %parallel_loop3A_172, %parallel_loop3A_198 : vector<16xf32>
        %parallel_loop3A_200 = arith.maximumf %parallel_loop3A_172, %parallel_loop3A_198 : vector<16xf32>
        %parallel_loop3A_201 = arith.minimumf %parallel_loop3A_174, %parallel_loop3A_200 : vector<16xf32>
        %parallel_loop3A_202 = arith.maximumf %parallel_loop3A_174, %parallel_loop3A_200 : vector<16xf32>
        %parallel_loop3A_203 = arith.minimumf %parallel_loop3A_176, %parallel_loop3A_202 : vector<16xf32>
        %parallel_loop3A_204 = arith.maximumf %parallel_loop3A_176, %parallel_loop3A_202 : vector<16xf32>
        %parallel_loop3A_205 = arith.minimumf %parallel_loop3A_178, %parallel_loop3A_204 : vector<16xf32>
        %parallel_loop3A_206 = arith.maximumf %parallel_loop3A_178, %parallel_loop3A_204 : vector<16xf32>
        %parallel_loop3A_207 = arith.constant 5 : i32
        %parallel_loop3A_208 = arith.index_cast %parallel_loop3A_207 : i32 to index
        %parallel_loop3A_209 = arith.index_cast %parallel_loop3A_60 : i32 to index
        %parallel_loop3A_210 = arith.index_cast %parallel_loop3A_65 : i32 to index
        %parallel_loop3A_211 = tpu.vector_load %arg4[%parallel_loop3A_208, %parallel_loop3A_209, %parallel_loop3A_210] {strides = array<i32>} : memref<50x8x128xf32, #tpu.memory_space<vmem>>, vector<1x1x16xf32>,
        %parallel_loop3A_212 = vector.shape_cast %parallel_loop3A_211 : vector<1x1x16xf32> to vector<16xf32>
        %parallel_loop3A_213 = arith.addf %parallel_loop3A_186, %parallel_loop3A_212 : vector<16xf32>
        %parallel_loop3A_214 = arith.maximumf %parallel_loop3A_187, %parallel_loop3A_212 : vector<16xf32>
        %parallel_loop3A_215 = arith.minimumf %parallel_loop3A_187, %parallel_loop3A_212 : vector<16xf32>
        %parallel_loop3A_216 = arith.maximumf %parallel_loop3A_189, %parallel_loop3A_215 : vector<16xf32>
        %parallel_loop3A_217 = arith.minimumf %parallel_loop3A_189, %parallel_loop3A_215 : vector<16xf32>
        %parallel_loop3A_218 = arith.maximumf %parallel_loop3A_191, %parallel_loop3A_217 : vector<16xf32>
        %parallel_loop3A_219 = arith.minimumf %parallel_loop3A_191, %parallel_loop3A_217 : vector<16xf32>
        %parallel_loop3A_220 = arith.maximumf %parallel_loop3A_193, %parallel_loop3A_219 : vector<16xf32>
        %parallel_loop3A_221 = arith.minimumf %parallel_loop3A_193, %parallel_loop3A_219 : vector<16xf32>
        %parallel_loop3A_222 = arith.maximumf %parallel_loop3A_195, %parallel_loop3A_221 : vector<16xf32>
        %parallel_loop3A_223 = arith.minimumf %parallel_loop3A_195, %parallel_loop3A_221 : vector<16xf32>
        %parallel_loop3A_224 = arith.minimumf %parallel_loop3A_197, %parallel_loop3A_212 : vector<16xf32>
        %parallel_loop3A_225 = arith.maximumf %parallel_loop3A_197, %parallel_loop3A_212 : vector<16xf32>
        %parallel_loop3A_226 = arith.minimumf %parallel_loop3A_199, %parallel_loop3A_225 : vector<16xf32>
        %parallel_loop3A_227 = arith.maximumf %parallel_loop3A_199, %parallel_loop3A_225 : vector<16xf32>
        %parallel_loop3A_228 = arith.minimumf %parallel_loop3A_201, %parallel_loop3A_227 : vector<16xf32>
        %parallel_loop3A_229 = arith.maximumf %parallel_loop3A_201, %parallel_loop3A_227 : vector<16xf32>
        %parallel_loop3A_230 = arith.minimumf %parallel_loop3A_203, %parallel_loop3A_229 : vector<16xf32>
        %parallel_loop3A_231 = arith.maximumf %parallel_loop3A_203, %parallel_loop3A_229 : vector<16xf32>
        %parallel_loop3A_232 = arith.minimumf %parallel_loop3A_205, %parallel_loop3A_231 : vector<16xf32>
        %parallel_loop3A_233 = arith.maximumf %parallel_loop3A_205, %parallel_loop3A_231 : vector<16xf32>
        %parallel_loop3A_234 = arith.constant 6 : i32
        %parallel_loop3A_235 = arith.index_cast %parallel_loop3A_234 : i32 to index
        %parallel_loop3A_236 = arith.index_cast %parallel_loop3A_60 : i32 to index
        %parallel_loop3A_237 = arith.index_cast %parallel_loop3A_65 : i32 to index
        %parallel_loop3A_238 = tpu.vector_load %arg4[%parallel_loop3A_235, %parallel_loop3A_236, %parallel_loop3A_237] {strides = array<i32>} : memref<50x8x128xf32, #tpu.memory_space<vmem>>, vector<1x1x16xf32>,
        %parallel_loop3A_239 = vector.shape_cast %parallel_loop3A_238 : vector<1x1x16xf32> to vector<16xf32>
        %parallel_loop3A_240 = arith.addf %parallel_loop3A_213, %parallel_loop3A_239 : vector<16xf32>
        %parallel_loop3A_241 = arith.maximumf %parallel_loop3A_214, %parallel_loop3A_239 : vector<16xf32>
        %parallel_loop3A_242 = arith.minimumf %parallel_loop3A_214, %parallel_loop3A_239 : vector<16xf32>
        %parallel_loop3A_243 = arith.maximumf %parallel_loop3A_216, %parallel_loop3A_242 : vector<16xf32>
        %parallel_loop3A_244 = arith.minimumf %parallel_loop3A_216, %parallel_loop3A_242 : vector<16xf32>
        %parallel_loop3A_245 = arith.maximumf %parallel_loop3A_218, %parallel_loop3A_244 : vector<16xf32>
        %parallel_loop3A_246 = arith.minimumf %parallel_loop3A_218, %parallel_loop3A_244 : vector<16xf32>
        %parallel_loop3A_247 = arith.maximumf %parallel_loop3A_220, %parallel_loop3A_246 : vector<16xf32>
        %parallel_loop3A_248 = arith.minimumf %parallel_loop3A_220, %parallel_loop3A_246 : vector<16xf32>
        %parallel_loop3A_249 = arith.maximumf %parallel_loop3A_222, %parallel_loop3A_248 : vector<16xf32>
        %parallel_loop3A_250 = arith.minimumf %parallel_loop3A_222, %parallel_loop3A_248 : vector<16xf32>
        %parallel_loop3A_251 = arith.minimumf %parallel_loop3A_224, %parallel_loop3A_239 : vector<16xf32>
        %parallel_loop3A_252 = arith.maximumf %parallel_loop3A_224, %parallel_loop3A_239 : vector<16xf32>
        %parallel_loop3A_253 = arith.minimumf %parallel_loop3A_226, %parallel_loop3A_252 : vector<16xf32>
        %parallel_loop3A_254 = arith.maximumf %parallel_loop3A_226, %parallel_loop3A_252 : vector<16xf32>
        %parallel_loop3A_255 = arith.minimumf %parallel_loop3A_228, %parallel_loop3A_254 : vector<16xf32>
        %parallel_loop3A_256 = arith.maximumf %parallel_loop3A_228, %parallel_loop3A_254 : vector<16xf32>
        %parallel_loop3A_257 = arith.minimumf %parallel_loop3A_230, %parallel_loop3A_256 : vector<16xf32>
        %parallel_loop3A_258 = arith.maximumf %parallel_loop3A_230, %parallel_loop3A_256 : vector<16xf32>
        %parallel_loop3A_259 = arith.minimumf %parallel_loop3A_232, %parallel_loop3A_258 : vector<16xf32>
        %parallel_loop3A_260 = arith.maximumf %parallel_loop3A_232, %parallel_loop3A_258 : vector<16xf32>
        %parallel_loop3A_261 = arith.constant 7 : i32
        %parallel_loop3A_262 = arith.index_cast %parallel_loop3A_261 : i32 to index
        %parallel_loop3A_263 = arith.index_cast %parallel_loop3A_60 : i32 to index
        %parallel_loop3A_264 = arith.index_cast %parallel_loop3A_65 : i32 to index
        %parallel_loop3A_265 = tpu.vector_load %arg4[%parallel_loop3A_262, %parallel_loop3A_263, %parallel_loop3A_264] {strides = array<i32>} : memref<50x8x128xf32, #tpu.memory_space<vmem>>, vector<1x1x16xf32>,
        %parallel_loop3A_266 = vector.shape_cast %parallel_loop3A_265 : vector<1x1x16xf32> to vector<16xf32>
        %parallel_loop3A_267 = arith.addf %parallel_loop3A_240, %parallel_loop3A_266 : vector<16xf32>
        %parallel_loop3A_268 = arith.maximumf %parallel_loop3A_241, %parallel_loop3A_266 : vector<16xf32>
        %parallel_loop3A_269 = arith.minimumf %parallel_loop3A_241, %parallel_loop3A_266 : vector<16xf32>
        %parallel_loop3A_270 = arith.maximumf %parallel_loop3A_243, %parallel_loop3A_269 : vector<16xf32>
        %parallel_loop3A_271 = arith.minimumf %parallel_loop3A_243, %parallel_loop3A_269 : vector<16xf32>
        %parallel_loop3A_272 = arith.maximumf %parallel_loop3A_245, %parallel_loop3A_271 : vector<16xf32>
        %parallel_loop3A_273 = arith.minimumf %parallel_loop3A_245, %parallel_loop3A_271 : vector<16xf32>
        %parallel_loop3A_274 = arith.maximumf %parallel_loop3A_247, %parallel_loop3A_273 : vector<16xf32>
        %parallel_loop3A_275 = arith.minimumf %parallel_loop3A_247, %parallel_loop3A_273 : vector<16xf32>
        %parallel_loop3A_276 = arith.maximumf %parallel_loop3A_249, %parallel_loop3A_275 : vector<16xf32>
        %parallel_loop3A_277 = arith.minimumf %parallel_loop3A_249, %parallel_loop3A_275 : vector<16xf32>
        %parallel_loop3A_278 = arith.minimumf %parallel_loop3A_251, %parallel_loop3A_266 : vector<16xf32>
        %parallel_loop3A_279 = arith.maximumf %parallel_loop3A_251, %parallel_loop3A_266 : vector<16xf32>
        %parallel_loop3A_280 = arith.minimumf %parallel_loop3A_253, %parallel_loop3A_279 : vector<16xf32>
        %parallel_loop3A_281 = arith.maximumf %parallel_loop3A_253, %parallel_loop3A_279 : vector<16xf32>
        %parallel_loop3A_282 = arith.minimumf %parallel_loop3A_255, %parallel_loop3A_281 : vector<16xf32>
        %parallel_loop3A_283 = arith.maximumf %parallel_loop3A_255, %parallel_loop3A_281 : vector<16xf32>
        %parallel_loop3A_284 = arith.minimumf %parallel_loop3A_257, %parallel_loop3A_283 : vector<16xf32>
        %parallel_loop3A_285 = arith.maximumf %parallel_loop3A_257, %parallel_loop3A_283 : vector<16xf32>
        %parallel_loop3A_286 = arith.minimumf %parallel_loop3A_259, %parallel_loop3A_285 : vector<16xf32>
        %parallel_loop3A_287 = arith.maximumf %parallel_loop3A_259, %parallel_loop3A_285 : vector<16xf32>
        %parallel_loop3A_288 = arith.constant 8 : i32
        %parallel_loop3A_289 = arith.index_cast %parallel_loop3A_288 : i32 to index
        %parallel_loop3A_290 = arith.index_cast %parallel_loop3A_60 : i32 to index
        %parallel_loop3A_291 = arith.index_cast %parallel_loop3A_65 : i32 to index
        %parallel_loop3A_292 = tpu.vector_load %arg4[%parallel_loop3A_289, %parallel_loop3A_290, %parallel_loop3A_291] {strides = array<i32>} : memref<50x8x128xf32, #tpu.memory_space<vmem>>, vector<1x1x16xf32>,
        %parallel_loop3A_293 = vector.shape_cast %parallel_loop3A_292 : vector<1x1x16xf32> to vector<16xf32>
        %parallel_loop3A_294 = arith.addf %parallel_loop3A_267, %parallel_loop3A_293 : vector<16xf32>
        %parallel_loop3A_295 = arith.maximumf %parallel_loop3A_268, %parallel_loop3A_293 : vector<16xf32>
        %parallel_loop3A_296 = arith.minimumf %parallel_loop3A_268, %parallel_loop3A_293 : vector<16xf32>
        %parallel_loop3A_297 = arith.maximumf %parallel_loop3A_270, %parallel_loop3A_296 : vector<16xf32>
        %parallel_loop3A_298 = arith.minimumf %parallel_loop3A_270, %parallel_loop3A_296 : vector<16xf32>
        %parallel_loop3A_299 = arith.maximumf %parallel_loop3A_272, %parallel_loop3A_298 : vector<16xf32>
        %parallel_loop3A_300 = arith.minimumf %parallel_loop3A_272, %parallel_loop3A_298 : vector<16xf32>
        %parallel_loop3A_301 = arith.maximumf %parallel_loop3A_274, %parallel_loop3A_300 : vector<16xf32>
        %parallel_loop3A_302 = arith.minimumf %parallel_loop3A_274, %parallel_loop3A_300 : vector<16xf32>
        %parallel_loop3A_303 = arith.maximumf %parallel_loop3A_276, %parallel_loop3A_302 : vector<16xf32>
        %parallel_loop3A_304 = arith.minimumf %parallel_loop3A_276, %parallel_loop3A_302 : vector<16xf32>
        %parallel_loop3A_305 = arith.minimumf %parallel_loop3A_278, %parallel_loop3A_293 : vector<16xf32>
        %parallel_loop3A_306 = arith.maximumf %parallel_loop3A_278, %parallel_loop3A_293 : vector<16xf32>
        %parallel_loop3A_307 = arith.minimumf %parallel_loop3A_280, %parallel_loop3A_306 : vector<16xf32>
        %parallel_loop3A_308 = arith.maximumf %parallel_loop3A_280, %parallel_loop3A_306 : vector<16xf32>
        %parallel_loop3A_309 = arith.minimumf %parallel_loop3A_282, %parallel_loop3A_308 : vector<16xf32>
        %parallel_loop3A_310 = arith.maximumf %parallel_loop3A_282, %parallel_loop3A_308 : vector<16xf32>
        %parallel_loop3A_311 = arith.minimumf %parallel_loop3A_284, %parallel_loop3A_310 : vector<16xf32>
        %parallel_loop3A_312 = arith.maximumf %parallel_loop3A_284, %parallel_loop3A_310 : vector<16xf32>
        %parallel_loop3A_313 = arith.minimumf %parallel_loop3A_286, %parallel_loop3A_312 : vector<16xf32>
        %parallel_loop3A_314 = arith.maximumf %parallel_loop3A_286, %parallel_loop3A_312 : vector<16xf32>
        %parallel_loop3A_315 = arith.constant 9 : i32
        %parallel_loop3A_316 = arith.index_cast %parallel_loop3A_315 : i32 to index
        %parallel_loop3A_317 = arith.index_cast %parallel_loop3A_60 : i32 to index
        %parallel_loop3A_318 = arith.index_cast %parallel_loop3A_65 : i32 to index
        %parallel_loop3A_319 = tpu.vector_load %arg4[%parallel_loop3A_316, %parallel_loop3A_317, %parallel_loop3A_318] {strides = array<i32>} : memref<50x8x128xf32, #tpu.memory_space<vmem>>, vector<1x1x16xf32>,
        %parallel_loop3A_320 = vector.shape_cast %parallel_loop3A_319 : vector<1x1x16xf32> to vector<16xf32>
        %parallel_loop3A_321 = arith.addf %parallel_loop3A_294, %parallel_loop3A_320 : vector<16xf32>
        %parallel_loop3A_322 = arith.maximumf %parallel_loop3A_295, %parallel_loop3A_320 : vector<16xf32>
        %parallel_loop3A_323 = arith.minimumf %parallel_loop3A_295, %parallel_loop3A_320 : vector<16xf32>
        %parallel_loop3A_324 = arith.maximumf %parallel_loop3A_297, %parallel_loop3A_323 : vector<16xf32>
        %parallel_loop3A_325 = arith.minimumf %parallel_loop3A_297, %parallel_loop3A_323 : vector<16xf32>
        %parallel_loop3A_326 = arith.maximumf %parallel_loop3A_299, %parallel_loop3A_325 : vector<16xf32>
        %parallel_loop3A_327 = arith.minimumf %parallel_loop3A_299, %parallel_loop3A_325 : vector<16xf32>
        %parallel_loop3A_328 = arith.maximumf %parallel_loop3A_301, %parallel_loop3A_327 : vector<16xf32>
        %parallel_loop3A_329 = arith.minimumf %parallel_loop3A_301, %parallel_loop3A_327 : vector<16xf32>
        %parallel_loop3A_330 = arith.maximumf %parallel_loop3A_303, %parallel_loop3A_329 : vector<16xf32>
        %parallel_loop3A_331 = arith.minimumf %parallel_loop3A_303, %parallel_loop3A_329 : vector<16xf32>
        %parallel_loop3A_332 = arith.minimumf %parallel_loop3A_305, %parallel_loop3A_320 : vector<16xf32>
        %parallel_loop3A_333 = arith.maximumf %parallel_loop3A_305, %parallel_loop3A_320 : vector<16xf32>
        %parallel_loop3A_334 = arith.minimumf %parallel_loop3A_307, %parallel_loop3A_333 : vector<16xf32>
        %parallel_loop3A_335 = arith.maximumf %parallel_loop3A_307, %parallel_loop3A_333 : vector<16xf32>
        %parallel_loop3A_336 = arith.minimumf %parallel_loop3A_309, %parallel_loop3A_335 : vector<16xf32>
        %parallel_loop3A_337 = arith.maximumf %parallel_loop3A_309, %parallel_loop3A_335 : vector<16xf32>
        %parallel_loop3A_338 = arith.minimumf %parallel_loop3A_311, %parallel_loop3A_337 : vector<16xf32>
        %parallel_loop3A_339 = arith.maximumf %parallel_loop3A_311, %parallel_loop3A_337 : vector<16xf32>
        %parallel_loop3A_340 = arith.minimumf %parallel_loop3A_313, %parallel_loop3A_339 : vector<16xf32>
        %parallel_loop3A_341 = arith.maximumf %parallel_loop3A_313, %parallel_loop3A_339 : vector<16xf32>
        %parallel_loop3A_342 = arith.constant 10 : i32
        %parallel_loop3A_343 = arith.index_cast %parallel_loop3A_342 : i32 to index
        %parallel_loop3A_344 = arith.index_cast %parallel_loop3A_60 : i32 to index
        %parallel_loop3A_345 = arith.index_cast %parallel_loop3A_65 : i32 to index
        %parallel_loop3A_346 = tpu.vector_load %arg4[%parallel_loop3A_343, %parallel_loop3A_344, %parallel_loop3A_345] {strides = array<i32>} : memref<50x8x128xf32, #tpu.memory_space<vmem>>, vector<1x1x16xf32>,
        %parallel_loop3A_347 = vector.shape_cast %parallel_loop3A_346 : vector<1x1x16xf32> to vector<16xf32>
        %parallel_loop3A_348 = arith.addf %parallel_loop3A_321, %parallel_loop3A_347 : vector<16xf32>
        %parallel_loop3A_349 = arith.maximumf %parallel_loop3A_322, %parallel_loop3A_347 : vector<16xf32>
        %parallel_loop3A_350 = arith.minimumf %parallel_loop3A_322, %parallel_loop3A_347 : vector<16xf32>
        %parallel_loop3A_351 = arith.maximumf %parallel_loop3A_324, %parallel_loop3A_350 : vector<16xf32>
        %parallel_loop3A_352 = arith.minimumf %parallel_loop3A_324, %parallel_loop3A_350 : vector<16xf32>
        %parallel_loop3A_353 = arith.maximumf %parallel_loop3A_326, %parallel_loop3A_352 : vector<16xf32>
        %parallel_loop3A_354 = arith.minimumf %parallel_loop3A_326, %parallel_loop3A_352 : vector<16xf32>
        %parallel_loop3A_355 = arith.maximumf %parallel_loop3A_328, %parallel_loop3A_354 : vector<16xf32>
        %parallel_loop3A_356 = arith.minimumf %parallel_loop3A_328, %parallel_loop3A_354 : vector<16xf32>
        %parallel_loop3A_357 = arith.maximumf %parallel_loop3A_330, %parallel_loop3A_356 : vector<16xf32>
        %parallel_loop3A_358 = arith.minimumf %parallel_loop3A_330, %parallel_loop3A_356 : vector<16xf32>
        %parallel_loop3A_359 = arith.minimumf %parallel_loop3A_332, %parallel_loop3A_347 : vector<16xf32>
        %parallel_loop3A_360 = arith.maximumf %parallel_loop3A_332, %parallel_loop3A_347 : vector<16xf32>
        %parallel_loop3A_361 = arith.minimumf %parallel_loop3A_334, %parallel_loop3A_360 : vector<16xf32>
        %parallel_loop3A_362 = arith.maximumf %parallel_loop3A_334, %parallel_loop3A_360 : vector<16xf32>
        %parallel_loop3A_363 = arith.minimumf %parallel_loop3A_336, %parallel_loop3A_362 : vector<16xf32>
        %parallel_loop3A_364 = arith.maximumf %parallel_loop3A_336, %parallel_loop3A_362 : vector<16xf32>
        %parallel_loop3A_365 = arith.minimumf %parallel_loop3A_338, %parallel_loop3A_364 : vector<16xf32>
        %parallel_loop3A_366 = arith.maximumf %parallel_loop3A_338, %parallel_loop3A_364 : vector<16xf32>
        %parallel_loop3A_367 = arith.minimumf %parallel_loop3A_340, %parallel_loop3A_366 : vector<16xf32>
        %parallel_loop3A_368 = arith.maximumf %parallel_loop3A_340, %parallel_loop3A_366 : vector<16xf32>
        %parallel_loop3A_369 = arith.constant 11 : i32
        %parallel_loop3A_370 = arith.index_cast %parallel_loop3A_369 : i32 to index
        %parallel_loop3A_371 = arith.index_cast %parallel_loop3A_60 : i32 to index
        %parallel_loop3A_372 = arith.index_cast %parallel_loop3A_65 : i32 to index
        %parallel_loop3A_373 = tpu.vector_load %arg4[%parallel_loop3A_370, %parallel_loop3A_371, %parallel_loop3A_372] {strides = array<i32>} : memref<50x8x128xf32, #tpu.memory_space<vmem>>, vector<1x1x16xf32>,
        %parallel_loop3A_374 = vector.shape_cast %parallel_loop3A_373 : vector<1x1x16xf32> to vector<16xf32>
        %parallel_loop3A_375 = arith.addf %parallel_loop3A_348, %parallel_loop3A_374 : vector<16xf32>
        %parallel_loop3A_376 = arith.maximumf %parallel_loop3A_349, %parallel_loop3A_374 : vector<16xf32>
        %parallel_loop3A_377 = arith.minimumf %parallel_loop3A_349, %parallel_loop3A_374 : vector<16xf32>
        %parallel_loop3A_378 = arith.maximumf %parallel_loop3A_351, %parallel_loop3A_377 : vector<16xf32>
        %parallel_loop3A_379 = arith.minimumf %parallel_loop3A_351, %parallel_loop3A_377 : vector<16xf32>
        %parallel_loop3A_380 = arith.maximumf %parallel_loop3A_353, %parallel_loop3A_379 : vector<16xf32>
        %parallel_loop3A_381 = arith.minimumf %parallel_loop3A_353, %parallel_loop3A_379 : vector<16xf32>
        %parallel_loop3A_382 = arith.maximumf %parallel_loop3A_355, %parallel_loop3A_381 : vector<16xf32>
        %parallel_loop3A_383 = arith.minimumf %parallel_loop3A_355, %parallel_loop3A_381 : vector<16xf32>
        %parallel_loop3A_384 = arith.maximumf %parallel_loop3A_357, %parallel_loop3A_383 : vector<16xf32>
        %parallel_loop3A_385 = arith.minimumf %parallel_loop3A_357, %parallel_loop3A_383 : vector<16xf32>
        %parallel_loop3A_386 = arith.minimumf %parallel_loop3A_359, %parallel_loop3A_374 : vector<16xf32>
        %parallel_loop3A_387 = arith.maximumf %parallel_loop3A_359, %parallel_loop3A_374 : vector<16xf32>
        %parallel_loop3A_388 = arith.minimumf %parallel_loop3A_361, %parallel_loop3A_387 : vector<16xf32>
        %parallel_loop3A_389 = arith.maximumf %parallel_loop3A_361, %parallel_loop3A_387 : vector<16xf32>
        %parallel_loop3A_390 = arith.minimumf %parallel_loop3A_363, %parallel_loop3A_389 : vector<16xf32>
        %parallel_loop3A_391 = arith.maximumf %parallel_loop3A_363, %parallel_loop3A_389 : vector<16xf32>
        %parallel_loop3A_392 = arith.minimumf %parallel_loop3A_365, %parallel_loop3A_391 : vector<16xf32>
        %parallel_loop3A_393 = arith.maximumf %parallel_loop3A_365, %parallel_loop3A_391 : vector<16xf32>
        %parallel_loop3A_394 = arith.minimumf %parallel_loop3A_367, %parallel_loop3A_393 : vector<16xf32>
        %parallel_loop3A_395 = arith.maximumf %parallel_loop3A_367, %parallel_loop3A_393 : vector<16xf32>
        %parallel_loop3A_396 = arith.constant 12 : i32
        %parallel_loop3A_397 = arith.index_cast %parallel_loop3A_396 : i32 to index
        %parallel_loop3A_398 = arith.index_cast %parallel_loop3A_60 : i32 to index
        %parallel_loop3A_399 = arith.index_cast %parallel_loop3A_65 : i32 to index
        %parallel_loop3A_400 = tpu.vector_load %arg4[%parallel_loop3A_397, %parallel_loop3A_398, %parallel_loop3A_399] {strides = array<i32>} : memref<50x8x128xf32, #tpu.memory_space<vmem>>, vector<1x1x16xf32>,
        %parallel_loop3A_401 = vector.shape_cast %parallel_loop3A_400 : vector<1x1x16xf32> to vector<16xf32>
        %parallel_loop3A_402 = arith.addf %parallel_loop3A_375, %parallel_loop3A_401 : vector<16xf32>
        %parallel_loop3A_403 = arith.maximumf %parallel_loop3A_376, %parallel_loop3A_401 : vector<16xf32>
        %parallel_loop3A_404 = arith.minimumf %parallel_loop3A_376, %parallel_loop3A_401 : vector<16xf32>
        %parallel_loop3A_405 = arith.maximumf %parallel_loop3A_378, %parallel_loop3A_404 : vector<16xf32>
        %parallel_loop3A_406 = arith.minimumf %parallel_loop3A_378, %parallel_loop3A_404 : vector<16xf32>
        %parallel_loop3A_407 = arith.maximumf %parallel_loop3A_380, %parallel_loop3A_406 : vector<16xf32>
        %parallel_loop3A_408 = arith.minimumf %parallel_loop3A_380, %parallel_loop3A_406 : vector<16xf32>
        %parallel_loop3A_409 = arith.maximumf %parallel_loop3A_382, %parallel_loop3A_408 : vector<16xf32>
        %parallel_loop3A_410 = arith.minimumf %parallel_loop3A_382, %parallel_loop3A_408 : vector<16xf32>
        %parallel_loop3A_411 = arith.maximumf %parallel_loop3A_384, %parallel_loop3A_410 : vector<16xf32>
        %parallel_loop3A_412 = arith.minimumf %parallel_loop3A_384, %parallel_loop3A_410 : vector<16xf32>
        %parallel_loop3A_413 = arith.minimumf %parallel_loop3A_386, %parallel_loop3A_401 : vector<16xf32>
        %parallel_loop3A_414 = arith.maximumf %parallel_loop3A_386, %parallel_loop3A_401 : vector<16xf32>
        %parallel_loop3A_415 = arith.minimumf %parallel_loop3A_388, %parallel_loop3A_414 : vector<16xf32>
        %parallel_loop3A_416 = arith.maximumf %parallel_loop3A_388, %parallel_loop3A_414 : vector<16xf32>
        %parallel_loop3A_417 = arith.minimumf %parallel_loop3A_390, %parallel_loop3A_416 : vector<16xf32>
        %parallel_loop3A_418 = arith.maximumf %parallel_loop3A_390, %parallel_loop3A_416 : vector<16xf32>
        %parallel_loop3A_419 = arith.minimumf %parallel_loop3A_392, %parallel_loop3A_418 : vector<16xf32>
        %parallel_loop3A_420 = arith.maximumf %parallel_loop3A_392, %parallel_loop3A_418 : vector<16xf32>
        %parallel_loop3A_421 = arith.minimumf %parallel_loop3A_394, %parallel_loop3A_420 : vector<16xf32>
        %parallel_loop3A_422 = arith.maximumf %parallel_loop3A_394, %parallel_loop3A_420 : vector<16xf32>
        %parallel_loop3A_423 = arith.constant 13 : i32
        %parallel_loop3A_424 = arith.index_cast %parallel_loop3A_423 : i32 to index
        %parallel_loop3A_425 = arith.index_cast %parallel_loop3A_60 : i32 to index
        %parallel_loop3A_426 = arith.index_cast %parallel_loop3A_65 : i32 to index
        %parallel_loop3A_427 = tpu.vector_load %arg4[%parallel_loop3A_424, %parallel_loop3A_425, %parallel_loop3A_426] {strides = array<i32>} : memref<50x8x128xf32, #tpu.memory_space<vmem>>, vector<1x1x16xf32>,
        %parallel_loop3A_428 = vector.shape_cast %parallel_loop3A_427 : vector<1x1x16xf32> to vector<16xf32>
        %parallel_loop3A_429 = arith.addf %parallel_loop3A_402, %parallel_loop3A_428 : vector<16xf32>
        %parallel_loop3A_430 = arith.maximumf %parallel_loop3A_403, %parallel_loop3A_428 : vector<16xf32>
        %parallel_loop3A_431 = arith.minimumf %parallel_loop3A_403, %parallel_loop3A_428 : vector<16xf32>
        %parallel_loop3A_432 = arith.maximumf %parallel_loop3A_405, %parallel_loop3A_431 : vector<16xf32>
        %parallel_loop3A_433 = arith.minimumf %parallel_loop3A_405, %parallel_loop3A_431 : vector<16xf32>
        %parallel_loop3A_434 = arith.maximumf %parallel_loop3A_407, %parallel_loop3A_433 : vector<16xf32>
        %parallel_loop3A_435 = arith.minimumf %parallel_loop3A_407, %parallel_loop3A_433 : vector<16xf32>
        %parallel_loop3A_436 = arith.maximumf %parallel_loop3A_409, %parallel_loop3A_435 : vector<16xf32>
        %parallel_loop3A_437 = arith.minimumf %parallel_loop3A_409, %parallel_loop3A_435 : vector<16xf32>
        %parallel_loop3A_438 = arith.maximumf %parallel_loop3A_411, %parallel_loop3A_437 : vector<16xf32>
        %parallel_loop3A_439 = arith.minimumf %parallel_loop3A_411, %parallel_loop3A_437 : vector<16xf32>
        %parallel_loop3A_440 = arith.minimumf %parallel_loop3A_413, %parallel_loop3A_428 : vector<16xf32>
        %parallel_loop3A_441 = arith.maximumf %parallel_loop3A_413, %parallel_loop3A_428 : vector<16xf32>
        %parallel_loop3A_442 = arith.minimumf %parallel_loop3A_415, %parallel_loop3A_441 : vector<16xf32>
        %parallel_loop3A_443 = arith.maximumf %parallel_loop3A_415, %parallel_loop3A_441 : vector<16xf32>
        %parallel_loop3A_444 = arith.minimumf %parallel_loop3A_417, %parallel_loop3A_443 : vector<16xf32>
        %parallel_loop3A_445 = arith.maximumf %parallel_loop3A_417, %parallel_loop3A_443 : vector<16xf32>
        %parallel_loop3A_446 = arith.minimumf %parallel_loop3A_419, %parallel_loop3A_445 : vector<16xf32>
        %parallel_loop3A_447 = arith.maximumf %parallel_loop3A_419, %parallel_loop3A_445 : vector<16xf32>
        %parallel_loop3A_448 = arith.minimumf %parallel_loop3A_421, %parallel_loop3A_447 : vector<16xf32>
        %parallel_loop3A_449 = arith.maximumf %parallel_loop3A_421, %parallel_loop3A_447 : vector<16xf32>
        %parallel_loop3A_450 = arith.constant 14 : i32
        %parallel_loop3A_451 = arith.index_cast %parallel_loop3A_450 : i32 to index
        %parallel_loop3A_452 = arith.index_cast %parallel_loop3A_60 : i32 to index
        %parallel_loop3A_453 = arith.index_cast %parallel_loop3A_65 : i32 to index
        %parallel_loop3A_454 = tpu.vector_load %arg4[%parallel_loop3A_451, %parallel_loop3A_452, %parallel_loop3A_453] {strides = array<i32>} : memref<50x8x128xf32, #tpu.memory_space<vmem>>, vector<1x1x16xf32>,
        %parallel_loop3A_455 = vector.shape_cast %parallel_loop3A_454 : vector<1x1x16xf32> to vector<16xf32>
        %parallel_loop3A_456 = arith.addf %parallel_loop3A_429, %parallel_loop3A_455 : vector<16xf32>
        %parallel_loop3A_457 = arith.maximumf %parallel_loop3A_430, %parallel_loop3A_455 : vector<16xf32>
        %parallel_loop3A_458 = arith.minimumf %parallel_loop3A_430, %parallel_loop3A_455 : vector<16xf32>
        %parallel_loop3A_459 = arith.maximumf %parallel_loop3A_432, %parallel_loop3A_458 : vector<16xf32>
        %parallel_loop3A_460 = arith.minimumf %parallel_loop3A_432, %parallel_loop3A_458 : vector<16xf32>
        %parallel_loop3A_461 = arith.maximumf %parallel_loop3A_434, %parallel_loop3A_460 : vector<16xf32>
        %parallel_loop3A_462 = arith.minimumf %parallel_loop3A_434, %parallel_loop3A_460 : vector<16xf32>
        %parallel_loop3A_463 = arith.maximumf %parallel_loop3A_436, %parallel_loop3A_462 : vector<16xf32>
        %parallel_loop3A_464 = arith.minimumf %parallel_loop3A_436, %parallel_loop3A_462 : vector<16xf32>
        %parallel_loop3A_465 = arith.maximumf %parallel_loop3A_438, %parallel_loop3A_464 : vector<16xf32>
        %parallel_loop3A_466 = arith.minimumf %parallel_loop3A_438, %parallel_loop3A_464 : vector<16xf32>
        %parallel_loop3A_467 = arith.minimumf %parallel_loop3A_440, %parallel_loop3A_455 : vector<16xf32>
        %parallel_loop3A_468 = arith.maximumf %parallel_loop3A_440, %parallel_loop3A_455 : vector<16xf32>
        %parallel_loop3A_469 = arith.minimumf %parallel_loop3A_442, %parallel_loop3A_468 : vector<16xf32>
        %parallel_loop3A_470 = arith.maximumf %parallel_loop3A_442, %parallel_loop3A_468 : vector<16xf32>
        %parallel_loop3A_471 = arith.minimumf %parallel_loop3A_444, %parallel_loop3A_470 : vector<16xf32>
        %parallel_loop3A_472 = arith.maximumf %parallel_loop3A_444, %parallel_loop3A_470 : vector<16xf32>
        %parallel_loop3A_473 = arith.minimumf %parallel_loop3A_446, %parallel_loop3A_472 : vector<16xf32>
        %parallel_loop3A_474 = arith.maximumf %parallel_loop3A_446, %parallel_loop3A_472 : vector<16xf32>
        %parallel_loop3A_475 = arith.minimumf %parallel_loop3A_448, %parallel_loop3A_474 : vector<16xf32>
        %parallel_loop3A_476 = arith.maximumf %parallel_loop3A_448, %parallel_loop3A_474 : vector<16xf32>
        %parallel_loop3A_477 = arith.constant 15 : i32
        %parallel_loop3A_478 = arith.index_cast %parallel_loop3A_477 : i32 to index
        %parallel_loop3A_479 = arith.index_cast %parallel_loop3A_60 : i32 to index
        %parallel_loop3A_480 = arith.index_cast %parallel_loop3A_65 : i32 to index
        %parallel_loop3A_481 = tpu.vector_load %arg4[%parallel_loop3A_478, %parallel_loop3A_479, %parallel_loop3A_480] {strides = array<i32>} : memref<50x8x128xf32, #tpu.memory_space<vmem>>, vector<1x1x16xf32>,
        %parallel_loop3A_482 = vector.shape_cast %parallel_loop3A_481 : vector<1x1x16xf32> to vector<16xf32>
        %parallel_loop3A_483 = arith.addf %parallel_loop3A_456, %parallel_loop3A_482 : vector<16xf32>
        %parallel_loop3A_484 = arith.maximumf %parallel_loop3A_457, %parallel_loop3A_482 : vector<16xf32>
        %parallel_loop3A_485 = arith.minimumf %parallel_loop3A_457, %parallel_loop3A_482 : vector<16xf32>
        %parallel_loop3A_486 = arith.maximumf %parallel_loop3A_459, %parallel_loop3A_485 : vector<16xf32>
        %parallel_loop3A_487 = arith.minimumf %parallel_loop3A_459, %parallel_loop3A_485 : vector<16xf32>
        %parallel_loop3A_488 = arith.maximumf %parallel_loop3A_461, %parallel_loop3A_487 : vector<16xf32>
        %parallel_loop3A_489 = arith.minimumf %parallel_loop3A_461, %parallel_loop3A_487 : vector<16xf32>
        %parallel_loop3A_490 = arith.maximumf %parallel_loop3A_463, %parallel_loop3A_489 : vector<16xf32>
        %parallel_loop3A_491 = arith.minimumf %parallel_loop3A_463, %parallel_loop3A_489 : vector<16xf32>
        %parallel_loop3A_492 = arith.maximumf %parallel_loop3A_465, %parallel_loop3A_491 : vector<16xf32>
        %parallel_loop3A_493 = arith.minimumf %parallel_loop3A_465, %parallel_loop3A_491 : vector<16xf32>
        %parallel_loop3A_494 = arith.minimumf %parallel_loop3A_467, %parallel_loop3A_482 : vector<16xf32>
        %parallel_loop3A_495 = arith.maximumf %parallel_loop3A_467, %parallel_loop3A_482 : vector<16xf32>
        %parallel_loop3A_496 = arith.minimumf %parallel_loop3A_469, %parallel_loop3A_495 : vector<16xf32>
        %parallel_loop3A_497 = arith.maximumf %parallel_loop3A_469, %parallel_loop3A_495 : vector<16xf32>
        %parallel_loop3A_498 = arith.minimumf %parallel_loop3A_471, %parallel_loop3A_497 : vector<16xf32>
        %parallel_loop3A_499 = arith.maximumf %parallel_loop3A_471, %parallel_loop3A_497 : vector<16xf32>
        %parallel_loop3A_500 = arith.minimumf %parallel_loop3A_473, %parallel_loop3A_499 : vector<16xf32>
        %parallel_loop3A_501 = arith.maximumf %parallel_loop3A_473, %parallel_loop3A_499 : vector<16xf32>
        %parallel_loop3A_502 = arith.minimumf %parallel_loop3A_475, %parallel_loop3A_501 : vector<16xf32>
        %parallel_loop3A_503 = arith.maximumf %parallel_loop3A_475, %parallel_loop3A_501 : vector<16xf32>
        %parallel_loop3A_504 = arith.constant 16 : i32
        %parallel_loop3A_505 = arith.index_cast %parallel_loop3A_504 : i32 to index
        %parallel_loop3A_506 = arith.index_cast %parallel_loop3A_60 : i32 to index
        %parallel_loop3A_507 = arith.index_cast %parallel_loop3A_65 : i32 to index
        %parallel_loop3A_508 = tpu.vector_load %arg4[%parallel_loop3A_505, %parallel_loop3A_506, %parallel_loop3A_507] {strides = array<i32>} : memref<50x8x128xf32, #tpu.memory_space<vmem>>, vector<1x1x16xf32>,
        %parallel_loop3A_509 = vector.shape_cast %parallel_loop3A_508 : vector<1x1x16xf32> to vector<16xf32>
        %parallel_loop3A_510 = arith.addf %parallel_loop3A_483, %parallel_loop3A_509 : vector<16xf32>
        %parallel_loop3A_511 = arith.maximumf %parallel_loop3A_484, %parallel_loop3A_509 : vector<16xf32>
        %parallel_loop3A_512 = arith.minimumf %parallel_loop3A_484, %parallel_loop3A_509 : vector<16xf32>
        %parallel_loop3A_513 = arith.maximumf %parallel_loop3A_486, %parallel_loop3A_512 : vector<16xf32>
        %parallel_loop3A_514 = arith.minimumf %parallel_loop3A_486, %parallel_loop3A_512 : vector<16xf32>
        %parallel_loop3A_515 = arith.maximumf %parallel_loop3A_488, %parallel_loop3A_514 : vector<16xf32>
        %parallel_loop3A_516 = arith.minimumf %parallel_loop3A_488, %parallel_loop3A_514 : vector<16xf32>
        %parallel_loop3A_517 = arith.maximumf %parallel_loop3A_490, %parallel_loop3A_516 : vector<16xf32>
        %parallel_loop3A_518 = arith.minimumf %parallel_loop3A_490, %parallel_loop3A_516 : vector<16xf32>
        %parallel_loop3A_519 = arith.maximumf %parallel_loop3A_492, %parallel_loop3A_518 : vector<16xf32>
        %parallel_loop3A_520 = arith.minimumf %parallel_loop3A_492, %parallel_loop3A_518 : vector<16xf32>
        %parallel_loop3A_521 = arith.minimumf %parallel_loop3A_494, %parallel_loop3A_509 : vector<16xf32>
        %parallel_loop3A_522 = arith.maximumf %parallel_loop3A_494, %parallel_loop3A_509 : vector<16xf32>
        %parallel_loop3A_523 = arith.minimumf %parallel_loop3A_496, %parallel_loop3A_522 : vector<16xf32>
        %parallel_loop3A_524 = arith.maximumf %parallel_loop3A_496, %parallel_loop3A_522 : vector<16xf32>
        %parallel_loop3A_525 = arith.minimumf %parallel_loop3A_498, %parallel_loop3A_524 : vector<16xf32>
        %parallel_loop3A_526 = arith.maximumf %parallel_loop3A_498, %parallel_loop3A_524 : vector<16xf32>
        %parallel_loop3A_527 = arith.minimumf %parallel_loop3A_500, %parallel_loop3A_526 : vector<16xf32>
        %parallel_loop3A_528 = arith.maximumf %parallel_loop3A_500, %parallel_loop3A_526 : vector<16xf32>
        %parallel_loop3A_529 = arith.minimumf %parallel_loop3A_502, %parallel_loop3A_528 : vector<16xf32>
        %parallel_loop3A_530 = arith.maximumf %parallel_loop3A_502, %parallel_loop3A_528 : vector<16xf32>
        %parallel_loop3A_531 = arith.constant 17 : i32
        %parallel_loop3A_532 = arith.index_cast %parallel_loop3A_531 : i32 to index
        %parallel_loop3A_533 = arith.index_cast %parallel_loop3A_60 : i32 to index
        %parallel_loop3A_534 = arith.index_cast %parallel_loop3A_65 : i32 to index
        %parallel_loop3A_535 = tpu.vector_load %arg4[%parallel_loop3A_532, %parallel_loop3A_533, %parallel_loop3A_534] {strides = array<i32>} : memref<50x8x128xf32, #tpu.memory_space<vmem>>, vector<1x1x16xf32>,
        %parallel_loop3A_536 = vector.shape_cast %parallel_loop3A_535 : vector<1x1x16xf32> to vector<16xf32>
        %parallel_loop3A_537 = arith.addf %parallel_loop3A_510, %parallel_loop3A_536 : vector<16xf32>
        %parallel_loop3A_538 = arith.maximumf %parallel_loop3A_511, %parallel_loop3A_536 : vector<16xf32>
        %parallel_loop3A_539 = arith.minimumf %parallel_loop3A_511, %parallel_loop3A_536 : vector<16xf32>
        %parallel_loop3A_540 = arith.maximumf %parallel_loop3A_513, %parallel_loop3A_539 : vector<16xf32>
        %parallel_loop3A_541 = arith.minimumf %parallel_loop3A_513, %parallel_loop3A_539 : vector<16xf32>
        %parallel_loop3A_542 = arith.maximumf %parallel_loop3A_515, %parallel_loop3A_541 : vector<16xf32>
        %parallel_loop3A_543 = arith.minimumf %parallel_loop3A_515, %parallel_loop3A_541 : vector<16xf32>
        %parallel_loop3A_544 = arith.maximumf %parallel_loop3A_517, %parallel_loop3A_543 : vector<16xf32>
        %parallel_loop3A_545 = arith.minimumf %parallel_loop3A_517, %parallel_loop3A_543 : vector<16xf32>
        %parallel_loop3A_546 = arith.maximumf %parallel_loop3A_519, %parallel_loop3A_545 : vector<16xf32>
        %parallel_loop3A_547 = arith.minimumf %parallel_loop3A_519, %parallel_loop3A_545 : vector<16xf32>
        %parallel_loop3A_548 = arith.minimumf %parallel_loop3A_521, %parallel_loop3A_536 : vector<16xf32>
        %parallel_loop3A_549 = arith.maximumf %parallel_loop3A_521, %parallel_loop3A_536 : vector<16xf32>
        %parallel_loop3A_550 = arith.minimumf %parallel_loop3A_523, %parallel_loop3A_549 : vector<16xf32>
        %parallel_loop3A_551 = arith.maximumf %parallel_loop3A_523, %parallel_loop3A_549 : vector<16xf32>
        %parallel_loop3A_552 = arith.minimumf %parallel_loop3A_525, %parallel_loop3A_551 : vector<16xf32>
        %parallel_loop3A_553 = arith.maximumf %parallel_loop3A_525, %parallel_loop3A_551 : vector<16xf32>
        %parallel_loop3A_554 = arith.minimumf %parallel_loop3A_527, %parallel_loop3A_553 : vector<16xf32>
        %parallel_loop3A_555 = arith.maximumf %parallel_loop3A_527, %parallel_loop3A_553 : vector<16xf32>
        %parallel_loop3A_556 = arith.minimumf %parallel_loop3A_529, %parallel_loop3A_555 : vector<16xf32>
        %parallel_loop3A_557 = arith.maximumf %parallel_loop3A_529, %parallel_loop3A_555 : vector<16xf32>
        %parallel_loop3A_558 = arith.constant 18 : i32
        %parallel_loop3A_559 = arith.index_cast %parallel_loop3A_558 : i32 to index
        %parallel_loop3A_560 = arith.index_cast %parallel_loop3A_60 : i32 to index
        %parallel_loop3A_561 = arith.index_cast %parallel_loop3A_65 : i32 to index
        %parallel_loop3A_562 = tpu.vector_load %arg4[%parallel_loop3A_559, %parallel_loop3A_560, %parallel_loop3A_561] {strides = array<i32>} : memref<50x8x128xf32, #tpu.memory_space<vmem>>, vector<1x1x16xf32>,
        %parallel_loop3A_563 = vector.shape_cast %parallel_loop3A_562 : vector<1x1x16xf32> to vector<16xf32>
        %parallel_loop3A_564 = arith.addf %parallel_loop3A_537, %parallel_loop3A_563 : vector<16xf32>
        %parallel_loop3A_565 = arith.maximumf %parallel_loop3A_538, %parallel_loop3A_563 : vector<16xf32>
        %parallel_loop3A_566 = arith.minimumf %parallel_loop3A_538, %parallel_loop3A_563 : vector<16xf32>
        %parallel_loop3A_567 = arith.maximumf %parallel_loop3A_540, %parallel_loop3A_566 : vector<16xf32>
        %parallel_loop3A_568 = arith.minimumf %parallel_loop3A_540, %parallel_loop3A_566 : vector<16xf32>
        %parallel_loop3A_569 = arith.maximumf %parallel_loop3A_542, %parallel_loop3A_568 : vector<16xf32>
        %parallel_loop3A_570 = arith.minimumf %parallel_loop3A_542, %parallel_loop3A_568 : vector<16xf32>
        %parallel_loop3A_571 = arith.maximumf %parallel_loop3A_544, %parallel_loop3A_570 : vector<16xf32>
        %parallel_loop3A_572 = arith.minimumf %parallel_loop3A_544, %parallel_loop3A_570 : vector<16xf32>
        %parallel_loop3A_573 = arith.maximumf %parallel_loop3A_546, %parallel_loop3A_572 : vector<16xf32>
        %parallel_loop3A_574 = arith.minimumf %parallel_loop3A_546, %parallel_loop3A_572 : vector<16xf32>
        %parallel_loop3A_575 = arith.minimumf %parallel_loop3A_548, %parallel_loop3A_563 : vector<16xf32>
        %parallel_loop3A_576 = arith.maximumf %parallel_loop3A_548, %parallel_loop3A_563 : vector<16xf32>
        %parallel_loop3A_577 = arith.minimumf %parallel_loop3A_550, %parallel_loop3A_576 : vector<16xf32>
        %parallel_loop3A_578 = arith.maximumf %parallel_loop3A_550, %parallel_loop3A_576 : vector<16xf32>
        %parallel_loop3A_579 = arith.minimumf %parallel_loop3A_552, %parallel_loop3A_578 : vector<16xf32>
        %parallel_loop3A_580 = arith.maximumf %parallel_loop3A_552, %parallel_loop3A_578 : vector<16xf32>
        %parallel_loop3A_581 = arith.minimumf %parallel_loop3A_554, %parallel_loop3A_580 : vector<16xf32>
        %parallel_loop3A_582 = arith.maximumf %parallel_loop3A_554, %parallel_loop3A_580 : vector<16xf32>
        %parallel_loop3A_583 = arith.minimumf %parallel_loop3A_556, %parallel_loop3A_582 : vector<16xf32>
        %parallel_loop3A_584 = arith.maximumf %parallel_loop3A_556, %parallel_loop3A_582 : vector<16xf32>
        %parallel_loop3A_585 = arith.constant 19 : i32
        %parallel_loop3A_586 = arith.index_cast %parallel_loop3A_585 : i32 to index
        %parallel_loop3A_587 = arith.index_cast %parallel_loop3A_60 : i32 to index
        %parallel_loop3A_588 = arith.index_cast %parallel_loop3A_65 : i32 to index
        %parallel_loop3A_589 = tpu.vector_load %arg4[%parallel_loop3A_586, %parallel_loop3A_587, %parallel_loop3A_588] {strides = array<i32>} : memref<50x8x128xf32, #tpu.memory_space<vmem>>, vector<1x1x16xf32>,
        %parallel_loop3A_590 = vector.shape_cast %parallel_loop3A_589 : vector<1x1x16xf32> to vector<16xf32>
        %parallel_loop3A_591 = arith.addf %parallel_loop3A_564, %parallel_loop3A_590 : vector<16xf32>
        %parallel_loop3A_592 = arith.maximumf %parallel_loop3A_565, %parallel_loop3A_590 : vector<16xf32>
        %parallel_loop3A_593 = arith.minimumf %parallel_loop3A_565, %parallel_loop3A_590 : vector<16xf32>
        %parallel_loop3A_594 = arith.maximumf %parallel_loop3A_567, %parallel_loop3A_593 : vector<16xf32>
        %parallel_loop3A_595 = arith.minimumf %parallel_loop3A_567, %parallel_loop3A_593 : vector<16xf32>
        %parallel_loop3A_596 = arith.maximumf %parallel_loop3A_569, %parallel_loop3A_595 : vector<16xf32>
        %parallel_loop3A_597 = arith.minimumf %parallel_loop3A_569, %parallel_loop3A_595 : vector<16xf32>
        %parallel_loop3A_598 = arith.maximumf %parallel_loop3A_571, %parallel_loop3A_597 : vector<16xf32>
        %parallel_loop3A_599 = arith.minimumf %parallel_loop3A_571, %parallel_loop3A_597 : vector<16xf32>
        %parallel_loop3A_600 = arith.maximumf %parallel_loop3A_573, %parallel_loop3A_599 : vector<16xf32>
        %parallel_loop3A_601 = arith.minimumf %parallel_loop3A_573, %parallel_loop3A_599 : vector<16xf32>
        %parallel_loop3A_602 = arith.minimumf %parallel_loop3A_575, %parallel_loop3A_590 : vector<16xf32>
        %parallel_loop3A_603 = arith.maximumf %parallel_loop3A_575, %parallel_loop3A_590 : vector<16xf32>
        %parallel_loop3A_604 = arith.minimumf %parallel_loop3A_577, %parallel_loop3A_603 : vector<16xf32>
        %parallel_loop3A_605 = arith.maximumf %parallel_loop3A_577, %parallel_loop3A_603 : vector<16xf32>
        %parallel_loop3A_606 = arith.minimumf %parallel_loop3A_579, %parallel_loop3A_605 : vector<16xf32>
        %parallel_loop3A_607 = arith.maximumf %parallel_loop3A_579, %parallel_loop3A_605 : vector<16xf32>
        %parallel_loop3A_608 = arith.minimumf %parallel_loop3A_581, %parallel_loop3A_607 : vector<16xf32>
        %parallel_loop3A_609 = arith.maximumf %parallel_loop3A_581, %parallel_loop3A_607 : vector<16xf32>
        %parallel_loop3A_610 = arith.minimumf %parallel_loop3A_583, %parallel_loop3A_609 : vector<16xf32>
        %parallel_loop3A_611 = arith.maximumf %parallel_loop3A_583, %parallel_loop3A_609 : vector<16xf32>
        %parallel_loop3A_612 = arith.constant 20 : i32
        %parallel_loop3A_613 = arith.index_cast %parallel_loop3A_612 : i32 to index
        %parallel_loop3A_614 = arith.index_cast %parallel_loop3A_60 : i32 to index
        %parallel_loop3A_615 = arith.index_cast %parallel_loop3A_65 : i32 to index
        %parallel_loop3A_616 = tpu.vector_load %arg4[%parallel_loop3A_613, %parallel_loop3A_614, %parallel_loop3A_615] {strides = array<i32>} : memref<50x8x128xf32, #tpu.memory_space<vmem>>, vector<1x1x16xf32>,
        %parallel_loop3A_617 = vector.shape_cast %parallel_loop3A_616 : vector<1x1x16xf32> to vector<16xf32>
        %parallel_loop3A_618 = arith.addf %parallel_loop3A_591, %parallel_loop3A_617 : vector<16xf32>
        %parallel_loop3A_619 = arith.maximumf %parallel_loop3A_592, %parallel_loop3A_617 : vector<16xf32>
        %parallel_loop3A_620 = arith.minimumf %parallel_loop3A_592, %parallel_loop3A_617 : vector<16xf32>
        %parallel_loop3A_621 = arith.maximumf %parallel_loop3A_594, %parallel_loop3A_620 : vector<16xf32>
        %parallel_loop3A_622 = arith.minimumf %parallel_loop3A_594, %parallel_loop3A_620 : vector<16xf32>
        %parallel_loop3A_623 = arith.maximumf %parallel_loop3A_596, %parallel_loop3A_622 : vector<16xf32>
        %parallel_loop3A_624 = arith.minimumf %parallel_loop3A_596, %parallel_loop3A_622 : vector<16xf32>
        %parallel_loop3A_625 = arith.maximumf %parallel_loop3A_598, %parallel_loop3A_624 : vector<16xf32>
        %parallel_loop3A_626 = arith.minimumf %parallel_loop3A_598, %parallel_loop3A_624 : vector<16xf32>
        %parallel_loop3A_627 = arith.maximumf %parallel_loop3A_600, %parallel_loop3A_626 : vector<16xf32>
        %parallel_loop3A_628 = arith.minimumf %parallel_loop3A_600, %parallel_loop3A_626 : vector<16xf32>
        %parallel_loop3A_629 = arith.minimumf %parallel_loop3A_602, %parallel_loop3A_617 : vector<16xf32>
        %parallel_loop3A_630 = arith.maximumf %parallel_loop3A_602, %parallel_loop3A_617 : vector<16xf32>
        %parallel_loop3A_631 = arith.minimumf %parallel_loop3A_604, %parallel_loop3A_630 : vector<16xf32>
        %parallel_loop3A_632 = arith.maximumf %parallel_loop3A_604, %parallel_loop3A_630 : vector<16xf32>
        %parallel_loop3A_633 = arith.minimumf %parallel_loop3A_606, %parallel_loop3A_632 : vector<16xf32>
        %parallel_loop3A_634 = arith.maximumf %parallel_loop3A_606, %parallel_loop3A_632 : vector<16xf32>
        %parallel_loop3A_635 = arith.minimumf %parallel_loop3A_608, %parallel_loop3A_634 : vector<16xf32>
        %parallel_loop3A_636 = arith.maximumf %parallel_loop3A_608, %parallel_loop3A_634 : vector<16xf32>
        %parallel_loop3A_637 = arith.minimumf %parallel_loop3A_610, %parallel_loop3A_636 : vector<16xf32>
        %parallel_loop3A_638 = arith.maximumf %parallel_loop3A_610, %parallel_loop3A_636 : vector<16xf32>
        %parallel_loop3A_639 = arith.constant 21 : i32
        %parallel_loop3A_640 = arith.index_cast %parallel_loop3A_639 : i32 to index
        %parallel_loop3A_641 = arith.index_cast %parallel_loop3A_60 : i32 to index
        %parallel_loop3A_642 = arith.index_cast %parallel_loop3A_65 : i32 to index
        %parallel_loop3A_643 = tpu.vector_load %arg4[%parallel_loop3A_640, %parallel_loop3A_641, %parallel_loop3A_642] {strides = array<i32>} : memref<50x8x128xf32, #tpu.memory_space<vmem>>, vector<1x1x16xf32>,
        %parallel_loop3A_644 = vector.shape_cast %parallel_loop3A_643 : vector<1x1x16xf32> to vector<16xf32>
        %parallel_loop3A_645 = arith.addf %parallel_loop3A_618, %parallel_loop3A_644 : vector<16xf32>
        %parallel_loop3A_646 = arith.maximumf %parallel_loop3A_619, %parallel_loop3A_644 : vector<16xf32>
        %parallel_loop3A_647 = arith.minimumf %parallel_loop3A_619, %parallel_loop3A_644 : vector<16xf32>
        %parallel_loop3A_648 = arith.maximumf %parallel_loop3A_621, %parallel_loop3A_647 : vector<16xf32>
        %parallel_loop3A_649 = arith.minimumf %parallel_loop3A_621, %parallel_loop3A_647 : vector<16xf32>
        %parallel_loop3A_650 = arith.maximumf %parallel_loop3A_623, %parallel_loop3A_649 : vector<16xf32>
        %parallel_loop3A_651 = arith.minimumf %parallel_loop3A_623, %parallel_loop3A_649 : vector<16xf32>
        %parallel_loop3A_652 = arith.maximumf %parallel_loop3A_625, %parallel_loop3A_651 : vector<16xf32>
        %parallel_loop3A_653 = arith.minimumf %parallel_loop3A_625, %parallel_loop3A_651 : vector<16xf32>
        %parallel_loop3A_654 = arith.maximumf %parallel_loop3A_627, %parallel_loop3A_653 : vector<16xf32>
        %parallel_loop3A_655 = arith.minimumf %parallel_loop3A_627, %parallel_loop3A_653 : vector<16xf32>
        %parallel_loop3A_656 = arith.minimumf %parallel_loop3A_629, %parallel_loop3A_644 : vector<16xf32>
        %parallel_loop3A_657 = arith.maximumf %parallel_loop3A_629, %parallel_loop3A_644 : vector<16xf32>
        %parallel_loop3A_658 = arith.minimumf %parallel_loop3A_631, %parallel_loop3A_657 : vector<16xf32>
        %parallel_loop3A_659 = arith.maximumf %parallel_loop3A_631, %parallel_loop3A_657 : vector<16xf32>
        %parallel_loop3A_660 = arith.minimumf %parallel_loop3A_633, %parallel_loop3A_659 : vector<16xf32>
        %parallel_loop3A_661 = arith.maximumf %parallel_loop3A_633, %parallel_loop3A_659 : vector<16xf32>
        %parallel_loop3A_662 = arith.minimumf %parallel_loop3A_635, %parallel_loop3A_661 : vector<16xf32>
        %parallel_loop3A_663 = arith.maximumf %parallel_loop3A_635, %parallel_loop3A_661 : vector<16xf32>
        %parallel_loop3A_664 = arith.minimumf %parallel_loop3A_637, %parallel_loop3A_663 : vector<16xf32>
        %parallel_loop3A_665 = arith.maximumf %parallel_loop3A_637, %parallel_loop3A_663 : vector<16xf32>
        %parallel_loop3A_666 = arith.constant 22 : i32
        %parallel_loop3A_667 = arith.index_cast %parallel_loop3A_666 : i32 to index
        %parallel_loop3A_668 = arith.index_cast %parallel_loop3A_60 : i32 to index
        %parallel_loop3A_669 = arith.index_cast %parallel_loop3A_65 : i32 to index
        %parallel_loop3A_670 = tpu.vector_load %arg4[%parallel_loop3A_667, %parallel_loop3A_668, %parallel_loop3A_669] {strides = array<i32>} : memref<50x8x128xf32, #tpu.memory_space<vmem>>, vector<1x1x16xf32>,
        %parallel_loop3A_671 = vector.shape_cast %parallel_loop3A_670 : vector<1x1x16xf32> to vector<16xf32>
        %parallel_loop3A_672 = arith.addf %parallel_loop3A_645, %parallel_loop3A_671 : vector<16xf32>
        %parallel_loop3A_673 = arith.maximumf %parallel_loop3A_646, %parallel_loop3A_671 : vector<16xf32>
        %parallel_loop3A_674 = arith.minimumf %parallel_loop3A_646, %parallel_loop3A_671 : vector<16xf32>
        %parallel_loop3A_675 = arith.maximumf %parallel_loop3A_648, %parallel_loop3A_674 : vector<16xf32>
        %parallel_loop3A_676 = arith.minimumf %parallel_loop3A_648, %parallel_loop3A_674 : vector<16xf32>
        %parallel_loop3A_677 = arith.maximumf %parallel_loop3A_650, %parallel_loop3A_676 : vector<16xf32>
        %parallel_loop3A_678 = arith.minimumf %parallel_loop3A_650, %parallel_loop3A_676 : vector<16xf32>
        %parallel_loop3A_679 = arith.maximumf %parallel_loop3A_652, %parallel_loop3A_678 : vector<16xf32>
        %parallel_loop3A_680 = arith.minimumf %parallel_loop3A_652, %parallel_loop3A_678 : vector<16xf32>
        %parallel_loop3A_681 = arith.maximumf %parallel_loop3A_654, %parallel_loop3A_680 : vector<16xf32>
        %parallel_loop3A_682 = arith.minimumf %parallel_loop3A_654, %parallel_loop3A_680 : vector<16xf32>
        %parallel_loop3A_683 = arith.minimumf %parallel_loop3A_656, %parallel_loop3A_671 : vector<16xf32>
        %parallel_loop3A_684 = arith.maximumf %parallel_loop3A_656, %parallel_loop3A_671 : vector<16xf32>
        %parallel_loop3A_685 = arith.minimumf %parallel_loop3A_658, %parallel_loop3A_684 : vector<16xf32>
        %parallel_loop3A_686 = arith.maximumf %parallel_loop3A_658, %parallel_loop3A_684 : vector<16xf32>
        %parallel_loop3A_687 = arith.minimumf %parallel_loop3A_660, %parallel_loop3A_686 : vector<16xf32>
        %parallel_loop3A_688 = arith.maximumf %parallel_loop3A_660, %parallel_loop3A_686 : vector<16xf32>
        %parallel_loop3A_689 = arith.minimumf %parallel_loop3A_662, %parallel_loop3A_688 : vector<16xf32>
        %parallel_loop3A_690 = arith.maximumf %parallel_loop3A_662, %parallel_loop3A_688 : vector<16xf32>
        %parallel_loop3A_691 = arith.minimumf %parallel_loop3A_664, %parallel_loop3A_690 : vector<16xf32>
        %parallel_loop3A_692 = arith.maximumf %parallel_loop3A_664, %parallel_loop3A_690 : vector<16xf32>
        %parallel_loop3A_693 = arith.constant 23 : i32
        %parallel_loop3A_694 = arith.index_cast %parallel_loop3A_693 : i32 to index
        %parallel_loop3A_695 = arith.index_cast %parallel_loop3A_60 : i32 to index
        %parallel_loop3A_696 = arith.index_cast %parallel_loop3A_65 : i32 to index
        %parallel_loop3A_697 = tpu.vector_load %arg4[%parallel_loop3A_694, %parallel_loop3A_695, %parallel_loop3A_696] {strides = array<i32>} : memref<50x8x128xf32, #tpu.memory_space<vmem>>, vector<1x1x16xf32>,
        %parallel_loop3A_698 = vector.shape_cast %parallel_loop3A_697 : vector<1x1x16xf32> to vector<16xf32>
        %parallel_loop3A_699 = arith.addf %parallel_loop3A_672, %parallel_loop3A_698 : vector<16xf32>
        %parallel_loop3A_700 = arith.maximumf %parallel_loop3A_673, %parallel_loop3A_698 : vector<16xf32>
        %parallel_loop3A_701 = arith.minimumf %parallel_loop3A_673, %parallel_loop3A_698 : vector<16xf32>
        %parallel_loop3A_702 = arith.maximumf %parallel_loop3A_675, %parallel_loop3A_701 : vector<16xf32>
        %parallel_loop3A_703 = arith.minimumf %parallel_loop3A_675, %parallel_loop3A_701 : vector<16xf32>
        %parallel_loop3A_704 = arith.maximumf %parallel_loop3A_677, %parallel_loop3A_703 : vector<16xf32>
        %parallel_loop3A_705 = arith.minimumf %parallel_loop3A_677, %parallel_loop3A_703 : vector<16xf32>
        %parallel_loop3A_706 = arith.maximumf %parallel_loop3A_679, %parallel_loop3A_705 : vector<16xf32>
        %parallel_loop3A_707 = arith.minimumf %parallel_loop3A_679, %parallel_loop3A_705 : vector<16xf32>
        %parallel_loop3A_708 = arith.maximumf %parallel_loop3A_681, %parallel_loop3A_707 : vector<16xf32>
        %parallel_loop3A_709 = arith.minimumf %parallel_loop3A_681, %parallel_loop3A_707 : vector<16xf32>
        %parallel_loop3A_710 = arith.minimumf %parallel_loop3A_683, %parallel_loop3A_698 : vector<16xf32>
        %parallel_loop3A_711 = arith.maximumf %parallel_loop3A_683, %parallel_loop3A_698 : vector<16xf32>
        %parallel_loop3A_712 = arith.minimumf %parallel_loop3A_685, %parallel_loop3A_711 : vector<16xf32>
        %parallel_loop3A_713 = arith.maximumf %parallel_loop3A_685, %parallel_loop3A_711 : vector<16xf32>
        %parallel_loop3A_714 = arith.minimumf %parallel_loop3A_687, %parallel_loop3A_713 : vector<16xf32>
        %parallel_loop3A_715 = arith.maximumf %parallel_loop3A_687, %parallel_loop3A_713 : vector<16xf32>
        %parallel_loop3A_716 = arith.minimumf %parallel_loop3A_689, %parallel_loop3A_715 : vector<16xf32>
        %parallel_loop3A_717 = arith.maximumf %parallel_loop3A_689, %parallel_loop3A_715 : vector<16xf32>
        %parallel_loop3A_718 = arith.minimumf %parallel_loop3A_691, %parallel_loop3A_717 : vector<16xf32>
        %parallel_loop3A_719 = arith.maximumf %parallel_loop3A_691, %parallel_loop3A_717 : vector<16xf32>
        %parallel_loop3A_720 = arith.constant 24 : i32
        %parallel_loop3A_721 = arith.index_cast %parallel_loop3A_720 : i32 to index
        %parallel_loop3A_722 = arith.index_cast %parallel_loop3A_60 : i32 to index
        %parallel_loop3A_723 = arith.index_cast %parallel_loop3A_65 : i32 to index
        %parallel_loop3A_724 = tpu.vector_load %arg4[%parallel_loop3A_721, %parallel_loop3A_722, %parallel_loop3A_723] {strides = array<i32>} : memref<50x8x128xf32, #tpu.memory_space<vmem>>, vector<1x1x16xf32>,
        %parallel_loop3A_725 = vector.shape_cast %parallel_loop3A_724 : vector<1x1x16xf32> to vector<16xf32>
        %parallel_loop3A_726 = arith.addf %parallel_loop3A_699, %parallel_loop3A_725 : vector<16xf32>
        %parallel_loop3A_727 = arith.maximumf %parallel_loop3A_700, %parallel_loop3A_725 : vector<16xf32>
        %parallel_loop3A_728 = arith.minimumf %parallel_loop3A_700, %parallel_loop3A_725 : vector<16xf32>
        %parallel_loop3A_729 = arith.maximumf %parallel_loop3A_702, %parallel_loop3A_728 : vector<16xf32>
        %parallel_loop3A_730 = arith.minimumf %parallel_loop3A_702, %parallel_loop3A_728 : vector<16xf32>
        %parallel_loop3A_731 = arith.maximumf %parallel_loop3A_704, %parallel_loop3A_730 : vector<16xf32>
        %parallel_loop3A_732 = arith.minimumf %parallel_loop3A_704, %parallel_loop3A_730 : vector<16xf32>
        %parallel_loop3A_733 = arith.maximumf %parallel_loop3A_706, %parallel_loop3A_732 : vector<16xf32>
        %parallel_loop3A_734 = arith.minimumf %parallel_loop3A_706, %parallel_loop3A_732 : vector<16xf32>
        %parallel_loop3A_735 = arith.maximumf %parallel_loop3A_708, %parallel_loop3A_734 : vector<16xf32>
        %parallel_loop3A_736 = arith.minimumf %parallel_loop3A_708, %parallel_loop3A_734 : vector<16xf32>
        %parallel_loop3A_737 = arith.minimumf %parallel_loop3A_710, %parallel_loop3A_725 : vector<16xf32>
        %parallel_loop3A_738 = arith.maximumf %parallel_loop3A_710, %parallel_loop3A_725 : vector<16xf32>
        %parallel_loop3A_739 = arith.minimumf %parallel_loop3A_712, %parallel_loop3A_738 : vector<16xf32>
        %parallel_loop3A_740 = arith.maximumf %parallel_loop3A_712, %parallel_loop3A_738 : vector<16xf32>
        %parallel_loop3A_741 = arith.minimumf %parallel_loop3A_714, %parallel_loop3A_740 : vector<16xf32>
        %parallel_loop3A_742 = arith.maximumf %parallel_loop3A_714, %parallel_loop3A_740 : vector<16xf32>
        %parallel_loop3A_743 = arith.minimumf %parallel_loop3A_716, %parallel_loop3A_742 : vector<16xf32>
        %parallel_loop3A_744 = arith.maximumf %parallel_loop3A_716, %parallel_loop3A_742 : vector<16xf32>
        %parallel_loop3A_745 = arith.minimumf %parallel_loop3A_718, %parallel_loop3A_744 : vector<16xf32>
        %parallel_loop3A_746 = arith.maximumf %parallel_loop3A_718, %parallel_loop3A_744 : vector<16xf32>
        %parallel_loop3A_747 = arith.constant 25 : i32
        %parallel_loop3A_748 = arith.index_cast %parallel_loop3A_747 : i32 to index
        %parallel_loop3A_749 = arith.index_cast %parallel_loop3A_60 : i32 to index
        %parallel_loop3A_750 = arith.index_cast %parallel_loop3A_65 : i32 to index
        %parallel_loop3A_751 = tpu.vector_load %arg4[%parallel_loop3A_748, %parallel_loop3A_749, %parallel_loop3A_750] {strides = array<i32>} : memref<50x8x128xf32, #tpu.memory_space<vmem>>, vector<1x1x16xf32>,
        %parallel_loop3A_752 = vector.shape_cast %parallel_loop3A_751 : vector<1x1x16xf32> to vector<16xf32>
        %parallel_loop3A_753 = arith.addf %parallel_loop3A_726, %parallel_loop3A_752 : vector<16xf32>
        %parallel_loop3A_754 = arith.maximumf %parallel_loop3A_727, %parallel_loop3A_752 : vector<16xf32>
        %parallel_loop3A_755 = arith.minimumf %parallel_loop3A_727, %parallel_loop3A_752 : vector<16xf32>
        %parallel_loop3A_756 = arith.maximumf %parallel_loop3A_729, %parallel_loop3A_755 : vector<16xf32>
        %parallel_loop3A_757 = arith.minimumf %parallel_loop3A_729, %parallel_loop3A_755 : vector<16xf32>
        %parallel_loop3A_758 = arith.maximumf %parallel_loop3A_731, %parallel_loop3A_757 : vector<16xf32>
        %parallel_loop3A_759 = arith.minimumf %parallel_loop3A_731, %parallel_loop3A_757 : vector<16xf32>
        %parallel_loop3A_760 = arith.maximumf %parallel_loop3A_733, %parallel_loop3A_759 : vector<16xf32>
        %parallel_loop3A_761 = arith.minimumf %parallel_loop3A_733, %parallel_loop3A_759 : vector<16xf32>
        %parallel_loop3A_762 = arith.maximumf %parallel_loop3A_735, %parallel_loop3A_761 : vector<16xf32>
        %parallel_loop3A_763 = arith.minimumf %parallel_loop3A_735, %parallel_loop3A_761 : vector<16xf32>
        %parallel_loop3A_764 = arith.minimumf %parallel_loop3A_737, %parallel_loop3A_752 : vector<16xf32>
        %parallel_loop3A_765 = arith.maximumf %parallel_loop3A_737, %parallel_loop3A_752 : vector<16xf32>
        %parallel_loop3A_766 = arith.minimumf %parallel_loop3A_739, %parallel_loop3A_765 : vector<16xf32>
        %parallel_loop3A_767 = arith.maximumf %parallel_loop3A_739, %parallel_loop3A_765 : vector<16xf32>
        %parallel_loop3A_768 = arith.minimumf %parallel_loop3A_741, %parallel_loop3A_767 : vector<16xf32>
        %parallel_loop3A_769 = arith.maximumf %parallel_loop3A_741, %parallel_loop3A_767 : vector<16xf32>
        %parallel_loop3A_770 = arith.minimumf %parallel_loop3A_743, %parallel_loop3A_769 : vector<16xf32>
        %parallel_loop3A_771 = arith.maximumf %parallel_loop3A_743, %parallel_loop3A_769 : vector<16xf32>
        %parallel_loop3A_772 = arith.minimumf %parallel_loop3A_745, %parallel_loop3A_771 : vector<16xf32>
        %parallel_loop3A_773 = arith.maximumf %parallel_loop3A_745, %parallel_loop3A_771 : vector<16xf32>
        %parallel_loop3A_774 = arith.constant 26 : i32
        %parallel_loop3A_775 = arith.index_cast %parallel_loop3A_774 : i32 to index
        %parallel_loop3A_776 = arith.index_cast %parallel_loop3A_60 : i32 to index
        %parallel_loop3A_777 = arith.index_cast %parallel_loop3A_65 : i32 to index
        %parallel_loop3A_778 = tpu.vector_load %arg4[%parallel_loop3A_775, %parallel_loop3A_776, %parallel_loop3A_777] {strides = array<i32>} : memref<50x8x128xf32, #tpu.memory_space<vmem>>, vector<1x1x16xf32>,
        %parallel_loop3A_779 = vector.shape_cast %parallel_loop3A_778 : vector<1x1x16xf32> to vector<16xf32>
        %parallel_loop3A_780 = arith.addf %parallel_loop3A_753, %parallel_loop3A_779 : vector<16xf32>
        %parallel_loop3A_781 = arith.maximumf %parallel_loop3A_754, %parallel_loop3A_779 : vector<16xf32>
        %parallel_loop3A_782 = arith.minimumf %parallel_loop3A_754, %parallel_loop3A_779 : vector<16xf32>
        %parallel_loop3A_783 = arith.maximumf %parallel_loop3A_756, %parallel_loop3A_782 : vector<16xf32>
        %parallel_loop3A_784 = arith.minimumf %parallel_loop3A_756, %parallel_loop3A_782 : vector<16xf32>
        %parallel_loop3A_785 = arith.maximumf %parallel_loop3A_758, %parallel_loop3A_784 : vector<16xf32>
        %parallel_loop3A_786 = arith.minimumf %parallel_loop3A_758, %parallel_loop3A_784 : vector<16xf32>
        %parallel_loop3A_787 = arith.maximumf %parallel_loop3A_760, %parallel_loop3A_786 : vector<16xf32>
        %parallel_loop3A_788 = arith.minimumf %parallel_loop3A_760, %parallel_loop3A_786 : vector<16xf32>
        %parallel_loop3A_789 = arith.maximumf %parallel_loop3A_762, %parallel_loop3A_788 : vector<16xf32>
        %parallel_loop3A_790 = arith.minimumf %parallel_loop3A_762, %parallel_loop3A_788 : vector<16xf32>
        %parallel_loop3A_791 = arith.minimumf %parallel_loop3A_764, %parallel_loop3A_779 : vector<16xf32>
        %parallel_loop3A_792 = arith.maximumf %parallel_loop3A_764, %parallel_loop3A_779 : vector<16xf32>
        %parallel_loop3A_793 = arith.minimumf %parallel_loop3A_766, %parallel_loop3A_792 : vector<16xf32>
        %parallel_loop3A_794 = arith.maximumf %parallel_loop3A_766, %parallel_loop3A_792 : vector<16xf32>
        %parallel_loop3A_795 = arith.minimumf %parallel_loop3A_768, %parallel_loop3A_794 : vector<16xf32>
        %parallel_loop3A_796 = arith.maximumf %parallel_loop3A_768, %parallel_loop3A_794 : vector<16xf32>
        %parallel_loop3A_797 = arith.minimumf %parallel_loop3A_770, %parallel_loop3A_796 : vector<16xf32>
        %parallel_loop3A_798 = arith.maximumf %parallel_loop3A_770, %parallel_loop3A_796 : vector<16xf32>
        %parallel_loop3A_799 = arith.minimumf %parallel_loop3A_772, %parallel_loop3A_798 : vector<16xf32>
        %parallel_loop3A_800 = arith.maximumf %parallel_loop3A_772, %parallel_loop3A_798 : vector<16xf32>
        %parallel_loop3A_801 = arith.constant 27 : i32
        %parallel_loop3A_802 = arith.index_cast %parallel_loop3A_801 : i32 to index
        %parallel_loop3A_803 = arith.index_cast %parallel_loop3A_60 : i32 to index
        %parallel_loop3A_804 = arith.index_cast %parallel_loop3A_65 : i32 to index
        %parallel_loop3A_805 = tpu.vector_load %arg4[%parallel_loop3A_802, %parallel_loop3A_803, %parallel_loop3A_804] {strides = array<i32>} : memref<50x8x128xf32, #tpu.memory_space<vmem>>, vector<1x1x16xf32>,
        %parallel_loop3A_806 = vector.shape_cast %parallel_loop3A_805 : vector<1x1x16xf32> to vector<16xf32>
        %parallel_loop3A_807 = arith.addf %parallel_loop3A_780, %parallel_loop3A_806 : vector<16xf32>
        %parallel_loop3A_808 = arith.maximumf %parallel_loop3A_781, %parallel_loop3A_806 : vector<16xf32>
        %parallel_loop3A_809 = arith.minimumf %parallel_loop3A_781, %parallel_loop3A_806 : vector<16xf32>
        %parallel_loop3A_810 = arith.maximumf %parallel_loop3A_783, %parallel_loop3A_809 : vector<16xf32>
        %parallel_loop3A_811 = arith.minimumf %parallel_loop3A_783, %parallel_loop3A_809 : vector<16xf32>
        %parallel_loop3A_812 = arith.maximumf %parallel_loop3A_785, %parallel_loop3A_811 : vector<16xf32>
        %parallel_loop3A_813 = arith.minimumf %parallel_loop3A_785, %parallel_loop3A_811 : vector<16xf32>
        %parallel_loop3A_814 = arith.maximumf %parallel_loop3A_787, %parallel_loop3A_813 : vector<16xf32>
        %parallel_loop3A_815 = arith.minimumf %parallel_loop3A_787, %parallel_loop3A_813 : vector<16xf32>
        %parallel_loop3A_816 = arith.maximumf %parallel_loop3A_789, %parallel_loop3A_815 : vector<16xf32>
        %parallel_loop3A_817 = arith.minimumf %parallel_loop3A_789, %parallel_loop3A_815 : vector<16xf32>
        %parallel_loop3A_818 = arith.minimumf %parallel_loop3A_791, %parallel_loop3A_806 : vector<16xf32>
        %parallel_loop3A_819 = arith.maximumf %parallel_loop3A_791, %parallel_loop3A_806 : vector<16xf32>
        %parallel_loop3A_820 = arith.minimumf %parallel_loop3A_793, %parallel_loop3A_819 : vector<16xf32>
        %parallel_loop3A_821 = arith.maximumf %parallel_loop3A_793, %parallel_loop3A_819 : vector<16xf32>
        %parallel_loop3A_822 = arith.minimumf %parallel_loop3A_795, %parallel_loop3A_821 : vector<16xf32>
        %parallel_loop3A_823 = arith.maximumf %parallel_loop3A_795, %parallel_loop3A_821 : vector<16xf32>
        %parallel_loop3A_824 = arith.minimumf %parallel_loop3A_797, %parallel_loop3A_823 : vector<16xf32>
        %parallel_loop3A_825 = arith.maximumf %parallel_loop3A_797, %parallel_loop3A_823 : vector<16xf32>
        %parallel_loop3A_826 = arith.minimumf %parallel_loop3A_799, %parallel_loop3A_825 : vector<16xf32>
        %parallel_loop3A_827 = arith.maximumf %parallel_loop3A_799, %parallel_loop3A_825 : vector<16xf32>
        %parallel_loop3A_828 = arith.constant 28 : i32
        %parallel_loop3A_829 = arith.index_cast %parallel_loop3A_828 : i32 to index
        %parallel_loop3A_830 = arith.index_cast %parallel_loop3A_60 : i32 to index
        %parallel_loop3A_831 = arith.index_cast %parallel_loop3A_65 : i32 to index
        %parallel_loop3A_832 = tpu.vector_load %arg4[%parallel_loop3A_829, %parallel_loop3A_830, %parallel_loop3A_831] {strides = array<i32>} : memref<50x8x128xf32, #tpu.memory_space<vmem>>, vector<1x1x16xf32>,
        %parallel_loop3A_833 = vector.shape_cast %parallel_loop3A_832 : vector<1x1x16xf32> to vector<16xf32>
        %parallel_loop3A_834 = arith.addf %parallel_loop3A_807, %parallel_loop3A_833 : vector<16xf32>
        %parallel_loop3A_835 = arith.maximumf %parallel_loop3A_808, %parallel_loop3A_833 : vector<16xf32>
        %parallel_loop3A_836 = arith.minimumf %parallel_loop3A_808, %parallel_loop3A_833 : vector<16xf32>
        %parallel_loop3A_837 = arith.maximumf %parallel_loop3A_810, %parallel_loop3A_836 : vector<16xf32>
        %parallel_loop3A_838 = arith.minimumf %parallel_loop3A_810, %parallel_loop3A_836 : vector<16xf32>
        %parallel_loop3A_839 = arith.maximumf %parallel_loop3A_812, %parallel_loop3A_838 : vector<16xf32>
        %parallel_loop3A_840 = arith.minimumf %parallel_loop3A_812, %parallel_loop3A_838 : vector<16xf32>
        %parallel_loop3A_841 = arith.maximumf %parallel_loop3A_814, %parallel_loop3A_840 : vector<16xf32>
        %parallel_loop3A_842 = arith.minimumf %parallel_loop3A_814, %parallel_loop3A_840 : vector<16xf32>
        %parallel_loop3A_843 = arith.maximumf %parallel_loop3A_816, %parallel_loop3A_842 : vector<16xf32>
        %parallel_loop3A_844 = arith.minimumf %parallel_loop3A_816, %parallel_loop3A_842 : vector<16xf32>
        %parallel_loop3A_845 = arith.minimumf %parallel_loop3A_818, %parallel_loop3A_833 : vector<16xf32>
        %parallel_loop3A_846 = arith.maximumf %parallel_loop3A_818, %parallel_loop3A_833 : vector<16xf32>
        %parallel_loop3A_847 = arith.minimumf %parallel_loop3A_820, %parallel_loop3A_846 : vector<16xf32>
        %parallel_loop3A_848 = arith.maximumf %parallel_loop3A_820, %parallel_loop3A_846 : vector<16xf32>
        %parallel_loop3A_849 = arith.minimumf %parallel_loop3A_822, %parallel_loop3A_848 : vector<16xf32>
        %parallel_loop3A_850 = arith.maximumf %parallel_loop3A_822, %parallel_loop3A_848 : vector<16xf32>
        %parallel_loop3A_851 = arith.minimumf %parallel_loop3A_824, %parallel_loop3A_850 : vector<16xf32>
        %parallel_loop3A_852 = arith.maximumf %parallel_loop3A_824, %parallel_loop3A_850 : vector<16xf32>
        %parallel_loop3A_853 = arith.minimumf %parallel_loop3A_826, %parallel_loop3A_852 : vector<16xf32>
        %parallel_loop3A_854 = arith.maximumf %parallel_loop3A_826, %parallel_loop3A_852 : vector<16xf32>
        %parallel_loop3A_855 = arith.constant 29 : i32
        %parallel_loop3A_856 = arith.index_cast %parallel_loop3A_855 : i32 to index
        %parallel_loop3A_857 = arith.index_cast %parallel_loop3A_60 : i32 to index
        %parallel_loop3A_858 = arith.index_cast %parallel_loop3A_65 : i32 to index
        %parallel_loop3A_859 = tpu.vector_load %arg4[%parallel_loop3A_856, %parallel_loop3A_857, %parallel_loop3A_858] {strides = array<i32>} : memref<50x8x128xf32, #tpu.memory_space<vmem>>, vector<1x1x16xf32>,
        %parallel_loop3A_860 = vector.shape_cast %parallel_loop3A_859 : vector<1x1x16xf32> to vector<16xf32>
        %parallel_loop3A_861 = arith.addf %parallel_loop3A_834, %parallel_loop3A_860 : vector<16xf32>
        %parallel_loop3A_862 = arith.maximumf %parallel_loop3A_835, %parallel_loop3A_860 : vector<16xf32>
        %parallel_loop3A_863 = arith.minimumf %parallel_loop3A_835, %parallel_loop3A_860 : vector<16xf32>
        %parallel_loop3A_864 = arith.maximumf %parallel_loop3A_837, %parallel_loop3A_863 : vector<16xf32>
        %parallel_loop3A_865 = arith.minimumf %parallel_loop3A_837, %parallel_loop3A_863 : vector<16xf32>
        %parallel_loop3A_866 = arith.maximumf %parallel_loop3A_839, %parallel_loop3A_865 : vector<16xf32>
        %parallel_loop3A_867 = arith.minimumf %parallel_loop3A_839, %parallel_loop3A_865 : vector<16xf32>
        %parallel_loop3A_868 = arith.maximumf %parallel_loop3A_841, %parallel_loop3A_867 : vector<16xf32>
        %parallel_loop3A_869 = arith.minimumf %parallel_loop3A_841, %parallel_loop3A_867 : vector<16xf32>
        %parallel_loop3A_870 = arith.maximumf %parallel_loop3A_843, %parallel_loop3A_869 : vector<16xf32>
        %parallel_loop3A_871 = arith.minimumf %parallel_loop3A_843, %parallel_loop3A_869 : vector<16xf32>
        %parallel_loop3A_872 = arith.minimumf %parallel_loop3A_845, %parallel_loop3A_860 : vector<16xf32>
        %parallel_loop3A_873 = arith.maximumf %parallel_loop3A_845, %parallel_loop3A_860 : vector<16xf32>
        %parallel_loop3A_874 = arith.minimumf %parallel_loop3A_847, %parallel_loop3A_873 : vector<16xf32>
        %parallel_loop3A_875 = arith.maximumf %parallel_loop3A_847, %parallel_loop3A_873 : vector<16xf32>
        %parallel_loop3A_876 = arith.minimumf %parallel_loop3A_849, %parallel_loop3A_875 : vector<16xf32>
        %parallel_loop3A_877 = arith.maximumf %parallel_loop3A_849, %parallel_loop3A_875 : vector<16xf32>
        %parallel_loop3A_878 = arith.minimumf %parallel_loop3A_851, %parallel_loop3A_877 : vector<16xf32>
        %parallel_loop3A_879 = arith.maximumf %parallel_loop3A_851, %parallel_loop3A_877 : vector<16xf32>
        %parallel_loop3A_880 = arith.minimumf %parallel_loop3A_853, %parallel_loop3A_879 : vector<16xf32>
        %parallel_loop3A_881 = arith.maximumf %parallel_loop3A_853, %parallel_loop3A_879 : vector<16xf32>
        %parallel_loop3A_882 = arith.constant 30 : i32
        %parallel_loop3A_883 = arith.index_cast %parallel_loop3A_882 : i32 to index
        %parallel_loop3A_884 = arith.index_cast %parallel_loop3A_60 : i32 to index
        %parallel_loop3A_885 = arith.index_cast %parallel_loop3A_65 : i32 to index
        %parallel_loop3A_886 = tpu.vector_load %arg4[%parallel_loop3A_883, %parallel_loop3A_884, %parallel_loop3A_885] {strides = array<i32>} : memref<50x8x128xf32, #tpu.memory_space<vmem>>, vector<1x1x16xf32>,
        %parallel_loop3A_887 = vector.shape_cast %parallel_loop3A_886 : vector<1x1x16xf32> to vector<16xf32>
        %parallel_loop3A_888 = arith.addf %parallel_loop3A_861, %parallel_loop3A_887 : vector<16xf32>
        %parallel_loop3A_889 = arith.maximumf %parallel_loop3A_862, %parallel_loop3A_887 : vector<16xf32>
        %parallel_loop3A_890 = arith.minimumf %parallel_loop3A_862, %parallel_loop3A_887 : vector<16xf32>
        %parallel_loop3A_891 = arith.maximumf %parallel_loop3A_864, %parallel_loop3A_890 : vector<16xf32>
        %parallel_loop3A_892 = arith.minimumf %parallel_loop3A_864, %parallel_loop3A_890 : vector<16xf32>
        %parallel_loop3A_893 = arith.maximumf %parallel_loop3A_866, %parallel_loop3A_892 : vector<16xf32>
        %parallel_loop3A_894 = arith.minimumf %parallel_loop3A_866, %parallel_loop3A_892 : vector<16xf32>
        %parallel_loop3A_895 = arith.maximumf %parallel_loop3A_868, %parallel_loop3A_894 : vector<16xf32>
        %parallel_loop3A_896 = arith.minimumf %parallel_loop3A_868, %parallel_loop3A_894 : vector<16xf32>
        %parallel_loop3A_897 = arith.maximumf %parallel_loop3A_870, %parallel_loop3A_896 : vector<16xf32>
        %parallel_loop3A_898 = arith.minimumf %parallel_loop3A_870, %parallel_loop3A_896 : vector<16xf32>
        %parallel_loop3A_899 = arith.minimumf %parallel_loop3A_872, %parallel_loop3A_887 : vector<16xf32>
        %parallel_loop3A_900 = arith.maximumf %parallel_loop3A_872, %parallel_loop3A_887 : vector<16xf32>
        %parallel_loop3A_901 = arith.minimumf %parallel_loop3A_874, %parallel_loop3A_900 : vector<16xf32>
        %parallel_loop3A_902 = arith.maximumf %parallel_loop3A_874, %parallel_loop3A_900 : vector<16xf32>
        %parallel_loop3A_903 = arith.minimumf %parallel_loop3A_876, %parallel_loop3A_902 : vector<16xf32>
        %parallel_loop3A_904 = arith.maximumf %parallel_loop3A_876, %parallel_loop3A_902 : vector<16xf32>
        %parallel_loop3A_905 = arith.minimumf %parallel_loop3A_878, %parallel_loop3A_904 : vector<16xf32>
        %parallel_loop3A_906 = arith.maximumf %parallel_loop3A_878, %parallel_loop3A_904 : vector<16xf32>
        %parallel_loop3A_907 = arith.minimumf %parallel_loop3A_880, %parallel_loop3A_906 : vector<16xf32>
        %parallel_loop3A_908 = arith.maximumf %parallel_loop3A_880, %parallel_loop3A_906 : vector<16xf32>
        %parallel_loop3A_909 = arith.constant 31 : i32
        %parallel_loop3A_910 = arith.index_cast %parallel_loop3A_909 : i32 to index
        %parallel_loop3A_911 = arith.index_cast %parallel_loop3A_60 : i32 to index
        %parallel_loop3A_912 = arith.index_cast %parallel_loop3A_65 : i32 to index
        %parallel_loop3A_913 = tpu.vector_load %arg4[%parallel_loop3A_910, %parallel_loop3A_911, %parallel_loop3A_912] {strides = array<i32>} : memref<50x8x128xf32, #tpu.memory_space<vmem>>, vector<1x1x16xf32>,
        %parallel_loop3A_914 = vector.shape_cast %parallel_loop3A_913 : vector<1x1x16xf32> to vector<16xf32>
        %parallel_loop3A_915 = arith.addf %parallel_loop3A_888, %parallel_loop3A_914 : vector<16xf32>
        %parallel_loop3A_916 = arith.maximumf %parallel_loop3A_889, %parallel_loop3A_914 : vector<16xf32>
        %parallel_loop3A_917 = arith.minimumf %parallel_loop3A_889, %parallel_loop3A_914 : vector<16xf32>
        %parallel_loop3A_918 = arith.maximumf %parallel_loop3A_891, %parallel_loop3A_917 : vector<16xf32>
        %parallel_loop3A_919 = arith.minimumf %parallel_loop3A_891, %parallel_loop3A_917 : vector<16xf32>
        %parallel_loop3A_920 = arith.maximumf %parallel_loop3A_893, %parallel_loop3A_919 : vector<16xf32>
        %parallel_loop3A_921 = arith.minimumf %parallel_loop3A_893, %parallel_loop3A_919 : vector<16xf32>
        %parallel_loop3A_922 = arith.maximumf %parallel_loop3A_895, %parallel_loop3A_921 : vector<16xf32>
        %parallel_loop3A_923 = arith.minimumf %parallel_loop3A_895, %parallel_loop3A_921 : vector<16xf32>
        %parallel_loop3A_924 = arith.maximumf %parallel_loop3A_897, %parallel_loop3A_923 : vector<16xf32>
        %parallel_loop3A_925 = arith.minimumf %parallel_loop3A_897, %parallel_loop3A_923 : vector<16xf32>
        %parallel_loop3A_926 = arith.minimumf %parallel_loop3A_899, %parallel_loop3A_914 : vector<16xf32>
        %parallel_loop3A_927 = arith.maximumf %parallel_loop3A_899, %parallel_loop3A_914 : vector<16xf32>
        %parallel_loop3A_928 = arith.minimumf %parallel_loop3A_901, %parallel_loop3A_927 : vector<16xf32>
        %parallel_loop3A_929 = arith.maximumf %parallel_loop3A_901, %parallel_loop3A_927 : vector<16xf32>
        %parallel_loop3A_930 = arith.minimumf %parallel_loop3A_903, %parallel_loop3A_929 : vector<16xf32>
        %parallel_loop3A_931 = arith.maximumf %parallel_loop3A_903, %parallel_loop3A_929 : vector<16xf32>
        %parallel_loop3A_932 = arith.minimumf %parallel_loop3A_905, %parallel_loop3A_931 : vector<16xf32>
        %parallel_loop3A_933 = arith.maximumf %parallel_loop3A_905, %parallel_loop3A_931 : vector<16xf32>
        %parallel_loop3A_934 = arith.minimumf %parallel_loop3A_907, %parallel_loop3A_933 : vector<16xf32>
        %parallel_loop3A_935 = arith.maximumf %parallel_loop3A_907, %parallel_loop3A_933 : vector<16xf32>
        %parallel_loop3A_936 = arith.constant 32 : i32
        %parallel_loop3A_937 = arith.index_cast %parallel_loop3A_936 : i32 to index
        %parallel_loop3A_938 = arith.index_cast %parallel_loop3A_60 : i32 to index
        %parallel_loop3A_939 = arith.index_cast %parallel_loop3A_65 : i32 to index
        %parallel_loop3A_940 = tpu.vector_load %arg4[%parallel_loop3A_937, %parallel_loop3A_938, %parallel_loop3A_939] {strides = array<i32>} : memref<50x8x128xf32, #tpu.memory_space<vmem>>, vector<1x1x16xf32>,
        %parallel_loop3A_941 = vector.shape_cast %parallel_loop3A_940 : vector<1x1x16xf32> to vector<16xf32>
        %parallel_loop3A_942 = arith.addf %parallel_loop3A_915, %parallel_loop3A_941 : vector<16xf32>
        %parallel_loop3A_943 = arith.maximumf %parallel_loop3A_916, %parallel_loop3A_941 : vector<16xf32>
        %parallel_loop3A_944 = arith.minimumf %parallel_loop3A_916, %parallel_loop3A_941 : vector<16xf32>
        %parallel_loop3A_945 = arith.maximumf %parallel_loop3A_918, %parallel_loop3A_944 : vector<16xf32>
        %parallel_loop3A_946 = arith.minimumf %parallel_loop3A_918, %parallel_loop3A_944 : vector<16xf32>
        %parallel_loop3A_947 = arith.maximumf %parallel_loop3A_920, %parallel_loop3A_946 : vector<16xf32>
        %parallel_loop3A_948 = arith.minimumf %parallel_loop3A_920, %parallel_loop3A_946 : vector<16xf32>
        %parallel_loop3A_949 = arith.maximumf %parallel_loop3A_922, %parallel_loop3A_948 : vector<16xf32>
        %parallel_loop3A_950 = arith.minimumf %parallel_loop3A_922, %parallel_loop3A_948 : vector<16xf32>
        %parallel_loop3A_951 = arith.maximumf %parallel_loop3A_924, %parallel_loop3A_950 : vector<16xf32>
        %parallel_loop3A_952 = arith.minimumf %parallel_loop3A_924, %parallel_loop3A_950 : vector<16xf32>
        %parallel_loop3A_953 = arith.minimumf %parallel_loop3A_926, %parallel_loop3A_941 : vector<16xf32>
        %parallel_loop3A_954 = arith.maximumf %parallel_loop3A_926, %parallel_loop3A_941 : vector<16xf32>
        %parallel_loop3A_955 = arith.minimumf %parallel_loop3A_928, %parallel_loop3A_954 : vector<16xf32>
        %parallel_loop3A_956 = arith.maximumf %parallel_loop3A_928, %parallel_loop3A_954 : vector<16xf32>
        %parallel_loop3A_957 = arith.minimumf %parallel_loop3A_930, %parallel_loop3A_956 : vector<16xf32>
        %parallel_loop3A_958 = arith.maximumf %parallel_loop3A_930, %parallel_loop3A_956 : vector<16xf32>
        %parallel_loop3A_959 = arith.minimumf %parallel_loop3A_932, %parallel_loop3A_958 : vector<16xf32>
        %parallel_loop3A_960 = arith.maximumf %parallel_loop3A_932, %parallel_loop3A_958 : vector<16xf32>
        %parallel_loop3A_961 = arith.minimumf %parallel_loop3A_934, %parallel_loop3A_960 : vector<16xf32>
        %parallel_loop3A_962 = arith.maximumf %parallel_loop3A_934, %parallel_loop3A_960 : vector<16xf32>
        %parallel_loop3A_963 = arith.constant 33 : i32
        %parallel_loop3A_964 = arith.index_cast %parallel_loop3A_963 : i32 to index
        %parallel_loop3A_965 = arith.index_cast %parallel_loop3A_60 : i32 to index
        %parallel_loop3A_966 = arith.index_cast %parallel_loop3A_65 : i32 to index
        %parallel_loop3A_967 = tpu.vector_load %arg4[%parallel_loop3A_964, %parallel_loop3A_965, %parallel_loop3A_966] {strides = array<i32>} : memref<50x8x128xf32, #tpu.memory_space<vmem>>, vector<1x1x16xf32>,
        %parallel_loop3A_968 = vector.shape_cast %parallel_loop3A_967 : vector<1x1x16xf32> to vector<16xf32>
        %parallel_loop3A_969 = arith.addf %parallel_loop3A_942, %parallel_loop3A_968 : vector<16xf32>
        %parallel_loop3A_970 = arith.maximumf %parallel_loop3A_943, %parallel_loop3A_968 : vector<16xf32>
        %parallel_loop3A_971 = arith.minimumf %parallel_loop3A_943, %parallel_loop3A_968 : vector<16xf32>
        %parallel_loop3A_972 = arith.maximumf %parallel_loop3A_945, %parallel_loop3A_971 : vector<16xf32>
        %parallel_loop3A_973 = arith.minimumf %parallel_loop3A_945, %parallel_loop3A_971 : vector<16xf32>
        %parallel_loop3A_974 = arith.maximumf %parallel_loop3A_947, %parallel_loop3A_973 : vector<16xf32>
        %parallel_loop3A_975 = arith.minimumf %parallel_loop3A_947, %parallel_loop3A_973 : vector<16xf32>
        %parallel_loop3A_976 = arith.maximumf %parallel_loop3A_949, %parallel_loop3A_975 : vector<16xf32>
        %parallel_loop3A_977 = arith.minimumf %parallel_loop3A_949, %parallel_loop3A_975 : vector<16xf32>
        %parallel_loop3A_978 = arith.maximumf %parallel_loop3A_951, %parallel_loop3A_977 : vector<16xf32>
        %parallel_loop3A_979 = arith.minimumf %parallel_loop3A_951, %parallel_loop3A_977 : vector<16xf32>
        %parallel_loop3A_980 = arith.minimumf %parallel_loop3A_953, %parallel_loop3A_968 : vector<16xf32>
        %parallel_loop3A_981 = arith.maximumf %parallel_loop3A_953, %parallel_loop3A_968 : vector<16xf32>
        %parallel_loop3A_982 = arith.minimumf %parallel_loop3A_955, %parallel_loop3A_981 : vector<16xf32>
        %parallel_loop3A_983 = arith.maximumf %parallel_loop3A_955, %parallel_loop3A_981 : vector<16xf32>
        %parallel_loop3A_984 = arith.minimumf %parallel_loop3A_957, %parallel_loop3A_983 : vector<16xf32>
        %parallel_loop3A_985 = arith.maximumf %parallel_loop3A_957, %parallel_loop3A_983 : vector<16xf32>
        %parallel_loop3A_986 = arith.minimumf %parallel_loop3A_959, %parallel_loop3A_985 : vector<16xf32>
        %parallel_loop3A_987 = arith.maximumf %parallel_loop3A_959, %parallel_loop3A_985 : vector<16xf32>
        %parallel_loop3A_988 = arith.minimumf %parallel_loop3A_961, %parallel_loop3A_987 : vector<16xf32>
        %parallel_loop3A_989 = arith.maximumf %parallel_loop3A_961, %parallel_loop3A_987 : vector<16xf32>
        %parallel_loop3A_990 = arith.constant 34 : i32
        %parallel_loop3A_991 = arith.index_cast %parallel_loop3A_990 : i32 to index
        %parallel_loop3A_992 = arith.index_cast %parallel_loop3A_60 : i32 to index
        %parallel_loop3A_993 = arith.index_cast %parallel_loop3A_65 : i32 to index
        %parallel_loop3A_994 = tpu.vector_load %arg4[%parallel_loop3A_991, %parallel_loop3A_992, %parallel_loop3A_993] {strides = array<i32>} : memref<50x8x128xf32, #tpu.memory_space<vmem>>, vector<1x1x16xf32>,
        %parallel_loop3A_995 = vector.shape_cast %parallel_loop3A_994 : vector<1x1x16xf32> to vector<16xf32>
        %parallel_loop3A_996 = arith.addf %parallel_loop3A_969, %parallel_loop3A_995 : vector<16xf32>
        %parallel_loop3A_997 = arith.maximumf %parallel_loop3A_970, %parallel_loop3A_995 : vector<16xf32>
        %parallel_loop3A_998 = arith.minimumf %parallel_loop3A_970, %parallel_loop3A_995 : vector<16xf32>
        %parallel_loop3A_999 = arith.maximumf %parallel_loop3A_972, %parallel_loop3A_998 : vector<16xf32>
        %parallel_loop3A_1000 = arith.minimumf %parallel_loop3A_972, %parallel_loop3A_998 : vector<16xf32>
        %parallel_loop3A_1001 = arith.maximumf %parallel_loop3A_974, %parallel_loop3A_1000 : vector<16xf32>
        %parallel_loop3A_1002 = arith.minimumf %parallel_loop3A_974, %parallel_loop3A_1000 : vector<16xf32>
        %parallel_loop3A_1003 = arith.maximumf %parallel_loop3A_976, %parallel_loop3A_1002 : vector<16xf32>
        %parallel_loop3A_1004 = arith.minimumf %parallel_loop3A_976, %parallel_loop3A_1002 : vector<16xf32>
        %parallel_loop3A_1005 = arith.maximumf %parallel_loop3A_978, %parallel_loop3A_1004 : vector<16xf32>
        %parallel_loop3A_1006 = arith.minimumf %parallel_loop3A_978, %parallel_loop3A_1004 : vector<16xf32>
        %parallel_loop3A_1007 = arith.minimumf %parallel_loop3A_980, %parallel_loop3A_995 : vector<16xf32>
        %parallel_loop3A_1008 = arith.maximumf %parallel_loop3A_980, %parallel_loop3A_995 : vector<16xf32>
        %parallel_loop3A_1009 = arith.minimumf %parallel_loop3A_982, %parallel_loop3A_1008 : vector<16xf32>
        %parallel_loop3A_1010 = arith.maximumf %parallel_loop3A_982, %parallel_loop3A_1008 : vector<16xf32>
        %parallel_loop3A_1011 = arith.minimumf %parallel_loop3A_984, %parallel_loop3A_1010 : vector<16xf32>
        %parallel_loop3A_1012 = arith.maximumf %parallel_loop3A_984, %parallel_loop3A_1010 : vector<16xf32>
        %parallel_loop3A_1013 = arith.minimumf %parallel_loop3A_986, %parallel_loop3A_1012 : vector<16xf32>
        %parallel_loop3A_1014 = arith.maximumf %parallel_loop3A_986, %parallel_loop3A_1012 : vector<16xf32>
        %parallel_loop3A_1015 = arith.minimumf %parallel_loop3A_988, %parallel_loop3A_1014 : vector<16xf32>
        %parallel_loop3A_1016 = arith.maximumf %parallel_loop3A_988, %parallel_loop3A_1014 : vector<16xf32>
        %parallel_loop3A_1017 = arith.constant 35 : i32
        %parallel_loop3A_1018 = arith.index_cast %parallel_loop3A_1017 : i32 to index
        %parallel_loop3A_1019 = arith.index_cast %parallel_loop3A_60 : i32 to index
        %parallel_loop3A_1020 = arith.index_cast %parallel_loop3A_65 : i32 to index
        %parallel_loop3A_1021 = tpu.vector_load %arg4[%parallel_loop3A_1018, %parallel_loop3A_1019, %parallel_loop3A_1020] {strides = array<i32>} : memref<50x8x128xf32, #tpu.memory_space<vmem>>, vector<1x1x16xf32>,
        %parallel_loop3A_1022 = vector.shape_cast %parallel_loop3A_1021 : vector<1x1x16xf32> to vector<16xf32>
        %parallel_loop3A_1023 = arith.addf %parallel_loop3A_996, %parallel_loop3A_1022 : vector<16xf32>
        %parallel_loop3A_1024 = arith.maximumf %parallel_loop3A_997, %parallel_loop3A_1022 : vector<16xf32>
        %parallel_loop3A_1025 = arith.minimumf %parallel_loop3A_997, %parallel_loop3A_1022 : vector<16xf32>
        %parallel_loop3A_1026 = arith.maximumf %parallel_loop3A_999, %parallel_loop3A_1025 : vector<16xf32>
        %parallel_loop3A_1027 = arith.minimumf %parallel_loop3A_999, %parallel_loop3A_1025 : vector<16xf32>
        %parallel_loop3A_1028 = arith.maximumf %parallel_loop3A_1001, %parallel_loop3A_1027 : vector<16xf32>
        %parallel_loop3A_1029 = arith.minimumf %parallel_loop3A_1001, %parallel_loop3A_1027 : vector<16xf32>
        %parallel_loop3A_1030 = arith.maximumf %parallel_loop3A_1003, %parallel_loop3A_1029 : vector<16xf32>
        %parallel_loop3A_1031 = arith.minimumf %parallel_loop3A_1003, %parallel_loop3A_1029 : vector<16xf32>
        %parallel_loop3A_1032 = arith.maximumf %parallel_loop3A_1005, %parallel_loop3A_1031 : vector<16xf32>
        %parallel_loop3A_1033 = arith.minimumf %parallel_loop3A_1005, %parallel_loop3A_1031 : vector<16xf32>
        %parallel_loop3A_1034 = arith.minimumf %parallel_loop3A_1007, %parallel_loop3A_1022 : vector<16xf32>
        %parallel_loop3A_1035 = arith.maximumf %parallel_loop3A_1007, %parallel_loop3A_1022 : vector<16xf32>
        %parallel_loop3A_1036 = arith.minimumf %parallel_loop3A_1009, %parallel_loop3A_1035 : vector<16xf32>
        %parallel_loop3A_1037 = arith.maximumf %parallel_loop3A_1009, %parallel_loop3A_1035 : vector<16xf32>
        %parallel_loop3A_1038 = arith.minimumf %parallel_loop3A_1011, %parallel_loop3A_1037 : vector<16xf32>
        %parallel_loop3A_1039 = arith.maximumf %parallel_loop3A_1011, %parallel_loop3A_1037 : vector<16xf32>
        %parallel_loop3A_1040 = arith.minimumf %parallel_loop3A_1013, %parallel_loop3A_1039 : vector<16xf32>
        %parallel_loop3A_1041 = arith.maximumf %parallel_loop3A_1013, %parallel_loop3A_1039 : vector<16xf32>
        %parallel_loop3A_1042 = arith.minimumf %parallel_loop3A_1015, %parallel_loop3A_1041 : vector<16xf32>
        %parallel_loop3A_1043 = arith.maximumf %parallel_loop3A_1015, %parallel_loop3A_1041 : vector<16xf32>
        %parallel_loop3A_1044 = arith.constant 36 : i32
        %parallel_loop3A_1045 = arith.index_cast %parallel_loop3A_1044 : i32 to index
        %parallel_loop3A_1046 = arith.index_cast %parallel_loop3A_60 : i32 to index
        %parallel_loop3A_1047 = arith.index_cast %parallel_loop3A_65 : i32 to index
        %parallel_loop3A_1048 = tpu.vector_load %arg4[%parallel_loop3A_1045, %parallel_loop3A_1046, %parallel_loop3A_1047] {strides = array<i32>} : memref<50x8x128xf32, #tpu.memory_space<vmem>>, vector<1x1x16xf32>,
        %parallel_loop3A_1049 = vector.shape_cast %parallel_loop3A_1048 : vector<1x1x16xf32> to vector<16xf32>
        %parallel_loop3A_1050 = arith.addf %parallel_loop3A_1023, %parallel_loop3A_1049 : vector<16xf32>
        %parallel_loop3A_1051 = arith.maximumf %parallel_loop3A_1024, %parallel_loop3A_1049 : vector<16xf32>
        %parallel_loop3A_1052 = arith.minimumf %parallel_loop3A_1024, %parallel_loop3A_1049 : vector<16xf32>
        %parallel_loop3A_1053 = arith.maximumf %parallel_loop3A_1026, %parallel_loop3A_1052 : vector<16xf32>
        %parallel_loop3A_1054 = arith.minimumf %parallel_loop3A_1026, %parallel_loop3A_1052 : vector<16xf32>
        %parallel_loop3A_1055 = arith.maximumf %parallel_loop3A_1028, %parallel_loop3A_1054 : vector<16xf32>
        %parallel_loop3A_1056 = arith.minimumf %parallel_loop3A_1028, %parallel_loop3A_1054 : vector<16xf32>
        %parallel_loop3A_1057 = arith.maximumf %parallel_loop3A_1030, %parallel_loop3A_1056 : vector<16xf32>
        %parallel_loop3A_1058 = arith.minimumf %parallel_loop3A_1030, %parallel_loop3A_1056 : vector<16xf32>
        %parallel_loop3A_1059 = arith.maximumf %parallel_loop3A_1032, %parallel_loop3A_1058 : vector<16xf32>
        %parallel_loop3A_1060 = arith.minimumf %parallel_loop3A_1032, %parallel_loop3A_1058 : vector<16xf32>
        %parallel_loop3A_1061 = arith.minimumf %parallel_loop3A_1034, %parallel_loop3A_1049 : vector<16xf32>
        %parallel_loop3A_1062 = arith.maximumf %parallel_loop3A_1034, %parallel_loop3A_1049 : vector<16xf32>
        %parallel_loop3A_1063 = arith.minimumf %parallel_loop3A_1036, %parallel_loop3A_1062 : vector<16xf32>
        %parallel_loop3A_1064 = arith.maximumf %parallel_loop3A_1036, %parallel_loop3A_1062 : vector<16xf32>
        %parallel_loop3A_1065 = arith.minimumf %parallel_loop3A_1038, %parallel_loop3A_1064 : vector<16xf32>
        %parallel_loop3A_1066 = arith.maximumf %parallel_loop3A_1038, %parallel_loop3A_1064 : vector<16xf32>
        %parallel_loop3A_1067 = arith.minimumf %parallel_loop3A_1040, %parallel_loop3A_1066 : vector<16xf32>
        %parallel_loop3A_1068 = arith.maximumf %parallel_loop3A_1040, %parallel_loop3A_1066 : vector<16xf32>
        %parallel_loop3A_1069 = arith.minimumf %parallel_loop3A_1042, %parallel_loop3A_1068 : vector<16xf32>
        %parallel_loop3A_1070 = arith.maximumf %parallel_loop3A_1042, %parallel_loop3A_1068 : vector<16xf32>
        %parallel_loop3A_1071 = arith.constant 37 : i32
        %parallel_loop3A_1072 = arith.index_cast %parallel_loop3A_1071 : i32 to index
        %parallel_loop3A_1073 = arith.index_cast %parallel_loop3A_60 : i32 to index
        %parallel_loop3A_1074 = arith.index_cast %parallel_loop3A_65 : i32 to index
        %parallel_loop3A_1075 = tpu.vector_load %arg4[%parallel_loop3A_1072, %parallel_loop3A_1073, %parallel_loop3A_1074] {strides = array<i32>} : memref<50x8x128xf32, #tpu.memory_space<vmem>>, vector<1x1x16xf32>,
        %parallel_loop3A_1076 = vector.shape_cast %parallel_loop3A_1075 : vector<1x1x16xf32> to vector<16xf32>
        %parallel_loop3A_1077 = arith.addf %parallel_loop3A_1050, %parallel_loop3A_1076 : vector<16xf32>
        %parallel_loop3A_1078 = arith.maximumf %parallel_loop3A_1051, %parallel_loop3A_1076 : vector<16xf32>
        %parallel_loop3A_1079 = arith.minimumf %parallel_loop3A_1051, %parallel_loop3A_1076 : vector<16xf32>
        %parallel_loop3A_1080 = arith.maximumf %parallel_loop3A_1053, %parallel_loop3A_1079 : vector<16xf32>
        %parallel_loop3A_1081 = arith.minimumf %parallel_loop3A_1053, %parallel_loop3A_1079 : vector<16xf32>
        %parallel_loop3A_1082 = arith.maximumf %parallel_loop3A_1055, %parallel_loop3A_1081 : vector<16xf32>
        %parallel_loop3A_1083 = arith.minimumf %parallel_loop3A_1055, %parallel_loop3A_1081 : vector<16xf32>
        %parallel_loop3A_1084 = arith.maximumf %parallel_loop3A_1057, %parallel_loop3A_1083 : vector<16xf32>
        %parallel_loop3A_1085 = arith.minimumf %parallel_loop3A_1057, %parallel_loop3A_1083 : vector<16xf32>
        %parallel_loop3A_1086 = arith.maximumf %parallel_loop3A_1059, %parallel_loop3A_1085 : vector<16xf32>
        %parallel_loop3A_1087 = arith.minimumf %parallel_loop3A_1059, %parallel_loop3A_1085 : vector<16xf32>
        %parallel_loop3A_1088 = arith.minimumf %parallel_loop3A_1061, %parallel_loop3A_1076 : vector<16xf32>
        %parallel_loop3A_1089 = arith.maximumf %parallel_loop3A_1061, %parallel_loop3A_1076 : vector<16xf32>
        %parallel_loop3A_1090 = arith.minimumf %parallel_loop3A_1063, %parallel_loop3A_1089 : vector<16xf32>
        %parallel_loop3A_1091 = arith.maximumf %parallel_loop3A_1063, %parallel_loop3A_1089 : vector<16xf32>
        %parallel_loop3A_1092 = arith.minimumf %parallel_loop3A_1065, %parallel_loop3A_1091 : vector<16xf32>
        %parallel_loop3A_1093 = arith.maximumf %parallel_loop3A_1065, %parallel_loop3A_1091 : vector<16xf32>
        %parallel_loop3A_1094 = arith.minimumf %parallel_loop3A_1067, %parallel_loop3A_1093 : vector<16xf32>
        %parallel_loop3A_1095 = arith.maximumf %parallel_loop3A_1067, %parallel_loop3A_1093 : vector<16xf32>
        %parallel_loop3A_1096 = arith.minimumf %parallel_loop3A_1069, %parallel_loop3A_1095 : vector<16xf32>
        %parallel_loop3A_1097 = arith.maximumf %parallel_loop3A_1069, %parallel_loop3A_1095 : vector<16xf32>
        %parallel_loop3A_1098 = arith.constant 38 : i32
        %parallel_loop3A_1099 = arith.index_cast %parallel_loop3A_1098 : i32 to index
        %parallel_loop3A_1100 = arith.index_cast %parallel_loop3A_60 : i32 to index
        %parallel_loop3A_1101 = arith.index_cast %parallel_loop3A_65 : i32 to index
        %parallel_loop3A_1102 = tpu.vector_load %arg4[%parallel_loop3A_1099, %parallel_loop3A_1100, %parallel_loop3A_1101] {strides = array<i32>} : memref<50x8x128xf32, #tpu.memory_space<vmem>>, vector<1x1x16xf32>,
        %parallel_loop3A_1103 = vector.shape_cast %parallel_loop3A_1102 : vector<1x1x16xf32> to vector<16xf32>
        %parallel_loop3A_1104 = arith.addf %parallel_loop3A_1077, %parallel_loop3A_1103 : vector<16xf32>
        %parallel_loop3A_1105 = arith.maximumf %parallel_loop3A_1078, %parallel_loop3A_1103 : vector<16xf32>
        %parallel_loop3A_1106 = arith.minimumf %parallel_loop3A_1078, %parallel_loop3A_1103 : vector<16xf32>
        %parallel_loop3A_1107 = arith.maximumf %parallel_loop3A_1080, %parallel_loop3A_1106 : vector<16xf32>
        %parallel_loop3A_1108 = arith.minimumf %parallel_loop3A_1080, %parallel_loop3A_1106 : vector<16xf32>
        %parallel_loop3A_1109 = arith.maximumf %parallel_loop3A_1082, %parallel_loop3A_1108 : vector<16xf32>
        %parallel_loop3A_1110 = arith.minimumf %parallel_loop3A_1082, %parallel_loop3A_1108 : vector<16xf32>
        %parallel_loop3A_1111 = arith.maximumf %parallel_loop3A_1084, %parallel_loop3A_1110 : vector<16xf32>
        %parallel_loop3A_1112 = arith.minimumf %parallel_loop3A_1084, %parallel_loop3A_1110 : vector<16xf32>
        %parallel_loop3A_1113 = arith.maximumf %parallel_loop3A_1086, %parallel_loop3A_1112 : vector<16xf32>
        %parallel_loop3A_1114 = arith.minimumf %parallel_loop3A_1086, %parallel_loop3A_1112 : vector<16xf32>
        %parallel_loop3A_1115 = arith.minimumf %parallel_loop3A_1088, %parallel_loop3A_1103 : vector<16xf32>
        %parallel_loop3A_1116 = arith.maximumf %parallel_loop3A_1088, %parallel_loop3A_1103 : vector<16xf32>
        %parallel_loop3A_1117 = arith.minimumf %parallel_loop3A_1090, %parallel_loop3A_1116 : vector<16xf32>
        %parallel_loop3A_1118 = arith.maximumf %parallel_loop3A_1090, %parallel_loop3A_1116 : vector<16xf32>
        %parallel_loop3A_1119 = arith.minimumf %parallel_loop3A_1092, %parallel_loop3A_1118 : vector<16xf32>
        %parallel_loop3A_1120 = arith.maximumf %parallel_loop3A_1092, %parallel_loop3A_1118 : vector<16xf32>
        %parallel_loop3A_1121 = arith.minimumf %parallel_loop3A_1094, %parallel_loop3A_1120 : vector<16xf32>
        %parallel_loop3A_1122 = arith.maximumf %parallel_loop3A_1094, %parallel_loop3A_1120 : vector<16xf32>
        %parallel_loop3A_1123 = arith.minimumf %parallel_loop3A_1096, %parallel_loop3A_1122 : vector<16xf32>
        %parallel_loop3A_1124 = arith.maximumf %parallel_loop3A_1096, %parallel_loop3A_1122 : vector<16xf32>
        %parallel_loop3A_1125 = arith.constant 39 : i32
        %parallel_loop3A_1126 = arith.index_cast %parallel_loop3A_1125 : i32 to index
        %parallel_loop3A_1127 = arith.index_cast %parallel_loop3A_60 : i32 to index
        %parallel_loop3A_1128 = arith.index_cast %parallel_loop3A_65 : i32 to index
        %parallel_loop3A_1129 = tpu.vector_load %arg4[%parallel_loop3A_1126, %parallel_loop3A_1127, %parallel_loop3A_1128] {strides = array<i32>} : memref<50x8x128xf32, #tpu.memory_space<vmem>>, vector<1x1x16xf32>,
        %parallel_loop3A_1130 = vector.shape_cast %parallel_loop3A_1129 : vector<1x1x16xf32> to vector<16xf32>
        %parallel_loop3A_1131 = arith.addf %parallel_loop3A_1104, %parallel_loop3A_1130 : vector<16xf32>
        %parallel_loop3A_1132 = arith.maximumf %parallel_loop3A_1105, %parallel_loop3A_1130 : vector<16xf32>
        %parallel_loop3A_1133 = arith.minimumf %parallel_loop3A_1105, %parallel_loop3A_1130 : vector<16xf32>
        %parallel_loop3A_1134 = arith.maximumf %parallel_loop3A_1107, %parallel_loop3A_1133 : vector<16xf32>
        %parallel_loop3A_1135 = arith.minimumf %parallel_loop3A_1107, %parallel_loop3A_1133 : vector<16xf32>
        %parallel_loop3A_1136 = arith.maximumf %parallel_loop3A_1109, %parallel_loop3A_1135 : vector<16xf32>
        %parallel_loop3A_1137 = arith.minimumf %parallel_loop3A_1109, %parallel_loop3A_1135 : vector<16xf32>
        %parallel_loop3A_1138 = arith.maximumf %parallel_loop3A_1111, %parallel_loop3A_1137 : vector<16xf32>
        %parallel_loop3A_1139 = arith.minimumf %parallel_loop3A_1111, %parallel_loop3A_1137 : vector<16xf32>
        %parallel_loop3A_1140 = arith.maximumf %parallel_loop3A_1113, %parallel_loop3A_1139 : vector<16xf32>
        %parallel_loop3A_1141 = arith.minimumf %parallel_loop3A_1113, %parallel_loop3A_1139 : vector<16xf32>
        %parallel_loop3A_1142 = arith.minimumf %parallel_loop3A_1115, %parallel_loop3A_1130 : vector<16xf32>
        %parallel_loop3A_1143 = arith.maximumf %parallel_loop3A_1115, %parallel_loop3A_1130 : vector<16xf32>
        %parallel_loop3A_1144 = arith.minimumf %parallel_loop3A_1117, %parallel_loop3A_1143 : vector<16xf32>
        %parallel_loop3A_1145 = arith.maximumf %parallel_loop3A_1117, %parallel_loop3A_1143 : vector<16xf32>
        %parallel_loop3A_1146 = arith.minimumf %parallel_loop3A_1119, %parallel_loop3A_1145 : vector<16xf32>
        %parallel_loop3A_1147 = arith.maximumf %parallel_loop3A_1119, %parallel_loop3A_1145 : vector<16xf32>
        %parallel_loop3A_1148 = arith.minimumf %parallel_loop3A_1121, %parallel_loop3A_1147 : vector<16xf32>
        %parallel_loop3A_1149 = arith.maximumf %parallel_loop3A_1121, %parallel_loop3A_1147 : vector<16xf32>
        %parallel_loop3A_1150 = arith.minimumf %parallel_loop3A_1123, %parallel_loop3A_1149 : vector<16xf32>
        %parallel_loop3A_1151 = arith.maximumf %parallel_loop3A_1123, %parallel_loop3A_1149 : vector<16xf32>
        %parallel_loop3A_1152 = arith.constant 40 : i32
        %parallel_loop3A_1153 = arith.index_cast %parallel_loop3A_1152 : i32 to index
        %parallel_loop3A_1154 = arith.index_cast %parallel_loop3A_60 : i32 to index
        %parallel_loop3A_1155 = arith.index_cast %parallel_loop3A_65 : i32 to index
        %parallel_loop3A_1156 = tpu.vector_load %arg4[%parallel_loop3A_1153, %parallel_loop3A_1154, %parallel_loop3A_1155] {strides = array<i32>} : memref<50x8x128xf32, #tpu.memory_space<vmem>>, vector<1x1x16xf32>,
        %parallel_loop3A_1157 = vector.shape_cast %parallel_loop3A_1156 : vector<1x1x16xf32> to vector<16xf32>
        %parallel_loop3A_1158 = arith.addf %parallel_loop3A_1131, %parallel_loop3A_1157 : vector<16xf32>
        %parallel_loop3A_1159 = arith.maximumf %parallel_loop3A_1132, %parallel_loop3A_1157 : vector<16xf32>
        %parallel_loop3A_1160 = arith.minimumf %parallel_loop3A_1132, %parallel_loop3A_1157 : vector<16xf32>
        %parallel_loop3A_1161 = arith.maximumf %parallel_loop3A_1134, %parallel_loop3A_1160 : vector<16xf32>
        %parallel_loop3A_1162 = arith.minimumf %parallel_loop3A_1134, %parallel_loop3A_1160 : vector<16xf32>
        %parallel_loop3A_1163 = arith.maximumf %parallel_loop3A_1136, %parallel_loop3A_1162 : vector<16xf32>
        %parallel_loop3A_1164 = arith.minimumf %parallel_loop3A_1136, %parallel_loop3A_1162 : vector<16xf32>
        %parallel_loop3A_1165 = arith.maximumf %parallel_loop3A_1138, %parallel_loop3A_1164 : vector<16xf32>
        %parallel_loop3A_1166 = arith.minimumf %parallel_loop3A_1138, %parallel_loop3A_1164 : vector<16xf32>
        %parallel_loop3A_1167 = arith.maximumf %parallel_loop3A_1140, %parallel_loop3A_1166 : vector<16xf32>
        %parallel_loop3A_1168 = arith.minimumf %parallel_loop3A_1140, %parallel_loop3A_1166 : vector<16xf32>
        %parallel_loop3A_1169 = arith.minimumf %parallel_loop3A_1142, %parallel_loop3A_1157 : vector<16xf32>
        %parallel_loop3A_1170 = arith.maximumf %parallel_loop3A_1142, %parallel_loop3A_1157 : vector<16xf32>
        %parallel_loop3A_1171 = arith.minimumf %parallel_loop3A_1144, %parallel_loop3A_1170 : vector<16xf32>
        %parallel_loop3A_1172 = arith.maximumf %parallel_loop3A_1144, %parallel_loop3A_1170 : vector<16xf32>
        %parallel_loop3A_1173 = arith.minimumf %parallel_loop3A_1146, %parallel_loop3A_1172 : vector<16xf32>
        %parallel_loop3A_1174 = arith.maximumf %parallel_loop3A_1146, %parallel_loop3A_1172 : vector<16xf32>
        %parallel_loop3A_1175 = arith.minimumf %parallel_loop3A_1148, %parallel_loop3A_1174 : vector<16xf32>
        %parallel_loop3A_1176 = arith.maximumf %parallel_loop3A_1148, %parallel_loop3A_1174 : vector<16xf32>
        %parallel_loop3A_1177 = arith.minimumf %parallel_loop3A_1150, %parallel_loop3A_1176 : vector<16xf32>
        %parallel_loop3A_1178 = arith.maximumf %parallel_loop3A_1150, %parallel_loop3A_1176 : vector<16xf32>
        %parallel_loop3A_1179 = arith.constant 41 : i32
        %parallel_loop3A_1180 = arith.index_cast %parallel_loop3A_1179 : i32 to index
        %parallel_loop3A_1181 = arith.index_cast %parallel_loop3A_60 : i32 to index
        %parallel_loop3A_1182 = arith.index_cast %parallel_loop3A_65 : i32 to index
        %parallel_loop3A_1183 = tpu.vector_load %arg4[%parallel_loop3A_1180, %parallel_loop3A_1181, %parallel_loop3A_1182] {strides = array<i32>} : memref<50x8x128xf32, #tpu.memory_space<vmem>>, vector<1x1x16xf32>,
        %parallel_loop3A_1184 = vector.shape_cast %parallel_loop3A_1183 : vector<1x1x16xf32> to vector<16xf32>
        %parallel_loop3A_1185 = arith.addf %parallel_loop3A_1158, %parallel_loop3A_1184 : vector<16xf32>
        %parallel_loop3A_1186 = arith.maximumf %parallel_loop3A_1159, %parallel_loop3A_1184 : vector<16xf32>
        %parallel_loop3A_1187 = arith.minimumf %parallel_loop3A_1159, %parallel_loop3A_1184 : vector<16xf32>
        %parallel_loop3A_1188 = arith.maximumf %parallel_loop3A_1161, %parallel_loop3A_1187 : vector<16xf32>
        %parallel_loop3A_1189 = arith.minimumf %parallel_loop3A_1161, %parallel_loop3A_1187 : vector<16xf32>
        %parallel_loop3A_1190 = arith.maximumf %parallel_loop3A_1163, %parallel_loop3A_1189 : vector<16xf32>
        %parallel_loop3A_1191 = arith.minimumf %parallel_loop3A_1163, %parallel_loop3A_1189 : vector<16xf32>
        %parallel_loop3A_1192 = arith.maximumf %parallel_loop3A_1165, %parallel_loop3A_1191 : vector<16xf32>
        %parallel_loop3A_1193 = arith.minimumf %parallel_loop3A_1165, %parallel_loop3A_1191 : vector<16xf32>
        %parallel_loop3A_1194 = arith.maximumf %parallel_loop3A_1167, %parallel_loop3A_1193 : vector<16xf32>
        %parallel_loop3A_1195 = arith.minimumf %parallel_loop3A_1167, %parallel_loop3A_1193 : vector<16xf32>
        %parallel_loop3A_1196 = arith.minimumf %parallel_loop3A_1169, %parallel_loop3A_1184 : vector<16xf32>
        %parallel_loop3A_1197 = arith.maximumf %parallel_loop3A_1169, %parallel_loop3A_1184 : vector<16xf32>
        %parallel_loop3A_1198 = arith.minimumf %parallel_loop3A_1171, %parallel_loop3A_1197 : vector<16xf32>
        %parallel_loop3A_1199 = arith.maximumf %parallel_loop3A_1171, %parallel_loop3A_1197 : vector<16xf32>
        %parallel_loop3A_1200 = arith.minimumf %parallel_loop3A_1173, %parallel_loop3A_1199 : vector<16xf32>
        %parallel_loop3A_1201 = arith.maximumf %parallel_loop3A_1173, %parallel_loop3A_1199 : vector<16xf32>
        %parallel_loop3A_1202 = arith.minimumf %parallel_loop3A_1175, %parallel_loop3A_1201 : vector<16xf32>
        %parallel_loop3A_1203 = arith.maximumf %parallel_loop3A_1175, %parallel_loop3A_1201 : vector<16xf32>
        %parallel_loop3A_1204 = arith.minimumf %parallel_loop3A_1177, %parallel_loop3A_1203 : vector<16xf32>
        %parallel_loop3A_1205 = arith.maximumf %parallel_loop3A_1177, %parallel_loop3A_1203 : vector<16xf32>
        %parallel_loop3A_1206 = arith.constant 42 : i32
        %parallel_loop3A_1207 = arith.index_cast %parallel_loop3A_1206 : i32 to index
        %parallel_loop3A_1208 = arith.index_cast %parallel_loop3A_60 : i32 to index
        %parallel_loop3A_1209 = arith.index_cast %parallel_loop3A_65 : i32 to index
        %parallel_loop3A_1210 = tpu.vector_load %arg4[%parallel_loop3A_1207, %parallel_loop3A_1208, %parallel_loop3A_1209] {strides = array<i32>} : memref<50x8x128xf32, #tpu.memory_space<vmem>>, vector<1x1x16xf32>,
        %parallel_loop3A_1211 = vector.shape_cast %parallel_loop3A_1210 : vector<1x1x16xf32> to vector<16xf32>
        %parallel_loop3A_1212 = arith.addf %parallel_loop3A_1185, %parallel_loop3A_1211 : vector<16xf32>
        %parallel_loop3A_1213 = arith.maximumf %parallel_loop3A_1186, %parallel_loop3A_1211 : vector<16xf32>
        %parallel_loop3A_1214 = arith.minimumf %parallel_loop3A_1186, %parallel_loop3A_1211 : vector<16xf32>
        %parallel_loop3A_1215 = arith.maximumf %parallel_loop3A_1188, %parallel_loop3A_1214 : vector<16xf32>
        %parallel_loop3A_1216 = arith.minimumf %parallel_loop3A_1188, %parallel_loop3A_1214 : vector<16xf32>
        %parallel_loop3A_1217 = arith.maximumf %parallel_loop3A_1190, %parallel_loop3A_1216 : vector<16xf32>
        %parallel_loop3A_1218 = arith.minimumf %parallel_loop3A_1190, %parallel_loop3A_1216 : vector<16xf32>
        %parallel_loop3A_1219 = arith.maximumf %parallel_loop3A_1192, %parallel_loop3A_1218 : vector<16xf32>
        %parallel_loop3A_1220 = arith.minimumf %parallel_loop3A_1192, %parallel_loop3A_1218 : vector<16xf32>
        %parallel_loop3A_1221 = arith.maximumf %parallel_loop3A_1194, %parallel_loop3A_1220 : vector<16xf32>
        %parallel_loop3A_1222 = arith.minimumf %parallel_loop3A_1194, %parallel_loop3A_1220 : vector<16xf32>
        %parallel_loop3A_1223 = arith.minimumf %parallel_loop3A_1196, %parallel_loop3A_1211 : vector<16xf32>
        %parallel_loop3A_1224 = arith.maximumf %parallel_loop3A_1196, %parallel_loop3A_1211 : vector<16xf32>
        %parallel_loop3A_1225 = arith.minimumf %parallel_loop3A_1198, %parallel_loop3A_1224 : vector<16xf32>
        %parallel_loop3A_1226 = arith.maximumf %parallel_loop3A_1198, %parallel_loop3A_1224 : vector<16xf32>
        %parallel_loop3A_1227 = arith.minimumf %parallel_loop3A_1200, %parallel_loop3A_1226 : vector<16xf32>
        %parallel_loop3A_1228 = arith.maximumf %parallel_loop3A_1200, %parallel_loop3A_1226 : vector<16xf32>
        %parallel_loop3A_1229 = arith.minimumf %parallel_loop3A_1202, %parallel_loop3A_1228 : vector<16xf32>
        %parallel_loop3A_1230 = arith.maximumf %parallel_loop3A_1202, %parallel_loop3A_1228 : vector<16xf32>
        %parallel_loop3A_1231 = arith.minimumf %parallel_loop3A_1204, %parallel_loop3A_1230 : vector<16xf32>
        %parallel_loop3A_1232 = arith.maximumf %parallel_loop3A_1204, %parallel_loop3A_1230 : vector<16xf32>
        %parallel_loop3A_1233 = arith.constant 43 : i32
        %parallel_loop3A_1234 = arith.index_cast %parallel_loop3A_1233 : i32 to index
        %parallel_loop3A_1235 = arith.index_cast %parallel_loop3A_60 : i32 to index
        %parallel_loop3A_1236 = arith.index_cast %parallel_loop3A_65 : i32 to index
        %parallel_loop3A_1237 = tpu.vector_load %arg4[%parallel_loop3A_1234, %parallel_loop3A_1235, %parallel_loop3A_1236] {strides = array<i32>} : memref<50x8x128xf32, #tpu.memory_space<vmem>>, vector<1x1x16xf32>,
        %parallel_loop3A_1238 = vector.shape_cast %parallel_loop3A_1237 : vector<1x1x16xf32> to vector<16xf32>
        %parallel_loop3A_1239 = arith.addf %parallel_loop3A_1212, %parallel_loop3A_1238 : vector<16xf32>
        %parallel_loop3A_1240 = arith.maximumf %parallel_loop3A_1213, %parallel_loop3A_1238 : vector<16xf32>
        %parallel_loop3A_1241 = arith.minimumf %parallel_loop3A_1213, %parallel_loop3A_1238 : vector<16xf32>
        %parallel_loop3A_1242 = arith.maximumf %parallel_loop3A_1215, %parallel_loop3A_1241 : vector<16xf32>
        %parallel_loop3A_1243 = arith.minimumf %parallel_loop3A_1215, %parallel_loop3A_1241 : vector<16xf32>
        %parallel_loop3A_1244 = arith.maximumf %parallel_loop3A_1217, %parallel_loop3A_1243 : vector<16xf32>
        %parallel_loop3A_1245 = arith.minimumf %parallel_loop3A_1217, %parallel_loop3A_1243 : vector<16xf32>
        %parallel_loop3A_1246 = arith.maximumf %parallel_loop3A_1219, %parallel_loop3A_1245 : vector<16xf32>
        %parallel_loop3A_1247 = arith.minimumf %parallel_loop3A_1219, %parallel_loop3A_1245 : vector<16xf32>
        %parallel_loop3A_1248 = arith.maximumf %parallel_loop3A_1221, %parallel_loop3A_1247 : vector<16xf32>
        %parallel_loop3A_1249 = arith.minimumf %parallel_loop3A_1221, %parallel_loop3A_1247 : vector<16xf32>
        %parallel_loop3A_1250 = arith.minimumf %parallel_loop3A_1223, %parallel_loop3A_1238 : vector<16xf32>
        %parallel_loop3A_1251 = arith.maximumf %parallel_loop3A_1223, %parallel_loop3A_1238 : vector<16xf32>
        %parallel_loop3A_1252 = arith.minimumf %parallel_loop3A_1225, %parallel_loop3A_1251 : vector<16xf32>
        %parallel_loop3A_1253 = arith.maximumf %parallel_loop3A_1225, %parallel_loop3A_1251 : vector<16xf32>
        %parallel_loop3A_1254 = arith.minimumf %parallel_loop3A_1227, %parallel_loop3A_1253 : vector<16xf32>
        %parallel_loop3A_1255 = arith.maximumf %parallel_loop3A_1227, %parallel_loop3A_1253 : vector<16xf32>
        %parallel_loop3A_1256 = arith.minimumf %parallel_loop3A_1229, %parallel_loop3A_1255 : vector<16xf32>
        %parallel_loop3A_1257 = arith.maximumf %parallel_loop3A_1229, %parallel_loop3A_1255 : vector<16xf32>
        %parallel_loop3A_1258 = arith.minimumf %parallel_loop3A_1231, %parallel_loop3A_1257 : vector<16xf32>
        %parallel_loop3A_1259 = arith.maximumf %parallel_loop3A_1231, %parallel_loop3A_1257 : vector<16xf32>
        %parallel_loop3A_1260 = arith.constant 44 : i32
        %parallel_loop3A_1261 = arith.index_cast %parallel_loop3A_1260 : i32 to index
        %parallel_loop3A_1262 = arith.index_cast %parallel_loop3A_60 : i32 to index
        %parallel_loop3A_1263 = arith.index_cast %parallel_loop3A_65 : i32 to index
        %parallel_loop3A_1264 = tpu.vector_load %arg4[%parallel_loop3A_1261, %parallel_loop3A_1262, %parallel_loop3A_1263] {strides = array<i32>} : memref<50x8x128xf32, #tpu.memory_space<vmem>>, vector<1x1x16xf32>,
        %parallel_loop3A_1265 = vector.shape_cast %parallel_loop3A_1264 : vector<1x1x16xf32> to vector<16xf32>
        %parallel_loop3A_1266 = arith.addf %parallel_loop3A_1239, %parallel_loop3A_1265 : vector<16xf32>
        %parallel_loop3A_1267 = arith.maximumf %parallel_loop3A_1240, %parallel_loop3A_1265 : vector<16xf32>
        %parallel_loop3A_1268 = arith.minimumf %parallel_loop3A_1240, %parallel_loop3A_1265 : vector<16xf32>
        %parallel_loop3A_1269 = arith.maximumf %parallel_loop3A_1242, %parallel_loop3A_1268 : vector<16xf32>
        %parallel_loop3A_1270 = arith.minimumf %parallel_loop3A_1242, %parallel_loop3A_1268 : vector<16xf32>
        %parallel_loop3A_1271 = arith.maximumf %parallel_loop3A_1244, %parallel_loop3A_1270 : vector<16xf32>
        %parallel_loop3A_1272 = arith.minimumf %parallel_loop3A_1244, %parallel_loop3A_1270 : vector<16xf32>
        %parallel_loop3A_1273 = arith.maximumf %parallel_loop3A_1246, %parallel_loop3A_1272 : vector<16xf32>
        %parallel_loop3A_1274 = arith.minimumf %parallel_loop3A_1246, %parallel_loop3A_1272 : vector<16xf32>
        %parallel_loop3A_1275 = arith.maximumf %parallel_loop3A_1248, %parallel_loop3A_1274 : vector<16xf32>
        %parallel_loop3A_1276 = arith.minimumf %parallel_loop3A_1248, %parallel_loop3A_1274 : vector<16xf32>
        %parallel_loop3A_1277 = arith.minimumf %parallel_loop3A_1250, %parallel_loop3A_1265 : vector<16xf32>
        %parallel_loop3A_1278 = arith.maximumf %parallel_loop3A_1250, %parallel_loop3A_1265 : vector<16xf32>
        %parallel_loop3A_1279 = arith.minimumf %parallel_loop3A_1252, %parallel_loop3A_1278 : vector<16xf32>
        %parallel_loop3A_1280 = arith.maximumf %parallel_loop3A_1252, %parallel_loop3A_1278 : vector<16xf32>
        %parallel_loop3A_1281 = arith.minimumf %parallel_loop3A_1254, %parallel_loop3A_1280 : vector<16xf32>
        %parallel_loop3A_1282 = arith.maximumf %parallel_loop3A_1254, %parallel_loop3A_1280 : vector<16xf32>
        %parallel_loop3A_1283 = arith.minimumf %parallel_loop3A_1256, %parallel_loop3A_1282 : vector<16xf32>
        %parallel_loop3A_1284 = arith.maximumf %parallel_loop3A_1256, %parallel_loop3A_1282 : vector<16xf32>
        %parallel_loop3A_1285 = arith.minimumf %parallel_loop3A_1258, %parallel_loop3A_1284 : vector<16xf32>
        %parallel_loop3A_1286 = arith.maximumf %parallel_loop3A_1258, %parallel_loop3A_1284 : vector<16xf32>
        %parallel_loop3A_1287 = arith.constant 45 : i32
        %parallel_loop3A_1288 = arith.index_cast %parallel_loop3A_1287 : i32 to index
        %parallel_loop3A_1289 = arith.index_cast %parallel_loop3A_60 : i32 to index
        %parallel_loop3A_1290 = arith.index_cast %parallel_loop3A_65 : i32 to index
        %parallel_loop3A_1291 = tpu.vector_load %arg4[%parallel_loop3A_1288, %parallel_loop3A_1289, %parallel_loop3A_1290] {strides = array<i32>} : memref<50x8x128xf32, #tpu.memory_space<vmem>>, vector<1x1x16xf32>,
        %parallel_loop3A_1292 = vector.shape_cast %parallel_loop3A_1291 : vector<1x1x16xf32> to vector<16xf32>
        %parallel_loop3A_1293 = arith.addf %parallel_loop3A_1266, %parallel_loop3A_1292 : vector<16xf32>
        %parallel_loop3A_1294 = arith.maximumf %parallel_loop3A_1267, %parallel_loop3A_1292 : vector<16xf32>
        %parallel_loop3A_1295 = arith.minimumf %parallel_loop3A_1267, %parallel_loop3A_1292 : vector<16xf32>
        %parallel_loop3A_1296 = arith.maximumf %parallel_loop3A_1269, %parallel_loop3A_1295 : vector<16xf32>
        %parallel_loop3A_1297 = arith.minimumf %parallel_loop3A_1269, %parallel_loop3A_1295 : vector<16xf32>
        %parallel_loop3A_1298 = arith.maximumf %parallel_loop3A_1271, %parallel_loop3A_1297 : vector<16xf32>
        %parallel_loop3A_1299 = arith.minimumf %parallel_loop3A_1271, %parallel_loop3A_1297 : vector<16xf32>
        %parallel_loop3A_1300 = arith.maximumf %parallel_loop3A_1273, %parallel_loop3A_1299 : vector<16xf32>
        %parallel_loop3A_1301 = arith.minimumf %parallel_loop3A_1273, %parallel_loop3A_1299 : vector<16xf32>
        %parallel_loop3A_1302 = arith.maximumf %parallel_loop3A_1275, %parallel_loop3A_1301 : vector<16xf32>
        %parallel_loop3A_1303 = arith.minimumf %parallel_loop3A_1275, %parallel_loop3A_1301 : vector<16xf32>
        %parallel_loop3A_1304 = arith.minimumf %parallel_loop3A_1277, %parallel_loop3A_1292 : vector<16xf32>
        %parallel_loop3A_1305 = arith.maximumf %parallel_loop3A_1277, %parallel_loop3A_1292 : vector<16xf32>
        %parallel_loop3A_1306 = arith.minimumf %parallel_loop3A_1279, %parallel_loop3A_1305 : vector<16xf32>
        %parallel_loop3A_1307 = arith.maximumf %parallel_loop3A_1279, %parallel_loop3A_1305 : vector<16xf32>
        %parallel_loop3A_1308 = arith.minimumf %parallel_loop3A_1281, %parallel_loop3A_1307 : vector<16xf32>
        %parallel_loop3A_1309 = arith.maximumf %parallel_loop3A_1281, %parallel_loop3A_1307 : vector<16xf32>
        %parallel_loop3A_1310 = arith.minimumf %parallel_loop3A_1283, %parallel_loop3A_1309 : vector<16xf32>
        %parallel_loop3A_1311 = arith.maximumf %parallel_loop3A_1283, %parallel_loop3A_1309 : vector<16xf32>
        %parallel_loop3A_1312 = arith.minimumf %parallel_loop3A_1285, %parallel_loop3A_1311 : vector<16xf32>
        %parallel_loop3A_1313 = arith.maximumf %parallel_loop3A_1285, %parallel_loop3A_1311 : vector<16xf32>
        %parallel_loop3A_1314 = arith.constant 46 : i32
        %parallel_loop3A_1315 = arith.index_cast %parallel_loop3A_1314 : i32 to index
        %parallel_loop3A_1316 = arith.index_cast %parallel_loop3A_60 : i32 to index
        %parallel_loop3A_1317 = arith.index_cast %parallel_loop3A_65 : i32 to index
        %parallel_loop3A_1318 = tpu.vector_load %arg4[%parallel_loop3A_1315, %parallel_loop3A_1316, %parallel_loop3A_1317] {strides = array<i32>} : memref<50x8x128xf32, #tpu.memory_space<vmem>>, vector<1x1x16xf32>,
        %parallel_loop3A_1319 = vector.shape_cast %parallel_loop3A_1318 : vector<1x1x16xf32> to vector<16xf32>
        %parallel_loop3A_1320 = arith.addf %parallel_loop3A_1293, %parallel_loop3A_1319 : vector<16xf32>
        %parallel_loop3A_1321 = arith.maximumf %parallel_loop3A_1294, %parallel_loop3A_1319 : vector<16xf32>
        %parallel_loop3A_1322 = arith.minimumf %parallel_loop3A_1294, %parallel_loop3A_1319 : vector<16xf32>
        %parallel_loop3A_1323 = arith.maximumf %parallel_loop3A_1296, %parallel_loop3A_1322 : vector<16xf32>
        %parallel_loop3A_1324 = arith.minimumf %parallel_loop3A_1296, %parallel_loop3A_1322 : vector<16xf32>
        %parallel_loop3A_1325 = arith.maximumf %parallel_loop3A_1298, %parallel_loop3A_1324 : vector<16xf32>
        %parallel_loop3A_1326 = arith.minimumf %parallel_loop3A_1298, %parallel_loop3A_1324 : vector<16xf32>
        %parallel_loop3A_1327 = arith.maximumf %parallel_loop3A_1300, %parallel_loop3A_1326 : vector<16xf32>
        %parallel_loop3A_1328 = arith.minimumf %parallel_loop3A_1300, %parallel_loop3A_1326 : vector<16xf32>
        %parallel_loop3A_1329 = arith.maximumf %parallel_loop3A_1302, %parallel_loop3A_1328 : vector<16xf32>
        %parallel_loop3A_1330 = arith.minimumf %parallel_loop3A_1302, %parallel_loop3A_1328 : vector<16xf32>
        %parallel_loop3A_1331 = arith.minimumf %parallel_loop3A_1304, %parallel_loop3A_1319 : vector<16xf32>
        %parallel_loop3A_1332 = arith.maximumf %parallel_loop3A_1304, %parallel_loop3A_1319 : vector<16xf32>
        %parallel_loop3A_1333 = arith.minimumf %parallel_loop3A_1306, %parallel_loop3A_1332 : vector<16xf32>
        %parallel_loop3A_1334 = arith.maximumf %parallel_loop3A_1306, %parallel_loop3A_1332 : vector<16xf32>
        %parallel_loop3A_1335 = arith.minimumf %parallel_loop3A_1308, %parallel_loop3A_1334 : vector<16xf32>
        %parallel_loop3A_1336 = arith.maximumf %parallel_loop3A_1308, %parallel_loop3A_1334 : vector<16xf32>
        %parallel_loop3A_1337 = arith.minimumf %parallel_loop3A_1310, %parallel_loop3A_1336 : vector<16xf32>
        %parallel_loop3A_1338 = arith.maximumf %parallel_loop3A_1310, %parallel_loop3A_1336 : vector<16xf32>
        %parallel_loop3A_1339 = arith.minimumf %parallel_loop3A_1312, %parallel_loop3A_1338 : vector<16xf32>
        %parallel_loop3A_1340 = arith.maximumf %parallel_loop3A_1312, %parallel_loop3A_1338 : vector<16xf32>
        %parallel_loop3A_1341 = arith.constant 47 : i32
        %parallel_loop3A_1342 = arith.index_cast %parallel_loop3A_1341 : i32 to index
        %parallel_loop3A_1343 = arith.index_cast %parallel_loop3A_60 : i32 to index
        %parallel_loop3A_1344 = arith.index_cast %parallel_loop3A_65 : i32 to index
        %parallel_loop3A_1345 = tpu.vector_load %arg4[%parallel_loop3A_1342, %parallel_loop3A_1343, %parallel_loop3A_1344] {strides = array<i32>} : memref<50x8x128xf32, #tpu.memory_space<vmem>>, vector<1x1x16xf32>,
        %parallel_loop3A_1346 = vector.shape_cast %parallel_loop3A_1345 : vector<1x1x16xf32> to vector<16xf32>
        %parallel_loop3A_1347 = arith.addf %parallel_loop3A_1320, %parallel_loop3A_1346 : vector<16xf32>
        %parallel_loop3A_1348 = arith.maximumf %parallel_loop3A_1321, %parallel_loop3A_1346 : vector<16xf32>
        %parallel_loop3A_1349 = arith.minimumf %parallel_loop3A_1321, %parallel_loop3A_1346 : vector<16xf32>
        %parallel_loop3A_1350 = arith.maximumf %parallel_loop3A_1323, %parallel_loop3A_1349 : vector<16xf32>
        %parallel_loop3A_1351 = arith.minimumf %parallel_loop3A_1323, %parallel_loop3A_1349 : vector<16xf32>
        %parallel_loop3A_1352 = arith.maximumf %parallel_loop3A_1325, %parallel_loop3A_1351 : vector<16xf32>
        %parallel_loop3A_1353 = arith.minimumf %parallel_loop3A_1325, %parallel_loop3A_1351 : vector<16xf32>
        %parallel_loop3A_1354 = arith.maximumf %parallel_loop3A_1327, %parallel_loop3A_1353 : vector<16xf32>
        %parallel_loop3A_1355 = arith.minimumf %parallel_loop3A_1327, %parallel_loop3A_1353 : vector<16xf32>
        %parallel_loop3A_1356 = arith.maximumf %parallel_loop3A_1329, %parallel_loop3A_1355 : vector<16xf32>
        %parallel_loop3A_1357 = arith.minimumf %parallel_loop3A_1329, %parallel_loop3A_1355 : vector<16xf32>
        %parallel_loop3A_1358 = arith.minimumf %parallel_loop3A_1331, %parallel_loop3A_1346 : vector<16xf32>
        %parallel_loop3A_1359 = arith.maximumf %parallel_loop3A_1331, %parallel_loop3A_1346 : vector<16xf32>
        %parallel_loop3A_1360 = arith.minimumf %parallel_loop3A_1333, %parallel_loop3A_1359 : vector<16xf32>
        %parallel_loop3A_1361 = arith.maximumf %parallel_loop3A_1333, %parallel_loop3A_1359 : vector<16xf32>
        %parallel_loop3A_1362 = arith.minimumf %parallel_loop3A_1335, %parallel_loop3A_1361 : vector<16xf32>
        %parallel_loop3A_1363 = arith.maximumf %parallel_loop3A_1335, %parallel_loop3A_1361 : vector<16xf32>
        %parallel_loop3A_1364 = arith.minimumf %parallel_loop3A_1337, %parallel_loop3A_1363 : vector<16xf32>
        %parallel_loop3A_1365 = arith.maximumf %parallel_loop3A_1337, %parallel_loop3A_1363 : vector<16xf32>
        %parallel_loop3A_1366 = arith.minimumf %parallel_loop3A_1339, %parallel_loop3A_1365 : vector<16xf32>
        %parallel_loop3A_1367 = arith.maximumf %parallel_loop3A_1339, %parallel_loop3A_1365 : vector<16xf32>
        %parallel_loop3A_1368 = arith.constant 48 : i32
        %parallel_loop3A_1369 = arith.index_cast %parallel_loop3A_1368 : i32 to index
        %parallel_loop3A_1370 = arith.index_cast %parallel_loop3A_60 : i32 to index
        %parallel_loop3A_1371 = arith.index_cast %parallel_loop3A_65 : i32 to index
        %parallel_loop3A_1372 = tpu.vector_load %arg4[%parallel_loop3A_1369, %parallel_loop3A_1370, %parallel_loop3A_1371] {strides = array<i32>} : memref<50x8x128xf32, #tpu.memory_space<vmem>>, vector<1x1x16xf32>,
        %parallel_loop3A_1373 = vector.shape_cast %parallel_loop3A_1372 : vector<1x1x16xf32> to vector<16xf32>
        %parallel_loop3A_1374 = arith.addf %parallel_loop3A_1347, %parallel_loop3A_1373 : vector<16xf32>
        %parallel_loop3A_1375 = arith.maximumf %parallel_loop3A_1348, %parallel_loop3A_1373 : vector<16xf32>
        %parallel_loop3A_1376 = arith.minimumf %parallel_loop3A_1348, %parallel_loop3A_1373 : vector<16xf32>
        %parallel_loop3A_1377 = arith.maximumf %parallel_loop3A_1350, %parallel_loop3A_1376 : vector<16xf32>
        %parallel_loop3A_1378 = arith.minimumf %parallel_loop3A_1350, %parallel_loop3A_1376 : vector<16xf32>
        %parallel_loop3A_1379 = arith.maximumf %parallel_loop3A_1352, %parallel_loop3A_1378 : vector<16xf32>
        %parallel_loop3A_1380 = arith.minimumf %parallel_loop3A_1352, %parallel_loop3A_1378 : vector<16xf32>
        %parallel_loop3A_1381 = arith.maximumf %parallel_loop3A_1354, %parallel_loop3A_1380 : vector<16xf32>
        %parallel_loop3A_1382 = arith.minimumf %parallel_loop3A_1354, %parallel_loop3A_1380 : vector<16xf32>
        %parallel_loop3A_1383 = arith.maximumf %parallel_loop3A_1356, %parallel_loop3A_1382 : vector<16xf32>
        %parallel_loop3A_1384 = arith.minimumf %parallel_loop3A_1356, %parallel_loop3A_1382 : vector<16xf32>
        %parallel_loop3A_1385 = arith.minimumf %parallel_loop3A_1358, %parallel_loop3A_1373 : vector<16xf32>
        %parallel_loop3A_1386 = arith.maximumf %parallel_loop3A_1358, %parallel_loop3A_1373 : vector<16xf32>
        %parallel_loop3A_1387 = arith.minimumf %parallel_loop3A_1360, %parallel_loop3A_1386 : vector<16xf32>
        %parallel_loop3A_1388 = arith.maximumf %parallel_loop3A_1360, %parallel_loop3A_1386 : vector<16xf32>
        %parallel_loop3A_1389 = arith.minimumf %parallel_loop3A_1362, %parallel_loop3A_1388 : vector<16xf32>
        %parallel_loop3A_1390 = arith.maximumf %parallel_loop3A_1362, %parallel_loop3A_1388 : vector<16xf32>
        %parallel_loop3A_1391 = arith.minimumf %parallel_loop3A_1364, %parallel_loop3A_1390 : vector<16xf32>
        %parallel_loop3A_1392 = arith.maximumf %parallel_loop3A_1364, %parallel_loop3A_1390 : vector<16xf32>
        %parallel_loop3A_1393 = arith.minimumf %parallel_loop3A_1366, %parallel_loop3A_1392 : vector<16xf32>
        %parallel_loop3A_1394 = arith.maximumf %parallel_loop3A_1366, %parallel_loop3A_1392 : vector<16xf32>
        %parallel_loop3A_1395 = arith.constant 49 : i32
        %parallel_loop3A_1396 = arith.index_cast %parallel_loop3A_1395 : i32 to index
        %parallel_loop3A_1397 = arith.index_cast %parallel_loop3A_60 : i32 to index
        %parallel_loop3A_1398 = arith.index_cast %parallel_loop3A_65 : i32 to index
        %parallel_loop3A_1399 = tpu.vector_load %arg4[%parallel_loop3A_1396, %parallel_loop3A_1397, %parallel_loop3A_1398] {strides = array<i32>} : memref<50x8x128xf32, #tpu.memory_space<vmem>>, vector<1x1x16xf32>,
        %parallel_loop3A_1400 = vector.shape_cast %parallel_loop3A_1399 : vector<1x1x16xf32> to vector<16xf32>
        %parallel_loop3A_1401 = arith.addf %parallel_loop3A_1374, %parallel_loop3A_1400 : vector<16xf32>
        %parallel_loop3A_1402 = arith.maximumf %parallel_loop3A_1375, %parallel_loop3A_1400 : vector<16xf32>
        %parallel_loop3A_1403 = arith.minimumf %parallel_loop3A_1375, %parallel_loop3A_1400 : vector<16xf32>
        %parallel_loop3A_1404 = arith.maximumf %parallel_loop3A_1377, %parallel_loop3A_1403 : vector<16xf32>
        %parallel_loop3A_1405 = arith.minimumf %parallel_loop3A_1377, %parallel_loop3A_1403 : vector<16xf32>
        %parallel_loop3A_1406 = arith.maximumf %parallel_loop3A_1379, %parallel_loop3A_1405 : vector<16xf32>
        %parallel_loop3A_1407 = arith.minimumf %parallel_loop3A_1379, %parallel_loop3A_1405 : vector<16xf32>
        %parallel_loop3A_1408 = arith.maximumf %parallel_loop3A_1381, %parallel_loop3A_1407 : vector<16xf32>
        %parallel_loop3A_1409 = arith.minimumf %parallel_loop3A_1381, %parallel_loop3A_1407 : vector<16xf32>
        %parallel_loop3A_1410 = arith.maximumf %parallel_loop3A_1383, %parallel_loop3A_1409 : vector<16xf32>
        %parallel_loop3A_1411 = arith.minimumf %parallel_loop3A_1383, %parallel_loop3A_1409 : vector<16xf32>
        %parallel_loop3A_1412 = arith.minimumf %parallel_loop3A_1385, %parallel_loop3A_1400 : vector<16xf32>
        %parallel_loop3A_1413 = arith.maximumf %parallel_loop3A_1385, %parallel_loop3A_1400 : vector<16xf32>
        %parallel_loop3A_1414 = arith.minimumf %parallel_loop3A_1387, %parallel_loop3A_1413 : vector<16xf32>
        %parallel_loop3A_1415 = arith.maximumf %parallel_loop3A_1387, %parallel_loop3A_1413 : vector<16xf32>
        %parallel_loop3A_1416 = arith.minimumf %parallel_loop3A_1389, %parallel_loop3A_1415 : vector<16xf32>
        %parallel_loop3A_1417 = arith.maximumf %parallel_loop3A_1389, %parallel_loop3A_1415 : vector<16xf32>
        %parallel_loop3A_1418 = arith.minimumf %parallel_loop3A_1391, %parallel_loop3A_1417 : vector<16xf32>
        %parallel_loop3A_1419 = arith.maximumf %parallel_loop3A_1391, %parallel_loop3A_1417 : vector<16xf32>
        %parallel_loop3A_1420 = arith.minimumf %parallel_loop3A_1393, %parallel_loop3A_1419 : vector<16xf32>
        %parallel_loop3A_1421 = arith.maximumf %parallel_loop3A_1393, %parallel_loop3A_1419 : vector<16xf32>
        %parallel_loop3A_1422 = arith.subf %parallel_loop3A_1401, %parallel_loop3A_1402 : vector<16xf32>
        %parallel_loop3A_1423 = arith.subf %parallel_loop3A_1422, %parallel_loop3A_1412 : vector<16xf32>
        %parallel_loop3A_1424 = arith.subf %parallel_loop3A_1423, %parallel_loop3A_1404 : vector<16xf32>
        %parallel_loop3A_1425 = arith.subf %parallel_loop3A_1424, %parallel_loop3A_1414 : vector<16xf32>
        %parallel_loop3A_1426 = arith.subf %parallel_loop3A_1425, %parallel_loop3A_1406 : vector<16xf32>
        %parallel_loop3A_1427 = arith.subf %parallel_loop3A_1426, %parallel_loop3A_1416 : vector<16xf32>
        %parallel_loop3A_1428 = arith.subf %parallel_loop3A_1427, %parallel_loop3A_1408 : vector<16xf32>
        %parallel_loop3A_1429 = arith.subf %parallel_loop3A_1428, %parallel_loop3A_1418 : vector<16xf32>
        %parallel_loop3A_1430 = arith.subf %parallel_loop3A_1429, %parallel_loop3A_1410 : vector<16xf32>
        %parallel_loop3A_1431 = arith.subf %parallel_loop3A_1430, %parallel_loop3A_1420 : vector<16xf32>
        %parallel_loop3A_1432 = arith.constant 2.500000e-02 : f32
        %parallel_loop3A_1433 = vector.broadcast %parallel_loop3A_1432 : f32 to vector<16xf32>
        %parallel_loop3A_1434 = arith.mulf %parallel_loop3A_1431, %parallel_loop3A_1433 : vector<16xf32>
        %parallel_loop3A_1435 = arith.index_cast %parallel_loop3A_60 : i32 to index
        %parallel_loop3A_1436 = arith.index_cast %parallel_loop3A_65 : i32 to index
        %parallel_loop3A_1437 = tpu.vector_load %arg5[%parallel_loop3A_1435, %parallel_loop3A_1436] {strides = array<i32>} : memref<8x128xf32, #tpu.memory_space<vmem>>, vector<1x16xf32>,
        %parallel_loop3A_1438 = vector.shape_cast %parallel_loop3A_1437 : vector<1x16xf32> to vector<16xf32>
        %parallel_loop3A_1439 = vector.shape_cast %parallel_loop3A_1434 : vector<16xf32> to vector<1x16xf32>
        tpu.vector_store %arg5[%parallel_loop3A_1435, %parallel_loop3A_1436], %parallel_loop3A_1439 {strides = array<i32>} : memref<8x128xf32, #tpu.memory_space<vmem>>, vector<1x16xf32>,
      } {sc.loop_unroll_factor = 1 : i64, sc.parallel_access}
      "tpu.region"() ({
        %run_scoped3A = tpu.sem_alloc : memref<!tpu.dma_semaphore, #tpu.memory_space<semaphore_mem>>
        %dma_start3A = arith.constant 0 : i32
        %dma_start3A_36 = tpu.memref_slice %arg3[%add3A_33, %rem3A_1, %dma_start3A] : memref<248x8x128xf32, #tpu.memory_space<hbm>> -> memref<8x1x128xf32, #tpu.memory_space<hbm>>
        %dma_start3A_37 = tpu.memref_squeeze %dma_start3A_36 : memref<8x1x128xf32, #tpu.memory_space<hbm>> -> memref<8x128xf32, #tpu.memory_space<hbm>>
        %dma_start3A_38 = arith.constant 0 : i32
        %dma_start3A_39 = tpu.memref_slice %arg3[%add3A_33, %rem3A_1, %dma_start3A_38] : memref<248x8x128xf32, #tpu.memory_space<hbm>> -> memref<8x1x128xf32, #tpu.memory_space<hbm>>
        %dma_start3A_40 = tpu.memref_squeeze %dma_start3A_39 : memref<8x1x128xf32, #tpu.memory_space<hbm>> -> memref<8x128xf32, #tpu.memory_space<hbm>>
        tpu.enqueue_dma source(%arg5 : memref<8x128xf32, #tpu.memory_space<vmem>>) target(%dma_start3A_40 : memref<8x128xf32, #tpu.memory_space<hbm>>) target_semaphore(%run_scoped3A : memref<!tpu.dma_semaphore, #tpu.memory_space<semaphore_mem>>)
        %dma_wait3A = arith.constant 0 : i32
        %dma_wait3A_41 = tpu.memref_slice %arg3[%add3A_33, %rem3A_1, %dma_wait3A] : memref<248x8x128xf32, #tpu.memory_space<hbm>> -> memref<8x1x128xf32, #tpu.memory_space<hbm>>
        %dma_wait3A_42 = tpu.memref_squeeze %dma_wait3A_41 : memref<8x1x128xf32, #tpu.memory_space<hbm>> -> memref<8x128xf32, #tpu.memory_space<hbm>>
        %dma_wait3A_43 = arith.constant 0 : i32
        %dma_wait3A_44 = tpu.memref_slice %arg3[%add3A_33, %rem3A_1, %dma_wait3A_43] : memref<248x8x128xf32, #tpu.memory_space<hbm>> -> memref<8x1x128xf32, #tpu.memory_space<hbm>>
        %dma_wait3A_45 = tpu.memref_squeeze %dma_wait3A_44 : memref<8x1x128xf32, #tpu.memory_space<hbm>> -> memref<8x128xf32, #tpu.memory_space<hbm>>
        tpu.wait_dma2 semaphore(%run_scoped3A : memref<!tpu.dma_semaphore, #tpu.memory_space<semaphore_mem>>) src(%arg5 : memref<8x128xf32, #tpu.memory_space<vmem>>) dst(%dma_wait3A_45 : memref<8x128xf32, #tpu.memory_space<hbm>>)
        tpu.yield
      }) : () -> ()
    }
    %scan3A_24 = arith.constant 8 : i32
    return
  }
}

module attributes {stable_mosaic.version = 14 : i64} {
  func.func @_tm_tc_kernel(%arg0: i32, %arg1: memref<50x8x1024xf32, #tpu.memory_space<vmem>>, %arg2: memref<8x1024xf32, #tpu.memory_space<vmem>>) attributes {dimension_semantics = [#tpu.dimension_semantics<arbitrary>], iteration_bounds = array<i64: 94>, scalar_prefetch = 0 : i64, scratch_operands = 0 : i64, tpu.core_type = #tpu.core_type<tc>, window_params = [{transform_indices = @transform_0, window_bounds = array<i64: 50, 8, 1024>}, {transform_indices = @transform_1, window_bounds = array<i64: 8, 1024>}]} {
    %broadcast_in_dim3A = arith.constant 0xFF800000 : f32
    %broadcast_in_dim3A_0 = vector.broadcast %broadcast_in_dim3A : f32 to vector<8x1024xf32>
    %broadcast_in_dim3A_1 = arith.constant 0x7F800000 : f32
    %broadcast_in_dim3A_2 = vector.broadcast %broadcast_in_dim3A_1 : f32 to vector<8x1024xf32>
    %broadcast_in_dim3A_3 = arith.constant 0.000000e+00 : f32
    %broadcast_in_dim3A_4 = vector.broadcast %broadcast_in_dim3A_3 : f32 to vector<8x1024xf32>
    %get3A = arith.constant 0 : index
    %get3A_5 = arith.constant 0 : index
    %get3A_6 = arith.constant 0 : index
    %get3A_7 = vector.load %arg1[%get3A, %get3A_5, %get3A_6] : memref<50x8x1024xf32, #tpu.memory_space<vmem>>, vector<1x8x1024xf32>
    %get3A_8 = vector.shape_cast %get3A_7 : vector<1x8x1024xf32> to vector<8x1024xf32>
    %add3A = arith.addf %broadcast_in_dim3A_4, %get3A_8 : vector<8x1024xf32>
    %max3A = arith.maximumf %broadcast_in_dim3A_0, %get3A_8 : vector<8x1024xf32>
    %min3A = arith.minimumf %broadcast_in_dim3A_0, %get3A_8 : vector<8x1024xf32>
    %max3A_9 = arith.maximumf %broadcast_in_dim3A_0, %min3A : vector<8x1024xf32>
    %min3A_10 = arith.minimumf %broadcast_in_dim3A_0, %min3A : vector<8x1024xf32>
    %max3A_11 = arith.maximumf %broadcast_in_dim3A_0, %min3A_10 : vector<8x1024xf32>
    %min3A_12 = arith.minimumf %broadcast_in_dim3A_0, %min3A_10 : vector<8x1024xf32>
    %max3A_13 = arith.maximumf %broadcast_in_dim3A_0, %min3A_12 : vector<8x1024xf32>
    %min3A_14 = arith.minimumf %broadcast_in_dim3A_0, %min3A_12 : vector<8x1024xf32>
    %max3A_15 = arith.maximumf %broadcast_in_dim3A_0, %min3A_14 : vector<8x1024xf32>
    %min3A_16 = arith.minimumf %broadcast_in_dim3A_2, %get3A_8 : vector<8x1024xf32>
    %max3A_17 = arith.maximumf %broadcast_in_dim3A_2, %get3A_8 : vector<8x1024xf32>
    %min3A_18 = arith.minimumf %broadcast_in_dim3A_2, %max3A_17 : vector<8x1024xf32>
    %max3A_19 = arith.maximumf %broadcast_in_dim3A_2, %max3A_17 : vector<8x1024xf32>
    %min3A_20 = arith.minimumf %broadcast_in_dim3A_2, %max3A_19 : vector<8x1024xf32>
    %max3A_21 = arith.maximumf %broadcast_in_dim3A_2, %max3A_19 : vector<8x1024xf32>
    %min3A_22 = arith.minimumf %broadcast_in_dim3A_2, %max3A_21 : vector<8x1024xf32>
    %max3A_23 = arith.maximumf %broadcast_in_dim3A_2, %max3A_21 : vector<8x1024xf32>
    %min3A_24 = arith.minimumf %broadcast_in_dim3A_2, %max3A_23 : vector<8x1024xf32>
    %get3A_25 = arith.constant 1 : index
    %get3A_26 = arith.constant 0 : index
    %get3A_27 = arith.constant 0 : index
    %get3A_28 = vector.load %arg1[%get3A_25, %get3A_26, %get3A_27] : memref<50x8x1024xf32, #tpu.memory_space<vmem>>, vector<1x8x1024xf32>
    %get3A_29 = vector.shape_cast %get3A_28 : vector<1x8x1024xf32> to vector<8x1024xf32>
    %add3A_30 = arith.addf %add3A, %get3A_29 : vector<8x1024xf32>
    %max3A_31 = arith.maximumf %max3A, %get3A_29 : vector<8x1024xf32>
    %min3A_32 = arith.minimumf %max3A, %get3A_29 : vector<8x1024xf32>
    %max3A_33 = arith.maximumf %max3A_9, %min3A_32 : vector<8x1024xf32>
    %min3A_34 = arith.minimumf %max3A_9, %min3A_32 : vector<8x1024xf32>
    %max3A_35 = arith.maximumf %max3A_11, %min3A_34 : vector<8x1024xf32>
    %min3A_36 = arith.minimumf %max3A_11, %min3A_34 : vector<8x1024xf32>
    %max3A_37 = arith.maximumf %max3A_13, %min3A_36 : vector<8x1024xf32>
    %min3A_38 = arith.minimumf %max3A_13, %min3A_36 : vector<8x1024xf32>
    %max3A_39 = arith.maximumf %max3A_15, %min3A_38 : vector<8x1024xf32>
    %min3A_40 = arith.minimumf %min3A_16, %get3A_29 : vector<8x1024xf32>
    %max3A_41 = arith.maximumf %min3A_16, %get3A_29 : vector<8x1024xf32>
    %min3A_42 = arith.minimumf %min3A_18, %max3A_41 : vector<8x1024xf32>
    %max3A_43 = arith.maximumf %min3A_18, %max3A_41 : vector<8x1024xf32>
    %min3A_44 = arith.minimumf %min3A_20, %max3A_43 : vector<8x1024xf32>
    %max3A_45 = arith.maximumf %min3A_20, %max3A_43 : vector<8x1024xf32>
    %min3A_46 = arith.minimumf %min3A_22, %max3A_45 : vector<8x1024xf32>
    %max3A_47 = arith.maximumf %min3A_22, %max3A_45 : vector<8x1024xf32>
    %min3A_48 = arith.minimumf %min3A_24, %max3A_47 : vector<8x1024xf32>
    %get3A_49 = arith.constant 2 : index
    %get3A_50 = arith.constant 0 : index
    %get3A_51 = arith.constant 0 : index
    %get3A_52 = vector.load %arg1[%get3A_49, %get3A_50, %get3A_51] : memref<50x8x1024xf32, #tpu.memory_space<vmem>>, vector<1x8x1024xf32>
    %get3A_53 = vector.shape_cast %get3A_52 : vector<1x8x1024xf32> to vector<8x1024xf32>
    %add3A_54 = arith.addf %add3A_30, %get3A_53 : vector<8x1024xf32>
    %max3A_55 = arith.maximumf %max3A_31, %get3A_53 : vector<8x1024xf32>
    %min3A_56 = arith.minimumf %max3A_31, %get3A_53 : vector<8x1024xf32>
    %max3A_57 = arith.maximumf %max3A_33, %min3A_56 : vector<8x1024xf32>
    %min3A_58 = arith.minimumf %max3A_33, %min3A_56 : vector<8x1024xf32>
    %max3A_59 = arith.maximumf %max3A_35, %min3A_58 : vector<8x1024xf32>
    %min3A_60 = arith.minimumf %max3A_35, %min3A_58 : vector<8x1024xf32>
    %max3A_61 = arith.maximumf %max3A_37, %min3A_60 : vector<8x1024xf32>
    %min3A_62 = arith.minimumf %max3A_37, %min3A_60 : vector<8x1024xf32>
    %max3A_63 = arith.maximumf %max3A_39, %min3A_62 : vector<8x1024xf32>
    %min3A_64 = arith.minimumf %min3A_40, %get3A_53 : vector<8x1024xf32>
    %max3A_65 = arith.maximumf %min3A_40, %get3A_53 : vector<8x1024xf32>
    %min3A_66 = arith.minimumf %min3A_42, %max3A_65 : vector<8x1024xf32>
    %max3A_67 = arith.maximumf %min3A_42, %max3A_65 : vector<8x1024xf32>
    %min3A_68 = arith.minimumf %min3A_44, %max3A_67 : vector<8x1024xf32>
    %max3A_69 = arith.maximumf %min3A_44, %max3A_67 : vector<8x1024xf32>
    %min3A_70 = arith.minimumf %min3A_46, %max3A_69 : vector<8x1024xf32>
    %max3A_71 = arith.maximumf %min3A_46, %max3A_69 : vector<8x1024xf32>
    %min3A_72 = arith.minimumf %min3A_48, %max3A_71 : vector<8x1024xf32>
    %get3A_73 = arith.constant 3 : index
    %get3A_74 = arith.constant 0 : index
    %get3A_75 = arith.constant 0 : index
    %get3A_76 = vector.load %arg1[%get3A_73, %get3A_74, %get3A_75] : memref<50x8x1024xf32, #tpu.memory_space<vmem>>, vector<1x8x1024xf32>
    %get3A_77 = vector.shape_cast %get3A_76 : vector<1x8x1024xf32> to vector<8x1024xf32>
    %add3A_78 = arith.addf %add3A_54, %get3A_77 : vector<8x1024xf32>
    %max3A_79 = arith.maximumf %max3A_55, %get3A_77 : vector<8x1024xf32>
    %min3A_80 = arith.minimumf %max3A_55, %get3A_77 : vector<8x1024xf32>
    %max3A_81 = arith.maximumf %max3A_57, %min3A_80 : vector<8x1024xf32>
    %min3A_82 = arith.minimumf %max3A_57, %min3A_80 : vector<8x1024xf32>
    %max3A_83 = arith.maximumf %max3A_59, %min3A_82 : vector<8x1024xf32>
    %min3A_84 = arith.minimumf %max3A_59, %min3A_82 : vector<8x1024xf32>
    %max3A_85 = arith.maximumf %max3A_61, %min3A_84 : vector<8x1024xf32>
    %min3A_86 = arith.minimumf %max3A_61, %min3A_84 : vector<8x1024xf32>
    %max3A_87 = arith.maximumf %max3A_63, %min3A_86 : vector<8x1024xf32>
    %min3A_88 = arith.minimumf %min3A_64, %get3A_77 : vector<8x1024xf32>
    %max3A_89 = arith.maximumf %min3A_64, %get3A_77 : vector<8x1024xf32>
    %min3A_90 = arith.minimumf %min3A_66, %max3A_89 : vector<8x1024xf32>
    %max3A_91 = arith.maximumf %min3A_66, %max3A_89 : vector<8x1024xf32>
    %min3A_92 = arith.minimumf %min3A_68, %max3A_91 : vector<8x1024xf32>
    %max3A_93 = arith.maximumf %min3A_68, %max3A_91 : vector<8x1024xf32>
    %min3A_94 = arith.minimumf %min3A_70, %max3A_93 : vector<8x1024xf32>
    %max3A_95 = arith.maximumf %min3A_70, %max3A_93 : vector<8x1024xf32>
    %min3A_96 = arith.minimumf %min3A_72, %max3A_95 : vector<8x1024xf32>
    %get3A_97 = arith.constant 4 : index
    %get3A_98 = arith.constant 0 : index
    %get3A_99 = arith.constant 0 : index
    %get3A_100 = vector.load %arg1[%get3A_97, %get3A_98, %get3A_99] : memref<50x8x1024xf32, #tpu.memory_space<vmem>>, vector<1x8x1024xf32>
    %get3A_101 = vector.shape_cast %get3A_100 : vector<1x8x1024xf32> to vector<8x1024xf32>
    %add3A_102 = arith.addf %add3A_78, %get3A_101 : vector<8x1024xf32>
    %max3A_103 = arith.maximumf %max3A_79, %get3A_101 : vector<8x1024xf32>
    %min3A_104 = arith.minimumf %max3A_79, %get3A_101 : vector<8x1024xf32>
    %max3A_105 = arith.maximumf %max3A_81, %min3A_104 : vector<8x1024xf32>
    %min3A_106 = arith.minimumf %max3A_81, %min3A_104 : vector<8x1024xf32>
    %max3A_107 = arith.maximumf %max3A_83, %min3A_106 : vector<8x1024xf32>
    %min3A_108 = arith.minimumf %max3A_83, %min3A_106 : vector<8x1024xf32>
    %max3A_109 = arith.maximumf %max3A_85, %min3A_108 : vector<8x1024xf32>
    %min3A_110 = arith.minimumf %max3A_85, %min3A_108 : vector<8x1024xf32>
    %max3A_111 = arith.maximumf %max3A_87, %min3A_110 : vector<8x1024xf32>
    %min3A_112 = arith.minimumf %min3A_88, %get3A_101 : vector<8x1024xf32>
    %max3A_113 = arith.maximumf %min3A_88, %get3A_101 : vector<8x1024xf32>
    %min3A_114 = arith.minimumf %min3A_90, %max3A_113 : vector<8x1024xf32>
    %max3A_115 = arith.maximumf %min3A_90, %max3A_113 : vector<8x1024xf32>
    %min3A_116 = arith.minimumf %min3A_92, %max3A_115 : vector<8x1024xf32>
    %max3A_117 = arith.maximumf %min3A_92, %max3A_115 : vector<8x1024xf32>
    %min3A_118 = arith.minimumf %min3A_94, %max3A_117 : vector<8x1024xf32>
    %max3A_119 = arith.maximumf %min3A_94, %max3A_117 : vector<8x1024xf32>
    %min3A_120 = arith.minimumf %min3A_96, %max3A_119 : vector<8x1024xf32>
    %get3A_121 = arith.constant 5 : index
    %get3A_122 = arith.constant 0 : index
    %get3A_123 = arith.constant 0 : index
    %get3A_124 = vector.load %arg1[%get3A_121, %get3A_122, %get3A_123] : memref<50x8x1024xf32, #tpu.memory_space<vmem>>, vector<1x8x1024xf32>
    %get3A_125 = vector.shape_cast %get3A_124 : vector<1x8x1024xf32> to vector<8x1024xf32>
    %add3A_126 = arith.addf %add3A_102, %get3A_125 : vector<8x1024xf32>
    %max3A_127 = arith.maximumf %max3A_103, %get3A_125 : vector<8x1024xf32>
    %min3A_128 = arith.minimumf %max3A_103, %get3A_125 : vector<8x1024xf32>
    %max3A_129 = arith.maximumf %max3A_105, %min3A_128 : vector<8x1024xf32>
    %min3A_130 = arith.minimumf %max3A_105, %min3A_128 : vector<8x1024xf32>
    %max3A_131 = arith.maximumf %max3A_107, %min3A_130 : vector<8x1024xf32>
    %min3A_132 = arith.minimumf %max3A_107, %min3A_130 : vector<8x1024xf32>
    %max3A_133 = arith.maximumf %max3A_109, %min3A_132 : vector<8x1024xf32>
    %min3A_134 = arith.minimumf %max3A_109, %min3A_132 : vector<8x1024xf32>
    %max3A_135 = arith.maximumf %max3A_111, %min3A_134 : vector<8x1024xf32>
    %min3A_136 = arith.minimumf %min3A_112, %get3A_125 : vector<8x1024xf32>
    %max3A_137 = arith.maximumf %min3A_112, %get3A_125 : vector<8x1024xf32>
    %min3A_138 = arith.minimumf %min3A_114, %max3A_137 : vector<8x1024xf32>
    %max3A_139 = arith.maximumf %min3A_114, %max3A_137 : vector<8x1024xf32>
    %min3A_140 = arith.minimumf %min3A_116, %max3A_139 : vector<8x1024xf32>
    %max3A_141 = arith.maximumf %min3A_116, %max3A_139 : vector<8x1024xf32>
    %min3A_142 = arith.minimumf %min3A_118, %max3A_141 : vector<8x1024xf32>
    %max3A_143 = arith.maximumf %min3A_118, %max3A_141 : vector<8x1024xf32>
    %min3A_144 = arith.minimumf %min3A_120, %max3A_143 : vector<8x1024xf32>
    %get3A_145 = arith.constant 6 : index
    %get3A_146 = arith.constant 0 : index
    %get3A_147 = arith.constant 0 : index
    %get3A_148 = vector.load %arg1[%get3A_145, %get3A_146, %get3A_147] : memref<50x8x1024xf32, #tpu.memory_space<vmem>>, vector<1x8x1024xf32>
    %get3A_149 = vector.shape_cast %get3A_148 : vector<1x8x1024xf32> to vector<8x1024xf32>
    %add3A_150 = arith.addf %add3A_126, %get3A_149 : vector<8x1024xf32>
    %max3A_151 = arith.maximumf %max3A_127, %get3A_149 : vector<8x1024xf32>
    %min3A_152 = arith.minimumf %max3A_127, %get3A_149 : vector<8x1024xf32>
    %max3A_153 = arith.maximumf %max3A_129, %min3A_152 : vector<8x1024xf32>
    %min3A_154 = arith.minimumf %max3A_129, %min3A_152 : vector<8x1024xf32>
    %max3A_155 = arith.maximumf %max3A_131, %min3A_154 : vector<8x1024xf32>
    %min3A_156 = arith.minimumf %max3A_131, %min3A_154 : vector<8x1024xf32>
    %max3A_157 = arith.maximumf %max3A_133, %min3A_156 : vector<8x1024xf32>
    %min3A_158 = arith.minimumf %max3A_133, %min3A_156 : vector<8x1024xf32>
    %max3A_159 = arith.maximumf %max3A_135, %min3A_158 : vector<8x1024xf32>
    %min3A_160 = arith.minimumf %min3A_136, %get3A_149 : vector<8x1024xf32>
    %max3A_161 = arith.maximumf %min3A_136, %get3A_149 : vector<8x1024xf32>
    %min3A_162 = arith.minimumf %min3A_138, %max3A_161 : vector<8x1024xf32>
    %max3A_163 = arith.maximumf %min3A_138, %max3A_161 : vector<8x1024xf32>
    %min3A_164 = arith.minimumf %min3A_140, %max3A_163 : vector<8x1024xf32>
    %max3A_165 = arith.maximumf %min3A_140, %max3A_163 : vector<8x1024xf32>
    %min3A_166 = arith.minimumf %min3A_142, %max3A_165 : vector<8x1024xf32>
    %max3A_167 = arith.maximumf %min3A_142, %max3A_165 : vector<8x1024xf32>
    %min3A_168 = arith.minimumf %min3A_144, %max3A_167 : vector<8x1024xf32>
    %get3A_169 = arith.constant 7 : index
    %get3A_170 = arith.constant 0 : index
    %get3A_171 = arith.constant 0 : index
    %get3A_172 = vector.load %arg1[%get3A_169, %get3A_170, %get3A_171] : memref<50x8x1024xf32, #tpu.memory_space<vmem>>, vector<1x8x1024xf32>
    %get3A_173 = vector.shape_cast %get3A_172 : vector<1x8x1024xf32> to vector<8x1024xf32>
    %add3A_174 = arith.addf %add3A_150, %get3A_173 : vector<8x1024xf32>
    %max3A_175 = arith.maximumf %max3A_151, %get3A_173 : vector<8x1024xf32>
    %min3A_176 = arith.minimumf %max3A_151, %get3A_173 : vector<8x1024xf32>
    %max3A_177 = arith.maximumf %max3A_153, %min3A_176 : vector<8x1024xf32>
    %min3A_178 = arith.minimumf %max3A_153, %min3A_176 : vector<8x1024xf32>
    %max3A_179 = arith.maximumf %max3A_155, %min3A_178 : vector<8x1024xf32>
    %min3A_180 = arith.minimumf %max3A_155, %min3A_178 : vector<8x1024xf32>
    %max3A_181 = arith.maximumf %max3A_157, %min3A_180 : vector<8x1024xf32>
    %min3A_182 = arith.minimumf %max3A_157, %min3A_180 : vector<8x1024xf32>
    %max3A_183 = arith.maximumf %max3A_159, %min3A_182 : vector<8x1024xf32>
    %min3A_184 = arith.minimumf %min3A_160, %get3A_173 : vector<8x1024xf32>
    %max3A_185 = arith.maximumf %min3A_160, %get3A_173 : vector<8x1024xf32>
    %min3A_186 = arith.minimumf %min3A_162, %max3A_185 : vector<8x1024xf32>
    %max3A_187 = arith.maximumf %min3A_162, %max3A_185 : vector<8x1024xf32>
    %min3A_188 = arith.minimumf %min3A_164, %max3A_187 : vector<8x1024xf32>
    %max3A_189 = arith.maximumf %min3A_164, %max3A_187 : vector<8x1024xf32>
    %min3A_190 = arith.minimumf %min3A_166, %max3A_189 : vector<8x1024xf32>
    %max3A_191 = arith.maximumf %min3A_166, %max3A_189 : vector<8x1024xf32>
    %min3A_192 = arith.minimumf %min3A_168, %max3A_191 : vector<8x1024xf32>
    %get3A_193 = arith.constant 8 : index
    %get3A_194 = arith.constant 0 : index
    %get3A_195 = arith.constant 0 : index
    %get3A_196 = vector.load %arg1[%get3A_193, %get3A_194, %get3A_195] : memref<50x8x1024xf32, #tpu.memory_space<vmem>>, vector<1x8x1024xf32>
    %get3A_197 = vector.shape_cast %get3A_196 : vector<1x8x1024xf32> to vector<8x1024xf32>
    %add3A_198 = arith.addf %add3A_174, %get3A_197 : vector<8x1024xf32>
    %max3A_199 = arith.maximumf %max3A_175, %get3A_197 : vector<8x1024xf32>
    %min3A_200 = arith.minimumf %max3A_175, %get3A_197 : vector<8x1024xf32>
    %max3A_201 = arith.maximumf %max3A_177, %min3A_200 : vector<8x1024xf32>
    %min3A_202 = arith.minimumf %max3A_177, %min3A_200 : vector<8x1024xf32>
    %max3A_203 = arith.maximumf %max3A_179, %min3A_202 : vector<8x1024xf32>
    %min3A_204 = arith.minimumf %max3A_179, %min3A_202 : vector<8x1024xf32>
    %max3A_205 = arith.maximumf %max3A_181, %min3A_204 : vector<8x1024xf32>
    %min3A_206 = arith.minimumf %max3A_181, %min3A_204 : vector<8x1024xf32>
    %max3A_207 = arith.maximumf %max3A_183, %min3A_206 : vector<8x1024xf32>
    %min3A_208 = arith.minimumf %min3A_184, %get3A_197 : vector<8x1024xf32>
    %max3A_209 = arith.maximumf %min3A_184, %get3A_197 : vector<8x1024xf32>
    %min3A_210 = arith.minimumf %min3A_186, %max3A_209 : vector<8x1024xf32>
    %max3A_211 = arith.maximumf %min3A_186, %max3A_209 : vector<8x1024xf32>
    %min3A_212 = arith.minimumf %min3A_188, %max3A_211 : vector<8x1024xf32>
    %max3A_213 = arith.maximumf %min3A_188, %max3A_211 : vector<8x1024xf32>
    %min3A_214 = arith.minimumf %min3A_190, %max3A_213 : vector<8x1024xf32>
    %max3A_215 = arith.maximumf %min3A_190, %max3A_213 : vector<8x1024xf32>
    %min3A_216 = arith.minimumf %min3A_192, %max3A_215 : vector<8x1024xf32>
    %get3A_217 = arith.constant 9 : index
    %get3A_218 = arith.constant 0 : index
    %get3A_219 = arith.constant 0 : index
    %get3A_220 = vector.load %arg1[%get3A_217, %get3A_218, %get3A_219] : memref<50x8x1024xf32, #tpu.memory_space<vmem>>, vector<1x8x1024xf32>
    %get3A_221 = vector.shape_cast %get3A_220 : vector<1x8x1024xf32> to vector<8x1024xf32>
    %add3A_222 = arith.addf %add3A_198, %get3A_221 : vector<8x1024xf32>
    %max3A_223 = arith.maximumf %max3A_199, %get3A_221 : vector<8x1024xf32>
    %min3A_224 = arith.minimumf %max3A_199, %get3A_221 : vector<8x1024xf32>
    %max3A_225 = arith.maximumf %max3A_201, %min3A_224 : vector<8x1024xf32>
    %min3A_226 = arith.minimumf %max3A_201, %min3A_224 : vector<8x1024xf32>
    %max3A_227 = arith.maximumf %max3A_203, %min3A_226 : vector<8x1024xf32>
    %min3A_228 = arith.minimumf %max3A_203, %min3A_226 : vector<8x1024xf32>
    %max3A_229 = arith.maximumf %max3A_205, %min3A_228 : vector<8x1024xf32>
    %min3A_230 = arith.minimumf %max3A_205, %min3A_228 : vector<8x1024xf32>
    %max3A_231 = arith.maximumf %max3A_207, %min3A_230 : vector<8x1024xf32>
    %min3A_232 = arith.minimumf %min3A_208, %get3A_221 : vector<8x1024xf32>
    %max3A_233 = arith.maximumf %min3A_208, %get3A_221 : vector<8x1024xf32>
    %min3A_234 = arith.minimumf %min3A_210, %max3A_233 : vector<8x1024xf32>
    %max3A_235 = arith.maximumf %min3A_210, %max3A_233 : vector<8x1024xf32>
    %min3A_236 = arith.minimumf %min3A_212, %max3A_235 : vector<8x1024xf32>
    %max3A_237 = arith.maximumf %min3A_212, %max3A_235 : vector<8x1024xf32>
    %min3A_238 = arith.minimumf %min3A_214, %max3A_237 : vector<8x1024xf32>
    %max3A_239 = arith.maximumf %min3A_214, %max3A_237 : vector<8x1024xf32>
    %min3A_240 = arith.minimumf %min3A_216, %max3A_239 : vector<8x1024xf32>
    %get3A_241 = arith.constant 10 : index
    %get3A_242 = arith.constant 0 : index
    %get3A_243 = arith.constant 0 : index
    %get3A_244 = vector.load %arg1[%get3A_241, %get3A_242, %get3A_243] : memref<50x8x1024xf32, #tpu.memory_space<vmem>>, vector<1x8x1024xf32>
    %get3A_245 = vector.shape_cast %get3A_244 : vector<1x8x1024xf32> to vector<8x1024xf32>
    %add3A_246 = arith.addf %add3A_222, %get3A_245 : vector<8x1024xf32>
    %max3A_247 = arith.maximumf %max3A_223, %get3A_245 : vector<8x1024xf32>
    %min3A_248 = arith.minimumf %max3A_223, %get3A_245 : vector<8x1024xf32>
    %max3A_249 = arith.maximumf %max3A_225, %min3A_248 : vector<8x1024xf32>
    %min3A_250 = arith.minimumf %max3A_225, %min3A_248 : vector<8x1024xf32>
    %max3A_251 = arith.maximumf %max3A_227, %min3A_250 : vector<8x1024xf32>
    %min3A_252 = arith.minimumf %max3A_227, %min3A_250 : vector<8x1024xf32>
    %max3A_253 = arith.maximumf %max3A_229, %min3A_252 : vector<8x1024xf32>
    %min3A_254 = arith.minimumf %max3A_229, %min3A_252 : vector<8x1024xf32>
    %max3A_255 = arith.maximumf %max3A_231, %min3A_254 : vector<8x1024xf32>
    %min3A_256 = arith.minimumf %min3A_232, %get3A_245 : vector<8x1024xf32>
    %max3A_257 = arith.maximumf %min3A_232, %get3A_245 : vector<8x1024xf32>
    %min3A_258 = arith.minimumf %min3A_234, %max3A_257 : vector<8x1024xf32>
    %max3A_259 = arith.maximumf %min3A_234, %max3A_257 : vector<8x1024xf32>
    %min3A_260 = arith.minimumf %min3A_236, %max3A_259 : vector<8x1024xf32>
    %max3A_261 = arith.maximumf %min3A_236, %max3A_259 : vector<8x1024xf32>
    %min3A_262 = arith.minimumf %min3A_238, %max3A_261 : vector<8x1024xf32>
    %max3A_263 = arith.maximumf %min3A_238, %max3A_261 : vector<8x1024xf32>
    %min3A_264 = arith.minimumf %min3A_240, %max3A_263 : vector<8x1024xf32>
    %get3A_265 = arith.constant 11 : index
    %get3A_266 = arith.constant 0 : index
    %get3A_267 = arith.constant 0 : index
    %get3A_268 = vector.load %arg1[%get3A_265, %get3A_266, %get3A_267] : memref<50x8x1024xf32, #tpu.memory_space<vmem>>, vector<1x8x1024xf32>
    %get3A_269 = vector.shape_cast %get3A_268 : vector<1x8x1024xf32> to vector<8x1024xf32>
    %add3A_270 = arith.addf %add3A_246, %get3A_269 : vector<8x1024xf32>
    %max3A_271 = arith.maximumf %max3A_247, %get3A_269 : vector<8x1024xf32>
    %min3A_272 = arith.minimumf %max3A_247, %get3A_269 : vector<8x1024xf32>
    %max3A_273 = arith.maximumf %max3A_249, %min3A_272 : vector<8x1024xf32>
    %min3A_274 = arith.minimumf %max3A_249, %min3A_272 : vector<8x1024xf32>
    %max3A_275 = arith.maximumf %max3A_251, %min3A_274 : vector<8x1024xf32>
    %min3A_276 = arith.minimumf %max3A_251, %min3A_274 : vector<8x1024xf32>
    %max3A_277 = arith.maximumf %max3A_253, %min3A_276 : vector<8x1024xf32>
    %min3A_278 = arith.minimumf %max3A_253, %min3A_276 : vector<8x1024xf32>
    %max3A_279 = arith.maximumf %max3A_255, %min3A_278 : vector<8x1024xf32>
    %min3A_280 = arith.minimumf %min3A_256, %get3A_269 : vector<8x1024xf32>
    %max3A_281 = arith.maximumf %min3A_256, %get3A_269 : vector<8x1024xf32>
    %min3A_282 = arith.minimumf %min3A_258, %max3A_281 : vector<8x1024xf32>
    %max3A_283 = arith.maximumf %min3A_258, %max3A_281 : vector<8x1024xf32>
    %min3A_284 = arith.minimumf %min3A_260, %max3A_283 : vector<8x1024xf32>
    %max3A_285 = arith.maximumf %min3A_260, %max3A_283 : vector<8x1024xf32>
    %min3A_286 = arith.minimumf %min3A_262, %max3A_285 : vector<8x1024xf32>
    %max3A_287 = arith.maximumf %min3A_262, %max3A_285 : vector<8x1024xf32>
    %min3A_288 = arith.minimumf %min3A_264, %max3A_287 : vector<8x1024xf32>
    %get3A_289 = arith.constant 12 : index
    %get3A_290 = arith.constant 0 : index
    %get3A_291 = arith.constant 0 : index
    %get3A_292 = vector.load %arg1[%get3A_289, %get3A_290, %get3A_291] : memref<50x8x1024xf32, #tpu.memory_space<vmem>>, vector<1x8x1024xf32>
    %get3A_293 = vector.shape_cast %get3A_292 : vector<1x8x1024xf32> to vector<8x1024xf32>
    %add3A_294 = arith.addf %add3A_270, %get3A_293 : vector<8x1024xf32>
    %max3A_295 = arith.maximumf %max3A_271, %get3A_293 : vector<8x1024xf32>
    %min3A_296 = arith.minimumf %max3A_271, %get3A_293 : vector<8x1024xf32>
    %max3A_297 = arith.maximumf %max3A_273, %min3A_296 : vector<8x1024xf32>
    %min3A_298 = arith.minimumf %max3A_273, %min3A_296 : vector<8x1024xf32>
    %max3A_299 = arith.maximumf %max3A_275, %min3A_298 : vector<8x1024xf32>
    %min3A_300 = arith.minimumf %max3A_275, %min3A_298 : vector<8x1024xf32>
    %max3A_301 = arith.maximumf %max3A_277, %min3A_300 : vector<8x1024xf32>
    %min3A_302 = arith.minimumf %max3A_277, %min3A_300 : vector<8x1024xf32>
    %max3A_303 = arith.maximumf %max3A_279, %min3A_302 : vector<8x1024xf32>
    %min3A_304 = arith.minimumf %min3A_280, %get3A_293 : vector<8x1024xf32>
    %max3A_305 = arith.maximumf %min3A_280, %get3A_293 : vector<8x1024xf32>
    %min3A_306 = arith.minimumf %min3A_282, %max3A_305 : vector<8x1024xf32>
    %max3A_307 = arith.maximumf %min3A_282, %max3A_305 : vector<8x1024xf32>
    %min3A_308 = arith.minimumf %min3A_284, %max3A_307 : vector<8x1024xf32>
    %max3A_309 = arith.maximumf %min3A_284, %max3A_307 : vector<8x1024xf32>
    %min3A_310 = arith.minimumf %min3A_286, %max3A_309 : vector<8x1024xf32>
    %max3A_311 = arith.maximumf %min3A_286, %max3A_309 : vector<8x1024xf32>
    %min3A_312 = arith.minimumf %min3A_288, %max3A_311 : vector<8x1024xf32>
    %get3A_313 = arith.constant 13 : index
    %get3A_314 = arith.constant 0 : index
    %get3A_315 = arith.constant 0 : index
    %get3A_316 = vector.load %arg1[%get3A_313, %get3A_314, %get3A_315] : memref<50x8x1024xf32, #tpu.memory_space<vmem>>, vector<1x8x1024xf32>
    %get3A_317 = vector.shape_cast %get3A_316 : vector<1x8x1024xf32> to vector<8x1024xf32>
    %add3A_318 = arith.addf %add3A_294, %get3A_317 : vector<8x1024xf32>
    %max3A_319 = arith.maximumf %max3A_295, %get3A_317 : vector<8x1024xf32>
    %min3A_320 = arith.minimumf %max3A_295, %get3A_317 : vector<8x1024xf32>
    %max3A_321 = arith.maximumf %max3A_297, %min3A_320 : vector<8x1024xf32>
    %min3A_322 = arith.minimumf %max3A_297, %min3A_320 : vector<8x1024xf32>
    %max3A_323 = arith.maximumf %max3A_299, %min3A_322 : vector<8x1024xf32>
    %min3A_324 = arith.minimumf %max3A_299, %min3A_322 : vector<8x1024xf32>
    %max3A_325 = arith.maximumf %max3A_301, %min3A_324 : vector<8x1024xf32>
    %min3A_326 = arith.minimumf %max3A_301, %min3A_324 : vector<8x1024xf32>
    %max3A_327 = arith.maximumf %max3A_303, %min3A_326 : vector<8x1024xf32>
    %min3A_328 = arith.minimumf %min3A_304, %get3A_317 : vector<8x1024xf32>
    %max3A_329 = arith.maximumf %min3A_304, %get3A_317 : vector<8x1024xf32>
    %min3A_330 = arith.minimumf %min3A_306, %max3A_329 : vector<8x1024xf32>
    %max3A_331 = arith.maximumf %min3A_306, %max3A_329 : vector<8x1024xf32>
    %min3A_332 = arith.minimumf %min3A_308, %max3A_331 : vector<8x1024xf32>
    %max3A_333 = arith.maximumf %min3A_308, %max3A_331 : vector<8x1024xf32>
    %min3A_334 = arith.minimumf %min3A_310, %max3A_333 : vector<8x1024xf32>
    %max3A_335 = arith.maximumf %min3A_310, %max3A_333 : vector<8x1024xf32>
    %min3A_336 = arith.minimumf %min3A_312, %max3A_335 : vector<8x1024xf32>
    %get3A_337 = arith.constant 14 : index
    %get3A_338 = arith.constant 0 : index
    %get3A_339 = arith.constant 0 : index
    %get3A_340 = vector.load %arg1[%get3A_337, %get3A_338, %get3A_339] : memref<50x8x1024xf32, #tpu.memory_space<vmem>>, vector<1x8x1024xf32>
    %get3A_341 = vector.shape_cast %get3A_340 : vector<1x8x1024xf32> to vector<8x1024xf32>
    %add3A_342 = arith.addf %add3A_318, %get3A_341 : vector<8x1024xf32>
    %max3A_343 = arith.maximumf %max3A_319, %get3A_341 : vector<8x1024xf32>
    %min3A_344 = arith.minimumf %max3A_319, %get3A_341 : vector<8x1024xf32>
    %max3A_345 = arith.maximumf %max3A_321, %min3A_344 : vector<8x1024xf32>
    %min3A_346 = arith.minimumf %max3A_321, %min3A_344 : vector<8x1024xf32>
    %max3A_347 = arith.maximumf %max3A_323, %min3A_346 : vector<8x1024xf32>
    %min3A_348 = arith.minimumf %max3A_323, %min3A_346 : vector<8x1024xf32>
    %max3A_349 = arith.maximumf %max3A_325, %min3A_348 : vector<8x1024xf32>
    %min3A_350 = arith.minimumf %max3A_325, %min3A_348 : vector<8x1024xf32>
    %max3A_351 = arith.maximumf %max3A_327, %min3A_350 : vector<8x1024xf32>
    %min3A_352 = arith.minimumf %min3A_328, %get3A_341 : vector<8x1024xf32>
    %max3A_353 = arith.maximumf %min3A_328, %get3A_341 : vector<8x1024xf32>
    %min3A_354 = arith.minimumf %min3A_330, %max3A_353 : vector<8x1024xf32>
    %max3A_355 = arith.maximumf %min3A_330, %max3A_353 : vector<8x1024xf32>
    %min3A_356 = arith.minimumf %min3A_332, %max3A_355 : vector<8x1024xf32>
    %max3A_357 = arith.maximumf %min3A_332, %max3A_355 : vector<8x1024xf32>
    %min3A_358 = arith.minimumf %min3A_334, %max3A_357 : vector<8x1024xf32>
    %max3A_359 = arith.maximumf %min3A_334, %max3A_357 : vector<8x1024xf32>
    %min3A_360 = arith.minimumf %min3A_336, %max3A_359 : vector<8x1024xf32>
    %get3A_361 = arith.constant 15 : index
    %get3A_362 = arith.constant 0 : index
    %get3A_363 = arith.constant 0 : index
    %get3A_364 = vector.load %arg1[%get3A_361, %get3A_362, %get3A_363] : memref<50x8x1024xf32, #tpu.memory_space<vmem>>, vector<1x8x1024xf32>
    %get3A_365 = vector.shape_cast %get3A_364 : vector<1x8x1024xf32> to vector<8x1024xf32>
    %add3A_366 = arith.addf %add3A_342, %get3A_365 : vector<8x1024xf32>
    %max3A_367 = arith.maximumf %max3A_343, %get3A_365 : vector<8x1024xf32>
    %min3A_368 = arith.minimumf %max3A_343, %get3A_365 : vector<8x1024xf32>
    %max3A_369 = arith.maximumf %max3A_345, %min3A_368 : vector<8x1024xf32>
    %min3A_370 = arith.minimumf %max3A_345, %min3A_368 : vector<8x1024xf32>
    %max3A_371 = arith.maximumf %max3A_347, %min3A_370 : vector<8x1024xf32>
    %min3A_372 = arith.minimumf %max3A_347, %min3A_370 : vector<8x1024xf32>
    %max3A_373 = arith.maximumf %max3A_349, %min3A_372 : vector<8x1024xf32>
    %min3A_374 = arith.minimumf %max3A_349, %min3A_372 : vector<8x1024xf32>
    %max3A_375 = arith.maximumf %max3A_351, %min3A_374 : vector<8x1024xf32>
    %min3A_376 = arith.minimumf %min3A_352, %get3A_365 : vector<8x1024xf32>
    %max3A_377 = arith.maximumf %min3A_352, %get3A_365 : vector<8x1024xf32>
    %min3A_378 = arith.minimumf %min3A_354, %max3A_377 : vector<8x1024xf32>
    %max3A_379 = arith.maximumf %min3A_354, %max3A_377 : vector<8x1024xf32>
    %min3A_380 = arith.minimumf %min3A_356, %max3A_379 : vector<8x1024xf32>
    %max3A_381 = arith.maximumf %min3A_356, %max3A_379 : vector<8x1024xf32>
    %min3A_382 = arith.minimumf %min3A_358, %max3A_381 : vector<8x1024xf32>
    %max3A_383 = arith.maximumf %min3A_358, %max3A_381 : vector<8x1024xf32>
    %min3A_384 = arith.minimumf %min3A_360, %max3A_383 : vector<8x1024xf32>
    %get3A_385 = arith.constant 16 : index
    %get3A_386 = arith.constant 0 : index
    %get3A_387 = arith.constant 0 : index
    %get3A_388 = vector.load %arg1[%get3A_385, %get3A_386, %get3A_387] : memref<50x8x1024xf32, #tpu.memory_space<vmem>>, vector<1x8x1024xf32>
    %get3A_389 = vector.shape_cast %get3A_388 : vector<1x8x1024xf32> to vector<8x1024xf32>
    %add3A_390 = arith.addf %add3A_366, %get3A_389 : vector<8x1024xf32>
    %max3A_391 = arith.maximumf %max3A_367, %get3A_389 : vector<8x1024xf32>
    %min3A_392 = arith.minimumf %max3A_367, %get3A_389 : vector<8x1024xf32>
    %max3A_393 = arith.maximumf %max3A_369, %min3A_392 : vector<8x1024xf32>
    %min3A_394 = arith.minimumf %max3A_369, %min3A_392 : vector<8x1024xf32>
    %max3A_395 = arith.maximumf %max3A_371, %min3A_394 : vector<8x1024xf32>
    %min3A_396 = arith.minimumf %max3A_371, %min3A_394 : vector<8x1024xf32>
    %max3A_397 = arith.maximumf %max3A_373, %min3A_396 : vector<8x1024xf32>
    %min3A_398 = arith.minimumf %max3A_373, %min3A_396 : vector<8x1024xf32>
    %max3A_399 = arith.maximumf %max3A_375, %min3A_398 : vector<8x1024xf32>
    %min3A_400 = arith.minimumf %min3A_376, %get3A_389 : vector<8x1024xf32>
    %max3A_401 = arith.maximumf %min3A_376, %get3A_389 : vector<8x1024xf32>
    %min3A_402 = arith.minimumf %min3A_378, %max3A_401 : vector<8x1024xf32>
    %max3A_403 = arith.maximumf %min3A_378, %max3A_401 : vector<8x1024xf32>
    %min3A_404 = arith.minimumf %min3A_380, %max3A_403 : vector<8x1024xf32>
    %max3A_405 = arith.maximumf %min3A_380, %max3A_403 : vector<8x1024xf32>
    %min3A_406 = arith.minimumf %min3A_382, %max3A_405 : vector<8x1024xf32>
    %max3A_407 = arith.maximumf %min3A_382, %max3A_405 : vector<8x1024xf32>
    %min3A_408 = arith.minimumf %min3A_384, %max3A_407 : vector<8x1024xf32>
    %get3A_409 = arith.constant 17 : index
    %get3A_410 = arith.constant 0 : index
    %get3A_411 = arith.constant 0 : index
    %get3A_412 = vector.load %arg1[%get3A_409, %get3A_410, %get3A_411] : memref<50x8x1024xf32, #tpu.memory_space<vmem>>, vector<1x8x1024xf32>
    %get3A_413 = vector.shape_cast %get3A_412 : vector<1x8x1024xf32> to vector<8x1024xf32>
    %add3A_414 = arith.addf %add3A_390, %get3A_413 : vector<8x1024xf32>
    %max3A_415 = arith.maximumf %max3A_391, %get3A_413 : vector<8x1024xf32>
    %min3A_416 = arith.minimumf %max3A_391, %get3A_413 : vector<8x1024xf32>
    %max3A_417 = arith.maximumf %max3A_393, %min3A_416 : vector<8x1024xf32>
    %min3A_418 = arith.minimumf %max3A_393, %min3A_416 : vector<8x1024xf32>
    %max3A_419 = arith.maximumf %max3A_395, %min3A_418 : vector<8x1024xf32>
    %min3A_420 = arith.minimumf %max3A_395, %min3A_418 : vector<8x1024xf32>
    %max3A_421 = arith.maximumf %max3A_397, %min3A_420 : vector<8x1024xf32>
    %min3A_422 = arith.minimumf %max3A_397, %min3A_420 : vector<8x1024xf32>
    %max3A_423 = arith.maximumf %max3A_399, %min3A_422 : vector<8x1024xf32>
    %min3A_424 = arith.minimumf %min3A_400, %get3A_413 : vector<8x1024xf32>
    %max3A_425 = arith.maximumf %min3A_400, %get3A_413 : vector<8x1024xf32>
    %min3A_426 = arith.minimumf %min3A_402, %max3A_425 : vector<8x1024xf32>
    %max3A_427 = arith.maximumf %min3A_402, %max3A_425 : vector<8x1024xf32>
    %min3A_428 = arith.minimumf %min3A_404, %max3A_427 : vector<8x1024xf32>
    %max3A_429 = arith.maximumf %min3A_404, %max3A_427 : vector<8x1024xf32>
    %min3A_430 = arith.minimumf %min3A_406, %max3A_429 : vector<8x1024xf32>
    %max3A_431 = arith.maximumf %min3A_406, %max3A_429 : vector<8x1024xf32>
    %min3A_432 = arith.minimumf %min3A_408, %max3A_431 : vector<8x1024xf32>
    %get3A_433 = arith.constant 18 : index
    %get3A_434 = arith.constant 0 : index
    %get3A_435 = arith.constant 0 : index
    %get3A_436 = vector.load %arg1[%get3A_433, %get3A_434, %get3A_435] : memref<50x8x1024xf32, #tpu.memory_space<vmem>>, vector<1x8x1024xf32>
    %get3A_437 = vector.shape_cast %get3A_436 : vector<1x8x1024xf32> to vector<8x1024xf32>
    %add3A_438 = arith.addf %add3A_414, %get3A_437 : vector<8x1024xf32>
    %max3A_439 = arith.maximumf %max3A_415, %get3A_437 : vector<8x1024xf32>
    %min3A_440 = arith.minimumf %max3A_415, %get3A_437 : vector<8x1024xf32>
    %max3A_441 = arith.maximumf %max3A_417, %min3A_440 : vector<8x1024xf32>
    %min3A_442 = arith.minimumf %max3A_417, %min3A_440 : vector<8x1024xf32>
    %max3A_443 = arith.maximumf %max3A_419, %min3A_442 : vector<8x1024xf32>
    %min3A_444 = arith.minimumf %max3A_419, %min3A_442 : vector<8x1024xf32>
    %max3A_445 = arith.maximumf %max3A_421, %min3A_444 : vector<8x1024xf32>
    %min3A_446 = arith.minimumf %max3A_421, %min3A_444 : vector<8x1024xf32>
    %max3A_447 = arith.maximumf %max3A_423, %min3A_446 : vector<8x1024xf32>
    %min3A_448 = arith.minimumf %min3A_424, %get3A_437 : vector<8x1024xf32>
    %max3A_449 = arith.maximumf %min3A_424, %get3A_437 : vector<8x1024xf32>
    %min3A_450 = arith.minimumf %min3A_426, %max3A_449 : vector<8x1024xf32>
    %max3A_451 = arith.maximumf %min3A_426, %max3A_449 : vector<8x1024xf32>
    %min3A_452 = arith.minimumf %min3A_428, %max3A_451 : vector<8x1024xf32>
    %max3A_453 = arith.maximumf %min3A_428, %max3A_451 : vector<8x1024xf32>
    %min3A_454 = arith.minimumf %min3A_430, %max3A_453 : vector<8x1024xf32>
    %max3A_455 = arith.maximumf %min3A_430, %max3A_453 : vector<8x1024xf32>
    %min3A_456 = arith.minimumf %min3A_432, %max3A_455 : vector<8x1024xf32>
    %get3A_457 = arith.constant 19 : index
    %get3A_458 = arith.constant 0 : index
    %get3A_459 = arith.constant 0 : index
    %get3A_460 = vector.load %arg1[%get3A_457, %get3A_458, %get3A_459] : memref<50x8x1024xf32, #tpu.memory_space<vmem>>, vector<1x8x1024xf32>
    %get3A_461 = vector.shape_cast %get3A_460 : vector<1x8x1024xf32> to vector<8x1024xf32>
    %add3A_462 = arith.addf %add3A_438, %get3A_461 : vector<8x1024xf32>
    %max3A_463 = arith.maximumf %max3A_439, %get3A_461 : vector<8x1024xf32>
    %min3A_464 = arith.minimumf %max3A_439, %get3A_461 : vector<8x1024xf32>
    %max3A_465 = arith.maximumf %max3A_441, %min3A_464 : vector<8x1024xf32>
    %min3A_466 = arith.minimumf %max3A_441, %min3A_464 : vector<8x1024xf32>
    %max3A_467 = arith.maximumf %max3A_443, %min3A_466 : vector<8x1024xf32>
    %min3A_468 = arith.minimumf %max3A_443, %min3A_466 : vector<8x1024xf32>
    %max3A_469 = arith.maximumf %max3A_445, %min3A_468 : vector<8x1024xf32>
    %min3A_470 = arith.minimumf %max3A_445, %min3A_468 : vector<8x1024xf32>
    %max3A_471 = arith.maximumf %max3A_447, %min3A_470 : vector<8x1024xf32>
    %min3A_472 = arith.minimumf %min3A_448, %get3A_461 : vector<8x1024xf32>
    %max3A_473 = arith.maximumf %min3A_448, %get3A_461 : vector<8x1024xf32>
    %min3A_474 = arith.minimumf %min3A_450, %max3A_473 : vector<8x1024xf32>
    %max3A_475 = arith.maximumf %min3A_450, %max3A_473 : vector<8x1024xf32>
    %min3A_476 = arith.minimumf %min3A_452, %max3A_475 : vector<8x1024xf32>
    %max3A_477 = arith.maximumf %min3A_452, %max3A_475 : vector<8x1024xf32>
    %min3A_478 = arith.minimumf %min3A_454, %max3A_477 : vector<8x1024xf32>
    %max3A_479 = arith.maximumf %min3A_454, %max3A_477 : vector<8x1024xf32>
    %min3A_480 = arith.minimumf %min3A_456, %max3A_479 : vector<8x1024xf32>
    %get3A_481 = arith.constant 20 : index
    %get3A_482 = arith.constant 0 : index
    %get3A_483 = arith.constant 0 : index
    %get3A_484 = vector.load %arg1[%get3A_481, %get3A_482, %get3A_483] : memref<50x8x1024xf32, #tpu.memory_space<vmem>>, vector<1x8x1024xf32>
    %get3A_485 = vector.shape_cast %get3A_484 : vector<1x8x1024xf32> to vector<8x1024xf32>
    %add3A_486 = arith.addf %add3A_462, %get3A_485 : vector<8x1024xf32>
    %max3A_487 = arith.maximumf %max3A_463, %get3A_485 : vector<8x1024xf32>
    %min3A_488 = arith.minimumf %max3A_463, %get3A_485 : vector<8x1024xf32>
    %max3A_489 = arith.maximumf %max3A_465, %min3A_488 : vector<8x1024xf32>
    %min3A_490 = arith.minimumf %max3A_465, %min3A_488 : vector<8x1024xf32>
    %max3A_491 = arith.maximumf %max3A_467, %min3A_490 : vector<8x1024xf32>
    %min3A_492 = arith.minimumf %max3A_467, %min3A_490 : vector<8x1024xf32>
    %max3A_493 = arith.maximumf %max3A_469, %min3A_492 : vector<8x1024xf32>
    %min3A_494 = arith.minimumf %max3A_469, %min3A_492 : vector<8x1024xf32>
    %max3A_495 = arith.maximumf %max3A_471, %min3A_494 : vector<8x1024xf32>
    %min3A_496 = arith.minimumf %min3A_472, %get3A_485 : vector<8x1024xf32>
    %max3A_497 = arith.maximumf %min3A_472, %get3A_485 : vector<8x1024xf32>
    %min3A_498 = arith.minimumf %min3A_474, %max3A_497 : vector<8x1024xf32>
    %max3A_499 = arith.maximumf %min3A_474, %max3A_497 : vector<8x1024xf32>
    %min3A_500 = arith.minimumf %min3A_476, %max3A_499 : vector<8x1024xf32>
    %max3A_501 = arith.maximumf %min3A_476, %max3A_499 : vector<8x1024xf32>
    %min3A_502 = arith.minimumf %min3A_478, %max3A_501 : vector<8x1024xf32>
    %max3A_503 = arith.maximumf %min3A_478, %max3A_501 : vector<8x1024xf32>
    %min3A_504 = arith.minimumf %min3A_480, %max3A_503 : vector<8x1024xf32>
    %get3A_505 = arith.constant 21 : index
    %get3A_506 = arith.constant 0 : index
    %get3A_507 = arith.constant 0 : index
    %get3A_508 = vector.load %arg1[%get3A_505, %get3A_506, %get3A_507] : memref<50x8x1024xf32, #tpu.memory_space<vmem>>, vector<1x8x1024xf32>
    %get3A_509 = vector.shape_cast %get3A_508 : vector<1x8x1024xf32> to vector<8x1024xf32>
    %add3A_510 = arith.addf %add3A_486, %get3A_509 : vector<8x1024xf32>
    %max3A_511 = arith.maximumf %max3A_487, %get3A_509 : vector<8x1024xf32>
    %min3A_512 = arith.minimumf %max3A_487, %get3A_509 : vector<8x1024xf32>
    %max3A_513 = arith.maximumf %max3A_489, %min3A_512 : vector<8x1024xf32>
    %min3A_514 = arith.minimumf %max3A_489, %min3A_512 : vector<8x1024xf32>
    %max3A_515 = arith.maximumf %max3A_491, %min3A_514 : vector<8x1024xf32>
    %min3A_516 = arith.minimumf %max3A_491, %min3A_514 : vector<8x1024xf32>
    %max3A_517 = arith.maximumf %max3A_493, %min3A_516 : vector<8x1024xf32>
    %min3A_518 = arith.minimumf %max3A_493, %min3A_516 : vector<8x1024xf32>
    %max3A_519 = arith.maximumf %max3A_495, %min3A_518 : vector<8x1024xf32>
    %min3A_520 = arith.minimumf %min3A_496, %get3A_509 : vector<8x1024xf32>
    %max3A_521 = arith.maximumf %min3A_496, %get3A_509 : vector<8x1024xf32>
    %min3A_522 = arith.minimumf %min3A_498, %max3A_521 : vector<8x1024xf32>
    %max3A_523 = arith.maximumf %min3A_498, %max3A_521 : vector<8x1024xf32>
    %min3A_524 = arith.minimumf %min3A_500, %max3A_523 : vector<8x1024xf32>
    %max3A_525 = arith.maximumf %min3A_500, %max3A_523 : vector<8x1024xf32>
    %min3A_526 = arith.minimumf %min3A_502, %max3A_525 : vector<8x1024xf32>
    %max3A_527 = arith.maximumf %min3A_502, %max3A_525 : vector<8x1024xf32>
    %min3A_528 = arith.minimumf %min3A_504, %max3A_527 : vector<8x1024xf32>
    %get3A_529 = arith.constant 22 : index
    %get3A_530 = arith.constant 0 : index
    %get3A_531 = arith.constant 0 : index
    %get3A_532 = vector.load %arg1[%get3A_529, %get3A_530, %get3A_531] : memref<50x8x1024xf32, #tpu.memory_space<vmem>>, vector<1x8x1024xf32>
    %get3A_533 = vector.shape_cast %get3A_532 : vector<1x8x1024xf32> to vector<8x1024xf32>
    %add3A_534 = arith.addf %add3A_510, %get3A_533 : vector<8x1024xf32>
    %max3A_535 = arith.maximumf %max3A_511, %get3A_533 : vector<8x1024xf32>
    %min3A_536 = arith.minimumf %max3A_511, %get3A_533 : vector<8x1024xf32>
    %max3A_537 = arith.maximumf %max3A_513, %min3A_536 : vector<8x1024xf32>
    %min3A_538 = arith.minimumf %max3A_513, %min3A_536 : vector<8x1024xf32>
    %max3A_539 = arith.maximumf %max3A_515, %min3A_538 : vector<8x1024xf32>
    %min3A_540 = arith.minimumf %max3A_515, %min3A_538 : vector<8x1024xf32>
    %max3A_541 = arith.maximumf %max3A_517, %min3A_540 : vector<8x1024xf32>
    %min3A_542 = arith.minimumf %max3A_517, %min3A_540 : vector<8x1024xf32>
    %max3A_543 = arith.maximumf %max3A_519, %min3A_542 : vector<8x1024xf32>
    %min3A_544 = arith.minimumf %min3A_520, %get3A_533 : vector<8x1024xf32>
    %max3A_545 = arith.maximumf %min3A_520, %get3A_533 : vector<8x1024xf32>
    %min3A_546 = arith.minimumf %min3A_522, %max3A_545 : vector<8x1024xf32>
    %max3A_547 = arith.maximumf %min3A_522, %max3A_545 : vector<8x1024xf32>
    %min3A_548 = arith.minimumf %min3A_524, %max3A_547 : vector<8x1024xf32>
    %max3A_549 = arith.maximumf %min3A_524, %max3A_547 : vector<8x1024xf32>
    %min3A_550 = arith.minimumf %min3A_526, %max3A_549 : vector<8x1024xf32>
    %max3A_551 = arith.maximumf %min3A_526, %max3A_549 : vector<8x1024xf32>
    %min3A_552 = arith.minimumf %min3A_528, %max3A_551 : vector<8x1024xf32>
    %get3A_553 = arith.constant 23 : index
    %get3A_554 = arith.constant 0 : index
    %get3A_555 = arith.constant 0 : index
    %get3A_556 = vector.load %arg1[%get3A_553, %get3A_554, %get3A_555] : memref<50x8x1024xf32, #tpu.memory_space<vmem>>, vector<1x8x1024xf32>
    %get3A_557 = vector.shape_cast %get3A_556 : vector<1x8x1024xf32> to vector<8x1024xf32>
    %add3A_558 = arith.addf %add3A_534, %get3A_557 : vector<8x1024xf32>
    %max3A_559 = arith.maximumf %max3A_535, %get3A_557 : vector<8x1024xf32>
    %min3A_560 = arith.minimumf %max3A_535, %get3A_557 : vector<8x1024xf32>
    %max3A_561 = arith.maximumf %max3A_537, %min3A_560 : vector<8x1024xf32>
    %min3A_562 = arith.minimumf %max3A_537, %min3A_560 : vector<8x1024xf32>
    %max3A_563 = arith.maximumf %max3A_539, %min3A_562 : vector<8x1024xf32>
    %min3A_564 = arith.minimumf %max3A_539, %min3A_562 : vector<8x1024xf32>
    %max3A_565 = arith.maximumf %max3A_541, %min3A_564 : vector<8x1024xf32>
    %min3A_566 = arith.minimumf %max3A_541, %min3A_564 : vector<8x1024xf32>
    %max3A_567 = arith.maximumf %max3A_543, %min3A_566 : vector<8x1024xf32>
    %min3A_568 = arith.minimumf %min3A_544, %get3A_557 : vector<8x1024xf32>
    %max3A_569 = arith.maximumf %min3A_544, %get3A_557 : vector<8x1024xf32>
    %min3A_570 = arith.minimumf %min3A_546, %max3A_569 : vector<8x1024xf32>
    %max3A_571 = arith.maximumf %min3A_546, %max3A_569 : vector<8x1024xf32>
    %min3A_572 = arith.minimumf %min3A_548, %max3A_571 : vector<8x1024xf32>
    %max3A_573 = arith.maximumf %min3A_548, %max3A_571 : vector<8x1024xf32>
    %min3A_574 = arith.minimumf %min3A_550, %max3A_573 : vector<8x1024xf32>
    %max3A_575 = arith.maximumf %min3A_550, %max3A_573 : vector<8x1024xf32>
    %min3A_576 = arith.minimumf %min3A_552, %max3A_575 : vector<8x1024xf32>
    %get3A_577 = arith.constant 24 : index
    %get3A_578 = arith.constant 0 : index
    %get3A_579 = arith.constant 0 : index
    %get3A_580 = vector.load %arg1[%get3A_577, %get3A_578, %get3A_579] : memref<50x8x1024xf32, #tpu.memory_space<vmem>>, vector<1x8x1024xf32>
    %get3A_581 = vector.shape_cast %get3A_580 : vector<1x8x1024xf32> to vector<8x1024xf32>
    %add3A_582 = arith.addf %add3A_558, %get3A_581 : vector<8x1024xf32>
    %max3A_583 = arith.maximumf %max3A_559, %get3A_581 : vector<8x1024xf32>
    %min3A_584 = arith.minimumf %max3A_559, %get3A_581 : vector<8x1024xf32>
    %max3A_585 = arith.maximumf %max3A_561, %min3A_584 : vector<8x1024xf32>
    %min3A_586 = arith.minimumf %max3A_561, %min3A_584 : vector<8x1024xf32>
    %max3A_587 = arith.maximumf %max3A_563, %min3A_586 : vector<8x1024xf32>
    %min3A_588 = arith.minimumf %max3A_563, %min3A_586 : vector<8x1024xf32>
    %max3A_589 = arith.maximumf %max3A_565, %min3A_588 : vector<8x1024xf32>
    %min3A_590 = arith.minimumf %max3A_565, %min3A_588 : vector<8x1024xf32>
    %max3A_591 = arith.maximumf %max3A_567, %min3A_590 : vector<8x1024xf32>
    %min3A_592 = arith.minimumf %min3A_568, %get3A_581 : vector<8x1024xf32>
    %max3A_593 = arith.maximumf %min3A_568, %get3A_581 : vector<8x1024xf32>
    %min3A_594 = arith.minimumf %min3A_570, %max3A_593 : vector<8x1024xf32>
    %max3A_595 = arith.maximumf %min3A_570, %max3A_593 : vector<8x1024xf32>
    %min3A_596 = arith.minimumf %min3A_572, %max3A_595 : vector<8x1024xf32>
    %max3A_597 = arith.maximumf %min3A_572, %max3A_595 : vector<8x1024xf32>
    %min3A_598 = arith.minimumf %min3A_574, %max3A_597 : vector<8x1024xf32>
    %max3A_599 = arith.maximumf %min3A_574, %max3A_597 : vector<8x1024xf32>
    %min3A_600 = arith.minimumf %min3A_576, %max3A_599 : vector<8x1024xf32>
    %get3A_601 = arith.constant 25 : index
    %get3A_602 = arith.constant 0 : index
    %get3A_603 = arith.constant 0 : index
    %get3A_604 = vector.load %arg1[%get3A_601, %get3A_602, %get3A_603] : memref<50x8x1024xf32, #tpu.memory_space<vmem>>, vector<1x8x1024xf32>
    %get3A_605 = vector.shape_cast %get3A_604 : vector<1x8x1024xf32> to vector<8x1024xf32>
    %add3A_606 = arith.addf %add3A_582, %get3A_605 : vector<8x1024xf32>
    %max3A_607 = arith.maximumf %max3A_583, %get3A_605 : vector<8x1024xf32>
    %min3A_608 = arith.minimumf %max3A_583, %get3A_605 : vector<8x1024xf32>
    %max3A_609 = arith.maximumf %max3A_585, %min3A_608 : vector<8x1024xf32>
    %min3A_610 = arith.minimumf %max3A_585, %min3A_608 : vector<8x1024xf32>
    %max3A_611 = arith.maximumf %max3A_587, %min3A_610 : vector<8x1024xf32>
    %min3A_612 = arith.minimumf %max3A_587, %min3A_610 : vector<8x1024xf32>
    %max3A_613 = arith.maximumf %max3A_589, %min3A_612 : vector<8x1024xf32>
    %min3A_614 = arith.minimumf %max3A_589, %min3A_612 : vector<8x1024xf32>
    %max3A_615 = arith.maximumf %max3A_591, %min3A_614 : vector<8x1024xf32>
    %min3A_616 = arith.minimumf %min3A_592, %get3A_605 : vector<8x1024xf32>
    %max3A_617 = arith.maximumf %min3A_592, %get3A_605 : vector<8x1024xf32>
    %min3A_618 = arith.minimumf %min3A_594, %max3A_617 : vector<8x1024xf32>
    %max3A_619 = arith.maximumf %min3A_594, %max3A_617 : vector<8x1024xf32>
    %min3A_620 = arith.minimumf %min3A_596, %max3A_619 : vector<8x1024xf32>
    %max3A_621 = arith.maximumf %min3A_596, %max3A_619 : vector<8x1024xf32>
    %min3A_622 = arith.minimumf %min3A_598, %max3A_621 : vector<8x1024xf32>
    %max3A_623 = arith.maximumf %min3A_598, %max3A_621 : vector<8x1024xf32>
    %min3A_624 = arith.minimumf %min3A_600, %max3A_623 : vector<8x1024xf32>
    %get3A_625 = arith.constant 26 : index
    %get3A_626 = arith.constant 0 : index
    %get3A_627 = arith.constant 0 : index
    %get3A_628 = vector.load %arg1[%get3A_625, %get3A_626, %get3A_627] : memref<50x8x1024xf32, #tpu.memory_space<vmem>>, vector<1x8x1024xf32>
    %get3A_629 = vector.shape_cast %get3A_628 : vector<1x8x1024xf32> to vector<8x1024xf32>
    %add3A_630 = arith.addf %add3A_606, %get3A_629 : vector<8x1024xf32>
    %max3A_631 = arith.maximumf %max3A_607, %get3A_629 : vector<8x1024xf32>
    %min3A_632 = arith.minimumf %max3A_607, %get3A_629 : vector<8x1024xf32>
    %max3A_633 = arith.maximumf %max3A_609, %min3A_632 : vector<8x1024xf32>
    %min3A_634 = arith.minimumf %max3A_609, %min3A_632 : vector<8x1024xf32>
    %max3A_635 = arith.maximumf %max3A_611, %min3A_634 : vector<8x1024xf32>
    %min3A_636 = arith.minimumf %max3A_611, %min3A_634 : vector<8x1024xf32>
    %max3A_637 = arith.maximumf %max3A_613, %min3A_636 : vector<8x1024xf32>
    %min3A_638 = arith.minimumf %max3A_613, %min3A_636 : vector<8x1024xf32>
    %max3A_639 = arith.maximumf %max3A_615, %min3A_638 : vector<8x1024xf32>
    %min3A_640 = arith.minimumf %min3A_616, %get3A_629 : vector<8x1024xf32>
    %max3A_641 = arith.maximumf %min3A_616, %get3A_629 : vector<8x1024xf32>
    %min3A_642 = arith.minimumf %min3A_618, %max3A_641 : vector<8x1024xf32>
    %max3A_643 = arith.maximumf %min3A_618, %max3A_641 : vector<8x1024xf32>
    %min3A_644 = arith.minimumf %min3A_620, %max3A_643 : vector<8x1024xf32>
    %max3A_645 = arith.maximumf %min3A_620, %max3A_643 : vector<8x1024xf32>
    %min3A_646 = arith.minimumf %min3A_622, %max3A_645 : vector<8x1024xf32>
    %max3A_647 = arith.maximumf %min3A_622, %max3A_645 : vector<8x1024xf32>
    %min3A_648 = arith.minimumf %min3A_624, %max3A_647 : vector<8x1024xf32>
    %get3A_649 = arith.constant 27 : index
    %get3A_650 = arith.constant 0 : index
    %get3A_651 = arith.constant 0 : index
    %get3A_652 = vector.load %arg1[%get3A_649, %get3A_650, %get3A_651] : memref<50x8x1024xf32, #tpu.memory_space<vmem>>, vector<1x8x1024xf32>
    %get3A_653 = vector.shape_cast %get3A_652 : vector<1x8x1024xf32> to vector<8x1024xf32>
    %add3A_654 = arith.addf %add3A_630, %get3A_653 : vector<8x1024xf32>
    %max3A_655 = arith.maximumf %max3A_631, %get3A_653 : vector<8x1024xf32>
    %min3A_656 = arith.minimumf %max3A_631, %get3A_653 : vector<8x1024xf32>
    %max3A_657 = arith.maximumf %max3A_633, %min3A_656 : vector<8x1024xf32>
    %min3A_658 = arith.minimumf %max3A_633, %min3A_656 : vector<8x1024xf32>
    %max3A_659 = arith.maximumf %max3A_635, %min3A_658 : vector<8x1024xf32>
    %min3A_660 = arith.minimumf %max3A_635, %min3A_658 : vector<8x1024xf32>
    %max3A_661 = arith.maximumf %max3A_637, %min3A_660 : vector<8x1024xf32>
    %min3A_662 = arith.minimumf %max3A_637, %min3A_660 : vector<8x1024xf32>
    %max3A_663 = arith.maximumf %max3A_639, %min3A_662 : vector<8x1024xf32>
    %min3A_664 = arith.minimumf %min3A_640, %get3A_653 : vector<8x1024xf32>
    %max3A_665 = arith.maximumf %min3A_640, %get3A_653 : vector<8x1024xf32>
    %min3A_666 = arith.minimumf %min3A_642, %max3A_665 : vector<8x1024xf32>
    %max3A_667 = arith.maximumf %min3A_642, %max3A_665 : vector<8x1024xf32>
    %min3A_668 = arith.minimumf %min3A_644, %max3A_667 : vector<8x1024xf32>
    %max3A_669 = arith.maximumf %min3A_644, %max3A_667 : vector<8x1024xf32>
    %min3A_670 = arith.minimumf %min3A_646, %max3A_669 : vector<8x1024xf32>
    %max3A_671 = arith.maximumf %min3A_646, %max3A_669 : vector<8x1024xf32>
    %min3A_672 = arith.minimumf %min3A_648, %max3A_671 : vector<8x1024xf32>
    %get3A_673 = arith.constant 28 : index
    %get3A_674 = arith.constant 0 : index
    %get3A_675 = arith.constant 0 : index
    %get3A_676 = vector.load %arg1[%get3A_673, %get3A_674, %get3A_675] : memref<50x8x1024xf32, #tpu.memory_space<vmem>>, vector<1x8x1024xf32>
    %get3A_677 = vector.shape_cast %get3A_676 : vector<1x8x1024xf32> to vector<8x1024xf32>
    %add3A_678 = arith.addf %add3A_654, %get3A_677 : vector<8x1024xf32>
    %max3A_679 = arith.maximumf %max3A_655, %get3A_677 : vector<8x1024xf32>
    %min3A_680 = arith.minimumf %max3A_655, %get3A_677 : vector<8x1024xf32>
    %max3A_681 = arith.maximumf %max3A_657, %min3A_680 : vector<8x1024xf32>
    %min3A_682 = arith.minimumf %max3A_657, %min3A_680 : vector<8x1024xf32>
    %max3A_683 = arith.maximumf %max3A_659, %min3A_682 : vector<8x1024xf32>
    %min3A_684 = arith.minimumf %max3A_659, %min3A_682 : vector<8x1024xf32>
    %max3A_685 = arith.maximumf %max3A_661, %min3A_684 : vector<8x1024xf32>
    %min3A_686 = arith.minimumf %max3A_661, %min3A_684 : vector<8x1024xf32>
    %max3A_687 = arith.maximumf %max3A_663, %min3A_686 : vector<8x1024xf32>
    %min3A_688 = arith.minimumf %min3A_664, %get3A_677 : vector<8x1024xf32>
    %max3A_689 = arith.maximumf %min3A_664, %get3A_677 : vector<8x1024xf32>
    %min3A_690 = arith.minimumf %min3A_666, %max3A_689 : vector<8x1024xf32>
    %max3A_691 = arith.maximumf %min3A_666, %max3A_689 : vector<8x1024xf32>
    %min3A_692 = arith.minimumf %min3A_668, %max3A_691 : vector<8x1024xf32>
    %max3A_693 = arith.maximumf %min3A_668, %max3A_691 : vector<8x1024xf32>
    %min3A_694 = arith.minimumf %min3A_670, %max3A_693 : vector<8x1024xf32>
    %max3A_695 = arith.maximumf %min3A_670, %max3A_693 : vector<8x1024xf32>
    %min3A_696 = arith.minimumf %min3A_672, %max3A_695 : vector<8x1024xf32>
    %get3A_697 = arith.constant 29 : index
    %get3A_698 = arith.constant 0 : index
    %get3A_699 = arith.constant 0 : index
    %get3A_700 = vector.load %arg1[%get3A_697, %get3A_698, %get3A_699] : memref<50x8x1024xf32, #tpu.memory_space<vmem>>, vector<1x8x1024xf32>
    %get3A_701 = vector.shape_cast %get3A_700 : vector<1x8x1024xf32> to vector<8x1024xf32>
    %add3A_702 = arith.addf %add3A_678, %get3A_701 : vector<8x1024xf32>
    %max3A_703 = arith.maximumf %max3A_679, %get3A_701 : vector<8x1024xf32>
    %min3A_704 = arith.minimumf %max3A_679, %get3A_701 : vector<8x1024xf32>
    %max3A_705 = arith.maximumf %max3A_681, %min3A_704 : vector<8x1024xf32>
    %min3A_706 = arith.minimumf %max3A_681, %min3A_704 : vector<8x1024xf32>
    %max3A_707 = arith.maximumf %max3A_683, %min3A_706 : vector<8x1024xf32>
    %min3A_708 = arith.minimumf %max3A_683, %min3A_706 : vector<8x1024xf32>
    %max3A_709 = arith.maximumf %max3A_685, %min3A_708 : vector<8x1024xf32>
    %min3A_710 = arith.minimumf %max3A_685, %min3A_708 : vector<8x1024xf32>
    %max3A_711 = arith.maximumf %max3A_687, %min3A_710 : vector<8x1024xf32>
    %min3A_712 = arith.minimumf %min3A_688, %get3A_701 : vector<8x1024xf32>
    %max3A_713 = arith.maximumf %min3A_688, %get3A_701 : vector<8x1024xf32>
    %min3A_714 = arith.minimumf %min3A_690, %max3A_713 : vector<8x1024xf32>
    %max3A_715 = arith.maximumf %min3A_690, %max3A_713 : vector<8x1024xf32>
    %min3A_716 = arith.minimumf %min3A_692, %max3A_715 : vector<8x1024xf32>
    %max3A_717 = arith.maximumf %min3A_692, %max3A_715 : vector<8x1024xf32>
    %min3A_718 = arith.minimumf %min3A_694, %max3A_717 : vector<8x1024xf32>
    %max3A_719 = arith.maximumf %min3A_694, %max3A_717 : vector<8x1024xf32>
    %min3A_720 = arith.minimumf %min3A_696, %max3A_719 : vector<8x1024xf32>
    %get3A_721 = arith.constant 30 : index
    %get3A_722 = arith.constant 0 : index
    %get3A_723 = arith.constant 0 : index
    %get3A_724 = vector.load %arg1[%get3A_721, %get3A_722, %get3A_723] : memref<50x8x1024xf32, #tpu.memory_space<vmem>>, vector<1x8x1024xf32>
    %get3A_725 = vector.shape_cast %get3A_724 : vector<1x8x1024xf32> to vector<8x1024xf32>
    %add3A_726 = arith.addf %add3A_702, %get3A_725 : vector<8x1024xf32>
    %max3A_727 = arith.maximumf %max3A_703, %get3A_725 : vector<8x1024xf32>
    %min3A_728 = arith.minimumf %max3A_703, %get3A_725 : vector<8x1024xf32>
    %max3A_729 = arith.maximumf %max3A_705, %min3A_728 : vector<8x1024xf32>
    %min3A_730 = arith.minimumf %max3A_705, %min3A_728 : vector<8x1024xf32>
    %max3A_731 = arith.maximumf %max3A_707, %min3A_730 : vector<8x1024xf32>
    %min3A_732 = arith.minimumf %max3A_707, %min3A_730 : vector<8x1024xf32>
    %max3A_733 = arith.maximumf %max3A_709, %min3A_732 : vector<8x1024xf32>
    %min3A_734 = arith.minimumf %max3A_709, %min3A_732 : vector<8x1024xf32>
    %max3A_735 = arith.maximumf %max3A_711, %min3A_734 : vector<8x1024xf32>
    %min3A_736 = arith.minimumf %min3A_712, %get3A_725 : vector<8x1024xf32>
    %max3A_737 = arith.maximumf %min3A_712, %get3A_725 : vector<8x1024xf32>
    %min3A_738 = arith.minimumf %min3A_714, %max3A_737 : vector<8x1024xf32>
    %max3A_739 = arith.maximumf %min3A_714, %max3A_737 : vector<8x1024xf32>
    %min3A_740 = arith.minimumf %min3A_716, %max3A_739 : vector<8x1024xf32>
    %max3A_741 = arith.maximumf %min3A_716, %max3A_739 : vector<8x1024xf32>
    %min3A_742 = arith.minimumf %min3A_718, %max3A_741 : vector<8x1024xf32>
    %max3A_743 = arith.maximumf %min3A_718, %max3A_741 : vector<8x1024xf32>
    %min3A_744 = arith.minimumf %min3A_720, %max3A_743 : vector<8x1024xf32>
    %get3A_745 = arith.constant 31 : index
    %get3A_746 = arith.constant 0 : index
    %get3A_747 = arith.constant 0 : index
    %get3A_748 = vector.load %arg1[%get3A_745, %get3A_746, %get3A_747] : memref<50x8x1024xf32, #tpu.memory_space<vmem>>, vector<1x8x1024xf32>
    %get3A_749 = vector.shape_cast %get3A_748 : vector<1x8x1024xf32> to vector<8x1024xf32>
    %add3A_750 = arith.addf %add3A_726, %get3A_749 : vector<8x1024xf32>
    %max3A_751 = arith.maximumf %max3A_727, %get3A_749 : vector<8x1024xf32>
    %min3A_752 = arith.minimumf %max3A_727, %get3A_749 : vector<8x1024xf32>
    %max3A_753 = arith.maximumf %max3A_729, %min3A_752 : vector<8x1024xf32>
    %min3A_754 = arith.minimumf %max3A_729, %min3A_752 : vector<8x1024xf32>
    %max3A_755 = arith.maximumf %max3A_731, %min3A_754 : vector<8x1024xf32>
    %min3A_756 = arith.minimumf %max3A_731, %min3A_754 : vector<8x1024xf32>
    %max3A_757 = arith.maximumf %max3A_733, %min3A_756 : vector<8x1024xf32>
    %min3A_758 = arith.minimumf %max3A_733, %min3A_756 : vector<8x1024xf32>
    %max3A_759 = arith.maximumf %max3A_735, %min3A_758 : vector<8x1024xf32>
    %min3A_760 = arith.minimumf %min3A_736, %get3A_749 : vector<8x1024xf32>
    %max3A_761 = arith.maximumf %min3A_736, %get3A_749 : vector<8x1024xf32>
    %min3A_762 = arith.minimumf %min3A_738, %max3A_761 : vector<8x1024xf32>
    %max3A_763 = arith.maximumf %min3A_738, %max3A_761 : vector<8x1024xf32>
    %min3A_764 = arith.minimumf %min3A_740, %max3A_763 : vector<8x1024xf32>
    %max3A_765 = arith.maximumf %min3A_740, %max3A_763 : vector<8x1024xf32>
    %min3A_766 = arith.minimumf %min3A_742, %max3A_765 : vector<8x1024xf32>
    %max3A_767 = arith.maximumf %min3A_742, %max3A_765 : vector<8x1024xf32>
    %min3A_768 = arith.minimumf %min3A_744, %max3A_767 : vector<8x1024xf32>
    %get3A_769 = arith.constant 32 : index
    %get3A_770 = arith.constant 0 : index
    %get3A_771 = arith.constant 0 : index
    %get3A_772 = vector.load %arg1[%get3A_769, %get3A_770, %get3A_771] : memref<50x8x1024xf32, #tpu.memory_space<vmem>>, vector<1x8x1024xf32>
    %get3A_773 = vector.shape_cast %get3A_772 : vector<1x8x1024xf32> to vector<8x1024xf32>
    %add3A_774 = arith.addf %add3A_750, %get3A_773 : vector<8x1024xf32>
    %max3A_775 = arith.maximumf %max3A_751, %get3A_773 : vector<8x1024xf32>
    %min3A_776 = arith.minimumf %max3A_751, %get3A_773 : vector<8x1024xf32>
    %max3A_777 = arith.maximumf %max3A_753, %min3A_776 : vector<8x1024xf32>
    %min3A_778 = arith.minimumf %max3A_753, %min3A_776 : vector<8x1024xf32>
    %max3A_779 = arith.maximumf %max3A_755, %min3A_778 : vector<8x1024xf32>
    %min3A_780 = arith.minimumf %max3A_755, %min3A_778 : vector<8x1024xf32>
    %max3A_781 = arith.maximumf %max3A_757, %min3A_780 : vector<8x1024xf32>
    %min3A_782 = arith.minimumf %max3A_757, %min3A_780 : vector<8x1024xf32>
    %max3A_783 = arith.maximumf %max3A_759, %min3A_782 : vector<8x1024xf32>
    %min3A_784 = arith.minimumf %min3A_760, %get3A_773 : vector<8x1024xf32>
    %max3A_785 = arith.maximumf %min3A_760, %get3A_773 : vector<8x1024xf32>
    %min3A_786 = arith.minimumf %min3A_762, %max3A_785 : vector<8x1024xf32>
    %max3A_787 = arith.maximumf %min3A_762, %max3A_785 : vector<8x1024xf32>
    %min3A_788 = arith.minimumf %min3A_764, %max3A_787 : vector<8x1024xf32>
    %max3A_789 = arith.maximumf %min3A_764, %max3A_787 : vector<8x1024xf32>
    %min3A_790 = arith.minimumf %min3A_766, %max3A_789 : vector<8x1024xf32>
    %max3A_791 = arith.maximumf %min3A_766, %max3A_789 : vector<8x1024xf32>
    %min3A_792 = arith.minimumf %min3A_768, %max3A_791 : vector<8x1024xf32>
    %get3A_793 = arith.constant 33 : index
    %get3A_794 = arith.constant 0 : index
    %get3A_795 = arith.constant 0 : index
    %get3A_796 = vector.load %arg1[%get3A_793, %get3A_794, %get3A_795] : memref<50x8x1024xf32, #tpu.memory_space<vmem>>, vector<1x8x1024xf32>
    %get3A_797 = vector.shape_cast %get3A_796 : vector<1x8x1024xf32> to vector<8x1024xf32>
    %add3A_798 = arith.addf %add3A_774, %get3A_797 : vector<8x1024xf32>
    %max3A_799 = arith.maximumf %max3A_775, %get3A_797 : vector<8x1024xf32>
    %min3A_800 = arith.minimumf %max3A_775, %get3A_797 : vector<8x1024xf32>
    %max3A_801 = arith.maximumf %max3A_777, %min3A_800 : vector<8x1024xf32>
    %min3A_802 = arith.minimumf %max3A_777, %min3A_800 : vector<8x1024xf32>
    %max3A_803 = arith.maximumf %max3A_779, %min3A_802 : vector<8x1024xf32>
    %min3A_804 = arith.minimumf %max3A_779, %min3A_802 : vector<8x1024xf32>
    %max3A_805 = arith.maximumf %max3A_781, %min3A_804 : vector<8x1024xf32>
    %min3A_806 = arith.minimumf %max3A_781, %min3A_804 : vector<8x1024xf32>
    %max3A_807 = arith.maximumf %max3A_783, %min3A_806 : vector<8x1024xf32>
    %min3A_808 = arith.minimumf %min3A_784, %get3A_797 : vector<8x1024xf32>
    %max3A_809 = arith.maximumf %min3A_784, %get3A_797 : vector<8x1024xf32>
    %min3A_810 = arith.minimumf %min3A_786, %max3A_809 : vector<8x1024xf32>
    %max3A_811 = arith.maximumf %min3A_786, %max3A_809 : vector<8x1024xf32>
    %min3A_812 = arith.minimumf %min3A_788, %max3A_811 : vector<8x1024xf32>
    %max3A_813 = arith.maximumf %min3A_788, %max3A_811 : vector<8x1024xf32>
    %min3A_814 = arith.minimumf %min3A_790, %max3A_813 : vector<8x1024xf32>
    %max3A_815 = arith.maximumf %min3A_790, %max3A_813 : vector<8x1024xf32>
    %min3A_816 = arith.minimumf %min3A_792, %max3A_815 : vector<8x1024xf32>
    %get3A_817 = arith.constant 34 : index
    %get3A_818 = arith.constant 0 : index
    %get3A_819 = arith.constant 0 : index
    %get3A_820 = vector.load %arg1[%get3A_817, %get3A_818, %get3A_819] : memref<50x8x1024xf32, #tpu.memory_space<vmem>>, vector<1x8x1024xf32>
    %get3A_821 = vector.shape_cast %get3A_820 : vector<1x8x1024xf32> to vector<8x1024xf32>
    %add3A_822 = arith.addf %add3A_798, %get3A_821 : vector<8x1024xf32>
    %max3A_823 = arith.maximumf %max3A_799, %get3A_821 : vector<8x1024xf32>
    %min3A_824 = arith.minimumf %max3A_799, %get3A_821 : vector<8x1024xf32>
    %max3A_825 = arith.maximumf %max3A_801, %min3A_824 : vector<8x1024xf32>
    %min3A_826 = arith.minimumf %max3A_801, %min3A_824 : vector<8x1024xf32>
    %max3A_827 = arith.maximumf %max3A_803, %min3A_826 : vector<8x1024xf32>
    %min3A_828 = arith.minimumf %max3A_803, %min3A_826 : vector<8x1024xf32>
    %max3A_829 = arith.maximumf %max3A_805, %min3A_828 : vector<8x1024xf32>
    %min3A_830 = arith.minimumf %max3A_805, %min3A_828 : vector<8x1024xf32>
    %max3A_831 = arith.maximumf %max3A_807, %min3A_830 : vector<8x1024xf32>
    %min3A_832 = arith.minimumf %min3A_808, %get3A_821 : vector<8x1024xf32>
    %max3A_833 = arith.maximumf %min3A_808, %get3A_821 : vector<8x1024xf32>
    %min3A_834 = arith.minimumf %min3A_810, %max3A_833 : vector<8x1024xf32>
    %max3A_835 = arith.maximumf %min3A_810, %max3A_833 : vector<8x1024xf32>
    %min3A_836 = arith.minimumf %min3A_812, %max3A_835 : vector<8x1024xf32>
    %max3A_837 = arith.maximumf %min3A_812, %max3A_835 : vector<8x1024xf32>
    %min3A_838 = arith.minimumf %min3A_814, %max3A_837 : vector<8x1024xf32>
    %max3A_839 = arith.maximumf %min3A_814, %max3A_837 : vector<8x1024xf32>
    %min3A_840 = arith.minimumf %min3A_816, %max3A_839 : vector<8x1024xf32>
    %get3A_841 = arith.constant 35 : index
    %get3A_842 = arith.constant 0 : index
    %get3A_843 = arith.constant 0 : index
    %get3A_844 = vector.load %arg1[%get3A_841, %get3A_842, %get3A_843] : memref<50x8x1024xf32, #tpu.memory_space<vmem>>, vector<1x8x1024xf32>
    %get3A_845 = vector.shape_cast %get3A_844 : vector<1x8x1024xf32> to vector<8x1024xf32>
    %add3A_846 = arith.addf %add3A_822, %get3A_845 : vector<8x1024xf32>
    %max3A_847 = arith.maximumf %max3A_823, %get3A_845 : vector<8x1024xf32>
    %min3A_848 = arith.minimumf %max3A_823, %get3A_845 : vector<8x1024xf32>
    %max3A_849 = arith.maximumf %max3A_825, %min3A_848 : vector<8x1024xf32>
    %min3A_850 = arith.minimumf %max3A_825, %min3A_848 : vector<8x1024xf32>
    %max3A_851 = arith.maximumf %max3A_827, %min3A_850 : vector<8x1024xf32>
    %min3A_852 = arith.minimumf %max3A_827, %min3A_850 : vector<8x1024xf32>
    %max3A_853 = arith.maximumf %max3A_829, %min3A_852 : vector<8x1024xf32>
    %min3A_854 = arith.minimumf %max3A_829, %min3A_852 : vector<8x1024xf32>
    %max3A_855 = arith.maximumf %max3A_831, %min3A_854 : vector<8x1024xf32>
    %min3A_856 = arith.minimumf %min3A_832, %get3A_845 : vector<8x1024xf32>
    %max3A_857 = arith.maximumf %min3A_832, %get3A_845 : vector<8x1024xf32>
    %min3A_858 = arith.minimumf %min3A_834, %max3A_857 : vector<8x1024xf32>
    %max3A_859 = arith.maximumf %min3A_834, %max3A_857 : vector<8x1024xf32>
    %min3A_860 = arith.minimumf %min3A_836, %max3A_859 : vector<8x1024xf32>
    %max3A_861 = arith.maximumf %min3A_836, %max3A_859 : vector<8x1024xf32>
    %min3A_862 = arith.minimumf %min3A_838, %max3A_861 : vector<8x1024xf32>
    %max3A_863 = arith.maximumf %min3A_838, %max3A_861 : vector<8x1024xf32>
    %min3A_864 = arith.minimumf %min3A_840, %max3A_863 : vector<8x1024xf32>
    %get3A_865 = arith.constant 36 : index
    %get3A_866 = arith.constant 0 : index
    %get3A_867 = arith.constant 0 : index
    %get3A_868 = vector.load %arg1[%get3A_865, %get3A_866, %get3A_867] : memref<50x8x1024xf32, #tpu.memory_space<vmem>>, vector<1x8x1024xf32>
    %get3A_869 = vector.shape_cast %get3A_868 : vector<1x8x1024xf32> to vector<8x1024xf32>
    %add3A_870 = arith.addf %add3A_846, %get3A_869 : vector<8x1024xf32>
    %max3A_871 = arith.maximumf %max3A_847, %get3A_869 : vector<8x1024xf32>
    %min3A_872 = arith.minimumf %max3A_847, %get3A_869 : vector<8x1024xf32>
    %max3A_873 = arith.maximumf %max3A_849, %min3A_872 : vector<8x1024xf32>
    %min3A_874 = arith.minimumf %max3A_849, %min3A_872 : vector<8x1024xf32>
    %max3A_875 = arith.maximumf %max3A_851, %min3A_874 : vector<8x1024xf32>
    %min3A_876 = arith.minimumf %max3A_851, %min3A_874 : vector<8x1024xf32>
    %max3A_877 = arith.maximumf %max3A_853, %min3A_876 : vector<8x1024xf32>
    %min3A_878 = arith.minimumf %max3A_853, %min3A_876 : vector<8x1024xf32>
    %max3A_879 = arith.maximumf %max3A_855, %min3A_878 : vector<8x1024xf32>
    %min3A_880 = arith.minimumf %min3A_856, %get3A_869 : vector<8x1024xf32>
    %max3A_881 = arith.maximumf %min3A_856, %get3A_869 : vector<8x1024xf32>
    %min3A_882 = arith.minimumf %min3A_858, %max3A_881 : vector<8x1024xf32>
    %max3A_883 = arith.maximumf %min3A_858, %max3A_881 : vector<8x1024xf32>
    %min3A_884 = arith.minimumf %min3A_860, %max3A_883 : vector<8x1024xf32>
    %max3A_885 = arith.maximumf %min3A_860, %max3A_883 : vector<8x1024xf32>
    %min3A_886 = arith.minimumf %min3A_862, %max3A_885 : vector<8x1024xf32>
    %max3A_887 = arith.maximumf %min3A_862, %max3A_885 : vector<8x1024xf32>
    %min3A_888 = arith.minimumf %min3A_864, %max3A_887 : vector<8x1024xf32>
    %get3A_889 = arith.constant 37 : index
    %get3A_890 = arith.constant 0 : index
    %get3A_891 = arith.constant 0 : index
    %get3A_892 = vector.load %arg1[%get3A_889, %get3A_890, %get3A_891] : memref<50x8x1024xf32, #tpu.memory_space<vmem>>, vector<1x8x1024xf32>
    %get3A_893 = vector.shape_cast %get3A_892 : vector<1x8x1024xf32> to vector<8x1024xf32>
    %add3A_894 = arith.addf %add3A_870, %get3A_893 : vector<8x1024xf32>
    %max3A_895 = arith.maximumf %max3A_871, %get3A_893 : vector<8x1024xf32>
    %min3A_896 = arith.minimumf %max3A_871, %get3A_893 : vector<8x1024xf32>
    %max3A_897 = arith.maximumf %max3A_873, %min3A_896 : vector<8x1024xf32>
    %min3A_898 = arith.minimumf %max3A_873, %min3A_896 : vector<8x1024xf32>
    %max3A_899 = arith.maximumf %max3A_875, %min3A_898 : vector<8x1024xf32>
    %min3A_900 = arith.minimumf %max3A_875, %min3A_898 : vector<8x1024xf32>
    %max3A_901 = arith.maximumf %max3A_877, %min3A_900 : vector<8x1024xf32>
    %min3A_902 = arith.minimumf %max3A_877, %min3A_900 : vector<8x1024xf32>
    %max3A_903 = arith.maximumf %max3A_879, %min3A_902 : vector<8x1024xf32>
    %min3A_904 = arith.minimumf %min3A_880, %get3A_893 : vector<8x1024xf32>
    %max3A_905 = arith.maximumf %min3A_880, %get3A_893 : vector<8x1024xf32>
    %min3A_906 = arith.minimumf %min3A_882, %max3A_905 : vector<8x1024xf32>
    %max3A_907 = arith.maximumf %min3A_882, %max3A_905 : vector<8x1024xf32>
    %min3A_908 = arith.minimumf %min3A_884, %max3A_907 : vector<8x1024xf32>
    %max3A_909 = arith.maximumf %min3A_884, %max3A_907 : vector<8x1024xf32>
    %min3A_910 = arith.minimumf %min3A_886, %max3A_909 : vector<8x1024xf32>
    %max3A_911 = arith.maximumf %min3A_886, %max3A_909 : vector<8x1024xf32>
    %min3A_912 = arith.minimumf %min3A_888, %max3A_911 : vector<8x1024xf32>
    %get3A_913 = arith.constant 38 : index
    %get3A_914 = arith.constant 0 : index
    %get3A_915 = arith.constant 0 : index
    %get3A_916 = vector.load %arg1[%get3A_913, %get3A_914, %get3A_915] : memref<50x8x1024xf32, #tpu.memory_space<vmem>>, vector<1x8x1024xf32>
    %get3A_917 = vector.shape_cast %get3A_916 : vector<1x8x1024xf32> to vector<8x1024xf32>
    %add3A_918 = arith.addf %add3A_894, %get3A_917 : vector<8x1024xf32>
    %max3A_919 = arith.maximumf %max3A_895, %get3A_917 : vector<8x1024xf32>
    %min3A_920 = arith.minimumf %max3A_895, %get3A_917 : vector<8x1024xf32>
    %max3A_921 = arith.maximumf %max3A_897, %min3A_920 : vector<8x1024xf32>
    %min3A_922 = arith.minimumf %max3A_897, %min3A_920 : vector<8x1024xf32>
    %max3A_923 = arith.maximumf %max3A_899, %min3A_922 : vector<8x1024xf32>
    %min3A_924 = arith.minimumf %max3A_899, %min3A_922 : vector<8x1024xf32>
    %max3A_925 = arith.maximumf %max3A_901, %min3A_924 : vector<8x1024xf32>
    %min3A_926 = arith.minimumf %max3A_901, %min3A_924 : vector<8x1024xf32>
    %max3A_927 = arith.maximumf %max3A_903, %min3A_926 : vector<8x1024xf32>
    %min3A_928 = arith.minimumf %min3A_904, %get3A_917 : vector<8x1024xf32>
    %max3A_929 = arith.maximumf %min3A_904, %get3A_917 : vector<8x1024xf32>
    %min3A_930 = arith.minimumf %min3A_906, %max3A_929 : vector<8x1024xf32>
    %max3A_931 = arith.maximumf %min3A_906, %max3A_929 : vector<8x1024xf32>
    %min3A_932 = arith.minimumf %min3A_908, %max3A_931 : vector<8x1024xf32>
    %max3A_933 = arith.maximumf %min3A_908, %max3A_931 : vector<8x1024xf32>
    %min3A_934 = arith.minimumf %min3A_910, %max3A_933 : vector<8x1024xf32>
    %max3A_935 = arith.maximumf %min3A_910, %max3A_933 : vector<8x1024xf32>
    %min3A_936 = arith.minimumf %min3A_912, %max3A_935 : vector<8x1024xf32>
    %get3A_937 = arith.constant 39 : index
    %get3A_938 = arith.constant 0 : index
    %get3A_939 = arith.constant 0 : index
    %get3A_940 = vector.load %arg1[%get3A_937, %get3A_938, %get3A_939] : memref<50x8x1024xf32, #tpu.memory_space<vmem>>, vector<1x8x1024xf32>
    %get3A_941 = vector.shape_cast %get3A_940 : vector<1x8x1024xf32> to vector<8x1024xf32>
    %add3A_942 = arith.addf %add3A_918, %get3A_941 : vector<8x1024xf32>
    %max3A_943 = arith.maximumf %max3A_919, %get3A_941 : vector<8x1024xf32>
    %min3A_944 = arith.minimumf %max3A_919, %get3A_941 : vector<8x1024xf32>
    %max3A_945 = arith.maximumf %max3A_921, %min3A_944 : vector<8x1024xf32>
    %min3A_946 = arith.minimumf %max3A_921, %min3A_944 : vector<8x1024xf32>
    %max3A_947 = arith.maximumf %max3A_923, %min3A_946 : vector<8x1024xf32>
    %min3A_948 = arith.minimumf %max3A_923, %min3A_946 : vector<8x1024xf32>
    %max3A_949 = arith.maximumf %max3A_925, %min3A_948 : vector<8x1024xf32>
    %min3A_950 = arith.minimumf %max3A_925, %min3A_948 : vector<8x1024xf32>
    %max3A_951 = arith.maximumf %max3A_927, %min3A_950 : vector<8x1024xf32>
    %min3A_952 = arith.minimumf %min3A_928, %get3A_941 : vector<8x1024xf32>
    %max3A_953 = arith.maximumf %min3A_928, %get3A_941 : vector<8x1024xf32>
    %min3A_954 = arith.minimumf %min3A_930, %max3A_953 : vector<8x1024xf32>
    %max3A_955 = arith.maximumf %min3A_930, %max3A_953 : vector<8x1024xf32>
    %min3A_956 = arith.minimumf %min3A_932, %max3A_955 : vector<8x1024xf32>
    %max3A_957 = arith.maximumf %min3A_932, %max3A_955 : vector<8x1024xf32>
    %min3A_958 = arith.minimumf %min3A_934, %max3A_957 : vector<8x1024xf32>
    %max3A_959 = arith.maximumf %min3A_934, %max3A_957 : vector<8x1024xf32>
    %min3A_960 = arith.minimumf %min3A_936, %max3A_959 : vector<8x1024xf32>
    %get3A_961 = arith.constant 40 : index
    %get3A_962 = arith.constant 0 : index
    %get3A_963 = arith.constant 0 : index
    %get3A_964 = vector.load %arg1[%get3A_961, %get3A_962, %get3A_963] : memref<50x8x1024xf32, #tpu.memory_space<vmem>>, vector<1x8x1024xf32>
    %get3A_965 = vector.shape_cast %get3A_964 : vector<1x8x1024xf32> to vector<8x1024xf32>
    %add3A_966 = arith.addf %add3A_942, %get3A_965 : vector<8x1024xf32>
    %max3A_967 = arith.maximumf %max3A_943, %get3A_965 : vector<8x1024xf32>
    %min3A_968 = arith.minimumf %max3A_943, %get3A_965 : vector<8x1024xf32>
    %max3A_969 = arith.maximumf %max3A_945, %min3A_968 : vector<8x1024xf32>
    %min3A_970 = arith.minimumf %max3A_945, %min3A_968 : vector<8x1024xf32>
    %max3A_971 = arith.maximumf %max3A_947, %min3A_970 : vector<8x1024xf32>
    %min3A_972 = arith.minimumf %max3A_947, %min3A_970 : vector<8x1024xf32>
    %max3A_973 = arith.maximumf %max3A_949, %min3A_972 : vector<8x1024xf32>
    %min3A_974 = arith.minimumf %max3A_949, %min3A_972 : vector<8x1024xf32>
    %max3A_975 = arith.maximumf %max3A_951, %min3A_974 : vector<8x1024xf32>
    %min3A_976 = arith.minimumf %min3A_952, %get3A_965 : vector<8x1024xf32>
    %max3A_977 = arith.maximumf %min3A_952, %get3A_965 : vector<8x1024xf32>
    %min3A_978 = arith.minimumf %min3A_954, %max3A_977 : vector<8x1024xf32>
    %max3A_979 = arith.maximumf %min3A_954, %max3A_977 : vector<8x1024xf32>
    %min3A_980 = arith.minimumf %min3A_956, %max3A_979 : vector<8x1024xf32>
    %max3A_981 = arith.maximumf %min3A_956, %max3A_979 : vector<8x1024xf32>
    %min3A_982 = arith.minimumf %min3A_958, %max3A_981 : vector<8x1024xf32>
    %max3A_983 = arith.maximumf %min3A_958, %max3A_981 : vector<8x1024xf32>
    %min3A_984 = arith.minimumf %min3A_960, %max3A_983 : vector<8x1024xf32>
    %get3A_985 = arith.constant 41 : index
    %get3A_986 = arith.constant 0 : index
    %get3A_987 = arith.constant 0 : index
    %get3A_988 = vector.load %arg1[%get3A_985, %get3A_986, %get3A_987] : memref<50x8x1024xf32, #tpu.memory_space<vmem>>, vector<1x8x1024xf32>
    %get3A_989 = vector.shape_cast %get3A_988 : vector<1x8x1024xf32> to vector<8x1024xf32>
    %add3A_990 = arith.addf %add3A_966, %get3A_989 : vector<8x1024xf32>
    %max3A_991 = arith.maximumf %max3A_967, %get3A_989 : vector<8x1024xf32>
    %min3A_992 = arith.minimumf %max3A_967, %get3A_989 : vector<8x1024xf32>
    %max3A_993 = arith.maximumf %max3A_969, %min3A_992 : vector<8x1024xf32>
    %min3A_994 = arith.minimumf %max3A_969, %min3A_992 : vector<8x1024xf32>
    %max3A_995 = arith.maximumf %max3A_971, %min3A_994 : vector<8x1024xf32>
    %min3A_996 = arith.minimumf %max3A_971, %min3A_994 : vector<8x1024xf32>
    %max3A_997 = arith.maximumf %max3A_973, %min3A_996 : vector<8x1024xf32>
    %min3A_998 = arith.minimumf %max3A_973, %min3A_996 : vector<8x1024xf32>
    %max3A_999 = arith.maximumf %max3A_975, %min3A_998 : vector<8x1024xf32>
    %min3A_1000 = arith.minimumf %min3A_976, %get3A_989 : vector<8x1024xf32>
    %max3A_1001 = arith.maximumf %min3A_976, %get3A_989 : vector<8x1024xf32>
    %min3A_1002 = arith.minimumf %min3A_978, %max3A_1001 : vector<8x1024xf32>
    %max3A_1003 = arith.maximumf %min3A_978, %max3A_1001 : vector<8x1024xf32>
    %min3A_1004 = arith.minimumf %min3A_980, %max3A_1003 : vector<8x1024xf32>
    %max3A_1005 = arith.maximumf %min3A_980, %max3A_1003 : vector<8x1024xf32>
    %min3A_1006 = arith.minimumf %min3A_982, %max3A_1005 : vector<8x1024xf32>
    %max3A_1007 = arith.maximumf %min3A_982, %max3A_1005 : vector<8x1024xf32>
    %min3A_1008 = arith.minimumf %min3A_984, %max3A_1007 : vector<8x1024xf32>
    %get3A_1009 = arith.constant 42 : index
    %get3A_1010 = arith.constant 0 : index
    %get3A_1011 = arith.constant 0 : index
    %get3A_1012 = vector.load %arg1[%get3A_1009, %get3A_1010, %get3A_1011] : memref<50x8x1024xf32, #tpu.memory_space<vmem>>, vector<1x8x1024xf32>
    %get3A_1013 = vector.shape_cast %get3A_1012 : vector<1x8x1024xf32> to vector<8x1024xf32>
    %add3A_1014 = arith.addf %add3A_990, %get3A_1013 : vector<8x1024xf32>
    %max3A_1015 = arith.maximumf %max3A_991, %get3A_1013 : vector<8x1024xf32>
    %min3A_1016 = arith.minimumf %max3A_991, %get3A_1013 : vector<8x1024xf32>
    %max3A_1017 = arith.maximumf %max3A_993, %min3A_1016 : vector<8x1024xf32>
    %min3A_1018 = arith.minimumf %max3A_993, %min3A_1016 : vector<8x1024xf32>
    %max3A_1019 = arith.maximumf %max3A_995, %min3A_1018 : vector<8x1024xf32>
    %min3A_1020 = arith.minimumf %max3A_995, %min3A_1018 : vector<8x1024xf32>
    %max3A_1021 = arith.maximumf %max3A_997, %min3A_1020 : vector<8x1024xf32>
    %min3A_1022 = arith.minimumf %max3A_997, %min3A_1020 : vector<8x1024xf32>
    %max3A_1023 = arith.maximumf %max3A_999, %min3A_1022 : vector<8x1024xf32>
    %min3A_1024 = arith.minimumf %min3A_1000, %get3A_1013 : vector<8x1024xf32>
    %max3A_1025 = arith.maximumf %min3A_1000, %get3A_1013 : vector<8x1024xf32>
    %min3A_1026 = arith.minimumf %min3A_1002, %max3A_1025 : vector<8x1024xf32>
    %max3A_1027 = arith.maximumf %min3A_1002, %max3A_1025 : vector<8x1024xf32>
    %min3A_1028 = arith.minimumf %min3A_1004, %max3A_1027 : vector<8x1024xf32>
    %max3A_1029 = arith.maximumf %min3A_1004, %max3A_1027 : vector<8x1024xf32>
    %min3A_1030 = arith.minimumf %min3A_1006, %max3A_1029 : vector<8x1024xf32>
    %max3A_1031 = arith.maximumf %min3A_1006, %max3A_1029 : vector<8x1024xf32>
    %min3A_1032 = arith.minimumf %min3A_1008, %max3A_1031 : vector<8x1024xf32>
    %get3A_1033 = arith.constant 43 : index
    %get3A_1034 = arith.constant 0 : index
    %get3A_1035 = arith.constant 0 : index
    %get3A_1036 = vector.load %arg1[%get3A_1033, %get3A_1034, %get3A_1035] : memref<50x8x1024xf32, #tpu.memory_space<vmem>>, vector<1x8x1024xf32>
    %get3A_1037 = vector.shape_cast %get3A_1036 : vector<1x8x1024xf32> to vector<8x1024xf32>
    %add3A_1038 = arith.addf %add3A_1014, %get3A_1037 : vector<8x1024xf32>
    %max3A_1039 = arith.maximumf %max3A_1015, %get3A_1037 : vector<8x1024xf32>
    %min3A_1040 = arith.minimumf %max3A_1015, %get3A_1037 : vector<8x1024xf32>
    %max3A_1041 = arith.maximumf %max3A_1017, %min3A_1040 : vector<8x1024xf32>
    %min3A_1042 = arith.minimumf %max3A_1017, %min3A_1040 : vector<8x1024xf32>
    %max3A_1043 = arith.maximumf %max3A_1019, %min3A_1042 : vector<8x1024xf32>
    %min3A_1044 = arith.minimumf %max3A_1019, %min3A_1042 : vector<8x1024xf32>
    %max3A_1045 = arith.maximumf %max3A_1021, %min3A_1044 : vector<8x1024xf32>
    %min3A_1046 = arith.minimumf %max3A_1021, %min3A_1044 : vector<8x1024xf32>
    %max3A_1047 = arith.maximumf %max3A_1023, %min3A_1046 : vector<8x1024xf32>
    %min3A_1048 = arith.minimumf %min3A_1024, %get3A_1037 : vector<8x1024xf32>
    %max3A_1049 = arith.maximumf %min3A_1024, %get3A_1037 : vector<8x1024xf32>
    %min3A_1050 = arith.minimumf %min3A_1026, %max3A_1049 : vector<8x1024xf32>
    %max3A_1051 = arith.maximumf %min3A_1026, %max3A_1049 : vector<8x1024xf32>
    %min3A_1052 = arith.minimumf %min3A_1028, %max3A_1051 : vector<8x1024xf32>
    %max3A_1053 = arith.maximumf %min3A_1028, %max3A_1051 : vector<8x1024xf32>
    %min3A_1054 = arith.minimumf %min3A_1030, %max3A_1053 : vector<8x1024xf32>
    %max3A_1055 = arith.maximumf %min3A_1030, %max3A_1053 : vector<8x1024xf32>
    %min3A_1056 = arith.minimumf %min3A_1032, %max3A_1055 : vector<8x1024xf32>
    %get3A_1057 = arith.constant 44 : index
    %get3A_1058 = arith.constant 0 : index
    %get3A_1059 = arith.constant 0 : index
    %get3A_1060 = vector.load %arg1[%get3A_1057, %get3A_1058, %get3A_1059] : memref<50x8x1024xf32, #tpu.memory_space<vmem>>, vector<1x8x1024xf32>
    %get3A_1061 = vector.shape_cast %get3A_1060 : vector<1x8x1024xf32> to vector<8x1024xf32>
    %add3A_1062 = arith.addf %add3A_1038, %get3A_1061 : vector<8x1024xf32>
    %max3A_1063 = arith.maximumf %max3A_1039, %get3A_1061 : vector<8x1024xf32>
    %min3A_1064 = arith.minimumf %max3A_1039, %get3A_1061 : vector<8x1024xf32>
    %max3A_1065 = arith.maximumf %max3A_1041, %min3A_1064 : vector<8x1024xf32>
    %min3A_1066 = arith.minimumf %max3A_1041, %min3A_1064 : vector<8x1024xf32>
    %max3A_1067 = arith.maximumf %max3A_1043, %min3A_1066 : vector<8x1024xf32>
    %min3A_1068 = arith.minimumf %max3A_1043, %min3A_1066 : vector<8x1024xf32>
    %max3A_1069 = arith.maximumf %max3A_1045, %min3A_1068 : vector<8x1024xf32>
    %min3A_1070 = arith.minimumf %max3A_1045, %min3A_1068 : vector<8x1024xf32>
    %max3A_1071 = arith.maximumf %max3A_1047, %min3A_1070 : vector<8x1024xf32>
    %min3A_1072 = arith.minimumf %min3A_1048, %get3A_1061 : vector<8x1024xf32>
    %max3A_1073 = arith.maximumf %min3A_1048, %get3A_1061 : vector<8x1024xf32>
    %min3A_1074 = arith.minimumf %min3A_1050, %max3A_1073 : vector<8x1024xf32>
    %max3A_1075 = arith.maximumf %min3A_1050, %max3A_1073 : vector<8x1024xf32>
    %min3A_1076 = arith.minimumf %min3A_1052, %max3A_1075 : vector<8x1024xf32>
    %max3A_1077 = arith.maximumf %min3A_1052, %max3A_1075 : vector<8x1024xf32>
    %min3A_1078 = arith.minimumf %min3A_1054, %max3A_1077 : vector<8x1024xf32>
    %max3A_1079 = arith.maximumf %min3A_1054, %max3A_1077 : vector<8x1024xf32>
    %min3A_1080 = arith.minimumf %min3A_1056, %max3A_1079 : vector<8x1024xf32>
    %get3A_1081 = arith.constant 45 : index
    %get3A_1082 = arith.constant 0 : index
    %get3A_1083 = arith.constant 0 : index
    %get3A_1084 = vector.load %arg1[%get3A_1081, %get3A_1082, %get3A_1083] : memref<50x8x1024xf32, #tpu.memory_space<vmem>>, vector<1x8x1024xf32>
    %get3A_1085 = vector.shape_cast %get3A_1084 : vector<1x8x1024xf32> to vector<8x1024xf32>
    %add3A_1086 = arith.addf %add3A_1062, %get3A_1085 : vector<8x1024xf32>
    %max3A_1087 = arith.maximumf %max3A_1063, %get3A_1085 : vector<8x1024xf32>
    %min3A_1088 = arith.minimumf %max3A_1063, %get3A_1085 : vector<8x1024xf32>
    %max3A_1089 = arith.maximumf %max3A_1065, %min3A_1088 : vector<8x1024xf32>
    %min3A_1090 = arith.minimumf %max3A_1065, %min3A_1088 : vector<8x1024xf32>
    %max3A_1091 = arith.maximumf %max3A_1067, %min3A_1090 : vector<8x1024xf32>
    %min3A_1092 = arith.minimumf %max3A_1067, %min3A_1090 : vector<8x1024xf32>
    %max3A_1093 = arith.maximumf %max3A_1069, %min3A_1092 : vector<8x1024xf32>
    %min3A_1094 = arith.minimumf %max3A_1069, %min3A_1092 : vector<8x1024xf32>
    %max3A_1095 = arith.maximumf %max3A_1071, %min3A_1094 : vector<8x1024xf32>
    %min3A_1096 = arith.minimumf %min3A_1072, %get3A_1085 : vector<8x1024xf32>
    %max3A_1097 = arith.maximumf %min3A_1072, %get3A_1085 : vector<8x1024xf32>
    %min3A_1098 = arith.minimumf %min3A_1074, %max3A_1097 : vector<8x1024xf32>
    %max3A_1099 = arith.maximumf %min3A_1074, %max3A_1097 : vector<8x1024xf32>
    %min3A_1100 = arith.minimumf %min3A_1076, %max3A_1099 : vector<8x1024xf32>
    %max3A_1101 = arith.maximumf %min3A_1076, %max3A_1099 : vector<8x1024xf32>
    %min3A_1102 = arith.minimumf %min3A_1078, %max3A_1101 : vector<8x1024xf32>
    %max3A_1103 = arith.maximumf %min3A_1078, %max3A_1101 : vector<8x1024xf32>
    %min3A_1104 = arith.minimumf %min3A_1080, %max3A_1103 : vector<8x1024xf32>
    %get3A_1105 = arith.constant 46 : index
    %get3A_1106 = arith.constant 0 : index
    %get3A_1107 = arith.constant 0 : index
    %get3A_1108 = vector.load %arg1[%get3A_1105, %get3A_1106, %get3A_1107] : memref<50x8x1024xf32, #tpu.memory_space<vmem>>, vector<1x8x1024xf32>
    %get3A_1109 = vector.shape_cast %get3A_1108 : vector<1x8x1024xf32> to vector<8x1024xf32>
    %add3A_1110 = arith.addf %add3A_1086, %get3A_1109 : vector<8x1024xf32>
    %max3A_1111 = arith.maximumf %max3A_1087, %get3A_1109 : vector<8x1024xf32>
    %min3A_1112 = arith.minimumf %max3A_1087, %get3A_1109 : vector<8x1024xf32>
    %max3A_1113 = arith.maximumf %max3A_1089, %min3A_1112 : vector<8x1024xf32>
    %min3A_1114 = arith.minimumf %max3A_1089, %min3A_1112 : vector<8x1024xf32>
    %max3A_1115 = arith.maximumf %max3A_1091, %min3A_1114 : vector<8x1024xf32>
    %min3A_1116 = arith.minimumf %max3A_1091, %min3A_1114 : vector<8x1024xf32>
    %max3A_1117 = arith.maximumf %max3A_1093, %min3A_1116 : vector<8x1024xf32>
    %min3A_1118 = arith.minimumf %max3A_1093, %min3A_1116 : vector<8x1024xf32>
    %max3A_1119 = arith.maximumf %max3A_1095, %min3A_1118 : vector<8x1024xf32>
    %min3A_1120 = arith.minimumf %min3A_1096, %get3A_1109 : vector<8x1024xf32>
    %max3A_1121 = arith.maximumf %min3A_1096, %get3A_1109 : vector<8x1024xf32>
    %min3A_1122 = arith.minimumf %min3A_1098, %max3A_1121 : vector<8x1024xf32>
    %max3A_1123 = arith.maximumf %min3A_1098, %max3A_1121 : vector<8x1024xf32>
    %min3A_1124 = arith.minimumf %min3A_1100, %max3A_1123 : vector<8x1024xf32>
    %max3A_1125 = arith.maximumf %min3A_1100, %max3A_1123 : vector<8x1024xf32>
    %min3A_1126 = arith.minimumf %min3A_1102, %max3A_1125 : vector<8x1024xf32>
    %max3A_1127 = arith.maximumf %min3A_1102, %max3A_1125 : vector<8x1024xf32>
    %min3A_1128 = arith.minimumf %min3A_1104, %max3A_1127 : vector<8x1024xf32>
    %get3A_1129 = arith.constant 47 : index
    %get3A_1130 = arith.constant 0 : index
    %get3A_1131 = arith.constant 0 : index
    %get3A_1132 = vector.load %arg1[%get3A_1129, %get3A_1130, %get3A_1131] : memref<50x8x1024xf32, #tpu.memory_space<vmem>>, vector<1x8x1024xf32>
    %get3A_1133 = vector.shape_cast %get3A_1132 : vector<1x8x1024xf32> to vector<8x1024xf32>
    %add3A_1134 = arith.addf %add3A_1110, %get3A_1133 : vector<8x1024xf32>
    %max3A_1135 = arith.maximumf %max3A_1111, %get3A_1133 : vector<8x1024xf32>
    %min3A_1136 = arith.minimumf %max3A_1111, %get3A_1133 : vector<8x1024xf32>
    %max3A_1137 = arith.maximumf %max3A_1113, %min3A_1136 : vector<8x1024xf32>
    %min3A_1138 = arith.minimumf %max3A_1113, %min3A_1136 : vector<8x1024xf32>
    %max3A_1139 = arith.maximumf %max3A_1115, %min3A_1138 : vector<8x1024xf32>
    %min3A_1140 = arith.minimumf %max3A_1115, %min3A_1138 : vector<8x1024xf32>
    %max3A_1141 = arith.maximumf %max3A_1117, %min3A_1140 : vector<8x1024xf32>
    %min3A_1142 = arith.minimumf %max3A_1117, %min3A_1140 : vector<8x1024xf32>
    %max3A_1143 = arith.maximumf %max3A_1119, %min3A_1142 : vector<8x1024xf32>
    %min3A_1144 = arith.minimumf %min3A_1120, %get3A_1133 : vector<8x1024xf32>
    %max3A_1145 = arith.maximumf %min3A_1120, %get3A_1133 : vector<8x1024xf32>
    %min3A_1146 = arith.minimumf %min3A_1122, %max3A_1145 : vector<8x1024xf32>
    %max3A_1147 = arith.maximumf %min3A_1122, %max3A_1145 : vector<8x1024xf32>
    %min3A_1148 = arith.minimumf %min3A_1124, %max3A_1147 : vector<8x1024xf32>
    %max3A_1149 = arith.maximumf %min3A_1124, %max3A_1147 : vector<8x1024xf32>
    %min3A_1150 = arith.minimumf %min3A_1126, %max3A_1149 : vector<8x1024xf32>
    %max3A_1151 = arith.maximumf %min3A_1126, %max3A_1149 : vector<8x1024xf32>
    %min3A_1152 = arith.minimumf %min3A_1128, %max3A_1151 : vector<8x1024xf32>
    %get3A_1153 = arith.constant 48 : index
    %get3A_1154 = arith.constant 0 : index
    %get3A_1155 = arith.constant 0 : index
    %get3A_1156 = vector.load %arg1[%get3A_1153, %get3A_1154, %get3A_1155] : memref<50x8x1024xf32, #tpu.memory_space<vmem>>, vector<1x8x1024xf32>
    %get3A_1157 = vector.shape_cast %get3A_1156 : vector<1x8x1024xf32> to vector<8x1024xf32>
    %add3A_1158 = arith.addf %add3A_1134, %get3A_1157 : vector<8x1024xf32>
    %max3A_1159 = arith.maximumf %max3A_1135, %get3A_1157 : vector<8x1024xf32>
    %min3A_1160 = arith.minimumf %max3A_1135, %get3A_1157 : vector<8x1024xf32>
    %max3A_1161 = arith.maximumf %max3A_1137, %min3A_1160 : vector<8x1024xf32>
    %min3A_1162 = arith.minimumf %max3A_1137, %min3A_1160 : vector<8x1024xf32>
    %max3A_1163 = arith.maximumf %max3A_1139, %min3A_1162 : vector<8x1024xf32>
    %min3A_1164 = arith.minimumf %max3A_1139, %min3A_1162 : vector<8x1024xf32>
    %max3A_1165 = arith.maximumf %max3A_1141, %min3A_1164 : vector<8x1024xf32>
    %min3A_1166 = arith.minimumf %max3A_1141, %min3A_1164 : vector<8x1024xf32>
    %max3A_1167 = arith.maximumf %max3A_1143, %min3A_1166 : vector<8x1024xf32>
    %min3A_1168 = arith.minimumf %min3A_1144, %get3A_1157 : vector<8x1024xf32>
    %max3A_1169 = arith.maximumf %min3A_1144, %get3A_1157 : vector<8x1024xf32>
    %min3A_1170 = arith.minimumf %min3A_1146, %max3A_1169 : vector<8x1024xf32>
    %max3A_1171 = arith.maximumf %min3A_1146, %max3A_1169 : vector<8x1024xf32>
    %min3A_1172 = arith.minimumf %min3A_1148, %max3A_1171 : vector<8x1024xf32>
    %max3A_1173 = arith.maximumf %min3A_1148, %max3A_1171 : vector<8x1024xf32>
    %min3A_1174 = arith.minimumf %min3A_1150, %max3A_1173 : vector<8x1024xf32>
    %max3A_1175 = arith.maximumf %min3A_1150, %max3A_1173 : vector<8x1024xf32>
    %min3A_1176 = arith.minimumf %min3A_1152, %max3A_1175 : vector<8x1024xf32>
    %get3A_1177 = arith.constant 49 : index
    %get3A_1178 = arith.constant 0 : index
    %get3A_1179 = arith.constant 0 : index
    %get3A_1180 = vector.load %arg1[%get3A_1177, %get3A_1178, %get3A_1179] : memref<50x8x1024xf32, #tpu.memory_space<vmem>>, vector<1x8x1024xf32>
    %get3A_1181 = vector.shape_cast %get3A_1180 : vector<1x8x1024xf32> to vector<8x1024xf32>
    %add3A_1182 = arith.addf %add3A_1158, %get3A_1181 : vector<8x1024xf32>
    %max3A_1183 = arith.maximumf %max3A_1159, %get3A_1181 : vector<8x1024xf32>
    %min3A_1184 = arith.minimumf %max3A_1159, %get3A_1181 : vector<8x1024xf32>
    %max3A_1185 = arith.maximumf %max3A_1161, %min3A_1184 : vector<8x1024xf32>
    %min3A_1186 = arith.minimumf %max3A_1161, %min3A_1184 : vector<8x1024xf32>
    %max3A_1187 = arith.maximumf %max3A_1163, %min3A_1186 : vector<8x1024xf32>
    %min3A_1188 = arith.minimumf %max3A_1163, %min3A_1186 : vector<8x1024xf32>
    %max3A_1189 = arith.maximumf %max3A_1165, %min3A_1188 : vector<8x1024xf32>
    %min3A_1190 = arith.minimumf %max3A_1165, %min3A_1188 : vector<8x1024xf32>
    %max3A_1191 = arith.maximumf %max3A_1167, %min3A_1190 : vector<8x1024xf32>
    %min3A_1192 = arith.minimumf %min3A_1168, %get3A_1181 : vector<8x1024xf32>
    %max3A_1193 = arith.maximumf %min3A_1168, %get3A_1181 : vector<8x1024xf32>
    %min3A_1194 = arith.minimumf %min3A_1170, %max3A_1193 : vector<8x1024xf32>
    %max3A_1195 = arith.maximumf %min3A_1170, %max3A_1193 : vector<8x1024xf32>
    %min3A_1196 = arith.minimumf %min3A_1172, %max3A_1195 : vector<8x1024xf32>
    %max3A_1197 = arith.maximumf %min3A_1172, %max3A_1195 : vector<8x1024xf32>
    %min3A_1198 = arith.minimumf %min3A_1174, %max3A_1197 : vector<8x1024xf32>
    %max3A_1199 = arith.maximumf %min3A_1174, %max3A_1197 : vector<8x1024xf32>
    %min3A_1200 = arith.minimumf %min3A_1176, %max3A_1199 : vector<8x1024xf32>
    %sub3A = arith.subf %add3A_1182, %max3A_1183 : vector<8x1024xf32>
    %sub3A_1201 = arith.subf %sub3A, %min3A_1192 : vector<8x1024xf32>
    %sub3A_1202 = arith.subf %sub3A_1201, %max3A_1185 : vector<8x1024xf32>
    %sub3A_1203 = arith.subf %sub3A_1202, %min3A_1194 : vector<8x1024xf32>
    %sub3A_1204 = arith.subf %sub3A_1203, %max3A_1187 : vector<8x1024xf32>
    %sub3A_1205 = arith.subf %sub3A_1204, %min3A_1196 : vector<8x1024xf32>
    %sub3A_1206 = arith.subf %sub3A_1205, %max3A_1189 : vector<8x1024xf32>
    %sub3A_1207 = arith.subf %sub3A_1206, %min3A_1198 : vector<8x1024xf32>
    %sub3A_1208 = arith.subf %sub3A_1207, %max3A_1191 : vector<8x1024xf32>
    %sub3A_1209 = arith.subf %sub3A_1208, %min3A_1200 : vector<8x1024xf32>
    %mul3A = arith.constant 2.500000e-02 : f32
    %mul3A_1210 = vector.broadcast %mul3A : f32 to vector<8x1024xf32>
    %mul3A_1211 = arith.mulf %sub3A_1209, %mul3A_1210 : vector<8x1024xf32>
    %swap3A = arith.constant 0 : index
    %swap3A_1212 = arith.constant 0 : index
    %swap3A_1213 = vector.load %arg2[%swap3A, %swap3A_1212] : memref<8x1024xf32, #tpu.memory_space<vmem>>, vector<8x1024xf32>
    tpu.vector_store %arg2[%swap3A, %swap3A_1212], %mul3A_1211 {strides = array<i32>} : memref<8x1024xf32, #tpu.memory_space<vmem>>, vector<8x1024xf32>,
    return
  }
  func.func @transform_0(%arg0: i32) -> (i32, i32, i32) {
    %add3A = arith.constant 31 : i32
    %add3A_0 = arith.addi %arg0, %add3A : i32
    %c0_i32 = arith.constant 0 : i32
    %c0_i32_1 = arith.constant 0 : i32
    %c0_i32_2 = arith.constant 0 : i32
    return %c0_i32, %add3A_0, %c0_i32_1 : i32, i32, i32
  }
  func.func @transform_1(%arg0: i32) -> (i32, i32) {
    %c0_i32 = arith.constant 0 : i32
    %c0_i32_0 = arith.constant 0 : i32
    return %arg0, %c0_i32 : i32, i32
  }
}

</mosaic_0001>

<sc_bundles>
// kernel: kernel.4.cloned.1.call-start
scs
__scs_entry_jumppad:
0x0: {  	(pc) =	sbr.rel $0x88, $3  }
0x1: {  	(tag) =	ssettag $0x0;
	lr =	simm.s32 $0x1  }
0x2: {  	[smem:$0x3FA0] =	sst lr;
	_ =	strace $0xD0000000  }
0x3: {  	_ = 	snop  }
0x4: {  	_ = 	snop  }
0x5: {  	_ = 	snop  }
0x6: {  	_ = 	snop  }
0x7: {  	_ = 	snop  }
__scs_overlays_trampoline_lowered:
0x8: {  	[smem:$0x3FAF] =	sst s0  }
0x9: {  	[smem:$0x3FB0] =	sst s1  }
0xa: {  	[smem:$0x3FB1] =	sst s2  }
0xb: {  	[smem:$0x3FB2] =	sst s3  }
0xc: {  	[smem:$0x3FB3] =	sst s4  }
0xd: {  	[smem:$0x3FB4] =	sst s5  }
0xe: {  	[smem:$0x3FB5] =	sst s6  }
0xf: {  	[smem:$0x3FB6] =	sst s7  }
0x10: {  	[smem:$0x3FB7] =	sst s8  }
0x11: {  	[smem:$0x3FB8] =	sst s9;
	s0 =	simm.s32 @!p0 $0x0  }
0x12: {  	s1 =	sld [smem:$0x3F9E];
	s0 =	simm.s32 @p0 $0x1  }
0x13: {  	[smem:$0x3FB9] =	sst s0;
	s0 =	simm.s32 @!p1 $0x0  }
0x14: {  	s2 =	sld [smem:$0x3F9D];
	s0 =	simm.s32 @p1 $0x1  }
0x15: {  	[smem:$0x3FBA] =	sst s0;
	s0 =	simm.s32 @!p2 $0x0  }
0x16: {  	s3 =	sld [smem:$0x3FDB];
	s0 =	simm.s32 @p2 $0x1  }
0x17: {  	s4 =	simm.s32 $0x1BF5;
	[smem:$0x3FBC] =	sst s0  }
0x18: {  	s0 =	sld [smem:$0x3F9F];
	_ =	swait.ge [sflag:s4], $0x0  }
0x19: {  	s7 =	sld [smem:$0x3FA0]  }
0x1a: {  	s8 =	sadd.s32 $0xFFFFE003, lr  }
0x1b: {  	s9 =	sadd.s32 $0xFFFFFEF7, lr;
	s5 =	simm.s32 $0xFFFFFFFF;
	p2 =	slt.u32 s8, $0xFFFFF086  }
0x1c: {  	p1 =	slt.u32 s9, $0xF7A;
	s5 =	simm.s32 @!p2 $0x0  }
0x1d: {  	s5 =	simm.s32 @p1 $0x1;
	p0 =	seq.s32 s7, s2  }
0x1e: {  	s7 =	smul.u32 @!p0 $0xF7A, s2;
	p2 =	seq.s32 @!p0 s5, $0x0  }
0x1f: {  	s9 =	smul.u32 $0xF7A, s1;
	s8 =	simm.s32 @!p0 $0x1BF5;
	p2 =	por !p2, p0  }
0x20: {  	[sflag:s8] =	ssyncset.s32 @!p0 $0xFFFFF086;
	s6 =	sadd.s32 @!p0 s3, s7;
	s7 =	simm.s32 @!p0 $0x108  }
0x21: {  	s3 =	sadd.s32 s3, s9;
	s6 =	sadd.s32 @!p0 $0x88, s6;
	s7 =	simm.s32 @p2 $0x1082  }
0x22: {  	[simem:s7], [sflag:s8] =	dma.local @!p0 [hbm:s6], $0xF7A  }
0x23: {  	s9 =	sor.u32 $0xD0000000, s2;
	s6 =	simm.s32 $0x108;
	_ =	swait.ge @!p0 [sflag:s8], $0x0  }
0x24: {  	s3 =	sadd.s32 $0x88, s3;
	s6 =	simm.s32 @!p1 $0x1082;
	[sflag:s4] =	ssyncset.s32 $0xFFFFF086  }
0x25: {  	[simem:s6], [sflag:s4] =	dma.local [hbm:s3], $0xF7A  }
0x26: {  	[smem:$0x3FA0] =	sst s1;
	(tag) =	ssettag s2;
	_ =	strace s9  }
0x27: {  	s1 =	sld [smem:$0x3FB0]  }
0x28: {  	s2 =	sld [smem:$0x3FB1]  }
0x29: {  	s4 =	sld [smem:$0x3FB3]  }
0x2a: {  	p0 =	seq.s32 s5, $0x0;
	s5 =	sld [smem:$0x3FB4]  }
0x2b: {  	s6 =	sld [smem:$0x3FB5]  }
0x2c: {  	s7 =	sld [smem:$0x3FB6]  }
0x2d: {  	s3 =	simm.s32 $0x108;
	s8 =	sld [smem:$0x3FB7]  }
0x2e: {  	s3 =	simm.s32 @!p0 $0x1082;
	s9 =	sld [smem:$0x3FB8]  }
0x2f: {  	lr =	sadd.s32 s0, s3;
	s0 =	sld [smem:$0x3FAF]  }
0x30: {  	s3 =	sld [smem:$0x3FB2]  }
0x31: {  	[smem:$0x3FBB] =	sst s10  }
0x32: {  	s10 =	sld [smem:$0x3FB9];
	_ =	sdelay $0x3  }
0x33: {  	p0 =	seq.s32 s10, $0x1;
	s10 =	sld [smem:$0x3FBB];
	_ =	sdelay $0x3  }
0x34: {  	[smem:$0x3FBB] =	sst s10  }
0x35: {  	s10 =	sld [smem:$0x3FBA];
	_ =	sdelay $0x3  }
0x36: {  	p1 =	seq.s32 s10, $0x1;
	s10 =	sld [smem:$0x3FBB];
	_ =	sdelay $0x3  }
0x37: {  	[smem:$0x3FBB] =	sst s10  }
0x38: {  	s10 =	sld [smem:$0x3FBC]  }
0x39: {  	_ = 	snop;
	(pc) =	sbr.ind lr, $3  }
0x3a: {  	_ = 	snop  }
0x3b: {  	_ = 	snop  }
0x3c: {  	p2 =	seq.s32 s10, $0x1;
	s10 =	sld [smem:$0x3FBB]  }
0x3d: {  	_ =	shalt  }
0x3e: {  	_ =	shalt  }
0x3f: {  	_ =	shalt  }
0x40: {  	_ =	shalt  }
0x41: {  	_ =	shalt  }
0x42: {  	_ =	shalt  }
0x43: {  	_ =	shalt  }
0x44: {  	_ =	shalt  }
0x45: {  	_ =	shalt  }
0x46: {  	_ =	shalt  }
0x47: {  	_ =	shalt  }
0x48: {  	_ =	shalt  }
0x49: {  	_ =	shalt  }
0x4a: {  	_ =	shalt  }
0x4b: {  	_ =	shalt  }
0x4c: {  	_ =	shalt  }
0x4d: {  	_ =	shalt  }
0x4e: {  	_ =	shalt  }
0x4f: {  	_ =	shalt  }
0x50: {  	_ =	shalt  }
0x51: {  	_ =	shalt  }
0x52: {  	_ =	shalt  }
0x53: {  	_ =	shalt  }
0x54: {  	_ =	shalt  }
0x55: {  	_ =	shalt  }
0x56: {  	_ =	shalt  }
0x57: {  	_ =	shalt  }
0x58: {  	_ =	shalt  }
0x59: {  	_ =	shalt  }
0x5a: {  	_ =	shalt  }
0x5b: {  	_ =	shalt  }
0x5c: {  	_ =	shalt  }
0x5d: {  	_ =	shalt  }
0x5e: {  	_ =	shalt  }
0x5f: {  	_ =	shalt  }
0x60: {  	_ =	shalt  }
0x61: {  	_ =	shalt  }
0x62: {  	_ =	shalt  }
0x63: {  	_ =	shalt  }
0x64: {  	_ =	shalt  }
0x65: {  	_ =	shalt  }
0x66: {  	_ =	shalt  }
0x67: {  	_ =	shalt  }
0x68: {  	_ =	shalt  }
0x69: {  	_ =	shalt  }
0x6a: {  	_ =	shalt  }
0x6b: {  	_ =	shalt  }
0x6c: {  	_ =	shalt  }
0x6d: {  	_ =	shalt  }
0x6e: {  	_ =	shalt  }
0x6f: {  	_ =	shalt  }
0x70: {  	_ =	shalt  }
0x71: {  	_ =	shalt  }
0x72: {  	_ =	shalt  }
0x73: {  	_ =	shalt  }
0x74: {  	_ =	shalt  }
0x75: {  	_ =	shalt  }
0x76: {  	_ =	shalt  }
0x77: {  	_ =	shalt  }
0x78: {  	_ =	shalt  }
0x79: {  	_ =	shalt  }
0x7a: {  	_ =	shalt  }
0x7b: {  	_ =	shalt  }
0x7c: {  	_ =	shalt  }
0x7d: {  	_ =	shalt  }
0x7e: {  	_ =	shalt  }
0x7f: {  	_ =	shalt  }
0x80: {  	_ =	shalt  }
0x81: {  	_ =	shalt  }
0x82: {  	_ =	shalt  }
0x83: {  	_ =	shalt  }
0x84: {  	_ =	shalt  }
0x85: {  	_ =	shalt  }
0x86: {  	_ =	shalt  }
0x87: {  	_ =	shalt  }
.Lfunc_end0:
.L_simem_size_0:
called_computation.1_lowered:
.L_overlay_start_0:
0x88: {  	s2 =	sld [smem:$0x3FD9]  }
0x89: {  	s3 =	sld [smem:$0x3FFE];
	_ =	sdelay $0x1  }
0x8a: {  	s1 =	srdreg.scid  }
0x8b: {  	s0 =	sand.u32 $0x1, s1  }
0x8c: {  	s17 =	sshll.u32 s0, $0xA;
	s2 =	sadd.s32 s3, s2  }
0x8d: {  	s2 =	sadd.s32 s2, s17  }
0x8e: {  	[smem:$0x3FC7] =	sst s2  }
0x8f: {  	_ = 	snop  }
0x90: {  	s2 =	sld [smem:$0x3FD0];
	(tm) =	ssettm $0x1  }
0x91: {  	s18 =	sld [smem:$0x3FFB];
	_ =	sdelay $0x3  }
0x92: {  	_ =	strace s18  }
0x93: {  	s3 =	sld [smem:$0x3FFC];
	_ =	sdelay $0x3  }
0x94: {  	_ =	strace s3  }
0x95: {  	s3 =	sld [smem:$0x3FFD];
	_ =	sdelay $0x3  }
0x96: {  	_ =	strace s3  }
0x97: {  	_ =	strace $0x8FFFFFFF  }
0x98: {  	s19 =	sld [smem:$0x3FDB];
	_ =	sdelay $0x1  }
0x99: {  	s4 =	simm.s32 $_scs_section_size  }
0x9a: {  	s5 =	simm.s32 $_size__tile_overlayer_lowered;
	s6 =	simm.s32 $_tile_overlayer_lowered  }
0x9b: {  	s22 =	simm.s32 $0x1BFF;
	s21 =	sshll.u32 s6, $0x1;
	s3 =	sadd.s32 s4, s19  }
0x9c: {  	s7 =	simm.s32 $0x0;
	s20 =	sshll.u32 s5, $0x1;
	s5 =	sadd.s32 s21, s3  }
0x9d: {  	[timem:s7], [sflag:s22] =	dma.local [hbm:s5], s20  }
0x9e: {  	_ =	swait.ge [sflag:s22], s20  }
0x9f: {  	s4 =	ssub.s32 $0x0, s20;
	[sflag:s22] =	ssyncset.done $0x0  }
0xa0: {  	[sflag:s22] =	ssyncadd.s32 s4;
	_ =	sdelay $0x1  }
0xa1: {  	s23 =	simm.s32 $0x1B8B  }
0xa2: {  	_ =	swait.ge [sflag:s23], $0x1  }
0xa3: {  	[sflag:s23] =	ssyncset.done $0x0  }
0xa4: {  	s25 =	simm.s32 $0x1B8E;
	s24 =	sld [smem:$0x3FFE];
	[sflag:s23] =	ssyncadd.s32 $0xFFFFFFFF  }
0xa5: {  	s26 =	simm.s32 $execute0_lowered;
	[smem:$0x3FD2] =	sst s25  }
0xa6: {  	s5 =	sshll.u32 s26, $0x1;
	_ =	strace $0x80000049;
	[dreg:$0x1] =	wrdreg $0xFFFFFFFF  }
0xa7: {  	s28 =	simm.s32 $_size_execute0_lowered;
	s3 =	sadd.s32 s3, s5;
	[dreg:$0x0] =	wrdreg $0x0  }
0xa8: {  	s5 =	sshll.u32 s28, $0x1;
	[dreg:$0x2] =	wrdreg s3  }
0xa9: {  	[dreg:$0x3] =	wrdreg s5  }
0xaa: {  	[dreg:$0x4] =	wrdreg $0xC0  }
0xab: {  	_ =	task [dreg:s7], $0x5FFFF  }
0xac: {  	[dreg:$0x1] =	wrdreg $0xFFFFFFFF  }
0xad: {  	[dreg:$0x0] =	wrdreg $0x60  }
0xae: {  	[dreg:$0x2] =	wrdreg s24  }
0xaf: {  	[dreg:$0x3] =	wrdreg s2  }
0xb0: {  	[dreg:$0x4] =	wrdreg $0x9  }
0xb1: {  	_ =	task.clear_ibuf [dreg:s7], $0x5FFFF;
	_ =	strace $0x90000049  }
0xb2: {  	s29 =	simm.s32 $0x9;
	_ =	strace $0x8000004B  }
0xb3: {  	_ =	swait.ge [sflag:s29], $0x1  }
0xb4: {  	[sflag:s29] =	ssyncadd.s32 $0xFFFFFFFF  }
0xb5: {  	_ =	strace $0x9000004B  }
0xb6: {  	_ =	sfence  }
0xb7: {  	s30 =	sld [smem:$0x0];
	_ =	sdelay $0x2  }
0xb8: {  	s31 =	sshll.u32 s1, $0xD;
	s1 =	sshrl.u32 s1, $0x2  }
0xb9: {  	s3 =	sand.u32 $0x4000, s31;
	s1 =	sadd.s32 s1, s30  }
0xba: {  	s0 =	sor.u32 s3, s0;
	s1 =	sshll.u32 s1, $0x11  }
0xbb: {  	s0 =	sor.u32 s1, s0  }
0xbc: {  	s0 =	sadd.s32 $0x8F2B, s0  }
0xbd: {  	[sflag:s0] =	ssyncadd.remote.s32 $0x1  }
0xbe: {  	_ =	sfence.sel $0xFFFF  }
0xbf: {  	[dreg:$0x0] =	wrdreg $0xFFFFFFFF;
	(pc) =	sbr.abs _section_cstart, $3  }
0xc0: {  	[dreg:$0x1] =	wrdreg $0xFFFFFFFF  }
0xc1: {  	_ =	task.clear_ibuf [dreg:s7], $0x2FFFF;
	_ =	strace $0x9FFFFFFF  }
0xc2: {  	(tm) =	ssettm $0x7FFFFFFF  }
0xc3: {  	_ =	shalt  }
tec
execute0_lowered:
.L_overlay_start_1:
0x0: {  	(tag) =	ssettag $0x1  }
0x1: {  	s4 =	rddreg [dreg:$0x0]  }
0x2: {  	s1 =	rddreg [dreg:$0x1]  }
0x3: {  	s0 =	rddreg [dreg:$0x2]  }
0x4: {  	s3 =	simm.s32 $0x0;
	s5 =	srdreg.scid;
	s2 =	stileid.u32  }
0x5: {  	s10 =	simm.s32 $0x1;
	s11 =	simm.s32 $0xC800;
	[smem:$0x7FF] =	sst s3  }
0x6: {  	s5 =	sand.u32 $0x1, s5;
	s4 =	sadd.s32 $0x184000, s4;
	s7 =	sshll.u32 s2, $0x1  }
0x7: {  	s9 =	sshrl.u32 s2, $0x2;
	s6 =	ssub.s32 $0x2, s5;
	s7 =	sand.u32 $0x6, s7  }
0x8: {  	_ =	strace $0x8000004A;
	s8 =	sshrl.u32 s6, $0x1;
	s31 =	sor.u32 s5, s7  }
0x9: {  	s5 =	smul.u32 $0x3E, s9;
	s9 =	simm.s32 $0x400;
	s8 =	ssub.s32 s6, s8  }
0xa: {  	s6 =	sshll.u32 s31, $0x4;
	s7 =	smax.u32 s8, $0x1;
	s8 =	simm.s32 $0x80  }
.LBB2_1:
0xb: {  	s12 =	simm.s32 $0x0  }
.LBB2_2:
0xc: {  	s13 =	sshll.u32 s12, $0x3  }
0xd: {  	s13 =	smin.u32 s13, $0x36  }
0xe: {  	s13 =	sadd.s32 s5, s13  }
0xf: {  	s13 =	sshll.u32 s13, $0x7  }
0x10: {  	s13 =	sor.u32 s6, s13  }
0x11: {  	s14 =	sadd.s32 s4, s13  }
0x12: {  	s15 =	simm.s32 $0x1000;
	s17 =	simm.s32 $0x0;
	s16 =	sadd.s32 $0x7C00, s14  }
.LBB2_3:
0x13: {  	[tilespmem:s17], [sflag:$0x1] =	stream.strided.gather [hbm4b:s14+s8], $0x400, s9, s8, $0x38;
	[tilespmem:$0xCC00] =	vst v63  }
0x14: {  	s17 =	smov.u32 s15;
	s14 =	smov.u32 s16;
	p0 =	sne.s32 s15, $0x31000  }
.Ltmp0:
0x15: {  	s15 =	sadd.s32 $0x1000, s15;
	(pc) =	sbr.rel @p0 .LBB2_3-.Ltmp0, $2  }
0x16: {  	_ =	sdelay $0x2  }
0x17: {  	s16 =	sadd.s32 $0x7C00, s16;
	s17 =	sshra.s32 s17, $0x2  }
0x18: {  	[tilespmem:s17], [sflag:$0x1] =	stream.strided.gather [hbm4b:s14+s8], $0x400, s9, s8, $0x38;
	[tilespmem:$0xCC00] =	vst v63  }
0x19: {  	_ =	swait.ge [sflag:s10], $0xC800  }
0x1a: {  	[sflag:s10] =	ssyncset.done $0x0  }
0x1b: {  	s31 =	simm.s32 $0x0;
	[sflag:s10] =	ssyncadd.s32 $0xFFFF3800  }
0x1c: {  	s14 =	sand.u32 $0x3F0, s31;
	v0 =	vld [tilespmem:s31+$0x0]  }
0x1d: {  	v1 =	vld [tilespmem:s14+$0x400];
	_ =	sdelay $0x2  }
0x1e: {  	v2 =	vld [tilespmem:s14+$0x800];
	_ =	sdelay $0x1  }
0x1f: {  	v3 =	vmin.f32 v0, $-Inf;
	v4 =	vmax.f32 v0, $+Inf;
	v6 =	vmin.f32 v0, v1  }
0x20: {  	v7 =	vld [tilespmem:s14+$0xC00];
	v5 =	vmax.f32 v0, v1;
	v0 =	vadd.f32 $0.0e+00, v0;
	v8 =	vmin.f32 v3, v6  }
0x21: {  	v9 =	vmax.f32 v4, v5;
	v10 =	vmax.f32 v3, v6;
	v11 =	vmin.f32 v4, v5  }
0x22: {  	v12 =	vmax.f32 v6, v2;
	v13 =	vmax.f32 v5, v2;
	v5 =	vmin.f32 v5, v2  }
0x23: {  	v6 =	vmin.f32 v6, v2;
	v3 =	vmax.f32 v3, v8;
	v4 =	vmin.f32 v4, v9  }
0x24: {  	v14 =	vld [tilespmem:s14+$0x1000];
	v8 =	vmax.f32 v11, v12;
	v9 =	vmin.f32 v10, v5;
	v11 =	vmin.f32 v11, v12  }
0x25: {  	v12 =	vmax.f32 v6, v7;
	v10 =	vmax.f32 v10, v5;
	v15 =	vmin.f32 v13, v7  }
0x26: {  	v6 =	vmin.f32 v6, v7;
	v0 =	vadd.f32 v1, v0;
	v13 =	vmax.f32 v13, v7  }
0x27: {  	v1 =	vmax.f32 v4, v8;
	v16 =	vmin.f32 v3, v9;
	v8 =	vmin.f32 v4, v8  }
0x28: {  	v17 =	vmax.f32 v11, v12;
	v9 =	vmax.f32 v3, v9;
	v18 =	vmin.f32 v10, v15  }
0x29: {  	v11 =	vmin.f32 v11, v12;
	v10 =	vmax.f32 v10, v15;
	v12 =	vmin.f32 v13, v14  }
0x2a: {  	v15 =	vmax.f32 v6, v14;
	v6 =	vmin.f32 v6, v14;
	v4 =	vmin.f32 v4, v1  }
0x2b: {  	v1 =	vmax.f32 v13, v14;
	v13 =	vmax.f32 v3, v16;
	v16 =	vmin.f32 v9, v18  }
0x2c: {  	v19 =	vmax.f32 v8, v17;
	v9 =	vmax.f32 v9, v18;
	v8 =	vmin.f32 v8, v17  }
0x2d: {  	v17 =	vmax.f32 v11, v15;
	v18 =	vmin.f32 v10, v12;
	v11 =	vmin.f32 v11, v15  }
0x2e: {  	v5 =	vld [tilespmem:s14+$0x1400];
	v10 =	vmax.f32 v10, v12;
	v2 =	vadd.f32 v2, v0;
	v0 =	vmax.f32 v4, v19  }
0x2f: {  	v20 =	vmin.f32 v13, v16;
	v19 =	vmin.f32 v4, v19;
	v21 =	vmax.f32 v8, v17  }
0x30: {  	v16 =	vmax.f32 v13, v16;
	v22 =	vmin.f32 v9, v18;
	v8 =	vmin.f32 v8, v17  }
0x31: {  	v9 =	vmax.f32 v9, v18;
	v13 =	vmax.f32 v13, v20;
	v4 =	vmin.f32 v4, v0  }
0x32: {  	v3 =	vld [tilespmem:s14+$0x1800];
	v20 =	vmax.f32 v19, v21;
	v24 =	vmin.f32 v16, v22;
	v19 =	vmin.f32 v19, v21  }
0x33: {  	v16 =	vmax.f32 v16, v22;
	v7 =	vadd.f32 v7, v2;
	v15 =	vmax.f32 v6, v5  }
0x34: {  	v12 =	vmin.f32 v1, v5;
	v6 =	vmin.f32 v6, v5;
	v1 =	vmax.f32 v1, v5  }
0x35: {  	v4 =	vmin.f32 v4, v20;
	v13 =	vmax.f32 v13, v24;
	v17 =	vmin.f32 v10, v12  }
0x36: {  	v18 =	vmax.f32 v11, v15;
	v10 =	vmax.f32 v10, v12;
	v11 =	vmin.f32 v11, v15  }
0x37: {  	v14 =	vadd.f32 v14, v7;
	v12 =	vmax.f32 v6, v3;
	v15 =	vmax.f32 v1, v3  }
0x38: {  	v23 =	vmin.f32 v1, v3;
	v6 =	vmin.f32 v6, v3;
	v21 =	vmax.f32 v8, v18  }
0x39: {  	v22 =	vmin.f32 v9, v17;
	v8 =	vmin.f32 v8, v18;
	v9 =	vmax.f32 v9, v17  }
0x3a: {  	v17 =	vmin.f32 v10, v23;
	v18 =	vmax.f32 v11, v12;
	v10 =	vmax.f32 v10, v23  }
0x3b: {  	v11 =	vmin.f32 v11, v12;
	v20 =	vmax.f32 v19, v21;
	v24 =	vmin.f32 v16, v22  }
0x3c: {  	v1 =	vld [tilespmem:s14+$0x1C00];
	v19 =	vmin.f32 v19, v21;
	v16 =	vmax.f32 v16, v22;
	v5 =	vadd.f32 v5, v14  }
0x3d: {  	v21 =	vmin.f32 v9, v17;
	v22 =	vmax.f32 v8, v18;
	v9 =	vmax.f32 v9, v17  }
0x3e: {  	v8 =	vmin.f32 v8, v18;
	v4 =	vmin.f32 v4, v20;
	v13 =	vmax.f32 v13, v24  }
0x3f: {  	v0 =	vld [tilespmem:s14+$0x2000];
	v20 =	vmax.f32 v19, v22;
	v24 =	vmin.f32 v16, v21;
	v19 =	vmin.f32 v19, v22  }
0x40: {  	v16 =	vmax.f32 v16, v21;
	v3 =	vadd.f32 v3, v5;
	v7 =	vmin.f32 v4, v20  }
0x41: {  	v13 =	vmax.f32 v13, v24;
	v12 =	vmax.f32 v6, v1;
	v23 =	vmax.f32 v15, v1  }
0x42: {  	v15 =	vmin.f32 v15, v1;
	v6 =	vmin.f32 v6, v1;
	v1 =	vadd.f32 v1, v3  }
0x43: {  	v2 =	vld [tilespmem:s14+$0x2400];
	v17 =	vmax.f32 v11, v12;
	v18 =	vmin.f32 v10, v15;
	v11 =	vmin.f32 v11, v12  }
0x44: {  	v12 =	vmax.f32 v6, v0;
	v10 =	vmax.f32 v10, v15;
	v15 =	vmin.f32 v23, v0  }
0x45: {  	v6 =	vmin.f32 v6, v0;
	v23 =	vmax.f32 v23, v0;
	v21 =	vmin.f32 v9, v18  }
0x46: {  	v22 =	vmax.f32 v8, v17;
	v9 =	vmax.f32 v9, v18;
	v8 =	vmin.f32 v8, v17  }
0x47: {  	v17 =	vmax.f32 v11, v12;
	v18 =	vmin.f32 v10, v15;
	v11 =	vmin.f32 v11, v12  }
0x48: {  	v12 =	vmax.f32 v6, v2;
	v10 =	vmax.f32 v10, v15;
	v15 =	vmin.f32 v23, v2  }
0x49: {  	v4 =	vld [tilespmem:s14+$0x2800];
	v6 =	vmin.f32 v6, v2;
	v20 =	vmax.f32 v23, v2;
	v29 =	vadd.f32 v0, v1  }
0x4a: {  	v23 =	vmin.f32 v16, v21;
	v24 =	vmax.f32 v19, v22;
	v16 =	vmax.f32 v16, v21  }
0x4b: {  	v19 =	vmin.f32 v19, v22;
	v21 =	vmax.f32 v8, v17;
	v22 =	vmin.f32 v9, v18  }
0x4c: {  	v8 =	vmin.f32 v8, v17;
	v17 =	vmax.f32 v11, v12;
	v9 =	vmax.f32 v9, v18  }
0x4d: {  	v18 =	vmin.f32 v10, v15;
	v11 =	vmin.f32 v11, v12;
	v10 =	vmax.f32 v10, v15  }
0x4e: {  	v12 =	vmin.f32 v20, v4;
	v15 =	vmax.f32 v6, v4;
	v24 =	vmin.f32 v7, v24  }
0x4f: {  	v20 =	vmax.f32 v20, v4;
	v6 =	vmin.f32 v6, v4;
	v13 =	vmax.f32 v13, v23  }
0x50: {  	v23 =	vmin.f32 v16, v22;
	v25 =	vmax.f32 v19, v21;
	v16 =	vmax.f32 v16, v22  }
0x51: {  	v7 =	vld [tilespmem:s14+$0x2C00];
	v19 =	vmin.f32 v19, v21;
	v21 =	vmax.f32 v8, v17;
	v22 =	vmin.f32 v9, v18  }
0x52: {  	v8 =	vmin.f32 v8, v17;
	v9 =	vmax.f32 v9, v18;
	v29 =	vadd.f32 v2, v29  }
0x53: {  	v17 =	vmax.f32 v11, v15;
	v18 =	vmin.f32 v10, v12;
	v11 =	vmin.f32 v11, v15  }
0x54: {  	v10 =	vmax.f32 v10, v12;
	v13 =	vmax.f32 v13, v23;
	v23 =	vmax.f32 v19, v21  }
0x55: {  	v19 =	vmin.f32 v19, v21;
	v21 =	vmax.f32 v8, v17;
	v8 =	vmin.f32 v8, v17  }
0x56: {  	v12 =	vld [tilespmem:s14+$0x3000];
	v29 =	vadd.f32 v4, v29;
	v15 =	vmin.f32 v20, v7;
	v26 =	vmax.f32 v6, v7  }
0x57: {  	v14 =	vmax.f32 v20, v7;
	v6 =	vmin.f32 v6, v7;
	v20 =	vmin.f32 v24, v25  }
0x58: {  	v24 =	vmin.f32 v16, v22;
	v16 =	vmax.f32 v16, v22;
	v22 =	vmin.f32 v9, v18  }
0x59: {  	v9 =	vmax.f32 v9, v18;
	v29 =	vadd.f32 v7, v29;
	v17 =	vmin.f32 v10, v15  }
0x5a: {  	v18 =	vmax.f32 v11, v26;
	v10 =	vmax.f32 v10, v15;
	v11 =	vmin.f32 v11, v26  }
0x5b: {  	v15 =	vmax.f32 v6, v12;
	v25 =	vmax.f32 v14, v12;
	v26 =	vmin.f32 v14, v12  }
0x5c: {  	v6 =	vmin.f32 v6, v12;
	v24 =	vmax.f32 v13, v24;
	v20 =	vmin.f32 v20, v23  }
0x5d: {  	v23 =	vmax.f32 v19, v21;
	v27 =	vmin.f32 v16, v22;
	v19 =	vmin.f32 v19, v21  }
0x5e: {  	v16 =	vmax.f32 v16, v22;
	v21 =	vmax.f32 v8, v18;
	v22 =	vmin.f32 v9, v17  }
0x5f: {  	v8 =	vmin.f32 v8, v18;
	v9 =	vmax.f32 v9, v17;
	v17 =	vmin.f32 v10, v26  }
0x60: {  	v18 =	vmax.f32 v11, v15;
	v10 =	vmax.f32 v10, v26;
	v11 =	vmin.f32 v11, v15  }
0x61: {  	v5 =	vmin.f32 v20, v23;
	v23 =	vmax.f32 v24, v27;
	v29 =	vadd.f32 v12, v29  }
0x62: {  	v14 =	vld [tilespmem:s14+$0x3400];
	v20 =	vmax.f32 v19, v21;
	v24 =	vmin.f32 v16, v22;
	v19 =	vmin.f32 v19, v21  }
0x63: {  	v16 =	vmax.f32 v16, v22;
	v21 =	vmin.f32 v9, v17;
	v22 =	vmax.f32 v8, v18  }
0x64: {  	v9 =	vmax.f32 v9, v17;
	v8 =	vmin.f32 v8, v18;
	v5 =	vmin.f32 v5, v20  }
0x65: {  	v13 =	vld [tilespmem:s14+$0x3800];
	v20 =	vmax.f32 v19, v22;
	v23 =	vmax.f32 v23, v24;
	v24 =	vmin.f32 v16, v21  }
0x66: {  	v19 =	vmin.f32 v19, v22;
	v16 =	vmax.f32 v16, v21;
	v3 =	vmin.f32 v5, v20  }
0x67: {  	v20 =	vmax.f32 v23, v24;
	v15 =	vmax.f32 v6, v14;
	v26 =	vmax.f32 v25, v14  }
0x68: {  	v25 =	vmin.f32 v25, v14;
	v6 =	vmin.f32 v6, v14;
	v29 =	vadd.f32 v14, v29  }
0x69: {  	v17 =	vmax.f32 v11, v15;
	v18 =	vmin.f32 v10, v25;
	v11 =	vmin.f32 v11, v15  }
0x6a: {  	v15 =	vmax.f32 v6, v13;
	v25 =	vmax.f32 v10, v25;
	v27 =	vmin.f32 v26, v13  }
0x6b: {  	v6 =	vmin.f32 v6, v13;
	v26 =	vmax.f32 v26, v13;
	v21 =	vmin.f32 v9, v18  }
0x6c: {  	v22 =	vmax.f32 v8, v17;
	v9 =	vmax.f32 v9, v18;
	v17 =	vmin.f32 v8, v17  }
0x6d: {  	v10 =	vld [tilespmem:s14+$0x3C00];
	v18 =	vmax.f32 v11, v15;
	v28 =	vmin.f32 v25, v27;
	v11 =	vmin.f32 v11, v15  }
0x6e: {  	v25 =	vmax.f32 v25, v27;
	v29 =	vadd.f32 v13, v29;
	v23 =	vmin.f32 v16, v21  }
0x6f: {  	v8 =	vld [tilespmem:s14+$0x4000];
	v24 =	vmax.f32 v19, v22;
	v16 =	vmax.f32 v16, v21;
	v19 =	vmin.f32 v19, v22  }
0x70: {  	v21 =	vmax.f32 v17, v18;
	v22 =	vmin.f32 v9, v28;
	v17 =	vmin.f32 v17, v18  }
0x71: {  	v9 =	vmax.f32 v9, v28;
	v24 =	vmin.f32 v3, v24;
	v20 =	vmax.f32 v20, v23  }
0x72: {  	v15 =	vmax.f32 v6, v10;
	v27 =	vmin.f32 v26, v10;
	v6 =	vmin.f32 v6, v10  }
0x73: {  	v5 =	vmax.f32 v26, v10;
	v18 =	vmax.f32 v11, v15;
	v26 =	vmin.f32 v25, v27  }
0x74: {  	v11 =	vmin.f32 v11, v15;
	v15 =	vmax.f32 v25, v27;
	v25 =	vmin.f32 v5, v8  }
0x75: {  	v27 =	vmax.f32 v6, v8;
	v3 =	vmax.f32 v5, v8;
	v5 =	vmin.f32 v6, v8;
	v6 =	vld [tilespmem:s14+$0x4400]  }
0x76: {  	v23 =	vmin.f32 v16, v22;
	v28 =	vmax.f32 v19, v21;
	v16 =	vmax.f32 v16, v22  }
0x77: {  	v19 =	vmin.f32 v19, v21;
	v29 =	vadd.f32 v10, v29;
	v21 =	vmax.f32 v17, v18  }
0x78: {  	v22 =	vmin.f32 v9, v26;
	v17 =	vmin.f32 v17, v18;
	v18 =	vmax.f32 v11, v27  }
0x79: {  	v9 =	vmax.f32 v9, v26;
	v26 =	vmin.f32 v15, v25;
	v11 =	vmin.f32 v11, v27  }
0x7a: {  	v15 =	vmax.f32 v15, v25;
	v29 =	vadd.f32 v8, v29;
	v25 =	vmin.f32 v3, v6  }
0x7b: {  	v27 =	vmax.f32 v5, v6;
	v0 =	vmax.f32 v3, v6;
	v1 =	vmin.f32 v5, v6  }
0x7c: {  	v5 =	vmax.f32 v20, v23;
	v20 =	vmin.f32 v24, v28;
	v23 =	vmax.f32 v19, v21  }
0x7d: {  	v24 =	vmin.f32 v16, v22;
	v19 =	vmin.f32 v19, v21;
	v21 =	vmax.f32 v17, v18  }
0x7e: {  	v16 =	vmax.f32 v16, v22;
	v22 =	vmin.f32 v9, v26;
	v17 =	vmin.f32 v17, v18  }
0x7f: {  	v9 =	vmax.f32 v9, v26;
	v29 =	vadd.f32 v6, v29;
	v18 =	vmin.f32 v15, v25  }
0x80: {  	v26 =	vmax.f32 v11, v27;
	v15 =	vmax.f32 v15, v25;
	v11 =	vmin.f32 v11, v27  }
0x81: {  	v5 =	vmax.f32 v5, v24;
	v20 =	vmin.f32 v20, v23;
	v23 =	vmax.f32 v19, v21  }
0x82: {  	v3 =	vld [tilespmem:s14+$0x4800];
	v24 =	vmin.f32 v16, v22;
	v19 =	vmin.f32 v19, v21;
	v16 =	vmax.f32 v16, v22  }
0x83: {  	v21 =	vmax.f32 v17, v26;
	v22 =	vmin.f32 v9, v18;
	v17 =	vmin.f32 v17, v26  }
0x84: {  	v9 =	vmax.f32 v9, v18;
	v20 =	vmin.f32 v20, v23;
	v5 =	vmax.f32 v5, v24  }
0x85: {  	v23 =	vmax.f32 v19, v21;
	v24 =	vmin.f32 v16, v22;
	v19 =	vmin.f32 v19, v21  }
0x86: {  	v16 =	vmax.f32 v16, v22;
	v20 =	vmin.f32 v20, v23;
	v5 =	vmax.f32 v5, v24  }
0x87: {  	v25 =	vmax.f32 v1, v3;
	v27 =	vmax.f32 v0, v3;
	v0 =	vmin.f32 v0, v3  }
0x88: {  	v28 =	vmin.f32 v1, v3;
	v1 =	vld [tilespmem:s14+$0x4C00];
	v29 =	vadd.f32 v3, v29;
	v18 =	vmin.f32 v15, v0  }
0x89: {  	v26 =	vmax.f32 v11, v25;
	v15 =	vmax.f32 v15, v0;
	v11 =	vmin.f32 v11, v25  }
0x8a: {  	v21 =	vmin.f32 v9, v18;
	v22 =	vmax.f32 v17, v26;
	v9 =	vmax.f32 v9, v18  }
0x8b: {  	v0 =	vld [tilespmem:s14+$0x5000];
	v17 =	vmin.f32 v17, v26;
	v23 =	vmax.f32 v19, v22;
	v24 =	vmin.f32 v16, v21  }
0x8c: {  	v19 =	vmin.f32 v19, v22;
	v16 =	vmax.f32 v16, v21;
	v20 =	vmin.f32 v20, v23  }
0x8d: {  	v24 =	vmax.f32 v5, v24;
	v25 =	vmax.f32 v28, v1;
	v30 =	vmax.f32 v27, v1  }
0x8e: {  	v27 =	vmin.f32 v27, v1;
	v28 =	vmin.f32 v28, v1;
	v29 =	vadd.f32 v1, v29  }
0x8f: {  	v2 =	vld [tilespmem:s14+$0x5400];
	v18 =	vmax.f32 v11, v25;
	v26 =	vmin.f32 v15, v27;
	v11 =	vmin.f32 v11, v25  }
0x90: {  	v25 =	vmax.f32 v28, v0;
	v15 =	vmax.f32 v15, v27;
	v27 =	vmin.f32 v30, v0  }
0x91: {  	v28 =	vmin.f32 v28, v0;
	v30 =	vmax.f32 v30, v0;
	v21 =	vmin.f32 v9, v26  }
0x92: {  	v22 =	vmax.f32 v17, v18;
	v9 =	vmax.f32 v9, v26;
	v17 =	vmin.f32 v17, v18  }
0x93: {  	v18 =	vmax.f32 v11, v25;
	v26 =	vmin.f32 v15, v27;
	v11 =	vmin.f32 v11, v25  }
0x94: {  	v25 =	vmax.f32 v28, v2;
	v15 =	vmax.f32 v15, v27;
	v27 =	vmin.f32 v30, v2  }
0x95: {  	v4 =	vld [tilespmem:s14+$0x5800];
	v28 =	vmin.f32 v28, v2;
	v23 =	vmax.f32 v30, v2;
	v29 =	vadd.f32 v0, v29  }
0x96: {  	v30 =	vmin.f32 v16, v21;
	v5 =	vmax.f32 v19, v22;
	v16 =	vmax.f32 v16, v21  }
0x97: {  	v19 =	vmin.f32 v19, v22;
	v21 =	vmax.f32 v17, v18;
	v22 =	vmin.f32 v9, v26  }
0x98: {  	v17 =	vmin.f32 v17, v18;
	v18 =	vmax.f32 v11, v25;
	v9 =	vmax.f32 v9, v26  }
0x99: {  	v26 =	vmin.f32 v15, v27;
	v11 =	vmin.f32 v11, v25;
	v15 =	vmax.f32 v15, v27  }
0x9a: {  	v25 =	vmin.f32 v23, v4;
	v27 =	vmax.f32 v28, v4;
	v23 =	vmax.f32 v23, v4  }
0x9b: {  	v28 =	vmin.f32 v28, v4;
	v20 =	vmin.f32 v20, v5;
	v24 =	vmax.f32 v24, v30  }
0x9c: {  	v30 =	vmin.f32 v16, v22;
	v31 =	vmax.f32 v19, v21;
	v16 =	vmax.f32 v16, v22  }
0x9d: {  	v19 =	vmin.f32 v19, v21;
	v21 =	vmax.f32 v17, v18;
	v22 =	vmin.f32 v9, v26  }
0x9e: {  	v17 =	vmin.f32 v17, v18;
	v18 =	vmax.f32 v11, v27;
	v9 =	vmax.f32 v9, v26  }
0x9f: {  	v26 =	vmin.f32 v15, v25;
	v11 =	vmin.f32 v11, v27;
	v15 =	vmax.f32 v15, v25  }
0xa0: {  	v2 =	vadd.f32 v2, v29;
	v24 =	vmax.f32 v24, v30;
	v20 =	vmin.f32 v20, v31  }
0xa1: {  	v5 =	vld [tilespmem:s14+$0x5C00];
	v30 =	vmax.f32 v19, v21;
	v31 =	vmin.f32 v16, v22;
	v19 =	vmin.f32 v19, v21  }
0xa2: {  	v21 =	vmax.f32 v17, v18;
	v16 =	vmax.f32 v16, v22;
	v22 =	vmin.f32 v9, v26  }
0xa3: {  	v17 =	vmin.f32 v17, v18;
	v18 =	vmax.f32 v9, v26;
	v24 =	vmax.f32 v24, v31  }
0xa4: {  	v7 =	vld [tilespmem:s14+$0x6000];
	v20 =	vmin.f32 v20, v30;
	v30 =	vmax.f32 v19, v21;
	v31 =	vmin.f32 v16, v22  }
0xa5: {  	v19 =	vmin.f32 v19, v21;
	v16 =	vmax.f32 v16, v22;
	v2 =	vadd.f32 v4, v2  }
0xa6: {  	v20 =	vmin.f32 v20, v30;
	v24 =	vmax.f32 v24, v31;
	v25 =	vmin.f32 v23, v5  }
0xa7: {  	v27 =	vmax.f32 v28, v5;
	v23 =	vmax.f32 v23, v5;
	v28 =	vmin.f32 v28, v5  }
0xa8: {  	v9 =	vld [tilespmem:s14+$0x6400];
	v2 =	vadd.f32 v5, v2;
	v26 =	vmin.f32 v15, v25;
	v32 =	vmax.f32 v11, v27  }
0xa9: {  	v15 =	vmax.f32 v15, v25;
	v11 =	vmin.f32 v11, v27;
	v25 =	vmax.f32 v28, v7  }
0xaa: {  	v27 =	vmax.f32 v23, v7;
	v23 =	vmin.f32 v23, v7;
	v28 =	vmin.f32 v28, v7  }
0xab: {  	v21 =	vmax.f32 v17, v32;
	v22 =	vmin.f32 v18, v26;
	v17 =	vmin.f32 v17, v32  }
0xac: {  	v18 =	vmax.f32 v18, v26;
	v26 =	vmin.f32 v15, v23;
	v63 =	vmax.f32 v11, v25  }
0xad: {  	v15 =	vmax.f32 v15, v23;
	v23 =	vmin.f32 v11, v25;
	v25 =	vmax.f32 v28, v9  }
0xae: {  	v33 =	vmax.f32 v27, v9;
	v27 =	vmin.f32 v27, v9;
	v28 =	vmin.f32 v28, v9  }
0xaf: {  	v2 =	vadd.f32 v7, v2;
	v30 =	vmax.f32 v19, v21;
	v31 =	vmin.f32 v16, v22  }
0xb0: {  	v19 =	vmin.f32 v19, v21;
	v16 =	vmax.f32 v16, v22;
	v21 =	vmin.f32 v18, v26  }
0xb1: {  	v22 =	vmax.f32 v17, v63;
	v18 =	vmax.f32 v18, v26;
	v17 =	vmin.f32 v17, v63  }
0xb2: {  	v26 =	vmax.f32 v23, v25;
	v36 =	vmin.f32 v15, v27;
	v23 =	vmin.f32 v23, v25  }
0xb3: {  	v15 =	vmax.f32 v15, v27;
	v20 =	vmin.f32 v20, v30;
	v30 =	vmax.f32 v19, v22  }
0xb4: {  	v11 =	vld [tilespmem:s14+$0x6800];
	v24 =	vmax.f32 v24, v31;
	v31 =	vmin.f32 v16, v21;
	v19 =	vmin.f32 v19, v22  }
0xb5: {  	v16 =	vmax.f32 v16, v21;
	v21 =	vmin.f32 v18, v36;
	v22 =	vmax.f32 v17, v26  }
0xb6: {  	v18 =	vmax.f32 v18, v36;
	v17 =	vmin.f32 v17, v26;
	v2 =	vadd.f32 v9, v2  }
0xb7: {  	v12 =	vld [tilespmem:s14+$0x6C00];
	v20 =	vmin.f32 v20, v30;
	v24 =	vmax.f32 v24, v31;
	v31 =	vmin.f32 v16, v21  }
0xb8: {  	v38 =	vmax.f32 v19, v22;
	v16 =	vmax.f32 v16, v21;
	v19 =	vmin.f32 v19, v22  }
0xb9: {  	v20 =	vmin.f32 v20, v38;
	v24 =	vmax.f32 v24, v31;
	v25 =	vmax.f32 v28, v11  }
0xba: {  	v27 =	vmin.f32 v33, v11;
	v28 =	vmin.f32 v28, v11;
	v33 =	vmax.f32 v33, v11  }
0xbb: {  	v14 =	vld [tilespmem:s14+$0x7000];
	v2 =	vadd.f32 v11, v2;
	v26 =	vmax.f32 v23, v25;
	v37 =	vmin.f32 v15, v27  }
0xbc: {  	v23 =	vmin.f32 v23, v25;
	v25 =	vmax.f32 v28, v12;
	v15 =	vmax.f32 v15, v27  }
0xbd: {  	v27 =	vmin.f32 v33, v12;
	v28 =	vmin.f32 v28, v12;
	v30 =	vmax.f32 v33, v12  }
0xbe: {  	v21 =	vmax.f32 v17, v26;
	v22 =	vmin.f32 v18, v37;
	v17 =	vmin.f32 v17, v26  }
0xbf: {  	v26 =	vmax.f32 v23, v25;
	v18 =	vmax.f32 v18, v37;
	v39 =	vmin.f32 v15, v27  }
0xc0: {  	v23 =	vmin.f32 v23, v25;
	v25 =	vmax.f32 v15, v27;
	v27 =	vmin.f32 v30, v14  }
0xc1: {  	v34 =	vmax.f32 v28, v14;
	v30 =	vmax.f32 v30, v14;
	v28 =	vmin.f32 v28, v14  }
0xc2: {  	v2 =	vadd.f32 v12, v2;
	v31 =	vmin.f32 v16, v22;
	v40 =	vmax.f32 v19, v21  }
0xc3: {  	v16 =	vmax.f32 v16, v22;
	v19 =	vmin.f32 v19, v21;
	v21 =	vmax.f32 v17, v26  }
0xc4: {  	v22 =	vmin.f32 v18, v39;
	v17 =	vmin.f32 v17, v26;
	v26 =	vmax.f32 v23, v34  }
0xc5: {  	v18 =	vmax.f32 v18, v39;
	v41 =	vmin.f32 v25, v27;
	v23 =	vmin.f32 v23, v34  }
0xc6: {  	v25 =	vmax.f32 v25, v27;
	v24 =	vmax.f32 v24, v31;
	v20 =	vmin.f32 v20, v40  }
0xc7: {  	v15 =	vld [tilespmem:s14+$0x7400];
	v31 =	vmax.f32 v19, v21;
	v43 =	vmin.f32 v16, v22;
	v19 =	vmin.f32 v19, v21  }
0xc8: {  	v21 =	vmax.f32 v17, v26;
	v22 =	vmax.f32 v16, v22;
	v35 =	vmin.f32 v18, v41  }
0xc9: {  	v17 =	vmin.f32 v17, v26;
	v18 =	vmax.f32 v18, v41;
	v2 =	vadd.f32 v14, v2  }
0xca: {  	v13 =	vld [tilespmem:s14+$0x7800];
	v24 =	vmax.f32 v24, v43;
	v20 =	vmin.f32 v20, v31;
	v31 =	vmax.f32 v19, v21  }
0xcb: {  	v46 =	vmin.f32 v22, v35;
	v19 =	vmin.f32 v19, v21;
	v22 =	vmax.f32 v22, v35  }
0xcc: {  	v20 =	vmin.f32 v20, v31;
	v24 =	vmax.f32 v24, v46;
	v27 =	vmin.f32 v30, v15  }
0xcd: {  	v42 =	vmax.f32 v28, v15;
	v30 =	vmax.f32 v30, v15;
	v28 =	vmin.f32 v28, v15  }
0xce: {  	v16 =	vld [tilespmem:s14+$0x7C00];
	v2 =	vadd.f32 v15, v2;
	v26 =	vmin.f32 v25, v27;
	v44 =	vmax.f32 v23, v42  }
0xcf: {  	v25 =	vmax.f32 v25, v27;
	v23 =	vmin.f32 v23, v42;
	v27 =	vmax.f32 v28, v13  }
0xd0: {  	v45 =	vmax.f32 v30, v13;
	v30 =	vmin.f32 v30, v13;
	v28 =	vmin.f32 v28, v13  }
0xd1: {  	v21 =	vmax.f32 v17, v44;
	v47 =	vmin.f32 v18, v26;
	v32 =	vmin.f32 v17, v44  }
0xd2: {  	v18 =	vmax.f32 v18, v26;
	v26 =	vmin.f32 v25, v30;
	v36 =	vmax.f32 v23, v27  }
0xd3: {  	v25 =	vmax.f32 v25, v30;
	v23 =	vmin.f32 v23, v27;
	v27 =	vmax.f32 v28, v16  }
0xd4: {  	v30 =	vmax.f32 v45, v16;
	v34 =	vmin.f32 v45, v16;
	v28 =	vmin.f32 v28, v16  }
0xd5: {  	v2 =	vadd.f32 v13, v2;
	v31 =	vmax.f32 v19, v21;
	v48 =	vmin.f32 v22, v47  }
0xd6: {  	v19 =	vmin.f32 v19, v21;
	v21 =	vmax.f32 v22, v47;
	v22 =	vmin.f32 v18, v26  }
0xd7: {  	v49 =	vmax.f32 v32, v36;
	v18 =	vmax.f32 v18, v26;
	v26 =	vmin.f32 v32, v36  }
0xd8: {  	v50 =	vmax.f32 v23, v27;
	v51 =	vmin.f32 v25, v34;
	v23 =	vmin.f32 v23, v27  }
0xd9: {  	v25 =	vmax.f32 v25, v34;
	v20 =	vmin.f32 v20, v31;
	v31 =	vmax.f32 v19, v49  }
0xda: {  	v17 =	vld [tilespmem:s14+$0x8000];
	v24 =	vmax.f32 v24, v48;
	v53 =	vmin.f32 v21, v22;
	v19 =	vmin.f32 v19, v49  }
0xdb: {  	v21 =	vmax.f32 v21, v22;
	v22 =	vmin.f32 v18, v51;
	v54 =	vmax.f32 v26, v50  }
0xdc: {  	v18 =	vmax.f32 v18, v51;
	v26 =	vmin.f32 v26, v50;
	v2 =	vadd.f32 v16, v2  }
0xdd: {  	v10 =	vld [tilespmem:s14+$0x8400];
	v20 =	vmin.f32 v20, v31;
	v24 =	vmax.f32 v24, v53;
	v31 =	vmin.f32 v21, v22  }
0xde: {  	v58 =	vmax.f32 v19, v54;
	v21 =	vmax.f32 v21, v22;
	v19 =	vmin.f32 v19, v54  }
0xdf: {  	v20 =	vmin.f32 v20, v58;
	v24 =	vmax.f32 v24, v31;
	v27 =	vmax.f32 v28, v17  }
0xe0: {  	v52 =	vmin.f32 v30, v17;
	v28 =	vmin.f32 v28, v17;
	v30 =	vmax.f32 v30, v17  }
0xe1: {  	v8 =	vld [tilespmem:s14+$0x8800];
	v2 =	vadd.f32 v17, v2;
	v55 =	vmax.f32 v23, v27;
	v56 =	vmin.f32 v25, v52  }
0xe2: {  	v23 =	vmin.f32 v23, v27;
	v27 =	vmax.f32 v28, v10;
	v25 =	vmax.f32 v25, v52  }
0xe3: {  	v57 =	vmin.f32 v30, v10;
	v28 =	vmin.f32 v28, v10;
	v30 =	vmax.f32 v30, v10  }
0xe4: {  	v22 =	vmax.f32 v26, v55;
	v59 =	vmin.f32 v18, v56;
	v26 =	vmin.f32 v26, v55  }
0xe5: {  	v60 =	vmax.f32 v23, v27;
	v36 =	vmax.f32 v18, v56;
	v37 =	vmin.f32 v25, v57  }
0xe6: {  	v23 =	vmin.f32 v23, v27;
	v25 =	vmax.f32 v25, v57;
	v27 =	vmin.f32 v30, v8  }
0xe7: {  	v61 =	vmax.f32 v28, v8;
	v30 =	vmax.f32 v30, v8;
	v28 =	vmin.f32 v28, v8  }
0xe8: {  	v2 =	vadd.f32 v10, v2;
	v31 =	vmin.f32 v21, v59;
	v62 =	vmax.f32 v19, v22  }
0xe9: {  	v21 =	vmax.f32 v21, v59;
	v19 =	vmin.f32 v19, v22;
	v22 =	vmax.f32 v26, v60  }
0xea: {  	v63 =	vmin.f32 v36, v37;
	v26 =	vmin.f32 v26, v60;
	v40 =	vmax.f32 v23, v61  }
0xeb: {  	v36 =	vmax.f32 v36, v37;
	v41 =	vmin.f32 v25, v27;
	v23 =	vmin.f32 v23, v61  }
0xec: {  	v25 =	vmax.f32 v25, v27;
	v24 =	vmax.f32 v24, v31;
	v20 =	vmin.f32 v20, v62  }
0xed: {  	v18 =	vld [tilespmem:s14+$0x8C00];
	v31 =	vmax.f32 v19, v22;
	v43 =	vmin.f32 v21, v63;
	v22 =	vmin.f32 v19, v22  }
0xee: {  	v38 =	vmax.f32 v26, v40;
	v21 =	vmax.f32 v21, v63;
	v44 =	vmin.f32 v36, v41  }
0xef: {  	v26 =	vmin.f32 v26, v40;
	v45 =	vmax.f32 v36, v41;
	v2 =	vadd.f32 v8, v2  }
0xf0: {  	v6 =	vld [tilespmem:s14+$0x9000];
	v24 =	vmax.f32 v24, v43;
	v31 =	vmin.f32 v20, v31;
	v49 =	vmax.f32 v22, v38  }
0xf1: {  	v39 =	vmin.f32 v21, v44;
	v22 =	vmin.f32 v22, v38;
	v21 =	vmax.f32 v21, v44  }
0xf2: {  	v31 =	vmin.f32 v31, v49;
	v24 =	vmax.f32 v24, v39;
	v27 =	vmin.f32 v30, v18  }
0xf3: {  	v42 =	vmax.f32 v28, v18;
	v30 =	vmax.f32 v30, v18;
	v28 =	vmin.f32 v28, v18  }
0xf4: {  	v19 =	vld [tilespmem:s14+$0x9400];
	v2 =	vadd.f32 v18, v2;
	v46 =	vmin.f32 v25, v27;
	v47 =	vmax.f32 v23, v42  }
0xf5: {  	v25 =	vmax.f32 v25, v27;
	v23 =	vmin.f32 v23, v42;
	v27 =	vmax.f32 v28, v6  }
0xf6: {  	v48 =	vmax.f32 v30, v6;
	v30 =	vmin.f32 v30, v6;
	v28 =	vmin.f32 v28, v6  }
0xf7: {  	v50 =	vmax.f32 v26, v47;
	v51 =	vmin.f32 v45, v46;
	v26 =	vmin.f32 v26, v47  }
0xf8: {  	v32 =	vmax.f32 v45, v46;
	v52 =	vmin.f32 v25, v30;
	v53 =	vmax.f32 v23, v27  }
0xf9: {  	v25 =	vmax.f32 v25, v30;
	v23 =	vmin.f32 v23, v27;
	v27 =	vmax.f32 v28, v19  }
0xfa: {  	v20 =	vld [tilespmem:s14+$0x9800];
	v30 =	vmax.f32 v48, v19;
	v34 =	vmin.f32 v48, v19;
	v28 =	vmin.f32 v28, v19  }
0xfb: {  	v2 =	vadd.f32 v6, v2;
	v54 =	vmax.f32 v22, v50;
	v55 =	vmin.f32 v21, v51  }
0xfc: {  	v22 =	vmin.f32 v22, v50;
	v21 =	vmax.f32 v21, v51;
	v56 =	vmin.f32 v32, v52  }
0xfd: {  	v57 =	vmax.f32 v26, v53;
	v32 =	vmax.f32 v32, v52;
	v26 =	vmin.f32 v26, v53  }
0xfe: {  	v58 =	vmax.f32 v23, v27;
	v59 =	vmin.f32 v25, v34;
	v23 =	vmin.f32 v23, v27  }
0xff: {  	v27 =	vmax.f32 v28, v20;
	v25 =	vmax.f32 v25, v34;
	v60 =	vmin.f32 v30, v20  }
0x100: {  	v3 =	vld [tilespmem:s14+$0x9C00];
	v28 =	vmin.f32 v28, v20;
	v30 =	vmax.f32 v30, v20;
	v31 =	vmin.f32 v31, v54  }
0x101: {  	v61 =	vmax.f32 v22, v57;
	v24 =	vmax.f32 v24, v55;
	v62 =	vmin.f32 v21, v56  }
0x102: {  	v22 =	vmin.f32 v22, v57;
	v21 =	vmax.f32 v21, v56;
	v63 =	vmin.f32 v32, v59  }
0x103: {  	v42 =	vmax.f32 v26, v58;
	v32 =	vmax.f32 v32, v59;
	v26 =	vmin.f32 v26, v58  }
0x104: {  	v43 =	vmax.f32 v23, v27;
	v44 =	vmin.f32 v25, v60;
	v23 =	vmin.f32 v23, v27  }
0x105: {  	v27 =	vmax.f32 v28, v3;
	v25 =	vmax.f32 v25, v60;
	v45 =	vmin.f32 v30, v3  }
0x106: {  	v1 =	vld [tilespmem:s14+$0xA000];
	v28 =	vmin.f32 v28, v3;
	v30 =	vmax.f32 v30, v3;
	v2 =	vadd.f32 v19, v2  }
0x107: {  	v31 =	vmin.f32 v31, v61;
	v24 =	vmax.f32 v24, v62;
	v46 =	vmin.f32 v21, v63  }
0x108: {  	v47 =	vmax.f32 v22, v42;
	v21 =	vmax.f32 v21, v63;
	v22 =	vmin.f32 v22, v42  }
0x109: {  	v48 =	vmax.f32 v26, v43;
	v49 =	vmin.f32 v32, v44;
	v26 =	vmin.f32 v26, v43  }
0x10a: {  	v50 =	vmax.f32 v23, v27;
	v32 =	vmax.f32 v32, v44;
	v51 =	vmin.f32 v25, v45  }
0x10b: {  	v23 =	vmin.f32 v23, v27;
	v25 =	vmax.f32 v25, v45;
	v27 =	vmin.f32 v30, v1  }
0x10c: {  	v0 =	vld [tilespmem:s14+$0xA400];
	v52 =	vmax.f32 v28, v1;
	v30 =	vmax.f32 v30, v1;
	v28 =	vmin.f32 v28, v1  }
0x10d: {  	v31 =	vmin.f32 v31, v47;
	v24 =	vmax.f32 v24, v46;
	v53 =	vmax.f32 v22, v48  }
0x10e: {  	v54 =	vmin.f32 v21, v49;
	v22 =	vmin.f32 v22, v48;
	v55 =	vmax.f32 v26, v50  }
0x10f: {  	v21 =	vmax.f32 v21, v49;
	v29 =	vmin.f32 v32, v51;
	v32 =	vmax.f32 v32, v51  }
0x110: {  	v26 =	vmin.f32 v26, v50;
	v56 =	vmax.f32 v23, v52;
	v4 =	vmin.f32 v25, v27  }
0x111: {  	v23 =	vmin.f32 v23, v52;
	v25 =	vmax.f32 v25, v27;
	v27 =	vmin.f32 v30, v0  }
0x112: {  	v57 =	vmax.f32 v28, v0;
	v5 =	vmax.f32 v30, v0;
	v28 =	vmin.f32 v28, v0  }
0x113: {  	v2 =	vadd.f32 v20, v2;
	v24 =	vmax.f32 v24, v54;
	v30 =	vmin.f32 v31, v53  }
0x114: {  	v31 =	vmax.f32 v22, v55;
	v7 =	vmin.f32 v21, v29;
	v22 =	vmin.f32 v22, v55  }
0x115: {  	v21 =	vmax.f32 v21, v29;
	v29 =	vmin.f32 v32, v4;
	v59 =	vmax.f32 v26, v56  }
0x116: {  	v58 =	vld [tilespmem:s14+$0xA800];
	v9 =	vmin.f32 v26, v56;
	v26 =	vmax.f32 v23, v57;
	v4 =	vmax.f32 v32, v4  }
0x117: {  	v60 =	vmin.f32 v25, v27;
	v23 =	vmin.f32 v23, v57;
	v11 =	vmax.f32 v25, v27  }
0x118: {  	v12 =	vmin.f32 v30, v31;
	v30 =	vmax.f32 v22, v59;
	v7 =	vmax.f32 v24, v7  }
0x119: {  	v24 =	vmin.f32 v21, v29;
	v22 =	vmin.f32 v22, v59;
	v14 =	vmax.f32 v21, v29  }
0x11a: {  	v21 =	vmax.f32 v9, v26;
	v29 =	vmin.f32 v4, v60;
	v9 =	vmin.f32 v9, v26  }
0x11b: {  	v4 =	vmax.f32 v4, v60;
	v2 =	vadd.f32 v3, v2;
	v25 =	vmax.f32 v28, v58  }
0x11c: {  	v27 =	vmax.f32 v5, v58;
	v5 =	vmin.f32 v5, v58;
	v28 =	vmin.f32 v28, v58  }
0x11d: {  	v31 =	vld [tilespmem:s14+$0xAC00];
	v12 =	vmin.f32 v12, v30;
	v7 =	vmax.f32 v7, v24;
	v16 =	vmin.f32 v14, v29  }
0x11e: {  	v14 =	vmax.f32 v14, v29;
	v26 =	vmax.f32 v23, v25;
	v15 =	vmin.f32 v11, v5  }
0x11f: {  	v5 =	vmax.f32 v11, v5;
	v11 =	vmin.f32 v23, v25;
	v1 =	vadd.f32 v1, v2  }
0x120: {  	v7 =	vmax.f32 v7, v16;
	v17 =	vmin.f32 v4, v15;
	v4 =	vmax.f32 v4, v15  }
0x121: {  	v30 =	vld [tilespmem:s14+$0xB000];
	v16 =	vmin.f32 v14, v17;
	v14 =	vmax.f32 v14, v17;
	v0 =	vadd.f32 v0, v1  }
0x122: {  	v23 =	vmax.f32 v28, v31;
	v13 =	vmin.f32 v27, v31;
	v25 =	vmin.f32 v28, v31  }
0x123: {  	v28 =	vmax.f32 v22, v21;
	v27 =	vmax.f32 v27, v31;
	v21 =	vmin.f32 v22, v21  }
0x124: {  	v22 =	vmax.f32 v9, v26;
	v9 =	vmin.f32 v9, v26;
	v7 =	vmax.f32 v7, v16  }
0x125: {  	v15 =	vmin.f32 v5, v13;
	v24 =	vmax.f32 v11, v23;
	v10 =	vmin.f32 v11, v23  }
0x126: {  	v11 =	vmax.f32 v25, v30;
	v5 =	vmax.f32 v5, v13;
	v13 =	vmin.f32 v27, v30  }
0x127: {  	v23 =	vmin.f32 v25, v30;
	v8 =	vmin.f32 v12, v28;
	v12 =	vmax.f32 v27, v30  }
0x128: {  	v26 =	vmax.f32 v21, v22;
	v18 =	vmin.f32 v21, v22;
	v0 =	vadd.f32 v58, v0  }
0x129: {  	v21 =	vmax.f32 v9, v24;
	v17 =	vmin.f32 v4, v15;
	v9 =	vmin.f32 v9, v24  }
0x12a: {  	v4 =	vmax.f32 v4, v15;
	v6 =	vmax.f32 v10, v11;
	v15 =	vmin.f32 v5, v13  }
0x12b: {  	v10 =	vmin.f32 v10, v11;
	v5 =	vmax.f32 v5, v13;
	v8 =	vmin.f32 v8, v26  }
0x12c: {  	v16 =	vmax.f32 v18, v21;
	v22 =	vmin.f32 v14, v17;
	v18 =	vmin.f32 v18, v21  }
0x12d: {  	v25 =	vld [tilespmem:s14+$0xB400];
	v21 =	vmax.f32 v9, v6;
	v3 =	vmax.f32 v14, v17;
	v14 =	vmin.f32 v4, v15  }
0x12e: {  	v4 =	vmax.f32 v4, v15;
	v6 =	vmin.f32 v9, v6;
	v0 =	vadd.f32 v31, v0  }
0x12f: {  	v20 =	vld [tilespmem:s14+$0xB800];
	v7 =	vmax.f32 v7, v22;
	v8 =	vmin.f32 v8, v16;
	v15 =	vmax.f32 v18, v21  }
0x130: {  	v17 =	vmin.f32 v3, v14;
	v18 =	vmin.f32 v18, v21;
	v3 =	vmax.f32 v3, v14  }
0x131: {  	v0 =	vadd.f32 v30, v0;
	v8 =	vmin.f32 v8, v15;
	v7 =	vmax.f32 v7, v17  }
0x132: {  	v11 =	vmax.f32 v23, v25;
	v13 =	vmin.f32 v12, v25;
	v12 =	vmax.f32 v12, v25  }
0x133: {  	v19 =	vmin.f32 v23, v25;
	v9 =	vmax.f32 v10, v11;
	v2 =	vmin.f32 v5, v13  }
0x134: {  	v16 =	vld [tilespmem:s14+$0xBC00];
	v10 =	vmin.f32 v10, v11;
	v5 =	vmax.f32 v5, v13;
	v11 =	vmin.f32 v12, v20  }
0x135: {  	v13 =	vmax.f32 v19, v20;
	v1 =	vmax.f32 v12, v20;
	v12 =	vmin.f32 v19, v20  }
0x136: {  	v0 =	vadd.f32 v25, v0;
	v14 =	vmin.f32 v4, v2;
	v19 =	vmax.f32 v6, v9  }
0x137: {  	v6 =	vmin.f32 v6, v9;
	v9 =	vmax.f32 v10, v13;
	v2 =	vmax.f32 v4, v2  }
0x138: {  	v4 =	vmin.f32 v5, v11;
	v10 =	vmin.f32 v10, v13;
	v5 =	vmax.f32 v5, v11  }
0x139: {  	v11 =	vmax.f32 v12, v16;
	v13 =	vmax.f32 v1, v16;
	v1 =	vmin.f32 v1, v16  }
0x13a: {  	v21 =	vld [tilespmem:s14+$0xC000];
	v12 =	vmin.f32 v12, v16;
	v15 =	vmax.f32 v18, v19;
	v17 =	vmin.f32 v3, v14  }
0x13b: {  	v18 =	vmin.f32 v18, v19;
	v3 =	vmax.f32 v3, v14;
	v0 =	vadd.f32 v20, v0  }
0x13c: {  	v14 =	vmax.f32 v6, v9;
	v19 =	vmin.f32 v2, v4;
	v6 =	vmin.f32 v6, v9  }
0x13d: {  	v20 =	vld [tilespmem:s14+$0xC400];
	v2 =	vmax.f32 v2, v4;
	v9 =	vmax.f32 v10, v11;
	v4 =	vmin.f32 v5, v1  }
0x13e: {  	v1 =	vmax.f32 v5, v1;
	v5 =	vmin.f32 v10, v11;
	v0 =	vadd.f32 v16, v0  }
0x13f: {  	v10 =	vmax.f32 v12, v21;
	v11 =	vmin.f32 v13, v21;
	v12 =	vmin.f32 v12, v21  }
0x140: {  	v8 =	vmin.f32 v8, v15;
	v15 =	vmax.f32 v18, v14;
	v0 =	vadd.f32 v21, v0  }
0x141: {  	v13 =	vmax.f32 v13, v21;
	v7 =	vmax.f32 v7, v17;
	v14 =	vmin.f32 v18, v14  }
0x142: {  	v16 =	vmin.f32 v3, v19;
	v17 =	vmax.f32 v6, v9;
	v0 =	vadd.f32 v20, v0  }
0x143: {  	v3 =	vmax.f32 v3, v19;
	v19 =	vmin.f32 v2, v4;
	v18 =	vmax.f32 v13, v20  }
0x144: {  	v6 =	vmin.f32 v6, v9;
	v9 =	vmax.f32 v5, v10;
	v0 =	vsub.f32 v0, v18  }
0x145: {  	v2 =	vmax.f32 v2, v4;
	v5 =	vmin.f32 v5, v10;
	v18 =	vmin.f32 v12, v20  }
0x146: {  	v21 =	vmax.f32 v1, v11;
	v13 =	vmin.f32 v13, v20;
	v0 =	vsub.f32 v0, v18  }
0x147: {  	v7 =	vmax.f32 v7, v16;
	v16 =	vmin.f32 v6, v9;
	v4 =	vmax.f32 v21, v13  }
0x148: {  	v6 =	vmax.f32 v6, v9;
	v10 =	vmax.f32 v12, v20;
	v0 =	vsub.f32 v0, v4  }
0x149: {  	v1 =	vmin.f32 v1, v11;
	v11 =	vmin.f32 v5, v10;
	v13 =	vmin.f32 v21, v13  }
0x14a: {  	v5 =	vmax.f32 v5, v10;
	v12 =	vmax.f32 v2, v1;
	v0 =	vsub.f32 v0, v11  }
0x14b: {  	v1 =	vmin.f32 v2, v1;
	v4 =	vmin.f32 v8, v15;
	v15 =	vmax.f32 v12, v13  }
0x14c: {  	v2 =	vmin.f32 v16, v5;
	v5 =	vmax.f32 v16, v5;
	v0 =	vsub.f32 v0, v15  }
0x14d: {  	s15 =	simm.s32 $0x10;
	v8 =	vmax.f32 v14, v17;
	v11 =	vmin.f32 v3, v19;
	v3 =	vmax.f32 v3, v19  }
0x14e: {  	s14 =	sand.u32 $0x3F0, s15;
	v12 =	vmin.f32 v12, v13;
	v10 =	vmax.f32 v3, v1;
	v0 =	vsub.f32 v0, v2  }
0x14f: {  	v7 =	vmax.f32 v7, v11;
	v11 =	vld [tilespmem:s14+$0x400];
	v9 =	vmax.f32 v10, v12;
	v2 =	vmin.f32 v14, v17  }
0x150: {  	v1 =	vmin.f32 v3, v1;
	v13 =	vmin.f32 v2, v6;
	v0 =	vsub.f32 v0, v9;
	v9 =	vld [tilespmem:s15+$0x0]  }
0x151: {  	v1 =	vmax.f32 v7, v1;
	v7 =	vmin.f32 v10, v12;
	v3 =	vmin.f32 v13, v5  }
0x152: {  	v2 =	vmax.f32 v2, v6;
	v0 =	vsub.f32 v0, v3;
	v3 =	vmin.f32 v4, v8  }
0x153: {  	v1 =	vmax.f32 v1, v7;
	v4 =	vld [tilespmem:s14+$0x800];
	v2 =	vmin.f32 v3, v2;
	v3 =	vmax.f32 v13, v5  }
0x154: {  	v0 =	vsub.f32 v0, v1;
	v1 =	vmin.f32 v2, v3  }
0x155: {  	v2 =	vmin.f32 v9, $-Inf;
	v3 =	vmax.f32 v9, $+Inf;
	v5 =	vmax.f32 v9, v11  }
0x156: {  	v7 =	vld [tilespmem:s14+$0xC00];
	v6 =	vmin.f32 v9, v11;
	v0 =	vsub.f32 v0, v1;
	v1 =	vadd.f32 $0.0e+00, v9  }
0x157: {  	v8 =	vmin.f32 v2, v6;
	v9 =	vmax.f32 v3, v5;
	v10 =	vmin.f32 v3, v5  }
0x158: {  	v12 =	vmax.f32 v6, v4;
	v13 =	vmax.f32 v5, v4;
	v5 =	vmin.f32 v5, v4  }
0x159: {  	v3 =	vmin.f32 v3, v9;
	v17 =	vmul.f32 $2.500000040e-02, v0;
	v0 =	vmax.f32 v2, v6  }
0x15a: {  	v6 =	vmin.f32 v6, v4;
	v2 =	vmax.f32 v2, v8;
	v8 =	vmax.f32 v10, v12  }
0x15b: {  	v14 =	vld [tilespmem:s14+$0x1000];
	v10 =	vmin.f32 v10, v12;
	v15 =	vmin.f32 v13, v7;
	v1 =	vadd.f32 v11, v1  }
0x15c: {  	v13 =	vmax.f32 v13, v7;
	v9 =	vmin.f32 v0, v5;
	v12 =	vmax.f32 v6, v7  }
0x15d: {  	v0 =	vmax.f32 v0, v5;
	v6 =	vmin.f32 v6, v7;
	v11 =	vmax.f32 v3, v8  }
0x15e: {  	v8 =	vmin.f32 v3, v8;
	v16 =	vmin.f32 v2, v9;
	v18 =	vmax.f32 v10, v12  }
0x15f: {  	v9 =	vmax.f32 v2, v9;
	v19 =	vmin.f32 v0, v15;
	v10 =	vmin.f32 v10, v12  }
0x160: {  	v0 =	vmax.f32 v0, v15;
	v12 =	vmin.f32 v13, v14;
	v15 =	vmax.f32 v6, v14  }
0x161: {  	v11 =	vmin.f32 v3, v11;
	v13 =	vmax.f32 v13, v14;
	v3 =	vmin.f32 v6, v14  }
0x162: {  	v4 =	vadd.f32 v4, v1;
	v2 =	vmax.f32 v2, v16;
	v6 =	vmin.f32 v9, v19  }
0x163: {  	v5 =	vld [tilespmem:s14+$0x1400];
	v16 =	vmax.f32 v8, v18;
	v9 =	vmax.f32 v9, v19;
	v8 =	vmin.f32 v8, v18  }
0x164: {  	v18 =	vmax.f32 v10, v15;
	v19 =	vmin.f32 v0, v12;
	v10 =	vmin.f32 v10, v15  }
0x165: {  	v0 =	vmax.f32 v0, v12;
	v21 =	vmax.f32 v11, v16;
	v16 =	vmin.f32 v11, v16  }
0x166: {  	v22 =	vmax.f32 v8, v18;
	v23 =	vmin.f32 v9, v19;
	v8 =	vmin.f32 v8, v18  }
0x167: {  	v9 =	vmax.f32 v9, v19;
	v4 =	vadd.f32 v7, v4;
	v11 =	vmin.f32 v11, v21  }
0x168: {  	v15 =	vmax.f32 v3, v5;
	v12 =	vmin.f32 v13, v5;
	v20 =	vmin.f32 v3, v5  }
0x169: {  	v1 =	vmax.f32 v13, v5;
	v13 =	vmin.f32 v2, v6;
	v6 =	vmax.f32 v2, v6  }
0x16a: {  	v14 =	vadd.f32 v14, v4;
	v18 =	vmin.f32 v0, v12;
	v19 =	vmax.f32 v10, v15  }
0x16b: {  	v0 =	vmax.f32 v0, v12;
	v10 =	vmin.f32 v10, v15;
	v2 =	vmax.f32 v2, v13  }
0x16c: {  	v3 =	vld [tilespmem:s14+$0x1800];
	v13 =	vmax.f32 v16, v22;
	v21 =	vmin.f32 v6, v23;
	v16 =	vmin.f32 v16, v22  }
0x16d: {  	v6 =	vmax.f32 v6, v23;
	v22 =	vmax.f32 v8, v19;
	v23 =	vmin.f32 v9, v18  }
0x16e: {  	v8 =	vmin.f32 v8, v19;
	v9 =	vmax.f32 v9, v18;
	v7 =	vmin.f32 v11, v13  }
0x16f: {  	v13 =	vmax.f32 v2, v21;
	v5 =	vadd.f32 v5, v14;
	v11 =	vmax.f32 v16, v22  }
0x170: {  	v21 =	vmin.f32 v6, v23;
	v16 =	vmin.f32 v16, v22;
	v6 =	vmax.f32 v6, v23  }
0x171: {  	v7 =	vmin.f32 v7, v11;
	v13 =	vmax.f32 v13, v21;
	v12 =	vmax.f32 v20, v3  }
0x172: {  	v15 =	vmax.f32 v1, v3;
	v24 =	vmin.f32 v1, v3;
	v20 =	vmin.f32 v20, v3  }
0x173: {  	v1 =	vld [tilespmem:s14+$0x1C00];
	v3 =	vadd.f32 v3, v5;
	v18 =	vmin.f32 v0, v24;
	v19 =	vmax.f32 v10, v12  }
0x174: {  	v24 =	vmax.f32 v0, v24;
	v10 =	vmin.f32 v10, v12;
	v22 =	vmin.f32 v9, v18  }
0x175: {  	v0 =	vld [tilespmem:s14+$0x2000];
	v23 =	vmax.f32 v8, v19;
	v9 =	vmax.f32 v9, v18;
	v8 =	vmin.f32 v8, v19  }
0x176: {  	v11 =	vmax.f32 v16, v23;
	v21 =	vmin.f32 v6, v22;
	v16 =	vmin.f32 v16, v23  }
0x177: {  	v6 =	vmax.f32 v6, v22;
	v7 =	vmin.f32 v7, v11;
	v13 =	vmax.f32 v13, v21  }
0x178: {  	v12 =	vmax.f32 v20, v1;
	v25 =	vmax.f32 v15, v1;
	v15 =	vmin.f32 v15, v1  }
0x179: {  	v2 =	vld [tilespmem:s14+$0x2400];
	v20 =	vmin.f32 v20, v1;
	v1 =	vadd.f32 v1, v3;
	v18 =	vmax.f32 v10, v12  }
0x17a: {  	v19 =	vmin.f32 v24, v15;
	v10 =	vmin.f32 v10, v12;
	v12 =	vmax.f32 v20, v0  }
0x17b: {  	v15 =	vmax.f32 v24, v15;
	v24 =	vmin.f32 v25, v0;
	v20 =	vmin.f32 v20, v0  }
0x17c: {  	v25 =	vmax.f32 v25, v0;
	v22 =	vmin.f32 v9, v19;
	v23 =	vmax.f32 v8, v18  }
0x17d: {  	v9 =	vmax.f32 v9, v19;
	v8 =	vmin.f32 v8, v18;
	v18 =	vmax.f32 v10, v12  }
0x17e: {  	v19 =	vmin.f32 v15, v24;
	v10 =	vmin.f32 v10, v12;
	v12 =	vmax.f32 v20, v2  }
0x17f: {  	v4 =	vld [tilespmem:s14+$0x2800];
	v15 =	vmax.f32 v15, v24;
	v24 =	vmin.f32 v25, v2;
	v20 =	vmin.f32 v20, v2  }
0x180: {  	v11 =	vmax.f32 v25, v2;
	v30 =	vadd.f32 v0, v1;
	v21 =	vmin.f32 v6, v22  }
0x181: {  	v25 =	vmax.f32 v16, v23;
	v6 =	vmax.f32 v6, v22;
	v16 =	vmin.f32 v16, v23  }
0x182: {  	v22 =	vmax.f32 v8, v18;
	v23 =	vmin.f32 v9, v19;
	v8 =	vmin.f32 v8, v18  }
0x183: {  	v18 =	vmax.f32 v10, v12;
	v9 =	vmax.f32 v9, v19;
	v19 =	vmin.f32 v15, v24  }
0x184: {  	v10 =	vmin.f32 v10, v12;
	v12 =	vmax.f32 v15, v24;
	v15 =	vmin.f32 v11, v4  }
0x185: {  	v24 =	vmax.f32 v20, v4;
	v11 =	vmax.f32 v11, v4;
	v20 =	vmin.f32 v20, v4  }
0x186: {  	v25 =	vmin.f32 v7, v25;
	v13 =	vmax.f32 v13, v21;
	v21 =	vmin.f32 v6, v23  }
0x187: {  	v26 =	vmax.f32 v16, v22;
	v6 =	vmax.f32 v6, v23;
	v16 =	vmin.f32 v16, v22  }
0x188: {  	v22 =	vmax.f32 v8, v18;
	v23 =	vmin.f32 v9, v19;
	v8 =	vmin.f32 v8, v18  }
0x189: {  	v18 =	vmax.f32 v10, v24;
	v9 =	vmax.f32 v9, v19;
	v19 =	vmin.f32 v12, v15  }
0x18a: {  	v10 =	vmin.f32 v10, v24;
	v12 =	vmax.f32 v12, v15;
	v30 =	vadd.f32 v2, v30  }
0x18b: {  	v13 =	vmax.f32 v13, v21;
	v21 =	vmin.f32 v25, v26;
	v25 =	vmax.f32 v16, v22  }
0x18c: {  	v7 =	vld [tilespmem:s14+$0x2C00];
	v26 =	vmin.f32 v6, v23;
	v16 =	vmin.f32 v16, v22;
	v22 =	vmax.f32 v8, v18  }
0x18d: {  	v6 =	vmax.f32 v6, v23;
	v23 =	vmin.f32 v9, v19;
	v8 =	vmin.f32 v8, v18  }
0x18e: {  	v9 =	vmax.f32 v9, v19;
	v13 =	vmax.f32 v13, v26;
	v21 =	vmin.f32 v21, v25  }
0x18f: {  	v25 =	vmax.f32 v16, v22;
	v26 =	vmin.f32 v6, v23;
	v16 =	vmin.f32 v16, v22  }
0x190: {  	v6 =	vmax.f32 v6, v23;
	v30 =	vadd.f32 v4, v30;
	v5 =	vmin.f32 v21, v25  }
0x191: {  	v13 =	vmax.f32 v13, v26;
	v15 =	vmin.f32 v11, v7;
	v24 =	vmax.f32 v20, v7  }
0x192: {  	v14 =	vmax.f32 v11, v7;
	v20 =	vmin.f32 v20, v7;
	v11 =	vld [tilespmem:s14+$0x3000];
	v30 =	vadd.f32 v7, v30  }
0x193: {  	v18 =	vmin.f32 v12, v15;
	v19 =	vmax.f32 v10, v24;
	v15 =	vmax.f32 v12, v15  }
0x194: {  	v10 =	vmin.f32 v10, v24;
	v22 =	vmax.f32 v8, v19;
	v23 =	vmin.f32 v9, v18  }
0x195: {  	v12 =	vld [tilespmem:s14+$0x3400];
	v8 =	vmin.f32 v8, v19;
	v9 =	vmax.f32 v9, v18;
	v21 =	vmax.f32 v16, v22  }
0x196: {  	v25 =	vmin.f32 v6, v23;
	v16 =	vmin.f32 v16, v22;
	v6 =	vmax.f32 v6, v23  }
0x197: {  	v5 =	vmin.f32 v5, v21;
	v13 =	vmax.f32 v13, v25;
	v24 =	vmax.f32 v20, v11  }
0x198: {  	v27 =	vmax.f32 v14, v11;
	v14 =	vmin.f32 v14, v11;
	v20 =	vmin.f32 v20, v11  }
0x199: {  	v30 =	vadd.f32 v11, v30;
	v18 =	vmin.f32 v15, v14;
	v19 =	vmax.f32 v10, v24  }
0x19a: {  	v15 =	vmax.f32 v15, v14;
	v10 =	vmin.f32 v10, v24;
	v24 =	vmax.f32 v20, v12  }
0x19b: {  	v28 =	vmax.f32 v27, v12;
	v27 =	vmin.f32 v27, v12;
	v20 =	vmin.f32 v20, v12  }
0x19c: {  	v22 =	vmin.f32 v9, v18;
	v23 =	vmax.f32 v8, v19;
	v9 =	vmax.f32 v9, v18  }
0x19d: {  	v8 =	vmin.f32 v8, v19;
	v19 =	vmax.f32 v10, v24;
	v26 =	vmin.f32 v15, v27  }
0x19e: {  	v10 =	vmin.f32 v10, v24;
	v15 =	vmax.f32 v15, v27;
	v30 =	vadd.f32 v12, v30  }
0x19f: {  	v14 =	vld [tilespmem:s14+$0x3800];
	v21 =	vmax.f32 v16, v23;
	v25 =	vmin.f32 v6, v22;
	v16 =	vmin.f32 v16, v23  }
0x1a0: {  	v6 =	vmax.f32 v6, v22;
	v22 =	vmin.f32 v9, v26;
	v23 =	vmax.f32 v8, v19  }
0x1a1: {  	v9 =	vmax.f32 v9, v26;
	v19 =	vmin.f32 v8, v19;
	v3 =	vmin.f32 v5, v21  }
0x1a2: {  	v18 =	vld [tilespmem:s14+$0x3C00];
	v13 =	vmax.f32 v13, v25;
	v21 =	vmin.f32 v6, v22;
	v25 =	vmax.f32 v16, v23  }
0x1a3: {  	v22 =	vmax.f32 v6, v22;
	v16 =	vmin.f32 v16, v23;
	v25 =	vmin.f32 v3, v25  }
0x1a4: {  	v13 =	vmax.f32 v13, v21;
	v24 =	vmax.f32 v20, v14;
	v27 =	vmin.f32 v28, v14  }
0x1a5: {  	v20 =	vmin.f32 v20, v14;
	v28 =	vmax.f32 v28, v14;
	v30 =	vadd.f32 v14, v30  }
0x1a6: {  	v8 =	vld [tilespmem:s14+$0x4000];
	v26 =	vmax.f32 v10, v24;
	v29 =	vmin.f32 v15, v27;
	v10 =	vmin.f32 v10, v24  }
0x1a7: {  	v24 =	vmax.f32 v20, v18;
	v15 =	vmax.f32 v15, v27;
	v27 =	vmin.f32 v28, v18  }
0x1a8: {  	v20 =	vmin.f32 v20, v18;
	v5 =	vmax.f32 v28, v18;
	v23 =	vmax.f32 v19, v26  }
0x1a9: {  	v28 =	vmin.f32 v9, v29;
	v19 =	vmin.f32 v19, v26;
	v26 =	vmax.f32 v10, v24  }
0x1aa: {  	v9 =	vmax.f32 v9, v29;
	v29 =	vmin.f32 v15, v27;
	v10 =	vmin.f32 v10, v24  }
0x1ab: {  	v6 =	vld [tilespmem:s14+$0x4400];
	v15 =	vmax.f32 v15, v27;
	v24 =	vmin.f32 v5, v8;
	v27 =	vmax.f32 v20, v8  }
0x1ac: {  	v3 =	vmax.f32 v5, v8;
	v5 =	vmin.f32 v20, v8;
	v20 =	vmin.f32 v22, v28  }
0x1ad: {  	v21 =	vmax.f32 v16, v23;
	v22 =	vmax.f32 v22, v28;
	v16 =	vmin.f32 v16, v23  }
0x1ae: {  	v23 =	vmax.f32 v19, v26;
	v28 =	vmin.f32 v9, v29;
	v19 =	vmin.f32 v19, v26  }
0x1af: {  	v26 =	vmax.f32 v10, v27;
	v9 =	vmax.f32 v9, v29;
	v29 =	vmin.f32 v15, v24  }
0x1b0: {  	v10 =	vmin.f32 v10, v27;
	v15 =	vmax.f32 v15, v24;
	v24 =	vmin.f32 v3, v6  }
0x1b1: {  	v27 =	vmax.f32 v5, v6;
	v0 =	vmax.f32 v3, v6;
	v1 =	vmin.f32 v5, v6  }
0x1b2: {  	v5 =	vmax.f32 v13, v20;
	v13 =	vmin.f32 v25, v21;
	v20 =	vmax.f32 v16, v23  }
0x1b3: {  	v21 =	vmin.f32 v22, v28;
	v16 =	vmin.f32 v16, v23;
	v23 =	vmax.f32 v19, v26  }
0x1b4: {  	v22 =	vmax.f32 v22, v28;
	v25 =	vmin.f32 v9, v29;
	v19 =	vmin.f32 v19, v26  }
0x1b5: {  	v9 =	vmax.f32 v9, v29;
	v26 =	vmin.f32 v15, v24;
	v28 =	vmax.f32 v10, v27  }
0x1b6: {  	v15 =	vmax.f32 v15, v24;
	v10 =	vmin.f32 v10, v27;
	v5 =	vmax.f32 v5, v21  }
0x1b7: {  	v3 =	vld [tilespmem:s14+$0x4800];
	v13 =	vmin.f32 v13, v20;
	v20 =	vmax.f32 v16, v23;
	v21 =	vmin.f32 v22, v25  }
0x1b8: {  	v16 =	vmin.f32 v16, v23;
	v23 =	vmax.f32 v19, v28;
	v22 =	vmax.f32 v22, v25  }
0x1b9: {  	v25 =	vmin.f32 v9, v26;
	v19 =	vmin.f32 v19, v28;
	v9 =	vmax.f32 v9, v26  }
0x1ba: {  	v13 =	vmin.f32 v13, v20;
	v20 =	vmax.f32 v16, v23;
	v5 =	vmax.f32 v5, v21  }
0x1bb: {  	v21 =	vmin.f32 v22, v25;
	v16 =	vmin.f32 v16, v23;
	v22 =	vmax.f32 v22, v25  }
0x1bc: {  	v13 =	vmin.f32 v13, v20;
	v5 =	vmax.f32 v5, v21;
	v24 =	vmax.f32 v1, v3  }
0x1bd: {  	v27 =	vmax.f32 v0, v3;
	v0 =	vmin.f32 v0, v3;
	v29 =	vmin.f32 v1, v3;
	v1 =	vld [tilespmem:s14+$0x4C00]  }
0x1be: {  	v26 =	vmin.f32 v15, v0;
	v28 =	vmax.f32 v10, v24;
	v15 =	vmax.f32 v15, v0  }
0x1bf: {  	v10 =	vmin.f32 v10, v24;
	v23 =	vmin.f32 v9, v26;
	v25 =	vmax.f32 v19, v28  }
0x1c0: {  	v0 =	vld [tilespmem:s14+$0x5000];
	v9 =	vmax.f32 v9, v26;
	v19 =	vmin.f32 v19, v28;
	v20 =	vmax.f32 v16, v25  }
0x1c1: {  	v21 =	vmin.f32 v22, v23;
	v16 =	vmin.f32 v16, v25;
	v22 =	vmax.f32 v22, v23  }
0x1c2: {  	v13 =	vmin.f32 v13, v20;
	v21 =	vmax.f32 v5, v21;
	v24 =	vmax.f32 v29, v1  }
0x1c3: {  	v31 =	vmax.f32 v27, v1;
	v27 =	vmin.f32 v27, v1;
	v29 =	vmin.f32 v29, v1  }
0x1c4: {  	v2 =	vld [tilespmem:s14+$0x5400];
	v26 =	vmax.f32 v10, v24;
	v28 =	vmin.f32 v15, v27;
	v10 =	vmin.f32 v10, v24  }
0x1c5: {  	v24 =	vmax.f32 v29, v0;
	v15 =	vmax.f32 v15, v27;
	v27 =	vmin.f32 v31, v0  }
0x1c6: {  	v29 =	vmin.f32 v29, v0;
	v31 =	vmax.f32 v31, v0;
	v23 =	vmin.f32 v9, v28  }
0x1c7: {  	v25 =	vmax.f32 v19, v26;
	v9 =	vmax.f32 v9, v28;
	v19 =	vmin.f32 v19, v26  }
0x1c8: {  	v26 =	vmax.f32 v10, v24;
	v28 =	vmin.f32 v15, v27;
	v10 =	vmin.f32 v10, v24  }
0x1c9: {  	v4 =	vld [tilespmem:s14+$0x5800];
	v24 =	vmax.f32 v29, v2;
	v15 =	vmax.f32 v15, v27;
	v27 =	vmin.f32 v31, v2  }
0x1ca: {  	v29 =	vmin.f32 v29, v2;
	v20 =	vmax.f32 v31, v2;
	v31 =	vmin.f32 v22, v23  }
0x1cb: {  	v5 =	vmax.f32 v16, v25;
	v22 =	vmax.f32 v22, v23;
	v16 =	vmin.f32 v16, v25  }
0x1cc: {  	v23 =	vmax.f32 v19, v26;
	v25 =	vmin.f32 v9, v28;
	v19 =	vmin.f32 v19, v26  }
0x1cd: {  	v26 =	vmax.f32 v10, v24;
	v9 =	vmax.f32 v9, v28;
	v28 =	vmin.f32 v15, v27  }
0x1ce: {  	v10 =	vmin.f32 v10, v24;
	v15 =	vmax.f32 v15, v27;
	v24 =	vmin.f32 v20, v4  }
0x1cf: {  	v27 =	vmax.f32 v29, v4;
	v20 =	vmax.f32 v20, v4;
	v29 =	vmin.f32 v29, v4  }
0x1d0: {  	v13 =	vmin.f32 v13, v5;
	v21 =	vmax.f32 v21, v31;
	v31 =	vmin.f32 v22, v25  }
0x1d1: {  	v61 =	vmax.f32 v16, v23;
	v22 =	vmax.f32 v22, v25;
	v16 =	vmin.f32 v16, v23  }
0x1d2: {  	v23 =	vmax.f32 v19, v26;
	v25 =	vmin.f32 v9, v28;
	v19 =	vmin.f32 v19, v26  }
0x1d3: {  	v26 =	vmax.f32 v10, v27;
	v9 =	vmax.f32 v9, v28;
	v28 =	vmin.f32 v15, v24  }
0x1d4: {  	v10 =	vmin.f32 v10, v27;
	v15 =	vmax.f32 v15, v24;
	v21 =	vmax.f32 v21, v31  }
0x1d5: {  	v5 =	vld [tilespmem:s14+$0x5C00];
	v13 =	vmin.f32 v13, v61;
	v31 =	vmax.f32 v16, v23;
	v62 =	vmin.f32 v22, v25  }
0x1d6: {  	v16 =	vmin.f32 v16, v23;
	v23 =	vmax.f32 v19, v26;
	v22 =	vmax.f32 v22, v25  }
0x1d7: {  	v25 =	vmin.f32 v9, v28;
	v19 =	vmin.f32 v19, v26;
	v26 =	vmax.f32 v9, v28  }
0x1d8: {  	v7 =	vld [tilespmem:s14+$0x6000];
	v21 =	vmax.f32 v21, v62;
	v13 =	vmin.f32 v13, v31;
	v31 =	vmax.f32 v16, v23  }
0x1d9: {  	v36 =	vmin.f32 v22, v25;
	v16 =	vmin.f32 v16, v23;
	v22 =	vmax.f32 v22, v25  }
0x1da: {  	v13 =	vmin.f32 v13, v31;
	v21 =	vmax.f32 v21, v36;
	v24 =	vmin.f32 v20, v5  }
0x1db: {  	v27 =	vmax.f32 v29, v5;
	v20 =	vmax.f32 v20, v5;
	v29 =	vmin.f32 v29, v5  }
0x1dc: {  	v9 =	vld [tilespmem:s14+$0x6400];
	v28 =	vmin.f32 v15, v24;
	v63 =	vmax.f32 v10, v27;
	v15 =	vmax.f32 v15, v24  }
0x1dd: {  	v10 =	vmin.f32 v10, v27;
	v24 =	vmax.f32 v29, v7;
	v27 =	vmax.f32 v20, v7  }
0x1de: {  	v20 =	vmin.f32 v20, v7;
	v29 =	vmin.f32 v29, v7;
	v23 =	vmax.f32 v19, v63  }
0x1df: {  	v25 =	vmin.f32 v26, v28;
	v19 =	vmin.f32 v19, v63;
	v26 =	vmax.f32 v26, v28  }
0x1e0: {  	v28 =	vmin.f32 v15, v20;
	v37 =	vmax.f32 v10, v24;
	v15 =	vmax.f32 v15, v20  }
0x1e1: {  	v20 =	vmin.f32 v10, v24;
	v24 =	vmax.f32 v29, v9;
	v38 =	vmax.f32 v27, v9  }
0x1e2: {  	v27 =	vmin.f32 v27, v9;
	v29 =	vmin.f32 v29, v9;
	v31 =	vmax.f32 v16, v23  }
0x1e3: {  	v39 =	vmin.f32 v22, v25;
	v16 =	vmin.f32 v16, v23;
	v22 =	vmax.f32 v22, v25  }
0x1e4: {  	v23 =	vmin.f32 v26, v28;
	v25 =	vmax.f32 v19, v37;
	v26 =	vmax.f32 v26, v28  }
0x1e5: {  	v19 =	vmin.f32 v19, v37;
	v28 =	vmax.f32 v20, v24;
	v40 =	vmin.f32 v15, v27  }
0x1e6: {  	v20 =	vmin.f32 v20, v24;
	v15 =	vmax.f32 v15, v27;
	v13 =	vmin.f32 v13, v31  }
0x1e7: {  	v10 =	vld [tilespmem:s14+$0x6800];
	v31 =	vmax.f32 v16, v25;
	v21 =	vmax.f32 v21, v39;
	v41 =	vmin.f32 v22, v23  }
0x1e8: {  	v16 =	vmin.f32 v16, v25;
	v22 =	vmax.f32 v22, v23;
	v23 =	vmin.f32 v26, v40  }
0x1e9: {  	v11 =	vld [tilespmem:s14+$0x6C00];
	v25 =	vmax.f32 v19, v28;
	v26 =	vmax.f32 v26, v40;
	v19 =	vmin.f32 v19, v28  }
0x1ea: {  	v13 =	vmin.f32 v13, v31;
	v21 =	vmax.f32 v21, v41;
	v43 =	vmin.f32 v22, v23  }
0x1eb: {  	v44 =	vmax.f32 v16, v25;
	v22 =	vmax.f32 v22, v23;
	v16 =	vmin.f32 v16, v25  }
0x1ec: {  	v21 =	vmax.f32 v21, v43;
	v24 =	vmax.f32 v29, v10;
	v27 =	vmin.f32 v38, v10  }
0x1ed: {  	v29 =	vmin.f32 v29, v10;
	v34 =	vmax.f32 v38, v10;
	v28 =	vmax.f32 v20, v24  }
0x1ee: {  	v12 =	vld [tilespmem:s14+$0x7000];
	v42 =	vmin.f32 v15, v27;
	v20 =	vmin.f32 v20, v24;
	v24 =	vmax.f32 v29, v11  }
0x1ef: {  	v15 =	vmax.f32 v15, v27;
	v27 =	vmin.f32 v34, v11;
	v29 =	vmin.f32 v29, v11  }
0x1f0: {  	v31 =	vmax.f32 v34, v11;
	v34 =	vmin.f32 v13, v44;
	v23 =	vmax.f32 v19, v28  }
0x1f1: {  	v25 =	vmin.f32 v26, v42;
	v19 =	vmin.f32 v19, v28;
	v28 =	vmax.f32 v20, v24  }
0x1f2: {  	v26 =	vmax.f32 v26, v42;
	v45 =	vmin.f32 v15, v27;
	v20 =	vmin.f32 v20, v24  }
0x1f3: {  	v15 =	vmax.f32 v15, v27;
	v24 =	vmin.f32 v31, v12;
	v27 =	vmax.f32 v29, v12  }
0x1f4: {  	v31 =	vmax.f32 v31, v12;
	v29 =	vmin.f32 v29, v12;
	v46 =	vmin.f32 v22, v25  }
0x1f5: {  	v47 =	vmax.f32 v16, v23;
	v22 =	vmax.f32 v22, v25;
	v16 =	vmin.f32 v16, v23  }
0x1f6: {  	v23 =	vmax.f32 v19, v28;
	v25 =	vmin.f32 v26, v45;
	v19 =	vmin.f32 v19, v28  }
0x1f7: {  	v28 =	vmax.f32 v20, v27;
	v26 =	vmax.f32 v26, v45;
	v48 =	vmin.f32 v15, v24  }
0x1f8: {  	v20 =	vmin.f32 v20, v27;
	v15 =	vmax.f32 v15, v24;
	v21 =	vmax.f32 v21, v46  }
0x1f9: {  	v13 =	vld [tilespmem:s14+$0x7400];
	v49 =	vmin.f32 v34, v47;
	v50 =	vmax.f32 v16, v23;
	v51 =	vmin.f32 v22, v25  }
0x1fa: {  	v16 =	vmin.f32 v16, v23;
	v23 =	vmax.f32 v19, v28;
	v22 =	vmax.f32 v22, v25  }
0x1fb: {  	v25 =	vmin.f32 v26, v48;
	v19 =	vmin.f32 v19, v28;
	v26 =	vmax.f32 v26, v48  }
0x1fc: {  	v14 =	vld [tilespmem:s14+$0x7800];
	v21 =	vmax.f32 v21, v51;
	v32 =	vmin.f32 v49, v50;
	v54 =	vmax.f32 v16, v23  }
0x1fd: {  	v55 =	vmin.f32 v22, v25;
	v23 =	vmin.f32 v16, v23;
	v22 =	vmax.f32 v22, v25  }
0x1fe: {  	v24 =	vmin.f32 v31, v13;
	v27 =	vmax.f32 v29, v13;
	v31 =	vmax.f32 v31, v13  }
0x1ff: {  	v29 =	vmin.f32 v29, v13;
	v21 =	vmax.f32 v21, v55;
	v28 =	vmin.f32 v15, v24  }
0x200: {  	v52 =	vmax.f32 v20, v27;
	v24 =	vmax.f32 v15, v24;
	v20 =	vmin.f32 v20, v27  }
0x201: {  	v27 =	vmax.f32 v29, v14;
	v53 =	vmax.f32 v31, v14;
	v31 =	vmin.f32 v31, v14  }
0x202: {  	v29 =	vmin.f32 v29, v14;
	v56 =	vmax.f32 v19, v52;
	v25 =	vmin.f32 v26, v28  }
0x203: {  	v15 =	vld [tilespmem:s14+$0x7C00];
	v33 =	vmin.f32 v19, v52;
	v26 =	vmax.f32 v26, v28;
	v28 =	vmin.f32 v24, v31  }
0x204: {  	v57 =	vmax.f32 v20, v27;
	v24 =	vmax.f32 v24, v31;
	v20 =	vmin.f32 v20, v27  }
0x205: {  	v19 =	vadd.f32 v18, v30;
	v30 =	vmin.f32 v32, v54;
	v58 =	vmax.f32 v23, v56  }
0x206: {  	v16 =	vld [tilespmem:s14+$0x8000];
	v59 =	vmin.f32 v22, v25;
	v60 =	vmin.f32 v23, v56;
	v22 =	vmax.f32 v22, v25  }
0x207: {  	v25 =	vmin.f32 v26, v28;
	v61 =	vmax.f32 v33, v57;
	v26 =	vmax.f32 v26, v28  }
0x208: {  	v28 =	vmin.f32 v33, v57;
	v23 =	vmin.f32 v30, v58;
	v27 =	vmax.f32 v29, v15  }
0x209: {  	v31 =	vmax.f32 v53, v15;
	v36 =	vmin.f32 v53, v15;
	v29 =	vmin.f32 v29, v15  }
0x20a: {  	v62 =	vmax.f32 v20, v27;
	v63 =	vmin.f32 v24, v36;
	v40 =	vmin.f32 v20, v27  }
0x20b: {  	v18 =	vld [tilespmem:s14+$0x8400];
	v41 =	vmax.f32 v29, v16;
	v36 =	vmax.f32 v24, v36;
	v42 =	vmin.f32 v31, v16  }
0x20c: {  	v43 =	vmin.f32 v29, v16;
	v29 =	vmax.f32 v60, v61;
	v30 =	vmax.f32 v31, v16  }
0x20d: {  	v24 =	vmax.f32 v21, v59;
	v31 =	vmin.f32 v22, v25;
	v21 =	vmin.f32 v60, v61  }
0x20e: {  	v25 =	vmax.f32 v22, v25;
	v32 =	vmin.f32 v26, v63;
	v33 =	vmax.f32 v28, v62  }
0x20f: {  	v20 =	vmax.f32 v26, v63;
	v26 =	vmin.f32 v28, v62;
	v34 =	vmax.f32 v40, v41  }
0x210: {  	s16 =	simm.s32 $0xC800;
	v27 =	vmin.f32 v36, v42;
	v22 =	vmin.f32 v40, v41;
	v28 =	vmax.f32 v43, v18  }
0x211: {  	s17 =	simm.s32 $0x20;
	[tilespmem:s16+$0x0] =	vst v17;
	v35 =	vmax.f32 v36, v42;
	v36 =	vmin.f32 v30, v18;
	v17 =	vmin.f32 v43, v18  }
.LBB2_5:
0x212: {  	p0 =	sne.s32 s17, $0x3F0;
	v19 =	vadd.f32 v8, v19;
	v23 =	vmin.f32 v23, v29;
	v29 =	vmax.f32 v30, v18;
	v8 =	vld [tilespmem:s14+$0x8800]  }
0x213: {  	v24 =	vmax.f32 v24, v31;
	v30 =	vmin.f32 v25, v32;
	v31 =	vmax.f32 v21, v33  }
0x214: {  	v25 =	vmax.f32 v25, v32;
	v21 =	vmin.f32 v21, v33;
	v32 =	vmax.f32 v26, v34  }
0x215: {  	v33 =	vmin.f32 v20, v27;
	v26 =	vmin.f32 v26, v34;
	v34 =	vmax.f32 v22, v28  }
0x216: {  	v20 =	vmax.f32 v20, v27;
	v27 =	vmin.f32 v35, v36;
	v22 =	vmin.f32 v22, v28  }
0x217: {  	v28 =	vmax.f32 v35, v36;
	v35 =	vmin.f32 v29, v8;
	v36 =	vmax.f32 v17, v8  }
0x218: {  	v23 =	vmin.f32 v23, v31;
	v29 =	vmax.f32 v29, v8;
	v31 =	vmin.f32 v17, v8;
	v17 =	vld [tilespmem:s14+$0x8C00]  }
0x219: {  	v24 =	vmax.f32 v24, v30;
	v30 =	vmin.f32 v25, v33;
	v37 =	vmax.f32 v21, v32  }
0x21a: {  	v25 =	vmax.f32 v25, v33;
	v21 =	vmin.f32 v21, v32;
	v32 =	vmax.f32 v26, v34  }
0x21b: {  	v33 =	vmin.f32 v20, v27;
	v26 =	vmin.f32 v26, v34;
	v34 =	vmax.f32 v22, v36  }
0x21c: {  	v20 =	vmax.f32 v20, v27;
	v27 =	vmin.f32 v28, v35;
	v22 =	vmin.f32 v22, v36  }
0x21d: {  	v28 =	vmax.f32 v28, v35;
	v35 =	vmin.f32 v29, v17;
	v36 =	vmax.f32 v31, v17  }
0x21e: {  	v38 =	vadd.f32 v6, v19;
	v19 =	vmax.f32 v29, v17;
	v29 =	vmin.f32 v31, v17;
	v6 =	vld [tilespmem:s14+$0x9000]  }
0x21f: {  	v24 =	vmax.f32 v24, v30;
	v23 =	vmin.f32 v23, v37;
	v30 =	vmax.f32 v21, v32  }
0x220: {  	v21 =	vmin.f32 v21, v32;
	v32 =	vmax.f32 v26, v34;
	v31 =	vmin.f32 v25, v33  }
0x221: {  	v26 =	vmin.f32 v26, v34;
	v25 =	vmax.f32 v25, v33;
	v33 =	vmin.f32 v20, v27  }
0x222: {  	v20 =	vmax.f32 v20, v27;
	v27 =	vmin.f32 v28, v35;
	v34 =	vmax.f32 v22, v36  }
0x223: {  	v28 =	vmax.f32 v28, v35;
	v22 =	vmin.f32 v22, v36;
	v35 =	vmax.f32 v29, v6  }
0x224: {  	v36 =	vmax.f32 v19, v6;
	v37 =	vmin.f32 v19, v6;
	v29 =	vmin.f32 v29, v6;
	v19 =	vld [tilespmem:s14+$0x9400]  }
0x225: {  	v23 =	vmin.f32 v23, v30;
	v30 =	vmax.f32 v21, v32;
	v24 =	vmax.f32 v24, v31  }
0x226: {  	v21 =	vmin.f32 v21, v32;
	v31 =	vmin.f32 v25, v33;
	v32 =	vmax.f32 v26, v34  }
0x227: {  	v25 =	vmax.f32 v25, v33;
	v33 =	vmin.f32 v20, v27;
	v26 =	vmin.f32 v26, v34  }
0x228: {  	v27 =	vmax.f32 v20, v27;
	v34 =	vmin.f32 v28, v37;
	v39 =	vmax.f32 v22, v35  }
0x229: {  	v28 =	vmax.f32 v28, v37;
	v22 =	vmin.f32 v22, v35;
	v35 =	vmax.f32 v29, v19  }
0x22a: {  	v37 =	vmax.f32 v36, v19;
	v36 =	vmin.f32 v36, v19;
	v29 =	vmin.f32 v29, v19;
	v20 =	vld [tilespmem:s14+$0x9800]  }
0x22b: {  	v38 =	vadd.f32 v3, v38;
	v23 =	vmin.f32 v23, v30;
	v30 =	vmax.f32 v21, v32  }
0x22c: {  	v24 =	vmax.f32 v24, v31;
	v31 =	vmin.f32 v25, v33;
	v21 =	vmin.f32 v21, v32  }
0x22d: {  	v25 =	vmax.f32 v25, v33;
	v32 =	vmin.f32 v27, v34;
	v33 =	vmax.f32 v26, v39  }
0x22e: {  	v27 =	vmax.f32 v27, v34;
	v26 =	vmin.f32 v26, v39;
	v34 =	vmax.f32 v22, v35  }
0x22f: {  	v39 =	vmin.f32 v28, v36;
	v22 =	vmin.f32 v22, v35;
	v35 =	vmax.f32 v29, v20  }
0x230: {  	v28 =	vmax.f32 v28, v36;
	v36 =	vmin.f32 v37, v20;
	v29 =	vmin.f32 v29, v20;
	v3 =	vld [tilespmem:s14+$0x9C00]  }
0x231: {  	v23 =	vmin.f32 v23, v30;
	v30 =	vmax.f32 v21, v33;
	v37 =	vmax.f32 v37, v20  }
0x232: {  	v24 =	vmax.f32 v24, v31;
	v31 =	vmin.f32 v25, v32;
	v21 =	vmin.f32 v21, v33  }
0x233: {  	v25 =	vmax.f32 v25, v32;
	v32 =	vmin.f32 v27, v39;
	v33 =	vmax.f32 v26, v34  }
0x234: {  	v27 =	vmax.f32 v27, v39;
	v26 =	vmin.f32 v26, v34;
	v34 =	vmax.f32 v22, v35  }
0x235: {  	v39 =	vmin.f32 v28, v36;
	v22 =	vmin.f32 v22, v35;
	v35 =	vmax.f32 v29, v3  }
0x236: {  	v28 =	vmax.f32 v28, v36;
	v36 =	vmin.f32 v37, v3;
	v29 =	vmin.f32 v29, v3  }
0x237: {  	v38 =	vadd.f32 v1, v38;
	v23 =	vmin.f32 v23, v30;
	v30 =	vmax.f32 v37, v3;
	v1 =	vld [tilespmem:s14+$0xA000]  }
0x238: {  	v24 =	vmax.f32 v24, v31;
	v31 =	vmin.f32 v25, v32;
	v37 =	vmax.f32 v21, v33  }
0x239: {  	v25 =	vmax.f32 v25, v32;
	v32 =	vmax.f32 v26, v34;
	v21 =	vmin.f32 v21, v33  }
0x23a: {  	v26 =	vmin.f32 v26, v34;
	v33 =	vmin.f32 v27, v39;
	v34 =	vmax.f32 v22, v35  }
0x23b: {  	v27 =	vmax.f32 v27, v39;
	v39 =	vmin.f32 v28, v36;
	v22 =	vmin.f32 v22, v35  }
0x23c: {  	v28 =	vmax.f32 v28, v36;
	v35 =	vmin.f32 v30, v1;
	v36 =	vmax.f32 v29, v1  }
0x23d: {  	v23 =	vmin.f32 v23, v37;
	v30 =	vmax.f32 v30, v1;
	v29 =	vmin.f32 v29, v1  }
0x23e: {  	v24 =	vmax.f32 v24, v31;
	v37 =	vadd.f32 v0, v38;
	v31 =	vmax.f32 v21, v32;
	v0 =	vld [tilespmem:s14+$0xA400]  }
0x23f: {  	v38 =	vmin.f32 v25, v33;
	v21 =	vmin.f32 v21, v32;
	v32 =	vmax.f32 v26, v34  }
0x240: {  	v25 =	vmax.f32 v25, v33;
	v33 =	vmin.f32 v27, v39;
	v2 =	vadd.f32 v2, v37  }
0x241: {  	v27 =	vmax.f32 v27, v39;
	v26 =	vmin.f32 v26, v34;
	v34 =	vmax.f32 v22, v36  }
0x242: {  	v2 =	vadd.f32 v4, v2;
	v4 =	vmin.f32 v28, v35;
	v22 =	vmin.f32 v22, v36  }
0x243: {  	v28 =	vmax.f32 v28, v35;
	v35 =	vmin.f32 v30, v0;
	v36 =	vmax.f32 v29, v0  }
0x244: {  	v5 =	vadd.f32 v5, v2;
	v30 =	vmax.f32 v30, v0;
	v29 =	vmin.f32 v29, v0  }
0x245: {  	v24 =	vmax.f32 v24, v38;
	v23 =	vmin.f32 v23, v31;
	v31 =	vmax.f32 v21, v32;
	v2 =	vld [tilespmem:s14+$0xA800]  }
0x246: {  	v21 =	vmin.f32 v21, v32;
	v5 =	vadd.f32 v7, v5;
	v7 =	vmin.f32 v25, v33  }
0x247: {  	v25 =	vmax.f32 v25, v33;
	v32 =	vmin.f32 v27, v4;
	v33 =	vmax.f32 v26, v34  }
0x248: {  	v5 =	vadd.f32 v9, v5;
	v9 =	vmin.f32 v26, v34;
	v26 =	vmax.f32 v22, v36  }
0x249: {  	v27 =	vmax.f32 v27, v4;
	v34 =	vmin.f32 v28, v35;
	v22 =	vmin.f32 v22, v36  }
0x24a: {  	v4 =	vadd.f32 v10, v5;
	v5 =	vmax.f32 v28, v35;
	v10 =	vmax.f32 v29, v2  }
0x24b: {  	v28 =	vmax.f32 v30, v2;
	v30 =	vmin.f32 v30, v2;
	v29 =	vmin.f32 v29, v2  }
0x24c: {  	v23 =	vmin.f32 v23, v31;
	v31 =	vmax.f32 v21, v33;
	v11 =	vadd.f32 v11, v4;
	v4 =	vld [tilespmem:s14+$0xAC00]  }
0x24d: {  	v7 =	vmax.f32 v24, v7;
	v24 =	vmin.f32 v25, v32;
	v21 =	vmin.f32 v21, v33  }
0x24e: {  	v11 =	vadd.f32 v12, v11;
	v12 =	vmax.f32 v25, v32;
	v25 =	vmax.f32 v9, v26  }
0x24f: {  	v32 =	vmin.f32 v27, v34;
	v9 =	vmin.f32 v9, v26;
	v26 =	vmax.f32 v22, v10  }
0x250: {  	v11 =	vadd.f32 v13, v11;
	v13 =	vmax.f32 v27, v34;
	v27 =	vmin.f32 v5, v30  }
0x251: {  	v5 =	vmax.f32 v5, v30;
	v10 =	vmin.f32 v22, v10;
	v22 =	vmax.f32 v29, v4  }
0x252: {  	v11 =	vadd.f32 v14, v11;
	v14 =	vmin.f32 v28, v4;
	v29 =	vmin.f32 v29, v4  }
0x253: {  	v23 =	vmin.f32 v23, v31;
	v30 =	vmax.f32 v21, v25;
	v28 =	vmax.f32 v28, v4;
	v31 =	vld [tilespmem:s14+$0xB000]  }
0x254: {  	v7 =	vmax.f32 v7, v24;
	v11 =	vadd.f32 v15, v11;
	v15 =	vmin.f32 v12, v32  }
0x255: {  	v21 =	vmin.f32 v21, v25;
	v12 =	vmax.f32 v12, v32;
	v24 =	vmax.f32 v9, v26  }
0x256: {  	v9 =	vmin.f32 v9, v26;
	v11 =	vadd.f32 v16, v11;
	v16 =	vmin.f32 v13, v27  }
0x257: {  	v13 =	vmax.f32 v13, v27;
	v25 =	vmin.f32 v5, v14;
	v26 =	vmax.f32 v10, v22  }
0x258: {  	v11 =	vadd.f32 v18, v11;
	v10 =	vmin.f32 v10, v22;
	v18 =	vmax.f32 v29, v31  }
0x259: {  	v5 =	vmax.f32 v5, v14;
	v14 =	vmin.f32 v28, v31;
	v22 =	vmin.f32 v29, v31  }
0x25a: {  	v8 =	vadd.f32 v8, v11;
	v11 =	vmin.f32 v23, v30;
	v23 =	vmax.f32 v28, v31;
	v27 =	vld [tilespmem:s14+$0xB400]  }
0x25b: {  	v7 =	vmax.f32 v7, v15;
	v15 =	vmin.f32 v12, v16;
	v28 =	vmax.f32 v21, v24  }
0x25c: {  	v8 =	vadd.f32 v17, v8;
	v17 =	vmin.f32 v21, v24;
	v21 =	vmax.f32 v9, v26  }
0x25d: {  	v12 =	vmax.f32 v12, v16;
	v16 =	vmin.f32 v13, v25;
	v9 =	vmin.f32 v9, v26  }
0x25e: {  	v6 =	vadd.f32 v6, v8;
	v8 =	vmax.f32 v13, v25;
	v13 =	vmax.f32 v10, v18  }
0x25f: {  	v24 =	vmin.f32 v5, v14;
	v10 =	vmin.f32 v10, v18;
	v18 =	vmax.f32 v22, v27  }
0x260: {  	v6 =	vadd.f32 v19, v6;
	v5 =	vmax.f32 v5, v14;
	v14 =	vmin.f32 v23, v27  }
0x261: {  	v11 =	vmin.f32 v11, v28;
	v19 =	vmax.f32 v23, v27;
	v22 =	vmin.f32 v22, v27  }
0x262: {  	v7 =	vmax.f32 v7, v15;
	v15 =	vmax.f32 v17, v21;
	v6 =	vadd.f32 v20, v6;
	v20 =	vld [tilespmem:s14+$0xB800]  }
0x263: {  	v17 =	vmin.f32 v17, v21;
	v21 =	vmax.f32 v9, v13;
	v23 =	vmin.f32 v12, v16  }
0x264: {  	v3 =	vadd.f32 v3, v6;
	v6 =	vmax.f32 v12, v16;
	v12 =	vmin.f32 v8, v24  }
0x265: {  	v9 =	vmin.f32 v9, v13;
	v8 =	vmax.f32 v8, v24;
	v13 =	vmax.f32 v10, v18  }
0x266: {  	v1 =	vadd.f32 v1, v3;
	v3 =	vmin.f32 v5, v14;
	v10 =	vmin.f32 v10, v18  }
0x267: {  	v5 =	vmax.f32 v5, v14;
	v14 =	vmin.f32 v19, v20;
	v16 =	vmax.f32 v22, v20  }
0x268: {  	v0 =	vadd.f32 v0, v1;
	v1 =	vmax.f32 v19, v20;
	v18 =	vmin.f32 v22, v20  }
0x269: {  	v11 =	vmin.f32 v11, v15;
	v15 =	vmax.f32 v17, v21;
	v7 =	vmax.f32 v7, v23;
	v19 =	vld [tilespmem:s14+$0xBC00]  }
0x26a: {  	v17 =	vmin.f32 v17, v21;
	v0 =	vadd.f32 v2, v0;
	v2 =	vmin.f32 v6, v12  }
0x26b: {  	v21 =	vmax.f32 v9, v13;
	v6 =	vmax.f32 v6, v12;
	v12 =	vmin.f32 v8, v3  }
0x26c: {  	v0 =	vadd.f32 v4, v0;
	v4 =	vmin.f32 v9, v13;
	v9 =	vmax.f32 v10, v16  }
0x26d: {  	v3 =	vmax.f32 v8, v3;
	v8 =	vmin.f32 v5, v14;
	v10 =	vmin.f32 v10, v16  }
0x26e: {  	v0 =	vadd.f32 v31, v0;
	v5 =	vmax.f32 v5, v14;
	v13 =	vmax.f32 v18, v19  }
0x26f: {  	v14 =	vmax.f32 v1, v19;
	v1 =	vmin.f32 v1, v19;
	v16 =	vmin.f32 v18, v19  }
0x270: {  	v11 =	vmin.f32 v11, v15;
	v15 =	vmax.f32 v17, v21;
	v0 =	vadd.f32 v27, v0;
	v18 =	vld [tilespmem:s14+$0xC000]  }
0x271: {  	v17 =	vmin.f32 v17, v21;
	v2 =	vmax.f32 v7, v2;
	v7 =	vmin.f32 v6, v12  }
0x272: {  	v6 =	vmax.f32 v6, v12;
	v12 =	vmax.f32 v4, v9;
	v0 =	vadd.f32 v20, v0  }
0x273: {  	v4 =	vmin.f32 v4, v9;
	v20 =	vmin.f32 v3, v8;
	v9 =	vmax.f32 v10, v13;
	v21 =	vld [tilespmem:s14+$0xC400]  }
0x274: {  	v3 =	vmax.f32 v3, v8;
	v0 =	vadd.f32 v19, v0;
	v8 =	vmin.f32 v5, v1  }
0x275: {  	v1 =	vmax.f32 v5, v1;
	v5 =	vmin.f32 v10, v13;
	v10 =	vmax.f32 v16, v18  }
0x276: {  	v0 =	vadd.f32 v18, v0;
	v13 =	vmin.f32 v14, v18;
	v16 =	vmin.f32 v16, v18  }
0x277: {  	v11 =	vmin.f32 v11, v15;
	v15 =	vmax.f32 v17, v12;
	v14 =	vmax.f32 v14, v18  }
0x278: {  	v2 =	vmax.f32 v2, v7;
	v7 =	vmin.f32 v6, v20;
	v0 =	vadd.f32 v21, v0  }
0x279: {  	v12 =	vmin.f32 v17, v12;
	v17 =	vmax.f32 v4, v9;
	v18 =	vmax.f32 v14, v21  }
0x27a: {  	v6 =	vmax.f32 v6, v20;
	v19 =	vmin.f32 v3, v8;
	v0 =	vsub.f32 v0, v18  }
0x27b: {  	v4 =	vmin.f32 v4, v9;
	v9 =	vmax.f32 v5, v10;
	v18 =	vmin.f32 v16, v21  }
0x27c: {  	v20 =	vmax.f32 v1, v13;
	v14 =	vmin.f32 v14, v21;
	v0 =	vsub.f32 v0, v18  }
0x27d: {  	v3 =	vmax.f32 v3, v8;
	v1 =	vmin.f32 v1, v13;
	v8 =	vmax.f32 v20, v14  }
0x27e: {  	v5 =	vmin.f32 v5, v10;
	v10 =	vmax.f32 v16, v21;
	v0 =	vsub.f32 v0, v8  }
0x27f: {  	v13 =	vmin.f32 v5, v10;
	v8 =	vmin.f32 v11, v15;
	v11 =	vmax.f32 v12, v17  }
0x280: {  	v14 =	vmin.f32 v20, v14;
	v15 =	vmax.f32 v3, v1;
	v0 =	vsub.f32 v0, v13  }
0x281: {  	v2 =	vmax.f32 v2, v7;
	v7 =	vmin.f32 v6, v19;
	v13 =	vmax.f32 v15, v14  }
0x282: {  	v5 =	vmax.f32 v5, v10;
	v16 =	vmin.f32 v4, v9;
	v0 =	vsub.f32 v0, v13  }
0x283: {  	v6 =	vmax.f32 v6, v19;
	v1 =	vmin.f32 v3, v1;
	v3 =	vmin.f32 v16, v5  }
0x284: {  	v10 =	vmax.f32 v6, v1;
	v13 =	vmin.f32 v15, v14;
	v0 =	vsub.f32 v0, v3  }
0x285: {  	v4 =	vmax.f32 v4, v9;
	v9 =	vmax.f32 v10, v13;
	v3 =	vmin.f32 v12, v17  }
0x286: {  	s15 =	sadd.s32 $0x10, s15;
	v5 =	vmax.f32 v16, v5;
	v12 =	vmin.f32 v3, v4;
	v0 =	vsub.f32 v0, v9  }
0x287: {  	v2 =	vmax.f32 v2, v7;
	s14 =	sand.u32 $0x3F0, s17;
	v1 =	vmin.f32 v6, v1;
	v6 =	vmin.f32 v12, v5;
	v9 =	vld [tilespmem:s15+$0x0]  }
0x288: {  	v1 =	vmax.f32 v2, v1;
	v2 =	vmin.f32 v10, v13;
	v7 =	vld [tilespmem:s14+$0x400];
	v0 =	vsub.f32 v0, v6  }
0x289: {  	v1 =	vmax.f32 v1, v2;
	v3 =	vmax.f32 v3, v4;
	v6 =	vmin.f32 v8, v11  }
0x28a: {  	v4 =	vmax.f32 v12, v5;
	v3 =	vmin.f32 v6, v3;
	v2 =	vld [tilespmem:s14+$0x800];
	v0 =	vsub.f32 v0, v1  }
0x28b: {  	v1 =	vmin.f32 v3, v4  }
0x28c: {  	v3 =	vmin.f32 v9, $-Inf;
	v4 =	vmax.f32 v9, $+Inf;
	v0 =	vsub.f32 v0, v1  }
0x28d: {  	v1 =	vadd.f32 $0.0e+00, v9;
	v5 =	vmax.f32 v9, v7;
	v6 =	vmin.f32 v9, v7;
	v8 =	vld [tilespmem:s14+$0xC00]  }
0x28e: {  	v9 =	vmin.f32 v3, v6;
	v10 =	vmax.f32 v4, v5;
	v0 =	vmul.f32 $2.500000040e-02, v0  }
0x28f: {  	s16 =	sadd.s32 $0x10, s16;
	v11 =	vmax.f32 v3, v6;
	v12 =	vmin.f32 v4, v5;
	v13 =	vmax.f32 v6, v2  }
0x290: {  	v14 =	vmax.f32 v5, v2;
	v5 =	vmin.f32 v5, v2;
	v6 =	vmin.f32 v6, v2;
	[tilespmem:s16+$0x0] =	vst v0  }
0x291: {  	v0 =	vmax.f32 v3, v9;
	v3 =	vmin.f32 v4, v10;
	v9 =	vmax.f32 v12, v13  }
0x292: {  	v10 =	vmin.f32 v11, v5;
	v12 =	vmin.f32 v12, v13;
	v13 =	vmax.f32 v6, v8;
	v4 =	vld [tilespmem:s14+$0x1000]  }
0x293: {  	v11 =	vmax.f32 v11, v5;
	v15 =	vmin.f32 v14, v8;
	v6 =	vmin.f32 v6, v8  }
0x294: {  	v1 =	vadd.f32 v7, v1;
	v7 =	vmax.f32 v3, v9;
	v14 =	vmax.f32 v14, v8  }
0x295: {  	v16 =	vmin.f32 v0, v10;
	v9 =	vmin.f32 v3, v9;
	v17 =	vmax.f32 v12, v13  }
0x296: {  	v10 =	vmax.f32 v0, v10;
	v18 =	vmin.f32 v11, v15;
	v12 =	vmin.f32 v12, v13;
	v5 =	vld [tilespmem:s14+$0x1400]  }
0x297: {  	v11 =	vmax.f32 v11, v15;
	v13 =	vmin.f32 v14, v4;
	v15 =	vmax.f32 v6, v4  }
0x298: {  	v7 =	vmin.f32 v3, v7;
	v14 =	vmax.f32 v14, v4;
	v3 =	vmin.f32 v6, v4  }
0x299: {  	v0 =	vmax.f32 v0, v16;
	v16 =	vmax.f32 v9, v17;
	v6 =	vmin.f32 v10, v18  }
0x29a: {  	v9 =	vmin.f32 v9, v17;
	v10 =	vmax.f32 v10, v18;
	v17 =	vmax.f32 v12, v15  }
0x29b: {  	v18 =	vmin.f32 v11, v13;
	v12 =	vmin.f32 v12, v15;
	v15 =	vmax.f32 v3, v5  }
0x29c: {  	v11 =	vmax.f32 v11, v13;
	v13 =	vmin.f32 v14, v5;
	v19 =	vmin.f32 v3, v5;
	v3 =	vld [tilespmem:s14+$0x1800]  }
0x29d: {  	v2 =	vadd.f32 v2, v1;
	v20 =	vmax.f32 v7, v16;
	v1 =	vmax.f32 v14, v5  }
0x29e: {  	v16 =	vmin.f32 v7, v16;
	v21 =	vmax.f32 v9, v17;
	v14 =	vmin.f32 v0, v6  }
0x29f: {  	v22 =	vmin.f32 v10, v18;
	v9 =	vmin.f32 v9, v17;
	v6 =	vmax.f32 v0, v6  }
0x2a0: {  	v10 =	vmax.f32 v10, v18;
	v17 =	vmin.f32 v11, v13;
	v18 =	vmax.f32 v12, v15  }
0x2a1: {  	v11 =	vmax.f32 v11, v13;
	v12 =	vmin.f32 v12, v15;
	v13 =	vmax.f32 v19, v3  }
0x2a2: {  	v15 =	vmax.f32 v1, v3;
	v23 =	vmin.f32 v1, v3;
	v19 =	vmin.f32 v19, v3;
	v1 =	vld [tilespmem:s14+$0x1C00]  }
0x2a3: {  	v7 =	vmin.f32 v7, v20;
	v20 =	vmax.f32 v16, v21;
	v14 =	vmax.f32 v0, v14  }
0x2a4: {  	v16 =	vmin.f32 v16, v21;
	v24 =	vmin.f32 v6, v22;
	v21 =	vmax.f32 v9, v18  }
0x2a5: {  	v6 =	vmax.f32 v6, v22;
	v22 =	vmin.f32 v10, v17;
	v9 =	vmin.f32 v9, v18  }
0x2a6: {  	v10 =	vmax.f32 v10, v17;
	v17 =	vmin.f32 v11, v23;
	v18 =	vmax.f32 v12, v13  }
0x2a7: {  	v11 =	vmax.f32 v11, v23;
	v12 =	vmin.f32 v12, v13;
	v13 =	vmax.f32 v19, v1  }
0x2a8: {  	v23 =	vmax.f32 v15, v1;
	v15 =	vmin.f32 v15, v1;
	v19 =	vmin.f32 v19, v1;
	v0 =	vld [tilespmem:s14+$0x2000]  }
0x2a9: {  	v8 =	vadd.f32 v8, v2;
	v7 =	vmin.f32 v7, v20;
	v20 =	vmax.f32 v16, v21  }
0x2aa: {  	v14 =	vmax.f32 v14, v24;
	v24 =	vmin.f32 v6, v22;
	v16 =	vmin.f32 v16, v21  }
0x2ab: {  	v6 =	vmax.f32 v6, v22;
	v21 =	vmin.f32 v10, v17;
	v22 =	vmax.f32 v9, v18  }
0x2ac: {  	v10 =	vmax.f32 v10, v17;
	v9 =	vmin.f32 v9, v18;
	v17 =	vmax.f32 v12, v13  }
0x2ad: {  	v18 =	vmin.f32 v11, v15;
	v12 =	vmin.f32 v12, v13;
	v13 =	vmax.f32 v19, v0  }
0x2ae: {  	v11 =	vmax.f32 v11, v15;
	v15 =	vmin.f32 v23, v0;
	v19 =	vmin.f32 v19, v0;
	v2 =	vld [tilespmem:s14+$0x2400]  }
0x2af: {  	v7 =	vmin.f32 v7, v20;
	v20 =	vmax.f32 v16, v22;
	v23 =	vmax.f32 v23, v0  }
0x2b0: {  	v14 =	vmax.f32 v14, v24;
	v24 =	vmin.f32 v6, v21;
	v16 =	vmin.f32 v16, v22  }
0x2b1: {  	v6 =	vmax.f32 v6, v21;
	v21 =	vmin.f32 v10, v18;
	v22 =	vmax.f32 v9, v17  }
0x2b2: {  	v10 =	vmax.f32 v10, v18;
	v9 =	vmin.f32 v9, v17;
	v17 =	vmax.f32 v12, v13  }
0x2b3: {  	v18 =	vmin.f32 v11, v15;
	v12 =	vmin.f32 v12, v13;
	v13 =	vmax.f32 v19, v2  }
0x2b4: {  	v11 =	vmax.f32 v11, v15;
	v15 =	vmin.f32 v23, v2;
	v19 =	vmin.f32 v19, v2  }
0x2b5: {  	v8 =	vadd.f32 v4, v8;
	v7 =	vmin.f32 v7, v20;
	v20 =	vmax.f32 v23, v2;
	v4 =	vld [tilespmem:s14+$0x2800]  }
0x2b6: {  	v14 =	vmax.f32 v14, v24;
	v24 =	vmax.f32 v16, v22;
	v23 =	vmin.f32 v6, v21  }
0x2b7: {  	v16 =	vmin.f32 v16, v22;
	v6 =	vmax.f32 v6, v21;
	v21 =	vmax.f32 v9, v17  }
0x2b8: {  	v22 =	vmin.f32 v10, v18;
	v9 =	vmin.f32 v9, v17;
	v17 =	vmax.f32 v12, v13  }
0x2b9: {  	v10 =	vmax.f32 v10, v18;
	v18 =	vmin.f32 v11, v15;
	v12 =	vmin.f32 v12, v13  }
0x2ba: {  	v11 =	vmax.f32 v11, v15;
	v13 =	vmin.f32 v20, v4;
	v15 =	vmax.f32 v19, v4  }
0x2bb: {  	v24 =	vmin.f32 v7, v24;
	v20 =	vmax.f32 v20, v4;
	v19 =	vmin.f32 v19, v4;
	v7 =	vld [tilespmem:s14+$0x2C00]  }
0x2bc: {  	v14 =	vmax.f32 v14, v23;
	v23 =	vmin.f32 v6, v22;
	v25 =	vmax.f32 v16, v21  }
0x2bd: {  	v6 =	vmax.f32 v6, v22;
	v16 =	vmin.f32 v16, v21;
	v21 =	vmax.f32 v9, v17  }
0x2be: {  	v22 =	vmin.f32 v10, v18;
	v9 =	vmin.f32 v9, v17;
	v17 =	vmax.f32 v12, v15  }
0x2bf: {  	v10 =	vmax.f32 v10, v18;
	v18 =	vmin.f32 v11, v13;
	v12 =	vmin.f32 v12, v15  }
0x2c0: {  	v13 =	vmax.f32 v11, v13;
	v15 =	vmin.f32 v20, v7;
	v26 =	vmax.f32 v19, v7  }
0x2c1: {  	v5 =	vadd.f32 v5, v8;
	v8 =	vmax.f32 v20, v7;
	v19 =	vmin.f32 v19, v7;
	v11 =	vld [tilespmem:s14+$0x3000]  }
0x2c2: {  	v14 =	vmax.f32 v14, v23;
	v23 =	vmax.f32 v16, v21;
	v20 =	vmin.f32 v24, v25  }
0x2c3: {  	v16 =	vmin.f32 v16, v21;
	v21 =	vmax.f32 v9, v17;
	v24 =	vmin.f32 v6, v22  }
0x2c4: {  	v9 =	vmin.f32 v9, v17;
	v6 =	vmax.f32 v6, v22;
	v22 =	vmin.f32 v10, v18  }
0x2c5: {  	v10 =	vmax.f32 v10, v18;
	v17 =	vmin.f32 v13, v15;
	v18 =	vmax.f32 v12, v26  }
0x2c6: {  	v13 =	vmax.f32 v13, v15;
	v15 =	vmin.f32 v12, v26;
	v25 =	vmax.f32 v19, v11  }
0x2c7: {  	v26 =	vmax.f32 v8, v11;
	v8 =	vmin.f32 v8, v11;
	v19 =	vmin.f32 v19, v11;
	v12 =	vld [tilespmem:s14+$0x3400]  }
0x2c8: {  	v24 =	vmax.f32 v14, v24;
	v20 =	vmin.f32 v20, v23;
	v23 =	vmax.f32 v16, v21  }
0x2c9: {  	v27 =	vmin.f32 v6, v22;
	v16 =	vmin.f32 v16, v21;
	v21 =	vmax.f32 v9, v18  }
0x2ca: {  	v6 =	vmax.f32 v6, v22;
	v22 =	vmin.f32 v10, v17;
	v9 =	vmin.f32 v9, v18  }
0x2cb: {  	v10 =	vmax.f32 v10, v17;
	v17 =	vmin.f32 v13, v8;
	v18 =	vmax.f32 v15, v25  }
0x2cc: {  	v8 =	vmax.f32 v13, v8;
	v13 =	vmin.f32 v15, v25;
	v15 =	vmax.f32 v19, v12  }
0x2cd: {  	v25 =	vmax.f32 v26, v12;
	v26 =	vmin.f32 v26, v12;
	v19 =	vmin.f32 v19, v12;
	v14 =	vld [tilespmem:s14+$0x3800]  }
0x2ce: {  	v3 =	vadd.f32 v3, v5;
	v5 =	vmin.f32 v20, v23;
	v20 =	vmax.f32 v16, v21  }
0x2cf: {  	v23 =	vmax.f32 v24, v27;
	v24 =	vmin.f32 v6, v22;
	v16 =	vmin.f32 v16, v21  }
0x2d0: {  	v6 =	vmax.f32 v6, v22;
	v21 =	vmin.f32 v10, v17;
	v22 =	vmax.f32 v9, v18  }
0x2d1: {  	v10 =	vmax.f32 v10, v17;
	v9 =	vmin.f32 v9, v18;
	v18 =	vmax.f32 v13, v15  }
0x2d2: {  	v27 =	vmin.f32 v8, v26;
	v13 =	vmin.f32 v13, v15;
	v15 =	vmax.f32 v19, v14  }
0x2d3: {  	v8 =	vmax.f32 v8, v26;
	v26 =	vmin.f32 v25, v14;
	v19 =	vmin.f32 v19, v14;
	v17 =	vld [tilespmem:s14+$0x3C00]  }
0x2d4: {  	v5 =	vmin.f32 v5, v20;
	v20 =	vmax.f32 v16, v22;
	v25 =	vmax.f32 v25, v14  }
0x2d5: {  	v23 =	vmax.f32 v23, v24;
	v24 =	vmin.f32 v6, v21;
	v16 =	vmin.f32 v16, v22  }
0x2d6: {  	v6 =	vmax.f32 v6, v21;
	v21 =	vmin.f32 v10, v27;
	v22 =	vmax.f32 v9, v18  }
0x2d7: {  	v10 =	vmax.f32 v10, v27;
	v9 =	vmin.f32 v9, v18;
	v18 =	vmax.f32 v13, v15  }
0x2d8: {  	v27 =	vmin.f32 v8, v26;
	v13 =	vmin.f32 v13, v15;
	v15 =	vmax.f32 v19, v17  }
0x2d9: {  	v26 =	vmax.f32 v8, v26;
	v28 =	vmin.f32 v25, v17;
	v19 =	vmin.f32 v19, v17  }
0x2da: {  	v1 =	vadd.f32 v1, v3;
	v3 =	vmin.f32 v5, v20;
	v5 =	vmax.f32 v25, v17;
	v8 =	vld [tilespmem:s14+$0x4000]  }
0x2db: {  	v20 =	vmax.f32 v23, v24;
	v23 =	vmin.f32 v6, v21;
	v24 =	vmax.f32 v16, v22  }
0x2dc: {  	v21 =	vmax.f32 v6, v21;
	v16 =	vmin.f32 v16, v22;
	v22 =	vmax.f32 v9, v18  }
0x2dd: {  	v9 =	vmin.f32 v9, v18;
	v25 =	vmin.f32 v10, v27;
	v18 =	vmax.f32 v13, v15  }
0x2de: {  	v10 =	vmax.f32 v10, v27;
	v27 =	vmin.f32 v26, v28;
	v13 =	vmin.f32 v13, v15  }
0x2df: {  	v15 =	vmax.f32 v26, v28;
	v26 =	vmin.f32 v5, v8;
	v28 =	vmax.f32 v19, v8  }
0x2e0: {  	v24 =	vmin.f32 v3, v24;
	v3 =	vmax.f32 v5, v8;
	v5 =	vmin.f32 v19, v8;
	v6 =	vld [tilespmem:s14+$0x4400]  }
0x2e1: {  	v19 =	vmax.f32 v20, v23;
	v20 =	vmin.f32 v21, v25;
	v23 =	vmax.f32 v16, v22  }
0x2e2: {  	v21 =	vmax.f32 v21, v25;
	v16 =	vmin.f32 v16, v22;
	v22 =	vmax.f32 v9, v18  }
0x2e3: {  	v25 =	vmin.f32 v10, v27;
	v9 =	vmin.f32 v9, v18;
	v18 =	vmax.f32 v13, v28  }
0x2e4: {  	v10 =	vmax.f32 v10, v27;
	v27 =	vmin.f32 v15, v26;
	v13 =	vmin.f32 v13, v28  }
0x2e5: {  	v15 =	vmax.f32 v15, v26;
	v26 =	vmin.f32 v3, v6;
	v28 =	vmax.f32 v5, v6  }
0x2e6: {  	v29 =	vadd.f32 v0, v1;
	v0 =	vmax.f32 v3, v6;
	v1 =	vmin.f32 v5, v6;
	v3 =	vld [tilespmem:s14+$0x4800]  }
0x2e7: {  	v5 =	vmax.f32 v19, v20;
	v19 =	vmin.f32 v24, v23;
	v20 =	vmax.f32 v16, v22  }
0x2e8: {  	v23 =	vmin.f32 v21, v25;
	v16 =	vmin.f32 v16, v22;
	v22 =	vmax.f32 v9, v18  }
0x2e9: {  	v21 =	vmax.f32 v21, v25;
	v24 =	vmin.f32 v10, v27;
	v9 =	vmin.f32 v9, v18  }
0x2ea: {  	v10 =	vmax.f32 v10, v27;
	v18 =	vmin.f32 v15, v26;
	v25 =	vmax.f32 v13, v28  }
0x2eb: {  	v15 =	vmax.f32 v15, v26;
	v13 =	vmin.f32 v13, v28;
	v26 =	vmax.f32 v1, v3  }
0x2ec: {  	v27 =	vmax.f32 v0, v3;
	v0 =	vmin.f32 v0, v3;
	v28 =	vmin.f32 v1, v3;
	v1 =	vld [tilespmem:s14+$0x4C00]  }
0x2ed: {  	v5 =	vmax.f32 v5, v23;
	v19 =	vmin.f32 v19, v20;
	v20 =	vmax.f32 v16, v22  }
0x2ee: {  	v23 =	vmin.f32 v21, v24;
	v16 =	vmin.f32 v16, v22;
	v22 =	vmax.f32 v9, v25  }
0x2ef: {  	v21 =	vmax.f32 v21, v24;
	v24 =	vmin.f32 v10, v18;
	v9 =	vmin.f32 v9, v25  }
0x2f0: {  	v10 =	vmax.f32 v10, v18;
	v18 =	vmin.f32 v15, v0;
	v25 =	vmax.f32 v13, v26  }
0x2f1: {  	v15 =	vmax.f32 v15, v0;
	v13 =	vmin.f32 v13, v26;
	v26 =	vmax.f32 v28, v1  }
0x2f2: {  	v30 =	vmax.f32 v27, v1;
	v27 =	vmin.f32 v27, v1;
	v28 =	vmin.f32 v28, v1;
	v0 =	vld [tilespmem:s14+$0x5000]  }
0x2f3: {  	v29 =	vadd.f32 v2, v29;
	v19 =	vmin.f32 v19, v20;
	v20 =	vmax.f32 v16, v22  }
0x2f4: {  	v5 =	vmax.f32 v5, v23;
	v23 =	vmin.f32 v21, v24;
	v16 =	vmin.f32 v16, v22  }
0x2f5: {  	v21 =	vmax.f32 v21, v24;
	v22 =	vmin.f32 v10, v18;
	v24 =	vmax.f32 v9, v25  }
0x2f6: {  	v10 =	vmax.f32 v10, v18;
	v9 =	vmin.f32 v9, v25;
	v18 =	vmax.f32 v13, v26  }
0x2f7: {  	v25 =	vmin.f32 v15, v27;
	v13 =	vmin.f32 v13, v26;
	v26 =	vmax.f32 v28, v0  }
0x2f8: {  	v15 =	vmax.f32 v15, v27;
	v27 =	vmin.f32 v30, v0;
	v28 =	vmin.f32 v28, v0;
	v2 =	vld [tilespmem:s14+$0x5400]  }
0x2f9: {  	v19 =	vmin.f32 v19, v20;
	v20 =	vmax.f32 v16, v24;
	v30 =	vmax.f32 v30, v0  }
0x2fa: {  	v5 =	vmax.f32 v5, v23;
	v23 =	vmin.f32 v21, v22;
	v16 =	vmin.f32 v16, v24  }
0x2fb: {  	v21 =	vmax.f32 v21, v22;
	v22 =	vmin.f32 v10, v25;
	v24 =	vmax.f32 v9, v18  }
0x2fc: {  	v10 =	vmax.f32 v10, v25;
	v9 =	vmin.f32 v9, v18;
	v18 =	vmax.f32 v13, v26  }
0x2fd: {  	v25 =	vmin.f32 v15, v27;
	v13 =	vmin.f32 v13, v26;
	v26 =	vmax.f32 v28, v2  }
0x2fe: {  	v15 =	vmax.f32 v15, v27;
	v27 =	vmin.f32 v30, v2;
	v28 =	vmin.f32 v28, v2  }
0x2ff: {  	v29 =	vadd.f32 v4, v29;
	v19 =	vmin.f32 v19, v20;
	v20 =	vmax.f32 v30, v2;
	v4 =	vld [tilespmem:s14+$0x5800]  }
0x300: {  	v23 =	vmax.f32 v5, v23;
	v5 =	vmax.f32 v16, v24;
	v30 =	vmin.f32 v21, v22  }
0x301: {  	v16 =	vmin.f32 v16, v24;
	v21 =	vmax.f32 v21, v22;
	v22 =	vmax.f32 v9, v18  }
0x302: {  	v24 =	vmin.f32 v10, v25;
	v9 =	vmin.f32 v9, v18;
	v18 =	vmax.f32 v13, v26  }
0x303: {  	v10 =	vmax.f32 v10, v25;
	v25 =	vmin.f32 v15, v27;
	v13 =	vmin.f32 v13, v26  }
0x304: {  	v15 =	vmax.f32 v15, v27;
	v26 =	vmin.f32 v20, v4;
	v27 =	vmax.f32 v28, v4  }
0x305: {  	v19 =	vmin.f32 v19, v5;
	v20 =	vmax.f32 v20, v4;
	v28 =	vmin.f32 v28, v4;
	v5 =	vld [tilespmem:s14+$0x5C00]  }
0x306: {  	v23 =	vmax.f32 v23, v30;
	v30 =	vmin.f32 v21, v24;
	v31 =	vmax.f32 v16, v22  }
0x307: {  	v21 =	vmax.f32 v21, v24;
	v16 =	vmin.f32 v16, v22;
	v22 =	vmax.f32 v9, v18  }
0x308: {  	v24 =	vmin.f32 v10, v25;
	v9 =	vmin.f32 v9, v18;
	v18 =	vmax.f32 v13, v27  }
0x309: {  	v10 =	vmax.f32 v10, v25;
	v25 =	vmin.f32 v15, v26;
	v13 =	vmin.f32 v13, v27  }
0x30a: {  	v15 =	vmax.f32 v15, v26;
	v26 =	vmin.f32 v20, v5;
	v27 =	vmax.f32 v28, v5  }
0x30b: {  	v29 =	vadd.f32 v7, v29;
	v20 =	vmax.f32 v20, v5;
	v28 =	vmin.f32 v28, v5;
	v7 =	vld [tilespmem:s14+$0x6000]  }
0x30c: {  	v23 =	vmax.f32 v23, v30;
	v19 =	vmin.f32 v19, v31;
	v30 =	vmax.f32 v16, v22  }
0x30d: {  	v31 =	vmin.f32 v21, v24;
	v16 =	vmin.f32 v16, v22;
	v22 =	vmax.f32 v9, v18  }
0x30e: {  	v21 =	vmax.f32 v21, v24;
	v24 =	vmin.f32 v10, v25;
	v18 =	vmin.f32 v9, v18  }
0x30f: {  	v10 =	vmax.f32 v10, v25;
	v25 =	vmin.f32 v15, v26;
	v32 =	vmax.f32 v13, v27  }
0x310: {  	v15 =	vmax.f32 v15, v26;
	v13 =	vmin.f32 v13, v27;
	v26 =	vmax.f32 v28, v7  }
0x311: {  	v27 =	vmax.f32 v20, v7;
	v20 =	vmin.f32 v20, v7;
	v28 =	vmin.f32 v28, v7;
	v9 =	vld [tilespmem:s14+$0x6400]  }
0x312: {  	v23 =	vmax.f32 v23, v31;
	v19 =	vmin.f32 v19, v30;
	v30 =	vmax.f32 v16, v22  }
0x313: {  	v31 =	vmin.f32 v21, v24;
	v16 =	vmin.f32 v16, v22;
	v22 =	vmax.f32 v18, v32  }
0x314: {  	v21 =	vmax.f32 v21, v24;
	v24 =	vmin.f32 v10, v25;
	v18 =	vmin.f32 v18, v32  }
0x315: {  	v25 =	vmax.f32 v10, v25;
	v32 =	vmin.f32 v15, v20;
	v33 =	vmax.f32 v13, v26  }
0x316: {  	v15 =	vmax.f32 v15, v20;
	v13 =	vmin.f32 v13, v26;
	v20 =	vmax.f32 v28, v9  }
0x317: {  	v26 =	vmax.f32 v27, v9;
	v27 =	vmin.f32 v27, v9;
	v28 =	vmin.f32 v28, v9;
	v10 =	vld [tilespmem:s14+$0x6800]  }
0x318: {  	v29 =	vadd.f32 v11, v29;
	v19 =	vmin.f32 v19, v30;
	v30 =	vmax.f32 v16, v22  }
0x319: {  	v23 =	vmax.f32 v23, v31;
	v31 =	vmin.f32 v21, v24;
	v16 =	vmin.f32 v16, v22  }
0x31a: {  	v21 =	vmax.f32 v21, v24;
	v22 =	vmin.f32 v25, v32;
	v24 =	vmax.f32 v18, v33  }
0x31b: {  	v25 =	vmax.f32 v25, v32;
	v18 =	vmin.f32 v18, v33;
	v32 =	vmax.f32 v13, v20  }
0x31c: {  	v33 =	vmin.f32 v15, v27;
	v13 =	vmin.f32 v13, v20;
	v20 =	vmax.f32 v28, v10  }
0x31d: {  	v15 =	vmax.f32 v15, v27;
	v27 =	vmin.f32 v26, v10;
	v28 =	vmin.f32 v28, v10;
	v11 =	vld [tilespmem:s14+$0x6C00]  }
0x31e: {  	v19 =	vmin.f32 v19, v30;
	v30 =	vmax.f32 v16, v24;
	v26 =	vmax.f32 v26, v10  }
0x31f: {  	v23 =	vmax.f32 v23, v31;
	v31 =	vmin.f32 v21, v22;
	v16 =	vmin.f32 v16, v24  }
0x320: {  	v21 =	vmax.f32 v21, v22;
	v22 =	vmin.f32 v25, v33;
	v24 =	vmax.f32 v18, v32  }
0x321: {  	v25 =	vmax.f32 v25, v33;
	v18 =	vmin.f32 v18, v32;
	v32 =	vmax.f32 v13, v20  }
0x322: {  	v33 =	vmin.f32 v15, v27;
	v13 =	vmin.f32 v13, v20;
	v20 =	vmax.f32 v28, v11  }
0x323: {  	v15 =	vmax.f32 v15, v27;
	v27 =	vmin.f32 v26, v11;
	v28 =	vmin.f32 v28, v11  }
0x324: {  	v29 =	vadd.f32 v12, v29;
	v19 =	vmin.f32 v19, v30;
	v26 =	vmax.f32 v26, v11;
	v12 =	vld [tilespmem:s14+$0x7000]  }
0x325: {  	v23 =	vmax.f32 v23, v31;
	v30 =	vmin.f32 v21, v22;
	v31 =	vmax.f32 v16, v24  }
0x326: {  	v21 =	vmax.f32 v21, v22;
	v16 =	vmin.f32 v16, v24;
	v22 =	vmax.f32 v18, v32  }
0x327: {  	v24 =	vmin.f32 v25, v33;
	v18 =	vmin.f32 v18, v32;
	v32 =	vmax.f32 v13, v20  }
0x328: {  	v25 =	vmax.f32 v25, v33;
	v33 =	vmin.f32 v15, v27;
	v20 =	vmin.f32 v13, v20  }
0x329: {  	v15 =	vmax.f32 v15, v27;
	v27 =	vmin.f32 v26, v12;
	v34 =	vmax.f32 v28, v12  }
0x32a: {  	v19 =	vmin.f32 v19, v31;
	v26 =	vmax.f32 v26, v12;
	v28 =	vmin.f32 v28, v12;
	v13 =	vld [tilespmem:s14+$0x7400]  }
0x32b: {  	v23 =	vmax.f32 v23, v30;
	v30 =	vmin.f32 v21, v24;
	v31 =	vmax.f32 v16, v22  }
0x32c: {  	v21 =	vmax.f32 v21, v24;
	v16 =	vmin.f32 v16, v22;
	v22 =	vmax.f32 v18, v32  }
0x32d: {  	v24 =	vmin.f32 v25, v33;
	v18 =	vmin.f32 v18, v32;
	v32 =	vmax.f32 v20, v34  }
0x32e: {  	v25 =	vmax.f32 v25, v33;
	v33 =	vmin.f32 v15, v27;
	v20 =	vmin.f32 v20, v34  }
0x32f: {  	v15 =	vmax.f32 v15, v27;
	v27 =	vmin.f32 v26, v13;
	v34 =	vmax.f32 v28, v13  }
0x330: {  	v29 =	vadd.f32 v14, v29;
	v26 =	vmax.f32 v26, v13;
	v28 =	vmin.f32 v28, v13;
	v14 =	vld [tilespmem:s14+$0x7800]  }
0x331: {  	v23 =	vmax.f32 v23, v30;
	v19 =	vmin.f32 v19, v31;
	v30 =	vmax.f32 v16, v22  }
0x332: {  	v31 =	vmin.f32 v21, v24;
	v16 =	vmin.f32 v16, v22;
	v22 =	vmax.f32 v18, v32  }
0x333: {  	v21 =	vmax.f32 v21, v24;
	v24 =	vmin.f32 v25, v33;
	v18 =	vmin.f32 v18, v32  }
0x334: {  	v25 =	vmax.f32 v25, v33;
	v32 =	vmin.f32 v15, v27;
	v33 =	vmax.f32 v20, v34  }
0x335: {  	v27 =	vmax.f32 v15, v27;
	v20 =	vmin.f32 v20, v34;
	v34 =	vmax.f32 v28, v14  }
0x336: {  	v35 =	vmax.f32 v26, v14;
	v26 =	vmin.f32 v26, v14;
	v28 =	vmin.f32 v28, v14;
	v15 =	vld [tilespmem:s14+$0x7C00]  }
0x337: {  	v23 =	vmax.f32 v23, v31;
	v30 =	vmin.f32 v19, v30;
	v31 =	vmax.f32 v16, v22  }
0x338: {  	v36 =	vmin.f32 v21, v24;
	v22 =	vmin.f32 v16, v22;
	v37 =	vmax.f32 v18, v33  }
0x339: {  	v21 =	vmax.f32 v21, v24;
	v24 =	vmin.f32 v25, v32;
	v18 =	vmin.f32 v18, v33  }
0x33a: {  	v25 =	vmax.f32 v25, v32;
	v32 =	vmin.f32 v27, v26;
	v33 =	vmax.f32 v20, v34  }
0x33b: {  	v26 =	vmax.f32 v27, v26;
	v20 =	vmin.f32 v20, v34;
	v27 =	vmax.f32 v28, v15  }
0x33c: {  	v34 =	vmax.f32 v35, v15;
	v35 =	vmin.f32 v35, v15;
	v28 =	vmin.f32 v28, v15;
	v16 =	vld [tilespmem:s14+$0x8000]  }
0x33d: {  	v19 =	vadd.f32 v17, v29;
	v17 =	vmin.f32 v30, v31;
	v29 =	vmax.f32 v22, v37  }
0x33e: {  	v31 =	vmax.f32 v23, v36;
	v36 =	vmin.f32 v21, v24;
	v22 =	vmin.f32 v22, v37  }
0x33f: {  	v37 =	vmax.f32 v21, v24;
	v38 =	vmin.f32 v25, v32;
	v21 =	vmax.f32 v18, v33  }
0x340: {  	v39 =	vmax.f32 v25, v32;
	v40 =	vmin.f32 v18, v33;
	v41 =	vmax.f32 v20, v27  }
0x341: {  	v42 =	vmin.f32 v26, v35;
	v43 =	vmin.f32 v20, v27;
	v44 =	vmax.f32 v28, v16  }
0x342: {  	v35 =	vmax.f32 v26, v35;
	v45 =	vmin.f32 v34, v16;
	v46 =	vmin.f32 v28, v16;
	v18 =	vld [tilespmem:s14+$0x8400]  }
0x343: {  	v23 =	vmin.f32 v17, v29;
	v29 =	vmax.f32 v22, v21;
	v30 =	vmax.f32 v34, v16  }
.Ltmp1:
0x344: {  	v24 =	vmax.f32 v31, v36;
	v31 =	vmin.f32 v37, v38;
	v21 =	vmin.f32 v22, v21;
	(pc) =	sbr.rel @p0 .LBB2_5-.Ltmp1, $4  }
0x345: {  	v25 =	vmax.f32 v37, v38;
	v32 =	vmin.f32 v39, v42;
	v33 =	vmax.f32 v40, v41  }
0x346: {  	v20 =	vmax.f32 v39, v42;
	v26 =	vmin.f32 v40, v41;
	v34 =	vmax.f32 v43, v44  }
0x347: {  	v27 =	vmin.f32 v35, v45;
	v22 =	vmin.f32 v43, v44;
	v28 =	vmax.f32 v46, v18  }
0x348: {  	s17 =	sadd.s32 $0x10, s17;
	v35 =	vmax.f32 v35, v45;
	v36 =	vmin.f32 v30, v18;
	v17 =	vmin.f32 v46, v18  }
0x349: {  	v19 =	vadd.f32 v8, v19;
	v23 =	vmin.f32 v23, v29;
	v54 =	vmax.f32 v30, v18  }
0x34a: {  	v24 =	vmax.f32 v24, v31;
	v55 =	vmin.f32 v25, v32;
	v56 =	vmax.f32 v21, v33  }
0x34b: {  	v57 =	vmax.f32 v25, v32;
	v58 =	vmin.f32 v21, v33;
	v59 =	vmax.f32 v26, v34  }
0x34c: {  	v60 =	vmin.f32 v20, v27;
	v61 =	vmin.f32 v26, v34;
	v62 =	vmax.f32 v22, v28  }
0x34d: {  	v63 =	vmax.f32 v20, v27;
	v40 =	vmin.f32 v35, v36;
	v41 =	vmin.f32 v22, v28  }
0x34e: {  	v42 =	vmax.f32 v35, v36;
	v23 =	vmin.f32 v23, v56;
	v24 =	vmax.f32 v24, v55  }
0x34f: {  	v46 =	vmin.f32 v57, v60;
	v37 =	vmax.f32 v58, v59;
	v25 =	vmax.f32 v57, v60  }
0x350: {  	v8 =	vld [tilespmem:s14+$0x8800];
	v21 =	vmin.f32 v58, v59;
	v47 =	vmax.f32 v61, v62;
	v48 =	vmin.f32 v63, v40  }
0x351: {  	v26 =	vmin.f32 v61, v62;
	v20 =	vmax.f32 v63, v40;
	v38 =	vadd.f32 v6, v19  }
0x352: {  	v24 =	vmax.f32 v24, v46;
	v23 =	vmin.f32 v23, v37;
	v55 =	vmax.f32 v21, v47  }
0x353: {  	v56 =	vmin.f32 v25, v48;
	v21 =	vmin.f32 v21, v47;
	v25 =	vmax.f32 v25, v48  }
0x354: {  	v24 =	vmax.f32 v24, v56;
	v23 =	vmin.f32 v23, v55;
	v38 =	vadd.f32 v3, v38  }
0x355: {  	v43 =	vmin.f32 v54, v8;
	v44 =	vmax.f32 v17, v8;
	v29 =	vmax.f32 v54, v8  }
0x356: {  	v45 =	vmin.f32 v17, v8;
	v17 =	vld [tilespmem:s14+$0x8C00];
	v49 =	vmax.f32 v41, v44;
	v50 =	vmin.f32 v42, v43  }
0x357: {  	v22 =	vmin.f32 v41, v44;
	v28 =	vmax.f32 v42, v43;
	v38 =	vadd.f32 v1, v38  }
0x358: {  	v57 =	vmax.f32 v26, v49;
	v58 =	vmin.f32 v20, v50;
	v26 =	vmin.f32 v26, v49  }
0x359: {  	v6 =	vld [tilespmem:s14+$0x9000];
	v20 =	vmax.f32 v20, v50;
	v42 =	vmax.f32 v21, v57;
	v43 =	vmin.f32 v25, v58  }
0x35a: {  	v21 =	vmin.f32 v21, v57;
	v25 =	vmax.f32 v25, v58;
	v23 =	vmin.f32 v23, v42  }
0x35b: {  	v24 =	vmax.f32 v24, v43;
	v51 =	vmin.f32 v29, v17;
	v52 =	vmax.f32 v45, v17  }
0x35c: {  	v53 =	vmax.f32 v29, v17;
	v54 =	vmin.f32 v45, v17;
	v59 =	vmin.f32 v28, v51  }
0x35d: {  	v19 =	vld [tilespmem:s14+$0x9400];
	v60 =	vmax.f32 v22, v52;
	v28 =	vmax.f32 v28, v51;
	v22 =	vmin.f32 v22, v52  }
0x35e: {  	v61 =	vmax.f32 v54, v6;
	v62 =	vmax.f32 v53, v6;
	v63 =	vmin.f32 v53, v6  }
0x35f: {  	v29 =	vmin.f32 v54, v6;
	v44 =	vmax.f32 v26, v60;
	v45 =	vmin.f32 v20, v59  }
0x360: {  	v26 =	vmin.f32 v26, v60;
	v27 =	vmax.f32 v20, v59;
	v46 =	vmin.f32 v28, v63  }
0x361: {  	v39 =	vmax.f32 v22, v61;
	v28 =	vmax.f32 v28, v63;
	v22 =	vmin.f32 v22, v61  }
0x362: {  	v47 =	vmax.f32 v29, v19;
	v48 =	vmax.f32 v62, v19;
	v36 =	vmin.f32 v62, v19  }
0x363: {  	v29 =	vmin.f32 v29, v19;
	v49 =	vmax.f32 v21, v44;
	v50 =	vmin.f32 v25, v45  }
0x364: {  	v21 =	vmin.f32 v21, v44;
	v25 =	vmax.f32 v25, v45;
	v51 =	vmin.f32 v27, v46  }
0x365: {  	v52 =	vmax.f32 v26, v39;
	v27 =	vmax.f32 v27, v46;
	v26 =	vmin.f32 v26, v39  }
0x366: {  	v53 =	vmax.f32 v22, v47;
	v54 =	vmin.f32 v28, v36;
	v22 =	vmin.f32 v22, v47  }
0x367: {  	v28 =	vmax.f32 v28, v36;
	v23 =	vmin.f32 v23, v49;
	v57 =	vmax.f32 v21, v52  }
0x368: {  	v24 =	vmax.f32 v24, v50;
	v58 =	vmin.f32 v25, v51;
	v21 =	vmin.f32 v21, v52  }
0x369: {  	v20 =	vld [tilespmem:s14+$0x9800];
	v25 =	vmax.f32 v25, v51;
	v59 =	vmin.f32 v27, v54;
	v60 =	vmax.f32 v26, v53  }
0x36a: {  	v27 =	vmax.f32 v27, v54;
	v26 =	vmin.f32 v26, v53;
	v52 =	vadd.f32 v0, v38  }
0x36b: {  	v3 =	vld [tilespmem:s14+$0x9C00];
	v23 =	vmin.f32 v23, v57;
	v24 =	vmax.f32 v24, v58;
	v44 =	vmin.f32 v25, v59  }
0x36c: {  	v45 =	vmax.f32 v21, v60;
	v25 =	vmax.f32 v25, v59;
	v21 =	vmin.f32 v21, v60  }
0x36d: {  	v23 =	vmin.f32 v23, v45;
	v24 =	vmax.f32 v24, v44;
	v2 =	vadd.f32 v2, v52  }
0x36e: {  	v55 =	vmax.f32 v29, v20;
	v56 =	vmin.f32 v48, v20;
	v29 =	vmin.f32 v29, v20  }
0x36f: {  	v37 =	vmax.f32 v48, v20;
	v61 =	vmax.f32 v22, v55;
	v62 =	vmin.f32 v28, v56  }
0x370: {  	v1 =	vld [tilespmem:s14+$0xA000];
	v22 =	vmin.f32 v22, v55;
	v63 =	vmax.f32 v29, v3;
	v28 =	vmax.f32 v28, v56  }
0x371: {  	v42 =	vmin.f32 v37, v3;
	v29 =	vmin.f32 v29, v3;
	v43 =	vmax.f32 v37, v3  }
0x372: {  	v2 =	vadd.f32 v4, v2;
	v46 =	vmax.f32 v26, v61;
	v47 =	vmin.f32 v27, v62  }
0x373: {  	v26 =	vmin.f32 v26, v61;
	v48 =	vmax.f32 v22, v63;
	v27 =	vmax.f32 v27, v62  }
0x374: {  	v49 =	vmin.f32 v28, v42;
	v22 =	vmin.f32 v22, v63;
	v28 =	vmax.f32 v28, v42  }
0x375: {  	v0 =	vld [tilespmem:s14+$0xA400];
	v50 =	vmin.f32 v43, v1;
	v51 =	vmax.f32 v29, v1;
	v30 =	vmax.f32 v43, v1  }
0x376: {  	v29 =	vmin.f32 v29, v1;
	v53 =	vmax.f32 v21, v46;
	v54 =	vmin.f32 v25, v47  }
0x377: {  	v21 =	vmin.f32 v21, v46;
	v55 =	vmax.f32 v26, v48;
	v25 =	vmax.f32 v25, v47  }
0x378: {  	v56 =	vmin.f32 v27, v49;
	v27 =	vmax.f32 v27, v49;
	v26 =	vmin.f32 v26, v48  }
0x379: {  	v57 =	vmax.f32 v22, v51;
	v58 =	vmin.f32 v28, v50;
	v22 =	vmin.f32 v22, v51  }
0x37a: {  	v28 =	vmax.f32 v28, v50;
	v59 =	vmin.f32 v30, v0;
	v60 =	vmax.f32 v29, v0  }
0x37b: {  	v2 =	vadd.f32 v5, v2;
	v61 =	vmax.f32 v30, v0;
	v29 =	vmin.f32 v29, v0  }
0x37c: {  	v31 =	vld [tilespmem:s14+$0xA800];
	v24 =	vmax.f32 v24, v54;
	v23 =	vmin.f32 v23, v53;
	v62 =	vmax.f32 v21, v55  }
0x37d: {  	v63 =	vmin.f32 v25, v56;
	v21 =	vmin.f32 v21, v55;
	v2 =	vadd.f32 v7, v2  }
0x37e: {  	v25 =	vmax.f32 v25, v56;
	v37 =	vmin.f32 v27, v58;
	v38 =	vmax.f32 v26, v57  }
0x37f: {  	v39 =	vmin.f32 v26, v57;
	v40 =	vmax.f32 v22, v60;
	v2 =	vadd.f32 v9, v2  }
0x380: {  	v4 =	vmax.f32 v27, v58;
	v41 =	vmin.f32 v28, v59;
	v22 =	vmin.f32 v22, v60  }
0x381: {  	v42 =	vmax.f32 v28, v59;
	v43 =	vmax.f32 v29, v31;
	v2 =	vadd.f32 v10, v2  }
0x382: {  	v44 =	vmax.f32 v61, v31;
	v5 =	vmin.f32 v61, v31;
	v29 =	vmin.f32 v29, v31  }
0x383: {  	v45 =	vmin.f32 v23, v62;
	v46 =	vmax.f32 v21, v38;
	v2 =	vadd.f32 v11, v2  }
0x384: {  	v7 =	vmax.f32 v24, v63;
	v47 =	vmin.f32 v25, v37;
	v21 =	vmin.f32 v21, v38  }
0x385: {  	v48 =	vmax.f32 v25, v37;
	v49 =	vmax.f32 v39, v40;
	v2 =	vadd.f32 v12, v2  }
0x386: {  	v30 =	vld [tilespmem:s14+$0xAC00];
	v50 =	vmin.f32 v4, v41;
	v51 =	vmax.f32 v22, v43;
	v4 =	vmax.f32 v4, v41  }
0x387: {  	v52 =	vmin.f32 v42, v5;
	v5 =	vmax.f32 v42, v5;
	v2 =	vadd.f32 v13, v2  }
0x388: {  	v53 =	vmin.f32 v22, v43;
	v57 =	vmax.f32 v21, v49;
	v7 =	vmax.f32 v7, v47  }
0x389: {  	v59 =	vmin.f32 v48, v50;
	v21 =	vmin.f32 v21, v49;
	v2 =	vadd.f32 v14, v2  }
0x38a: {  	v61 =	vmin.f32 v4, v52;
	v4 =	vmax.f32 v4, v52;
	v9 =	vmin.f32 v39, v40  }
0x38b: {  	v7 =	vmax.f32 v7, v59;
	v54 =	vmax.f32 v29, v30;
	v2 =	vadd.f32 v15, v2  }
0x38c: {  	v55 =	vmin.f32 v44, v30;
	v56 =	vmin.f32 v29, v30;
	v58 =	vmax.f32 v44, v30  }
0x38d: {  	v60 =	vmax.f32 v9, v51;
	v9 =	vmin.f32 v9, v51;
	v2 =	vadd.f32 v16, v2  }
0x38e: {  	v29 =	vld [tilespmem:s14+$0xB000];
	v62 =	vmin.f32 v5, v55;
	v63 =	vmax.f32 v53, v54;
	v10 =	vmin.f32 v53, v54  }
0x38f: {  	v5 =	vmax.f32 v5, v55;
	v39 =	vmax.f32 v21, v60;
	v2 =	vadd.f32 v18, v2  }
0x390: {  	v40 =	vmin.f32 v21, v60;
	v41 =	vmax.f32 v9, v63;
	v42 =	vmin.f32 v4, v62  }
0x391: {  	v9 =	vmin.f32 v9, v63;
	v11 =	vmin.f32 v45, v46;
	v2 =	vadd.f32 v8, v2  }
0x392: {  	v37 =	vld [tilespmem:s14+$0xB400];
	v4 =	vmax.f32 v4, v62;
	v35 =	vmin.f32 v11, v57;
	v12 =	vmax.f32 v48, v50  }
0x393: {  	v32 =	vmax.f32 v56, v29;
	v33 =	vmin.f32 v58, v29;
	v2 =	vadd.f32 v17, v2  }
0x394: {  	v34 =	vmin.f32 v56, v29;
	v36 =	vmax.f32 v58, v29;
	v48 =	vmax.f32 v40, v41  }
0x395: {  	v38 =	vmin.f32 v12, v61;
	v12 =	vmax.f32 v12, v61;
	v2 =	vadd.f32 v6, v2  }
0x396: {  	v43 =	vmax.f32 v10, v32;
	v44 =	vmin.f32 v5, v33;
	v10 =	vmin.f32 v10, v32  }
0x397: {  	v45 =	vmax.f32 v34, v37;
	v5 =	vmax.f32 v5, v33;
	v2 =	vadd.f32 v19, v2  }
0x398: {  	v49 =	vld [tilespmem:s14+$0xB800];
	v46 =	vmin.f32 v36, v37;
	v11 =	vmax.f32 v36, v37;
	v47 =	vmin.f32 v34, v37  }
0x399: {  	v7 =	vmax.f32 v7, v38;
	v50 =	vmin.f32 v12, v42;
	v2 =	vadd.f32 v20, v2  }
0x39a: {  	v51 =	vmax.f32 v9, v43;
	v52 =	vmax.f32 v12, v42;
	v53 =	vmin.f32 v4, v44  }
0x39b: {  	v4 =	vmax.f32 v4, v44;
	v54 =	vmax.f32 v10, v45;
	v2 =	vadd.f32 v3, v2  }
0x39c: {  	v55 =	vmin.f32 v5, v46;
	v10 =	vmin.f32 v10, v45;
	v5 =	vmax.f32 v5, v46  }
0x39d: {  	v61 =	vld [tilespmem:s14+$0xBC00];
	v56 =	vmin.f32 v11, v49;
	v57 =	vmax.f32 v47, v49;
	v1 =	vadd.f32 v1, v2  }
0x39e: {  	v58 =	vmax.f32 v11, v49;
	v59 =	vmin.f32 v47, v49;
	v7 =	vmax.f32 v7, v50  }
0x39f: {  	v62 =	vmin.f32 v52, v53;
	v63 =	vmin.f32 v4, v55;
	v0 =	vadd.f32 v0, v1  }
0x3a0: {  	v25 =	vmax.f32 v10, v57;
	v26 =	vmin.f32 v5, v56;
	v10 =	vmin.f32 v10, v57  }
0x3a1: {  	v5 =	vmax.f32 v5, v56;
	v7 =	vmax.f32 v7, v62;
	v0 =	vadd.f32 v31, v0  }
0x3a2: {  	v27 =	vmax.f32 v59, v61;
	v28 =	vmax.f32 v58, v61;
	v11 =	vmin.f32 v59, v61  }
0x3a3: {  	v8 =	vmin.f32 v35, v39;
	v17 =	vmin.f32 v40, v41;
	v0 =	vadd.f32 v30, v0  }
0x3a4: {  	v34 =	vmax.f32 v10, v27;
	v8 =	vmin.f32 v8, v48;
	v60 =	vmax.f32 v17, v51  }
0x3a5: {  	v17 =	vmin.f32 v17, v51;
	v6 =	vmin.f32 v9, v43;
	v0 =	vadd.f32 v29, v0  }
0x3a6: {  	v8 =	vmin.f32 v8, v60;
	v24 =	vmax.f32 v6, v54;
	v6 =	vmin.f32 v6, v54  }
0x3a7: {  	v32 =	vmax.f32 v6, v25;
	v6 =	vmin.f32 v6, v25;
	v0 =	vadd.f32 v37, v0  }
0x3a8: {  	v42 =	vmax.f32 v6, v34;
	v6 =	vmin.f32 v6, v34;
	v3 =	vmax.f32 v52, v53;
	v30 =	vld [tilespmem:s14+$0xC000]  }
0x3a9: {  	v2 =	vmax.f32 v4, v55;
	v1 =	vmin.f32 v58, v61;
	v0 =	vadd.f32 v49, v0  }
0x3aa: {  	v35 =	vld [tilespmem:s14+$0xC400];
	v33 =	vmin.f32 v2, v26;
	v2 =	vmax.f32 v2, v26;
	v36 =	vmin.f32 v5, v1  }
0x3ab: {  	v1 =	vmax.f32 v5, v1;
	v31 =	vmin.f32 v3, v63;
	v0 =	vadd.f32 v61, v0  }
0x3ac: {  	v3 =	vmax.f32 v3, v63;
	v44 =	vmin.f32 v2, v36;
	v7 =	vmax.f32 v7, v31  }
0x3ad: {  	v41 =	vmin.f32 v3, v33;
	v3 =	vmax.f32 v3, v33;
	v0 =	vadd.f32 v30, v0  }
0x3ae: {  	v2 =	vmax.f32 v2, v36;
	v7 =	vmax.f32 v7, v41;
	v52 =	vmin.f32 v3, v44  }
0x3af: {  	v3 =	vmax.f32 v3, v44;
	v14 =	vmax.f32 v28, v30;
	v0 =	vadd.f32 v35, v0  }
0x3b0: {  	v7 =	vmax.f32 v7, v52;
	v29 =	vmax.f32 v17, v24;
	v43 =	vmax.f32 v14, v35  }
0x3b1: {  	v38 =	vmax.f32 v11, v30;
	v11 =	vmin.f32 v11, v30;
	v0 =	vsub.f32 v0, v43  }
0x3b2: {  	v17 =	vmin.f32 v17, v24;
	v39 =	vmin.f32 v28, v30;
	v46 =	vmin.f32 v11, v35  }
0x3b3: {  	v47 =	vmax.f32 v1, v39;
	v14 =	vmin.f32 v14, v35;
	v0 =	vsub.f32 v0, v46  }
0x3b4: {  	v8 =	vmin.f32 v8, v29;
	v37 =	vmin.f32 v10, v27;
	v48 =	vmax.f32 v47, v14  }
0x3b5: {  	v5 =	vmin.f32 v37, v38;
	v49 =	vmax.f32 v11, v35;
	v0 =	vsub.f32 v0, v48  }
0x3b6: {  	v40 =	vmax.f32 v17, v32;
	v1 =	vmin.f32 v1, v39;
	v11 =	vmin.f32 v5, v49  }
0x3b7: {  	v13 =	vmax.f32 v2, v1;
	v14 =	vmin.f32 v47, v14;
	v0 =	vsub.f32 v0, v11  }
0x3b8: {  	v12 =	vmin.f32 v17, v32;
	v45 =	vmax.f32 v37, v38;
	v53 =	vmax.f32 v13, v14  }
0x3b9: {  	v54 =	vmin.f32 v6, v45;
	v5 =	vmax.f32 v5, v49;
	v0 =	vsub.f32 v0, v53  }
0x3ba: {  	v51 =	vmax.f32 v12, v42;
	v1 =	vmin.f32 v2, v1;
	v55 =	vmin.f32 v54, v5  }
0x3bb: {  	v56 =	vmax.f32 v3, v1;
	v13 =	vmin.f32 v13, v14;
	v0 =	vsub.f32 v0, v55  }
0x3bc: {  	v57 =	vmin.f32 v12, v42;
	v6 =	vmax.f32 v6, v45;
	v58 =	vmax.f32 v56, v13  }
0x3bd: {  	v12 =	vmin.f32 v57, v6;
	v5 =	vmax.f32 v54, v5;
	v0 =	vsub.f32 v0, v58  }
0x3be: {  	v50 =	vmin.f32 v8, v40;
	v1 =	vmin.f32 v3, v1;
	v59 =	vmin.f32 v12, v5  }
0x3bf: {  	v1 =	vmax.f32 v7, v1;
	v60 =	vmin.f32 v56, v13;
	v0 =	vsub.f32 v0, v59  }
0x3c0: {  	v61 =	vmin.f32 v50, v51;
	v2 =	vmax.f32 v57, v6;
	v1 =	vmax.f32 v1, v60  }
0x3c1: {  	v2 =	vmin.f32 v61, v2;
	v62 =	vmax.f32 v12, v5;
	v0 =	vsub.f32 v0, v1  }
0x3c2: {  	v63 =	vmin.f32 v2, v62  }
0x3c3: {  	v0 =	vsub.f32 v0, v63;
	_ =	sdelay $0x1  }
0x3c4: {  	s12 =	sadd.s32 $0x1, s12;
	v0 =	vmul.f32 $2.500000040e-02, v0  }
0x3c5: {  	s31 =	sadd.s32 $0x10, s16;
	p0 =	sne.s32 s12, $0x8  }
.Ltmp2:
0x3c6: {  	s13 =	sadd.s32 s1, s13;
	[tilespmem:s31+$0x0] =	vst v0;
	(pc) =	sbr.rel @p0 .LBB2_2-.Ltmp2, $4  }
0x3c7: {  	[hbm4b:s13+s8] =	stream.strided.scatter [tilespmem:s11], [sflag:$0x1], $0x400, s9, s8, $0x38;
	[tilespmem:$0xCC00] =	vst v63  }
0x3c8: {  	_ =	swait.ge [sflag:s10], $0x400  }
0x3c9: {  	[sflag:s10] =	ssyncset.done $0x0  }
0x3ca: {  	[sflag:s10] =	ssyncadd.s32 $0xFFFFFC00  }
0x3cb: {  	s3 =	sadd.s32 $0x1, s3  }
0x3cc: {  	p0 =	sne.s32 s3, s7  }
.Ltmp3:
0x3cd: {  	_ = 	snop;
	(pc) =	sbr.rel @p0 .LBB2_1-.Ltmp3, $1  }
0x3ce: {  	_ =	sdelay $0x3  }
0x3cf: {  	_ =	sfence.sel $0x180000  }
0x3d0: {  	[bflag:$0x0] =	sbarrier.arrive $0xFFFF  }
0x3d1: {  	p0 =	sne.s32 s2, $0x0;
	_ =	strace $0x9000004A  }
0x3d2: {  	s0 =	sadd.s32 @!p0 $0x100000, s0;
	[bflag:$0x2] =	sbarrier.arrive $0xFFFF  }
0x3d3: {  	[sflag:s0] =	ssyncadd.tile.s32 @!p0 $0x1;
	_ =	shalt  }
.Lfunc_end2:
_tile_overlayer_lowered:
.L_overlay_start_2:
0x3d4: {  	(tag) =	ssettag $0x2  }
0x3d5: {  	s0 =	rddreg [dreg:$0x0];
	s2 =	stileid.u32  }
0x3d6: {  	s1 =	rddreg [dreg:$0x1];
	p0 =	sne.s32 s2, $0x0  }
0x3d7: {  	s3 =	rddreg [dreg:$0x2];
	[bflag:$0x3] =	sbarrier.arrive $0xFFFF;
	s2 =	simm.s32 @!p0 $0x1C01  }
0x3d8: {  	[timem:s3], [sflag:s2] =	dma.local @!p0 [hbm:s0], s1  }
0x3d9: {  	s0 =	simm.s32 @!p0 $0x1  }
0x3da: {  	_ =	swait.ge @!p0 [sflag:s0], s1  }
0x3db: {  	s1 =	ssub.s32 @!p0 $0x0, s1;
	[sflag:s0] =	ssyncset.done @!p0 $0x0  }
0x3dc: {  	[sflag:s0] =	ssyncadd.s32 @!p0 s1  }
0x3dd: {  	[bflag:$0x3] =	sbarrier.arrive $0xFFFF  }
0x3de: {  	_ =	shalt  }

// kernel: sparse-core-data-format-call.cloned.1.call-start
scs
called_computation_lowered:
.L_overlay_start_0:
0x0: {  	s1 =	sld [smem:$0x3FD9]  }
0x1: {  	s2 =	sld [smem:$0x3FFE];
	_ =	sdelay $0x1  }
0x2: {  	s3 =	srdreg.scid  }
0x3: {  	s0 =	sand.u32 $0x1, s3  }
0x4: {  	s17 =	sshll.u32 s0, $0xA;
	s1 =	sadd.s32 s2, s1  }
0x5: {  	s1 =	sadd.s32 s1, s17  }
0x6: {  	[smem:$0x3FC7] =	sst s1  }
0x7: {  	_ = 	snop  }
0x8: {  	(tm) =	ssettm $0x1  }
0x9: {  	s18 =	sld [smem:$0x3FFB];
	_ =	sdelay $0x3  }
0xa: {  	_ =	strace s18  }
0xb: {  	s1 =	sld [smem:$0x3FFC];
	_ =	sdelay $0x3  }
0xc: {  	_ =	strace s1  }
0xd: {  	s1 =	sld [smem:$0x3FFD];
	_ =	sdelay $0x3  }
0xe: {  	_ =	strace s1  }
0xf: {  	_ =	strace $0x8FFFFFFF  }
0x10: {  	s19 =	sld [smem:$0x3FDB];
	_ =	sdelay $0x1  }
0x11: {  	s20 =	simm.s32 $_scs_section_size  }
0x12: {  	s4 =	simm.s32 $_size__tile_overlayer_lowered;
	s5 =	simm.s32 $_tile_overlayer_lowered  }
0x13: {  	s23 =	simm.s32 $0x1BFF;
	s22 =	sshll.u32 s5, $0x1;
	s1 =	sadd.s32 s20, s19  }
0x14: {  	s6 =	simm.s32 $0x0;
	s21 =	sshll.u32 s4, $0x1;
	s4 =	sadd.s32 s22, s1  }
0x15: {  	[timem:s6], [sflag:s23] =	dma.local [hbm:s4], s21  }
0x16: {  	_ =	swait.ge [sflag:s23], s21  }
0x17: {  	s2 =	ssub.s32 $0x0, s21;
	[sflag:s23] =	ssyncset.done $0x0  }
0x18: {  	[sflag:s23] =	ssyncadd.s32 s2;
	_ =	sdelay $0x1  }
0x19: {  	s24 =	simm.s32 $0x1B8B  }
0x1a: {  	_ =	swait.ge [sflag:s24], $0x1  }
0x1b: {  	[sflag:s24] =	ssyncset.done $0x0  }
0x1c: {  	s26 =	simm.s32 $0x1B8E;
	s25 =	sld [smem:$0x3FFE];
	[sflag:s24] =	ssyncadd.s32 $0xFFFFFFFF  }
0x1d: {  	s27 =	simm.s32 $execute0_lowered;
	[smem:$0x3FD2] =	sst s26  }
0x1e: {  	s4 =	sshll.u32 s27, $0x1;
	_ =	strace $0x80000046;
	[dreg:$0x1] =	wrdreg $0xFFFFFFFF  }
0x1f: {  	s28 =	simm.s32 $_size_execute0_lowered;
	s1 =	sadd.s32 s1, s4;
	[dreg:$0x0] =	wrdreg $0x0  }
0x20: {  	s4 =	sshll.u32 s28, $0x1;
	[dreg:$0x2] =	wrdreg s1  }
0x21: {  	[dreg:$0x3] =	wrdreg s4  }
0x22: {  	[dreg:$0x4] =	wrdreg $0xC0  }
0x23: {  	_ =	task [dreg:s6], $0x5FFFF  }
0x24: {  	[dreg:$0x1] =	wrdreg $0xFFFFFFFF  }
0x25: {  	[dreg:$0x0] =	wrdreg $0x60  }
0x26: {  	[dreg:$0x2] =	wrdreg s25  }
0x27: {  	[dreg:$0x3] =	wrdreg $0x9  }
0x28: {  	_ =	task.clear_ibuf [dreg:s6], $0x4FFFF;
	_ =	strace $0x90000046  }
0x29: {  	s29 =	simm.s32 $0x9;
	_ =	strace $0x80000048  }
0x2a: {  	_ =	swait.ge [sflag:s29], $0x1  }
0x2b: {  	[sflag:s29] =	ssyncadd.s32 $0xFFFFFFFF  }
0x2c: {  	_ =	strace $0x90000048  }
0x2d: {  	_ =	sfence  }
0x2e: {  	s30 =	sld [smem:$0x0];
	_ =	sdelay $0x2  }
0x2f: {  	s31 =	sshll.u32 s3, $0xD;
	s3 =	sshrl.u32 s3, $0x2  }
0x30: {  	s2 =	sand.u32 $0x4000, s31;
	s1 =	sadd.s32 s3, s30  }
0x31: {  	s0 =	sor.u32 s2, s0;
	s1 =	sshll.u32 s1, $0x11  }
0x32: {  	s0 =	sor.u32 s1, s0  }
0x33: {  	s0 =	sadd.s32 $0x8F2B, s0  }
0x34: {  	[sflag:s0] =	ssyncadd.remote.s32 $0x1  }
0x35: {  	_ =	sfence.sel $0xFFFF  }
0x36: {  	[dreg:$0x0] =	wrdreg $0xFFFFFFFF;
	(pc) =	sbr.abs _section_cstart, $3  }
0x37: {  	[dreg:$0x1] =	wrdreg $0xFFFFFFFF  }
0x38: {  	_ =	task.clear_ibuf [dreg:s6], $0x2FFFF;
	_ =	strace $0x9FFFFFFF  }
0x39: {  	(tm) =	ssettm $0x7FFFFFFF  }
tec
execute0_lowered:
.L_overlay_start_1:
0x0: {  	(tag) =	ssettag $0x1  }
0x1: {  	s0 =	srdreg.scid  }
0x2: {  	s1 =	sshll.u32 s0, $0x4  }
0x3: {  	s4 =	rddreg [dreg:$0x0];
	s0 =	stileid.u32;
	s1 =	sand.u32 $0x10, s1  }
0x4: {  	s7 =	simm.s32 $0x1;
	s8 =	simm.s32 $0x2;
	s1 =	sor.u32 s0, s1  }
0x5: {  	s9 =	simm.s32 $0x0;
	s12 =	simm.s32 $0x0;
	s2 =	sshll.u32 s1, $0x1  }
0x6: {  	s11 =	simm.s32 $0x0;
	s3 =	sadd.s32 $0x800, s4;
	s6 =	ssub.s32 $0x60E, s2  }
.Ltmp0:
0x7: {  	s4 =	sadd.s32 $0x184000, s4;
	s5 =	sand.u32 $0x3E, s6;
	(pc) =	sbr.rel .LBB1_1-.Ltmp0, $4  }
0x8: {  	s1 =	rddreg [dreg:$0x1];
	_ =	strace $0x80000047;
	p0 =	sne.s32 s5, $0x0  }
0x9: {  	s6 =	sshrl.u32 s6, $0x6;
	s5 =	simm.s32 $0x1;
	s7 =	simm.s32 @!p0 $0x0  }
0xa: {  	s10 =	smov.u32 s2;
	[sflag:s5] =	ssyncpa.u1 $0x0;
	s6 =	sadd.s32 s7, s6  }
0xb: {  	[sflag:s8] =	ssyncpa.u1 $0x0;
	s8 =	simm.s32 $0x0;
	s7 =	sadd.s32 $0x1, s6  }
.LBB1_9:
0xc: {  	s14 =	sadd.s32 $0x40, s10  }
0xd: {  	p1 =	sgt.s32 s14, $0x60D  }
0xe: {  	s14 =	smov.u32 @p1 s2;
	p1 =	sne.s32 s11, s7  }
.Ltmp1:
0xf: {  	p0 =	slt.u32 s11, $0x2;
	(pc) =	sbr.rel @!p1 .LBB1_10-.Ltmp1, $4  }
0x10: {  	s13 =	simm.s32 @!p0 $0x2  }
0x11: {  	s15 =	sadd.s32 $0x1, s11;
	_ =	swait.ge @!p0 [sflag:s13], $0x4000  }
0x12: {  	s12 =	smov.u32 s10;
	s9 =	sadd.s32 $0x4000, s9;
	[sflag:s13] =	ssyncset.done @!p0 $0x0  }
0x13: {  	s11 =	smov.u32 s15;
	s10 =	smov.u32 s14;
	[sflag:s13] =	ssyncadd.s32 @!p0 $0xFFFFC000  }
.LBB1_1:
0x14: {  	p0 =	sge.u32 s11, s6  }
0x15: {  	s13 =	sxor.u32 @!p0 $0xFFFFFFFF, s11  }
0x16: {  	s31 =	sadd.s32 $0xFFFFFFFF, s11;
	s14 =	sshll.u32 @!p0 s10, $0xA;
	s13 =	sshll.u32 @!p0 s13, $0xE  }
0x17: {  	s15 =	simm.s32 @!p0 $0x0;
	s14 =	sadd.s32 @!p0 s3, s14;
	s13 =	sand.u32 @!p0 $0x4000, s13  }
0x18: {  	[tilespmem:s13], [sflag:$0x1] =	stream.linear.gather @!p0 [hbm4b:s14+s15], $0x4000, $0x38;
	[tilespmem:$0x10000] =	vst v63  }
0x19: {  	p0 =	sge.u32 s31, s6  }
.Ltmp2:
0x1a: {  	_ = 	snop;
	(pc) =	sbr.rel @p0 .LBB1_9-.Ltmp2, $1  }
0x1b: {  	_ =	sdelay $0x3  }
0x1c: {  	s13 =	sshll.u32 s9, $0x2  }
0x1d: {  	_ =	swait.ge [sflag:s5], $0x4000;
	s14 =	sshll.u32 s11, $0xE;
	s16 =	simm.s32 $0x0  }
0x1e: {  	p1 =	por $0x1, $0x1;
	s13 =	sand.u32 $0x10000, s13;
	[sflag:s5] =	ssyncset.done $0x0  }
0x1f: {  	s14 =	sand.u32 $0x4000, s14;
	s15 =	sshrl.u32 s13, $0x2;
	[sflag:s5] =	ssyncadd.s32 $0xFFFFC000  }
0x20: {  	s13 =	sor.u32 $0x8000, s14;
	s14 =	sadd.s32 $0x8040, s15;
	s15 =	sadd.s32 $0x40, s15  }
.LBB1_3:
0x21: {  	s16 =	sshll.u32 s16, $0x2  }
0x22: {  	p0 =	por p1, p1;
	s17 =	sshra.s32 s16, $0x2  }
0x23: {  	s18 =	simm.s32 $0x0;
	s16 =	sadd.s32 s17, s14;
	s17 =	sadd.s32 s17, s15  }
.LBB1_4:
0x24: {  	v0 =	vmov s17;
	_ =	sdelay $0x3  }
0x25: {  	s20 =	simm.s32 $0x0  }
0x26: {  	v6 =	vld.idx.msk [tilespmem:v0+s20+$0x30 ss:$0x1], $0xffff  }
0x27: {  	v7 =	vld.idx.msk [tilespmem:v0+s20+$0xFFFFFFC0 ss:$0x1], $0xffff  }
0x28: {  	v5 =	vld.idx.msk [tilespmem:v0+s20+$0xFFFFFFD0 ss:$0x1], $0xffff  }
0x29: {  	v4 =	vld.idx.msk [tilespmem:v0+s20+$0xFFFFFFE0 ss:$0x1], $0xffff  }
0x2a: {  	v3 =	vld.idx.msk [tilespmem:v0+s20+$0xFFFFFFF0 ss:$0x1], $0xffff  }
0x2b: {  	v1 =	vld.idx.msk [tilespmem:v0+s20+$0x0 ss:$0x1], $0xffff  }
0x2c: {  	v2 =	vld.idx.msk [tilespmem:v0+s20+$0x10 ss:$0x1], $0xffff;
	[tilespmem:s16+$0x30] =	vst v6  }
0x2d: {  	s19 =	simm.s32 $0x80;
	s21 =	simm.s32 $0x400;
	[tilespmem:s16+$0xFFFFFFC0] =	vst v7;
	v6 =	vld.idx.msk [tilespmem:v0+s20+$0x20 ss:$0x1], $0xffff;
	s20 =	smov.u32 s16  }
.LBB1_5:
0x2e: {  	p1 =	sne.s32 s21, $0xE00;
	v7 =	vld.idx.msk [tilespmem:v0+s19+$0x30 ss:$0x1], $0xffff;
	[tilespmem:s20+$0xFFFFFFD0] =	vst v5  }
0x2f: {  	v8 =	vld.idx.msk [tilespmem:v0+s19+$0xFFFFFFC0 ss:$0x1], $0xffff;
	[tilespmem:s20+$0xFFFFFFE0] =	vst v4  }
0x30: {  	v5 =	vld.idx.msk [tilespmem:v0+s19+$0xFFFFFFD0 ss:$0x1], $0xffff;
	[tilespmem:s20+$0xFFFFFFF0] =	vst v3  }
.Ltmp3:
0x31: {  	v4 =	vld.idx.msk [tilespmem:v0+s19+$0xFFFFFFE0 ss:$0x1], $0xffff;
	[tilespmem:s20+$0x0] =	vst v1;
	(pc) =	sbr.rel @p1 .LBB1_5-.Ltmp3, $4  }
0x32: {  	v3 =	vld.idx.msk [tilespmem:v0+s19+$0xFFFFFFF0 ss:$0x1], $0xffff;
	[tilespmem:s20+$0x10] =	vst v2  }
0x33: {  	v1 =	vld.idx.msk [tilespmem:v0+s19+$0x0 ss:$0x1], $0xffff;
	[tilespmem:s20+$0x20] =	vst v6;
	s20 =	sadd.s32 $0x400, s20  }
0x34: {  	v2 =	vld.idx.msk [tilespmem:v0+s19+$0x10 ss:$0x1], $0xffff;
	[tilespmem:s20+$0x30] =	vst v7  }
0x35: {  	[tilespmem:s20+$0xFFFFFFC0] =	vst v8;
	v6 =	vld.idx.msk [tilespmem:v0+s19+$0x20 ss:$0x1], $0xffff;
	s19 =	sshra.s32 s21, $0x2;
	s21 =	sadd.s32 $0x200, s21  }
0x36: {  	_ =	sdelay $0x2  }
0x37: {  	[tilespmem:s20+$0xFFFFFFD0] =	vst v5  }
0x38: {  	v56 =	vld.idx.msk [tilespmem:v0+s19+$0x30 ss:$0x1], $0xffff;
	[tilespmem:s20+$0xFFFFFFE0] =	vst v4  }
0x39: {  	v57 =	vld.idx.msk [tilespmem:v0+s19+$0xFFFFFFC0 ss:$0x1], $0xffff;
	[tilespmem:s20+$0xFFFFFFF0] =	vst v3  }
0x3a: {  	v58 =	vld.idx.msk [tilespmem:v0+s19+$0xFFFFFFD0 ss:$0x1], $0xffff;
	[tilespmem:s20+$0x0] =	vst v1  }
0x3b: {  	v59 =	vld.idx.msk [tilespmem:v0+s19+$0xFFFFFFE0 ss:$0x1], $0xffff;
	[tilespmem:s20+$0x10] =	vst v2  }
0x3c: {  	v60 =	vld.idx.msk [tilespmem:v0+s19+$0xFFFFFFF0 ss:$0x1], $0xffff;
	s31 =	sadd.s32 $0x400, s20;
	[tilespmem:s20+$0x20] =	vst v6  }
0x3d: {  	v61 =	vld.idx.msk [tilespmem:v0+s19+$0x0 ss:$0x1], $0xffff;
	[tilespmem:s31+$0x30] =	vst v56  }
0x3e: {  	v62 =	vld.idx.msk [tilespmem:v0+s19+$0x10 ss:$0x1], $0xffff;
	s18 =	sadd.s32 $0x1, s18;
	[tilespmem:s31+$0xFFFFFFC0] =	vst v57  }
0x3f: {  	v63 =	vld.idx.msk [tilespmem:v0+s19+$0x20 ss:$0x1], $0xffff;
	p1 =	sne.s32 s18, $0x8;
	[tilespmem:s31+$0xFFFFFFD0] =	vst v58  }
.Ltmp4:
0x40: {  	[tilespmem:s31+$0xFFFFFFE0] =	vst v59;
	(pc) =	sbr.rel @p1 .LBB1_4-.Ltmp4, $4  }
0x41: {  	[tilespmem:s31+$0xFFFFFFF0] =	vst v60  }
0x42: {  	[tilespmem:s31+$0x0] =	vst v61  }
0x43: {  	[tilespmem:s31+$0x10] =	vst v62  }
0x44: {  	s16 =	sadd.s32 $0x80, s16;
	s17 =	sadd.s32 $0x400, s17;
	[tilespmem:s31+$0x20] =	vst v63  }
.Ltmp5:
0x45: {  	(pc) =	sbr.rel @p0 .LBB1_3-.Ltmp5, $2  }
0x46: {  	_ =	sdelay $0x2  }
0x47: {  	s16 =	simm.s32 $0x2000;
	p1 =	por $0x0, $0x0  }
.Ltmp6:
0x48: {  	(pc) =	sbr.rel .LBB1_9-.Ltmp6, $4  }
0x49: {  	_ = 	snop  }
0x4a: {  	s12 =	sshll.u32 s12, $0xA  }
0x4b: {  	s12 =	sadd.s32 s4, s12  }
0x4c: {  	[hbm4b:s12+s8] =	stream.linear.scatter [tilespmem:s13], [sflag:$0x2], $0x4000, $0x38;
	[tilespmem:$0x10000] =	vst v63  }
.LBB1_10:
0x4d: {  	_ =	sfence.sel $0x180000  }
0x4e: {  	s2 =	simm.s32 $0x1;
	[bflag:$0x0] =	sbarrier.arrive $0xFFFF  }
0x4f: {  	s31 =	simm.s32 $0x2;
	[sflag:s2] =	ssyncpa.u1 $0x1  }
0x50: {  	[sflag:s31] =	ssyncpa.u1 $0x1  }
0x51: {  	p0 =	sne.s32 s0, $0x0;
	_ =	strace $0x90000047  }
0x52: {  	s0 =	sadd.s32 @!p0 $0x100000, s1;
	[bflag:$0x2] =	sbarrier.arrive $0xFFFF  }
0x53: {  	[sflag:s0] =	ssyncadd.tile.s32 @!p0 $0x1;
	_ =	shalt  }
.Lfunc_end1:
_tile_overlayer_lowered:
.L_overlay_start_2:
0x54: {  	(tag) =	ssettag $0x2  }
0x55: {  	s0 =	rddreg [dreg:$0x0];
	s2 =	stileid.u32  }
0x56: {  	s1 =	rddreg [dreg:$0x1];
	p0 =	sne.s32 s2, $0x0  }
0x57: {  	s3 =	rddreg [dreg:$0x2];
	[bflag:$0x3] =	sbarrier.arrive $0xFFFF;
	s2 =	simm.s32 @!p0 $0x1C01  }
0x58: {  	[timem:s3], [sflag:s2] =	dma.local @!p0 [hbm:s0], s1  }
0x59: {  	s0 =	simm.s32 @!p0 $0x1  }
0x5a: {  	_ =	swait.ge @!p0 [sflag:s0], s1  }
0x5b: {  	s1 =	ssub.s32 @!p0 $0x0, s1;
	[sflag:s0] =	ssyncset.done @!p0 $0x0  }
0x5c: {  	[sflag:s0] =	ssyncadd.s32 @!p0 s1  }
0x5d: {  	[bflag:$0x3] =	sbarrier.arrive $0xFFFF  }
0x5e: {  	_ =	shalt  }

</sc_bundles>
